<compile_context>
chip_gen: v7x
topology: tpu7x:2x2x1
jax: 0.10.2.dev20260603
libtpu: 0.0.44.dev20260713+nightly
codegen_flags: <defaults>
</compile_context>

<pallas_src>
import functools

import jax
import jax.numpy as jnp
from jax import lax
from jax.experimental import pallas as pl
from jax.experimental.pallas import tpu as pltpu
from jax.experimental.pallas import tpu_sc as plsc

N = 10000
D = 128
E = 320000
T = 8192
MARGIN_ = 0.1

N_PAD = 10240
E_PAD = 327680
NW = 32
EP = E_PAD // NW
CH = 128
NCH = EP // CH
NCH0 = 120
NCH1 = 2 * NCH - NCH0
NBUF = 2
NIDX = 4
ROWS_PER_TILE = N_PAD // 16
TCH = 128
TB = T // NW

_mesh = plsc.VectorSubcoreMesh(core_axis_name="c", subcore_axis_name="s")
_sc_params = pltpu.CompilerParams(needs_layout_passes=False)


@functools.partial(
    pl.kernel,
    out_type=(
        jax.ShapeDtypeStruct((2, N_PAD, D), jnp.float32),
        jax.ShapeDtypeStruct((NW, N_PAD), jnp.float32),
    ),
    mesh=_mesh,
    scratch_types=[
        pltpu.VMEM((NIDX, 2, CH), jnp.int32),
        [pltpu.VMEM((CH, D), jnp.float32)] * NBUF,
        pltpu.VMEM((N_PAD,), jnp.float32),
        pltpu.VMEM_SHARED((N_PAD, D), jnp.float32),
        [pltpu.SemaphoreType.DMA] * NIDX,
        [pltpu.SemaphoreType.DMA] * NBUF,
        [pltpu.SemaphoreType.DMA] * NBUF,
    ],
    compiler_params=_sc_params,
)
def _edge_agg(xpad, sd_i, out, out_deg, ring, rows, hist, agg_sh, si, sg, ss):
    c = lax.axis_index("c")
    s = lax.axis_index("s")
    wid = c * 16 + s
    zeros16 = jnp.zeros((16,), jnp.float32)
    ones16 = jnp.ones((16,), jnp.float32)

    def _zhist(i, _):
        hist[pl.ds(i * 16, 16)] = zeros16
        return 0

    lax.fori_loop(0, N_PAD // 16, _zhist, 0)

    def _zrow(i, _):
        for j in range(D // 16):
            rows[0][i, pl.ds(j * 16, 16)] = zeros16
        return 0

    lax.fori_loop(0, CH, _zrow, 0)
    for kk in range(ROWS_PER_TILE // CH):
        pltpu.sync_copy(rows[0], agg_sh.at[pl.ds(s * ROWS_PER_TILE + kk * CH, CH)])
    plsc.subcore_barrier()

    nch = jnp.where(c == 0, NCH0, NCH1)
    base = c * (16 * NCH0) + s * nch

    def _idx_start(slot, ck):
        pltpu.async_copy(sd_i.at[base + ck], ring.at[slot], si[slot])

    def _idx_wait(slot):
        pltpu.make_async_copy(sd_i.at[base], ring.at[slot], si[slot]).wait()

    def _gather_start(slot, rb):
        pltpu.async_copy(xpad.at[ring.at[slot, 0]], rows[rb], sg[rb])

    def _gather_wait(slot, rb):
        pltpu.make_async_copy(xpad.at[ring.at[slot, 0]], rows[rb], sg[rb]).wait()

    for b in range(NIDX):
        _idx_start(b, b)
    for b in range(NBUF):
        _idx_wait(b)
        _gather_start(b, b)

    def _step(t, _):
        for b in range(NIDX):
            ck = t * NIDX + b
            rb = b % NBUF
            _gather_wait(b, rb)
            sdesc = pltpu.async_copy(rows[rb], agg_sh.at[ring.at[b, 1]], ss[rb],
                                     add=True)
            for j in range(CH // 16):
                idx = ring[b, 1, pl.ds(j * 16, 16)]
                plsc.addupdate_scatter(hist, [idx], ones16)
            sdesc.wait()

            @pl.when(ck + NIDX < nch)
            def _():
                _idx_start(b, ck + NIDX)

            @pl.when(ck + NBUF < nch)
            def _():
                nslot = (b + NBUF) % NIDX
                _idx_wait(nslot)
                _gather_start(nslot, rb)
        return 0

    lax.fori_loop(0, nch // NIDX, _step, 0)
    plsc.subcore_barrier()

    pltpu.sync_copy(hist, out_deg.at[wid])
    for kk in range(ROWS_PER_TILE // CH):
        r0 = s * ROWS_PER_TILE + kk * CH
        pltpu.sync_copy(agg_sh.at[pl.ds(r0, CH)], out.at[c, pl.ds(r0, CH)])


def _sage_tc(x_ref, p_ref, dp_ref, ws_ref, wn_ref, b_ref, h_ref):
    a = p_ref[0] + p_ref[1]
    deg = jnp.maximum(jnp.sum(dp_ref[...], axis=0), 1.0)
    mean = a / deg[:, None]
    h = (x_ref[...] @ ws_ref[...] + mean @ wn_ref[...]) + b_ref[...]
    h = jnp.maximum(h, 0.0)
    norm = jnp.sqrt(jnp.sum(h * h, axis=1, keepdims=True)) + 1e-12
    h_ref[...] = h / norm


@functools.partial(
    pl.kernel,
    out_type=jax.ShapeDtypeStruct((T,), jnp.float32),
    mesh=_mesh,
    scratch_types=[
        pltpu.VMEM((TCH,), jnp.int32),
        pltpu.VMEM((TCH,), jnp.int32),
        pltpu.VMEM((TCH,), jnp.int32),
        pltpu.VMEM((TCH, D), jnp.float32),
        pltpu.VMEM((TCH, D), jnp.float32),
        pltpu.VMEM((TCH, D), jnp.float32),
        pltpu.VMEM((TCH,), jnp.float32),
        [pltpu.SemaphoreType.DMA] * 3,
    ],
    compiler_params=_sc_params,
)
def _triplet_score(h, src_i, dst_i, neg_i, out, si, di, ni, sr, dr, nr, ov, sem):
    c = lax.axis_index("c")
    s = lax.axis_index("s")
    wid = c * 16 + s

    def _chunk(t, _):
        base = wid * TB + t * TCH
        pltpu.sync_copy(src_i.at[pl.ds(base, TCH)], si)
        pltpu.sync_copy(dst_i.at[pl.ds(base, TCH)], di)
        pltpu.sync_copy(neg_i.at[pl.ds(base, TCH)], ni)
        d0 = pltpu.async_copy(h.at[si], sr, sem[0])
        d1 = pltpu.async_copy(h.at[di], dr, sem[1])
        d2 = pltpu.async_copy(h.at[ni], nr, sem[2])
        d0.wait()
        d1.wait()
        d2.wait()

        lane = lax.iota(jnp.int32, 16)

        def _grp(g, _):
            vec = jnp.zeros((16,), jnp.float32)
            for l in range(16):
                i = g * 16 + l
                ab = jnp.zeros((16,), jnp.float32)
                ac = jnp.zeros((16,), jnp.float32)
                for j in range(D // 16):
                    sv = sr[i, pl.ds(j * 16, 16)]
                    ab = ab + sv * dr[i, pl.ds(j * 16, 16)]
                    ac = ac + sv * nr[i, pl.ds(j * 16, 16)]
                sc = jnp.maximum(jnp.sum(ac) - jnp.sum(ab) + MARGIN_, 0.0)
                vec = jnp.where(lane == l, sc, vec)
            ov[pl.ds(g * 16, 16)] = vec
            return 0

        lax.fori_loop(0, TCH // 16, _grp, 0)
        pltpu.sync_copy(ov, out.at[pl.ds(base, TCH)])
        return 0

    lax.fori_loop(0, TB // TCH, _chunk, 0)


def kernel(x, edge_index, src, dst, neg, W_self, W_neigh, b):
    e_src = edge_index[0].astype(jnp.int32)
    e_dst = edge_index[1].astype(jnp.int32)
    pad = E_PAD - E
    e_src = jnp.concatenate([e_src, jnp.zeros((pad,), jnp.int32)])
    e_dst = jnp.concatenate([e_dst, jnp.full((pad,), N, jnp.int32)])
    sd_i = jnp.concatenate(
        [e_src.reshape(NW * NCH, 1, CH), e_dst.reshape(NW * NCH, 1, CH)],
        axis=1)

    xpad = jnp.pad(x, ((0, N_PAD - N), (0, 0)))
    partials, deg_parts = _edge_agg(xpad, sd_i)

    BN = 512
    h = pl.pallas_call(
        _sage_tc,
        grid=(N_PAD // BN,),
        in_specs=[
            pl.BlockSpec((BN, D), lambda i: (i, 0)),
            pl.BlockSpec((2, BN, D), lambda i: (0, i, 0)),
            pl.BlockSpec((NW, BN), lambda i: (0, i)),
            pl.BlockSpec((D, D), lambda i: (0, 0)),
            pl.BlockSpec((D, D), lambda i: (0, 0)),
            pl.BlockSpec((1, D), lambda i: (0, 0)),
        ],
        out_specs=pl.BlockSpec((BN, D), lambda i: (i, 0)),
        out_shape=jax.ShapeDtypeStruct((N_PAD, D), jnp.float32),
    )(xpad, partials, deg_parts, W_self, W_neigh, b.reshape(1, D))

    return _triplet_score(
        h, src.astype(jnp.int32), dst.astype(jnp.int32), neg.astype(jnp.int32))

# --- scband reference (transcript-rebuilt; emitter-appended) ---
"""Pipeline reference for scband-graph-sagetriplet-embedding-29051158790150 (READ-ONLY COPY).

The authoritative reference and input builder live on the scoring server;
editing this copy changes nothing except your own understanding.
"""

import jax, jax.numpy as jnp
import numpy as np

N_NODES = 10000
D_FEAT = 128
N_EDGES = 320000
N_TRIPLETS = 8192
MARGIN = 0.1


def setup_inputs(seed: int = 0) -> dict:
    key = jax.random.key(seed)
    k1, k2, k3, k4, k5, k6, k7, k8 = jax.random.split(key, 8)
    x = jax.random.normal(k1, (N_NODES, D_FEAT), dtype=jnp.float32)
    edge_index = jax.random.randint(k2, (2, N_EDGES), 0, N_NODES, dtype=jnp.int64)
    src = jax.random.randint(k3, (N_TRIPLETS,), 0, N_NODES, dtype=jnp.int64)
    dst = jax.random.randint(k4, (N_TRIPLETS,), 0, N_NODES, dtype=jnp.int64)
    neg = jax.random.randint(k5, (N_TRIPLETS,), 0, N_NODES, dtype=jnp.int64)
    scale = 1.0 / np.sqrt(D_FEAT)
    W_self = jax.random.normal(k6, (D_FEAT, D_FEAT), dtype=jnp.float32) * scale
    W_neigh = jax.random.normal(k7, (D_FEAT, D_FEAT), dtype=jnp.float32) * scale
    b = jax.random.normal(k8, (D_FEAT,), dtype=jnp.float32) * 0.01
    return {"x": x, "edge_index": edge_index, "src": src, "dst": dst, "neg": neg,
            "W_self": W_self, "W_neigh": W_neigh, "b": b}


def _sage_gcn(x, edge_index, W_self, W_neigh, b):
    # one-layer GraphSAGE with mean aggregation (the `gcn` submodule),
    # followed by L2 normalization as in unsupervised GraphSAGE embeddings.
    e_src = edge_index[0]
    e_dst = edge_index[1]
    n = x.shape[0]
    msgs = jnp.take(x, e_src, axis=0)  # gather: [E, d]
    agg = jax.ops.segment_sum(msgs, e_dst, num_segments=n)  # scatter-add
    deg = jax.ops.segment_sum(jnp.ones((e_src.shape[0],), dtype=x.dtype), e_dst, num_segments=n)
    mean_neigh = agg / jnp.clip(deg, 1.0, None)[:, None]
    h = x @ W_self + mean_neigh @ W_neigh + b
    h = jax.nn.relu(h)
    norm = jnp.sqrt(jnp.sum(h * h, axis=1, keepdims=True)) + 1e-12
    return h / norm


def reference(x, edge_index, src, dst, neg, W_self, W_neigh, b):
    h_output = _sage_gcn(x, edge_index, W_self, W_neigh, b)
    # nf.map_from_parent_nid(...) -> direct index into node embeddings
    h_src = jnp.take(h_output, src, axis=0)
    h_dst = jnp.take(h_output, dst, axis=0)
    h_neg = jnp.take(h_output, neg, axis=0)
    d_a_b = 1.0 - jnp.sum(h_src * h_dst, axis=1)
    d_a_c = 1.0 - jnp.sum(h_src * h_neg, axis=1)
    score = jax.nn.relu(d_a_b + MARGIN - d_a_c)
    return score

if __name__ == "__main__":
    import jax
    _d = setup_inputs()
    print(jax.jit(kernel)(*tuple(_d.values())))

</pallas_src>

<mosaic_0001>
#map = affine_map<(d0, d1) -> (0, 0)>
#map1 = affine_map<(d0, d1) -> (0)>
module attributes {stable_mosaic.version = 14 : i64} {
  func.func @_triplet_score(%arg0: i32, %arg1: i32, %arg2: memref<10240x128xf32, #tpu.memory_space<hbm>>, %arg3: memref<8192xi32, #tpu.memory_space<hbm>>, %arg4: memref<8192xi32, #tpu.memory_space<hbm>>, %arg5: memref<8192xi32, #tpu.memory_space<hbm>>, %arg6: memref<8192xf32, #tpu.memory_space<hbm>>, %arg7: memref<128xi32, #tpu.memory_space<vmem>>, %arg8: memref<128xi32, #tpu.memory_space<vmem>>, %arg9: memref<128xi32, #tpu.memory_space<vmem>>, %arg10: memref<128x128xf32, #tpu.memory_space<vmem>>, %arg11: memref<128x128xf32, #tpu.memory_space<vmem>>, %arg12: memref<128x128xf32, #tpu.memory_space<vmem>>, %arg13: memref<128xf32, #tpu.memory_space<vmem>>, %arg14: memref<!tpu.dma_semaphore, #tpu.memory_space<semaphore_mem>>, %arg15: memref<!tpu.dma_semaphore, #tpu.memory_space<semaphore_mem>>, %arg16: memref<!tpu.dma_semaphore, #tpu.memory_space<semaphore_mem>>) attributes {dimension_semantics = [#tpu.dimension_semantics<core_parallel>, #tpu.dimension_semantics<subcore_parallel>], iteration_bounds = array<i64: 2, 16>, scalar_prefetch = 0 : i64, scratch_operands = 10 : i64, tpu.core_type = #tpu.core_type<sc_vector_subcore>, window_params = [{transform_indices = #map}, {transform_indices = #map1}, {transform_indices = #map1}, {transform_indices = #map1}, {transform_indices = #map1}]} {
    %mul3A = arith.constant 16 : i32
    %mul3A_0 = arith.muli %arg0, %mul3A : i32
    %add3A = arith.addi %mul3A_0, %arg1 : i32
    %scan3A = arith.constant 0 : i32
    %scan3A_1 = arith.constant 0 : i32
    %scan3A_2 = arith.constant 2 : i32
    %scan3A_3 = arith.addi %scan3A_1, %scan3A_2 : i32
    %scan3A_4 = arith.constant 1 : i32
    %scan3A_5 = scf.for %scan3A_7 = %scan3A_1 to %scan3A_3 step %scan3A_4 iter_args(%scan3A_8 = %scan3A) -> (i32)  : i32 {
      %mul3A_9 = arith.constant 256 : i32
      %mul3A_10 = arith.muli %add3A, %mul3A_9 : i32
      %mul3A_11 = arith.constant 128 : i32
      %mul3A_12 = arith.muli %scan3A_7, %mul3A_11 : i32
      %add3A_13 = arith.addi %mul3A_10, %mul3A_12 : i32
      "tpu.region"() ({
        %run_scoped3A = tpu.sem_alloc : memref<!tpu.dma_semaphore, #tpu.memory_space<semaphore_mem>>
        %dma_start3A_38 = tpu.memref_slice %arg3[%add3A_13] : memref<8192xi32, #tpu.memory_space<hbm>> -> memref<128xi32, #tpu.memory_space<hbm>>
        %dma_start3A_39 = tpu.memref_slice %arg3[%add3A_13] : memref<8192xi32, #tpu.memory_space<hbm>> -> memref<128xi32, #tpu.memory_space<hbm>>
        tpu.enqueue_dma source(%dma_start3A_39 : memref<128xi32, #tpu.memory_space<hbm>>) target(%arg7 : memref<128xi32, #tpu.memory_space<vmem>>) target_semaphore(%run_scoped3A : memref<!tpu.dma_semaphore, #tpu.memory_space<semaphore_mem>>)
        %dma_wait3A_40 = tpu.memref_slice %arg3[%add3A_13] : memref<8192xi32, #tpu.memory_space<hbm>> -> memref<128xi32, #tpu.memory_space<hbm>>
        %dma_wait3A_41 = tpu.memref_slice %arg3[%add3A_13] : memref<8192xi32, #tpu.memory_space<hbm>> -> memref<128xi32, #tpu.memory_space<hbm>>
        tpu.wait_dma2 semaphore(%run_scoped3A : memref<!tpu.dma_semaphore, #tpu.memory_space<semaphore_mem>>) src(%dma_wait3A_41 : memref<128xi32, #tpu.memory_space<hbm>>) dst(%arg7 : memref<128xi32, #tpu.memory_space<vmem>>)
        tpu.yield
      }) : () -> ()
      "tpu.region"() ({
        %run_scoped3A = tpu.sem_alloc : memref<!tpu.dma_semaphore, #tpu.memory_space<semaphore_mem>>
        %dma_start3A_38 = tpu.memref_slice %arg4[%add3A_13] : memref<8192xi32, #tpu.memory_space<hbm>> -> memref<128xi32, #tpu.memory_space<hbm>>
        %dma_start3A_39 = tpu.memref_slice %arg4[%add3A_13] : memref<8192xi32, #tpu.memory_space<hbm>> -> memref<128xi32, #tpu.memory_space<hbm>>
        tpu.enqueue_dma source(%dma_start3A_39 : memref<128xi32, #tpu.memory_space<hbm>>) target(%arg8 : memref<128xi32, #tpu.memory_space<vmem>>) target_semaphore(%run_scoped3A : memref<!tpu.dma_semaphore, #tpu.memory_space<semaphore_mem>>)
        %dma_wait3A_40 = tpu.memref_slice %arg4[%add3A_13] : memref<8192xi32, #tpu.memory_space<hbm>> -> memref<128xi32, #tpu.memory_space<hbm>>
        %dma_wait3A_41 = tpu.memref_slice %arg4[%add3A_13] : memref<8192xi32, #tpu.memory_space<hbm>> -> memref<128xi32, #tpu.memory_space<hbm>>
        tpu.wait_dma2 semaphore(%run_scoped3A : memref<!tpu.dma_semaphore, #tpu.memory_space<semaphore_mem>>) src(%dma_wait3A_41 : memref<128xi32, #tpu.memory_space<hbm>>) dst(%arg8 : memref<128xi32, #tpu.memory_space<vmem>>)
        tpu.yield
      }) : () -> ()
      "tpu.region"() ({
        %run_scoped3A = tpu.sem_alloc : memref<!tpu.dma_semaphore, #tpu.memory_space<semaphore_mem>>
        %dma_start3A_38 = tpu.memref_slice %arg5[%add3A_13] : memref<8192xi32, #tpu.memory_space<hbm>> -> memref<128xi32, #tpu.memory_space<hbm>>
        %dma_start3A_39 = tpu.memref_slice %arg5[%add3A_13] : memref<8192xi32, #tpu.memory_space<hbm>> -> memref<128xi32, #tpu.memory_space<hbm>>
        tpu.enqueue_dma source(%dma_start3A_39 : memref<128xi32, #tpu.memory_space<hbm>>) target(%arg9 : memref<128xi32, #tpu.memory_space<vmem>>) target_semaphore(%run_scoped3A : memref<!tpu.dma_semaphore, #tpu.memory_space<semaphore_mem>>)
        %dma_wait3A_40 = tpu.memref_slice %arg5[%add3A_13] : memref<8192xi32, #tpu.memory_space<hbm>> -> memref<128xi32, #tpu.memory_space<hbm>>
        %dma_wait3A_41 = tpu.memref_slice %arg5[%add3A_13] : memref<8192xi32, #tpu.memory_space<hbm>> -> memref<128xi32, #tpu.memory_space<hbm>>
        tpu.wait_dma2 semaphore(%run_scoped3A : memref<!tpu.dma_semaphore, #tpu.memory_space<semaphore_mem>>) src(%dma_wait3A_41 : memref<128xi32, #tpu.memory_space<hbm>>) dst(%arg9 : memref<128xi32, #tpu.memory_space<vmem>>)
        tpu.yield
      }) : () -> ()
      %dma_start3A = arith.constant 0 : i32
      %dma_start3A_14 = arith.constant 0 : i32
      %dma_start3A_15 = tpu.memref_slice %arg2[%dma_start3A, %dma_start3A_14] : memref<10240x128xf32, #tpu.memory_space<hbm>> -> memref<10240x128xf32, #tpu.memory_space<hbm>>
      tpu.enqueue_indirect_dma source(%dma_start3A_15 : memref<10240x128xf32, #tpu.memory_space<hbm>>) target(%arg10 : memref<128x128xf32, #tpu.memory_space<vmem>>) offsets(%arg7 : memref<128xi32, #tpu.memory_space<vmem>>) semaphore(%arg14 : memref<!tpu.dma_semaphore, #tpu.memory_space<semaphore_mem>>)
      %dma_start3A_16 = arith.constant 0 : i32
      %dma_start3A_17 = arith.constant 0 : i32
      %dma_start3A_18 = tpu.memref_slice %arg2[%dma_start3A_16, %dma_start3A_17] : memref<10240x128xf32, #tpu.memory_space<hbm>> -> memref<10240x128xf32, #tpu.memory_space<hbm>>
      tpu.enqueue_indirect_dma source(%dma_start3A_18 : memref<10240x128xf32, #tpu.memory_space<hbm>>) target(%arg11 : memref<128x128xf32, #tpu.memory_space<vmem>>) offsets(%arg8 : memref<128xi32, #tpu.memory_space<vmem>>) semaphore(%arg15 : memref<!tpu.dma_semaphore, #tpu.memory_space<semaphore_mem>>)
      %dma_start3A_19 = arith.constant 0 : i32
      %dma_start3A_20 = arith.constant 0 : i32
      %dma_start3A_21 = tpu.memref_slice %arg2[%dma_start3A_19, %dma_start3A_20] : memref<10240x128xf32, #tpu.memory_space<hbm>> -> memref<10240x128xf32, #tpu.memory_space<hbm>>
      tpu.enqueue_indirect_dma source(%dma_start3A_21 : memref<10240x128xf32, #tpu.memory_space<hbm>>) target(%arg12 : memref<128x128xf32, #tpu.memory_space<vmem>>) offsets(%arg9 : memref<128xi32, #tpu.memory_space<vmem>>) semaphore(%arg16 : memref<!tpu.dma_semaphore, #tpu.memory_space<semaphore_mem>>)
      %dma_wait3A = arith.constant 0 : i32
      %dma_wait3A_22 = arith.constant 0 : i32
      %dma_wait3A_23 = tpu.memref_slice %arg2[%dma_wait3A, %dma_wait3A_22] : memref<10240x128xf32, #tpu.memory_space<hbm>> -> memref<10240x128xf32, #tpu.memory_space<hbm>>
      tpu.wait_indirect_dma semaphore(%arg14 : memref<!tpu.dma_semaphore, #tpu.memory_space<semaphore_mem>>) src(%dma_wait3A_23 : memref<10240x128xf32, #tpu.memory_space<hbm>>) dst(%arg10 : memref<128x128xf32, #tpu.memory_space<vmem>>)
      %dma_wait3A_24 = arith.constant 0 : i32
      %dma_wait3A_25 = arith.constant 0 : i32
      %dma_wait3A_26 = tpu.memref_slice %arg2[%dma_wait3A_24, %dma_wait3A_25] : memref<10240x128xf32, #tpu.memory_space<hbm>> -> memref<10240x128xf32, #tpu.memory_space<hbm>>
      tpu.wait_indirect_dma semaphore(%arg15 : memref<!tpu.dma_semaphore, #tpu.memory_space<semaphore_mem>>) src(%dma_wait3A_26 : memref<10240x128xf32, #tpu.memory_space<hbm>>) dst(%arg11 : memref<128x128xf32, #tpu.memory_space<vmem>>)
      %dma_wait3A_27 = arith.constant 0 : i32
      %dma_wait3A_28 = arith.constant 0 : i32
      %dma_wait3A_29 = tpu.memref_slice %arg2[%dma_wait3A_27, %dma_wait3A_28] : memref<10240x128xf32, #tpu.memory_space<hbm>> -> memref<10240x128xf32, #tpu.memory_space<hbm>>
      tpu.wait_indirect_dma semaphore(%arg16 : memref<!tpu.dma_semaphore, #tpu.memory_space<semaphore_mem>>) src(%dma_wait3A_29 : memref<10240x128xf32, #tpu.memory_space<hbm>>) dst(%arg12 : memref<128x128xf32, #tpu.memory_space<vmem>>)
      %iota3A = tpu.iota {dimensions = array<i32: 0>} : vector<16xi32>
      %scan3A_30 = arith.constant 0 : i32
      %scan3A_31 = arith.constant 0 : i32
      %scan3A_32 = arith.constant 8 : i32
      %scan3A_33 = arith.addi %scan3A_31, %scan3A_32 : i32
      %scan3A_34 = arith.constant 1 : i32
      %scan3A_35 = scf.for %scan3A_38 = %scan3A_31 to %scan3A_33 step %scan3A_34 iter_args(%scan3A_39 = %scan3A_30) -> (i32)  : i32 {
        %broadcast_in_dim3A = arith.constant 0.000000e+00 : f32
        %broadcast_in_dim3A_40 = vector.broadcast %broadcast_in_dim3A : f32 to vector<16xf32>
        %mul3A_41 = arith.constant 16 : i32
        %mul3A_42 = arith.muli %scan3A_38, %mul3A_41 : i32
        %add3A_43 = arith.constant 0 : i32
        %add3A_44 = arith.addi %mul3A_42, %add3A_43 : i32
        %broadcast_in_dim3A_45 = arith.constant 0.000000e+00 : f32
        %broadcast_in_dim3A_46 = vector.broadcast %broadcast_in_dim3A_45 : f32 to vector<16xf32>
        %broadcast_in_dim3A_47 = arith.constant 0.000000e+00 : f32
        %broadcast_in_dim3A_48 = vector.broadcast %broadcast_in_dim3A_47 : f32 to vector<16xf32>
        %get3A = arith.index_cast %add3A_44 : i32 to index
        %get3A_49 = arith.constant 0 : index
        %get3A_50 = tpu.vector_load %arg10[%get3A, %get3A_49] {strides = array<i32>} : memref<128x128xf32, #tpu.memory_space<vmem>>, vector<16xf32>,
        %get3A_51 = arith.index_cast %add3A_44 : i32 to index
        %get3A_52 = arith.constant 0 : index
        %get3A_53 = tpu.vector_load %arg11[%get3A_51, %get3A_52] {strides = array<i32>} : memref<128x128xf32, #tpu.memory_space<vmem>>, vector<16xf32>,
        %mul3A_54 = arith.mulf %get3A_50, %get3A_53 : vector<16xf32>
        %add3A_55 = arith.addf %broadcast_in_dim3A_46, %mul3A_54 : vector<16xf32>
        %get3A_56 = arith.index_cast %add3A_44 : i32 to index
        %get3A_57 = arith.constant 0 : index
        %get3A_58 = tpu.vector_load %arg12[%get3A_56, %get3A_57] {strides = array<i32>} : memref<128x128xf32, #tpu.memory_space<vmem>>, vector<16xf32>,
        %mul3A_59 = arith.mulf %get3A_50, %get3A_58 : vector<16xf32>
        %add3A_60 = arith.addf %broadcast_in_dim3A_48, %mul3A_59 : vector<16xf32>
        %get3A_61 = arith.index_cast %add3A_44 : i32 to index
        %get3A_62 = arith.constant 16 : index
        %get3A_63 = tpu.vector_load %arg10[%get3A_61, %get3A_62] {strides = array<i32>} : memref<128x128xf32, #tpu.memory_space<vmem>>, vector<16xf32>,
        %get3A_64 = arith.index_cast %add3A_44 : i32 to index
        %get3A_65 = arith.constant 16 : index
        %get3A_66 = tpu.vector_load %arg11[%get3A_64, %get3A_65] {strides = array<i32>} : memref<128x128xf32, #tpu.memory_space<vmem>>, vector<16xf32>,
        %mul3A_67 = arith.mulf %get3A_63, %get3A_66 : vector<16xf32>
        %add3A_68 = arith.addf %add3A_55, %mul3A_67 : vector<16xf32>
        %get3A_69 = arith.index_cast %add3A_44 : i32 to index
        %get3A_70 = arith.constant 16 : index
        %get3A_71 = tpu.vector_load %arg12[%get3A_69, %get3A_70] {strides = array<i32>} : memref<128x128xf32, #tpu.memory_space<vmem>>, vector<16xf32>,
        %mul3A_72 = arith.mulf %get3A_63, %get3A_71 : vector<16xf32>
        %add3A_73 = arith.addf %add3A_60, %mul3A_72 : vector<16xf32>
        %get3A_74 = arith.index_cast %add3A_44 : i32 to index
        %get3A_75 = arith.constant 32 : index
        %get3A_76 = tpu.vector_load %arg10[%get3A_74, %get3A_75] {strides = array<i32>} : memref<128x128xf32, #tpu.memory_space<vmem>>, vector<16xf32>,
        %get3A_77 = arith.index_cast %add3A_44 : i32 to index
        %get3A_78 = arith.constant 32 : index
        %get3A_79 = tpu.vector_load %arg11[%get3A_77, %get3A_78] {strides = array<i32>} : memref<128x128xf32, #tpu.memory_space<vmem>>, vector<16xf32>,
        %mul3A_80 = arith.mulf %get3A_76, %get3A_79 : vector<16xf32>
        %add3A_81 = arith.addf %add3A_68, %mul3A_80 : vector<16xf32>
        %get3A_82 = arith.index_cast %add3A_44 : i32 to index
        %get3A_83 = arith.constant 32 : index
        %get3A_84 = tpu.vector_load %arg12[%get3A_82, %get3A_83] {strides = array<i32>} : memref<128x128xf32, #tpu.memory_space<vmem>>, vector<16xf32>,
        %mul3A_85 = arith.mulf %get3A_76, %get3A_84 : vector<16xf32>
        %add3A_86 = arith.addf %add3A_73, %mul3A_85 : vector<16xf32>
        %get3A_87 = arith.index_cast %add3A_44 : i32 to index
        %get3A_88 = arith.constant 48 : index
        %get3A_89 = tpu.vector_load %arg10[%get3A_87, %get3A_88] {strides = array<i32>} : memref<128x128xf32, #tpu.memory_space<vmem>>, vector<16xf32>,
        %get3A_90 = arith.index_cast %add3A_44 : i32 to index
        %get3A_91 = arith.constant 48 : index
        %get3A_92 = tpu.vector_load %arg11[%get3A_90, %get3A_91] {strides = array<i32>} : memref<128x128xf32, #tpu.memory_space<vmem>>, vector<16xf32>,
        %mul3A_93 = arith.mulf %get3A_89, %get3A_92 : vector<16xf32>
        %add3A_94 = arith.addf %add3A_81, %mul3A_93 : vector<16xf32>
        %get3A_95 = arith.index_cast %add3A_44 : i32 to index
        %get3A_96 = arith.constant 48 : index
        %get3A_97 = tpu.vector_load %arg12[%get3A_95, %get3A_96] {strides = array<i32>} : memref<128x128xf32, #tpu.memory_space<vmem>>, vector<16xf32>,
        %mul3A_98 = arith.mulf %get3A_89, %get3A_97 : vector<16xf32>
        %add3A_99 = arith.addf %add3A_86, %mul3A_98 : vector<16xf32>
        %get3A_100 = arith.index_cast %add3A_44 : i32 to index
        %get3A_101 = arith.constant 64 : index
        %get3A_102 = tpu.vector_load %arg10[%get3A_100, %get3A_101] {strides = array<i32>} : memref<128x128xf32, #tpu.memory_space<vmem>>, vector<16xf32>,
        %get3A_103 = arith.index_cast %add3A_44 : i32 to index
        %get3A_104 = arith.constant 64 : index
        %get3A_105 = tpu.vector_load %arg11[%get3A_103, %get3A_104] {strides = array<i32>} : memref<128x128xf32, #tpu.memory_space<vmem>>, vector<16xf32>,
        %mul3A_106 = arith.mulf %get3A_102, %get3A_105 : vector<16xf32>
        %add3A_107 = arith.addf %add3A_94, %mul3A_106 : vector<16xf32>
        %get3A_108 = arith.index_cast %add3A_44 : i32 to index
        %get3A_109 = arith.constant 64 : index
        %get3A_110 = tpu.vector_load %arg12[%get3A_108, %get3A_109] {strides = array<i32>} : memref<128x128xf32, #tpu.memory_space<vmem>>, vector<16xf32>,
        %mul3A_111 = arith.mulf %get3A_102, %get3A_110 : vector<16xf32>
        %add3A_112 = arith.addf %add3A_99, %mul3A_111 : vector<16xf32>
        %get3A_113 = arith.index_cast %add3A_44 : i32 to index
        %get3A_114 = arith.constant 80 : index
        %get3A_115 = tpu.vector_load %arg10[%get3A_113, %get3A_114] {strides = array<i32>} : memref<128x128xf32, #tpu.memory_space<vmem>>, vector<16xf32>,
        %get3A_116 = arith.index_cast %add3A_44 : i32 to index
        %get3A_117 = arith.constant 80 : index
        %get3A_118 = tpu.vector_load %arg11[%get3A_116, %get3A_117] {strides = array<i32>} : memref<128x128xf32, #tpu.memory_space<vmem>>, vector<16xf32>,
        %mul3A_119 = arith.mulf %get3A_115, %get3A_118 : vector<16xf32>
        %add3A_120 = arith.addf %add3A_107, %mul3A_119 : vector<16xf32>
        %get3A_121 = arith.index_cast %add3A_44 : i32 to index
        %get3A_122 = arith.constant 80 : index
        %get3A_123 = tpu.vector_load %arg12[%get3A_121, %get3A_122] {strides = array<i32>} : memref<128x128xf32, #tpu.memory_space<vmem>>, vector<16xf32>,
        %mul3A_124 = arith.mulf %get3A_115, %get3A_123 : vector<16xf32>
        %add3A_125 = arith.addf %add3A_112, %mul3A_124 : vector<16xf32>
        %get3A_126 = arith.index_cast %add3A_44 : i32 to index
        %get3A_127 = arith.constant 96 : index
        %get3A_128 = tpu.vector_load %arg10[%get3A_126, %get3A_127] {strides = array<i32>} : memref<128x128xf32, #tpu.memory_space<vmem>>, vector<16xf32>,
        %get3A_129 = arith.index_cast %add3A_44 : i32 to index
        %get3A_130 = arith.constant 96 : index
        %get3A_131 = tpu.vector_load %arg11[%get3A_129, %get3A_130] {strides = array<i32>} : memref<128x128xf32, #tpu.memory_space<vmem>>, vector<16xf32>,
        %mul3A_132 = arith.mulf %get3A_128, %get3A_131 : vector<16xf32>
        %add3A_133 = arith.addf %add3A_120, %mul3A_132 : vector<16xf32>
        %get3A_134 = arith.index_cast %add3A_44 : i32 to index
        %get3A_135 = arith.constant 96 : index
        %get3A_136 = tpu.vector_load %arg12[%get3A_134, %get3A_135] {strides = array<i32>} : memref<128x128xf32, #tpu.memory_space<vmem>>, vector<16xf32>,
        %mul3A_137 = arith.mulf %get3A_128, %get3A_136 : vector<16xf32>
        %add3A_138 = arith.addf %add3A_125, %mul3A_137 : vector<16xf32>
        %get3A_139 = arith.index_cast %add3A_44 : i32 to index
        %get3A_140 = arith.constant 112 : index
        %get3A_141 = tpu.vector_load %arg10[%get3A_139, %get3A_140] {strides = array<i32>} : memref<128x128xf32, #tpu.memory_space<vmem>>, vector<16xf32>,
        %get3A_142 = arith.index_cast %add3A_44 : i32 to index
        %get3A_143 = arith.constant 112 : index
        %get3A_144 = tpu.vector_load %arg11[%get3A_142, %get3A_143] {strides = array<i32>} : memref<128x128xf32, #tpu.memory_space<vmem>>, vector<16xf32>,
        %mul3A_145 = arith.mulf %get3A_141, %get3A_144 : vector<16xf32>
        %add3A_146 = arith.addf %add3A_133, %mul3A_145 : vector<16xf32>
        %get3A_147 = arith.index_cast %add3A_44 : i32 to index
        %get3A_148 = arith.constant 112 : index
        %get3A_149 = tpu.vector_load %arg12[%get3A_147, %get3A_148] {strides = array<i32>} : memref<128x128xf32, #tpu.memory_space<vmem>>, vector<16xf32>,
        %mul3A_150 = arith.mulf %get3A_141, %get3A_149 : vector<16xf32>
        %add3A_151 = arith.addf %add3A_138, %mul3A_150 : vector<16xf32>
        %reduce_sum3A = arith.constant true
        %reduce_sum3A_152 = vector.broadcast %reduce_sum3A : i1 to vector<16xi1>
        %reduce_sum3A_153 = tpu.scan <sum>, %add3A_151 masked %reduce_sum3A_152 : vector<16xf32>, vector<16xi1> -> vector<16xf32>
        %reduce_sum3A_154 = vector.extract %reduce_sum3A_153[15] : f32 from vector<16xf32>
        %reduce_sum3A_155 = arith.constant true
        %reduce_sum3A_156 = vector.broadcast %reduce_sum3A_155 : i1 to vector<16xi1>
        %reduce_sum3A_157 = tpu.scan <sum>, %add3A_146 masked %reduce_sum3A_156 : vector<16xf32>, vector<16xi1> -> vector<16xf32>
        %reduce_sum3A_158 = vector.extract %reduce_sum3A_157[15] : f32 from vector<16xf32>
        %sub3A = arith.subf %reduce_sum3A_154, %reduce_sum3A_158 : f32
        %add3A_159 = arith.constant 1.000000e-01 : f32
        %add3A_160 = arith.addf %sub3A, %add3A_159 : f32
        %max3A = arith.constant 0.000000e+00 : f32
        %max3A_161 = arith.maximumf %add3A_160, %max3A : f32
        %eq3A = arith.constant 0 : i32
        %eq3A_162 = vector.broadcast %eq3A : i32 to vector<16xi32>
        %eq3A_163 = arith.cmpi eq, %iota3A, %eq3A_162 : vector<16xi32>
        %broadcast_in_dim3A_164 = vector.broadcast %max3A_161 : f32 to vector<16xf32>
        %select_n3A = arith.select %eq3A_163, %broadcast_in_dim3A_164, %broadcast_in_dim3A_40 : vector<16xi1>, vector<16xf32>
        %mul3A_165 = arith.constant 16 : i32
        %mul3A_166 = arith.muli %scan3A_38, %mul3A_165 : i32
        %add3A_167 = arith.constant 1 : i32
        %add3A_168 = arith.addi %mul3A_166, %add3A_167 : i32
        %broadcast_in_dim3A_169 = arith.constant 0.000000e+00 : f32
        %broadcast_in_dim3A_170 = vector.broadcast %broadcast_in_dim3A_169 : f32 to vector<16xf32>
        %broadcast_in_dim3A_171 = arith.constant 0.000000e+00 : f32
        %broadcast_in_dim3A_172 = vector.broadcast %broadcast_in_dim3A_171 : f32 to vector<16xf32>
        %get3A_173 = arith.index_cast %add3A_168 : i32 to index
        %get3A_174 = arith.constant 0 : index
        %get3A_175 = tpu.vector_load %arg10[%get3A_173, %get3A_174] {strides = array<i32>} : memref<128x128xf32, #tpu.memory_space<vmem>>, vector<16xf32>,
        %get3A_176 = arith.index_cast %add3A_168 : i32 to index
        %get3A_177 = arith.constant 0 : index
        %get3A_178 = tpu.vector_load %arg11[%get3A_176, %get3A_177] {strides = array<i32>} : memref<128x128xf32, #tpu.memory_space<vmem>>, vector<16xf32>,
        %mul3A_179 = arith.mulf %get3A_175, %get3A_178 : vector<16xf32>
        %add3A_180 = arith.addf %broadcast_in_dim3A_170, %mul3A_179 : vector<16xf32>
        %get3A_181 = arith.index_cast %add3A_168 : i32 to index
        %get3A_182 = arith.constant 0 : index
        %get3A_183 = tpu.vector_load %arg12[%get3A_181, %get3A_182] {strides = array<i32>} : memref<128x128xf32, #tpu.memory_space<vmem>>, vector<16xf32>,
        %mul3A_184 = arith.mulf %get3A_175, %get3A_183 : vector<16xf32>
        %add3A_185 = arith.addf %broadcast_in_dim3A_172, %mul3A_184 : vector<16xf32>
        %get3A_186 = arith.index_cast %add3A_168 : i32 to index
        %get3A_187 = arith.constant 16 : index
        %get3A_188 = tpu.vector_load %arg10[%get3A_186, %get3A_187] {strides = array<i32>} : memref<128x128xf32, #tpu.memory_space<vmem>>, vector<16xf32>,
        %get3A_189 = arith.index_cast %add3A_168 : i32 to index
        %get3A_190 = arith.constant 16 : index
        %get3A_191 = tpu.vector_load %arg11[%get3A_189, %get3A_190] {strides = array<i32>} : memref<128x128xf32, #tpu.memory_space<vmem>>, vector<16xf32>,
        %mul3A_192 = arith.mulf %get3A_188, %get3A_191 : vector<16xf32>
        %add3A_193 = arith.addf %add3A_180, %mul3A_192 : vector<16xf32>
        %get3A_194 = arith.index_cast %add3A_168 : i32 to index
        %get3A_195 = arith.constant 16 : index
        %get3A_196 = tpu.vector_load %arg12[%get3A_194, %get3A_195] {strides = array<i32>} : memref<128x128xf32, #tpu.memory_space<vmem>>, vector<16xf32>,
        %mul3A_197 = arith.mulf %get3A_188, %get3A_196 : vector<16xf32>
        %add3A_198 = arith.addf %add3A_185, %mul3A_197 : vector<16xf32>
        %get3A_199 = arith.index_cast %add3A_168 : i32 to index
        %get3A_200 = arith.constant 32 : index
        %get3A_201 = tpu.vector_load %arg10[%get3A_199, %get3A_200] {strides = array<i32>} : memref<128x128xf32, #tpu.memory_space<vmem>>, vector<16xf32>,
        %get3A_202 = arith.index_cast %add3A_168 : i32 to index
        %get3A_203 = arith.constant 32 : index
        %get3A_204 = tpu.vector_load %arg11[%get3A_202, %get3A_203] {strides = array<i32>} : memref<128x128xf32, #tpu.memory_space<vmem>>, vector<16xf32>,
        %mul3A_205 = arith.mulf %get3A_201, %get3A_204 : vector<16xf32>
        %add3A_206 = arith.addf %add3A_193, %mul3A_205 : vector<16xf32>
        %get3A_207 = arith.index_cast %add3A_168 : i32 to index
        %get3A_208 = arith.constant 32 : index
        %get3A_209 = tpu.vector_load %arg12[%get3A_207, %get3A_208] {strides = array<i32>} : memref<128x128xf32, #tpu.memory_space<vmem>>, vector<16xf32>,
        %mul3A_210 = arith.mulf %get3A_201, %get3A_209 : vector<16xf32>
        %add3A_211 = arith.addf %add3A_198, %mul3A_210 : vector<16xf32>
        %get3A_212 = arith.index_cast %add3A_168 : i32 to index
        %get3A_213 = arith.constant 48 : index
        %get3A_214 = tpu.vector_load %arg10[%get3A_212, %get3A_213] {strides = array<i32>} : memref<128x128xf32, #tpu.memory_space<vmem>>, vector<16xf32>,
        %get3A_215 = arith.index_cast %add3A_168 : i32 to index
        %get3A_216 = arith.constant 48 : index
        %get3A_217 = tpu.vector_load %arg11[%get3A_215, %get3A_216] {strides = array<i32>} : memref<128x128xf32, #tpu.memory_space<vmem>>, vector<16xf32>,
        %mul3A_218 = arith.mulf %get3A_214, %get3A_217 : vector<16xf32>
        %add3A_219 = arith.addf %add3A_206, %mul3A_218 : vector<16xf32>
        %get3A_220 = arith.index_cast %add3A_168 : i32 to index
        %get3A_221 = arith.constant 48 : index
        %get3A_222 = tpu.vector_load %arg12[%get3A_220, %get3A_221] {strides = array<i32>} : memref<128x128xf32, #tpu.memory_space<vmem>>, vector<16xf32>,
        %mul3A_223 = arith.mulf %get3A_214, %get3A_222 : vector<16xf32>
        %add3A_224 = arith.addf %add3A_211, %mul3A_223 : vector<16xf32>
        %get3A_225 = arith.index_cast %add3A_168 : i32 to index
        %get3A_226 = arith.constant 64 : index
        %get3A_227 = tpu.vector_load %arg10[%get3A_225, %get3A_226] {strides = array<i32>} : memref<128x128xf32, #tpu.memory_space<vmem>>, vector<16xf32>,
        %get3A_228 = arith.index_cast %add3A_168 : i32 to index
        %get3A_229 = arith.constant 64 : index
        %get3A_230 = tpu.vector_load %arg11[%get3A_228, %get3A_229] {strides = array<i32>} : memref<128x128xf32, #tpu.memory_space<vmem>>, vector<16xf32>,
        %mul3A_231 = arith.mulf %get3A_227, %get3A_230 : vector<16xf32>
        %add3A_232 = arith.addf %add3A_219, %mul3A_231 : vector<16xf32>
        %get3A_233 = arith.index_cast %add3A_168 : i32 to index
        %get3A_234 = arith.constant 64 : index
        %get3A_235 = tpu.vector_load %arg12[%get3A_233, %get3A_234] {strides = array<i32>} : memref<128x128xf32, #tpu.memory_space<vmem>>, vector<16xf32>,
        %mul3A_236 = arith.mulf %get3A_227, %get3A_235 : vector<16xf32>
        %add3A_237 = arith.addf %add3A_224, %mul3A_236 : vector<16xf32>
        %get3A_238 = arith.index_cast %add3A_168 : i32 to index
        %get3A_239 = arith.constant 80 : index
        %get3A_240 = tpu.vector_load %arg10[%get3A_238, %get3A_239] {strides = array<i32>} : memref<128x128xf32, #tpu.memory_space<vmem>>, vector<16xf32>,
        %get3A_241 = arith.index_cast %add3A_168 : i32 to index
        %get3A_242 = arith.constant 80 : index
        %get3A_243 = tpu.vector_load %arg11[%get3A_241, %get3A_242] {strides = array<i32>} : memref<128x128xf32, #tpu.memory_space<vmem>>, vector<16xf32>,
        %mul3A_244 = arith.mulf %get3A_240, %get3A_243 : vector<16xf32>
        %add3A_245 = arith.addf %add3A_232, %mul3A_244 : vector<16xf32>
        %get3A_246 = arith.index_cast %add3A_168 : i32 to index
        %get3A_247 = arith.constant 80 : index
        %get3A_248 = tpu.vector_load %arg12[%get3A_246, %get3A_247] {strides = array<i32>} : memref<128x128xf32, #tpu.memory_space<vmem>>, vector<16xf32>,
        %mul3A_249 = arith.mulf %get3A_240, %get3A_248 : vector<16xf32>
        %add3A_250 = arith.addf %add3A_237, %mul3A_249 : vector<16xf32>
        %get3A_251 = arith.index_cast %add3A_168 : i32 to index
        %get3A_252 = arith.constant 96 : index
        %get3A_253 = tpu.vector_load %arg10[%get3A_251, %get3A_252] {strides = array<i32>} : memref<128x128xf32, #tpu.memory_space<vmem>>, vector<16xf32>,
        %get3A_254 = arith.index_cast %add3A_168 : i32 to index
        %get3A_255 = arith.constant 96 : index
        %get3A_256 = tpu.vector_load %arg11[%get3A_254, %get3A_255] {strides = array<i32>} : memref<128x128xf32, #tpu.memory_space<vmem>>, vector<16xf32>,
        %mul3A_257 = arith.mulf %get3A_253, %get3A_256 : vector<16xf32>
        %add3A_258 = arith.addf %add3A_245, %mul3A_257 : vector<16xf32>
        %get3A_259 = arith.index_cast %add3A_168 : i32 to index
        %get3A_260 = arith.constant 96 : index
        %get3A_261 = tpu.vector_load %arg12[%get3A_259, %get3A_260] {strides = array<i32>} : memref<128x128xf32, #tpu.memory_space<vmem>>, vector<16xf32>,
        %mul3A_262 = arith.mulf %get3A_253, %get3A_261 : vector<16xf32>
        %add3A_263 = arith.addf %add3A_250, %mul3A_262 : vector<16xf32>
        %get3A_264 = arith.index_cast %add3A_168 : i32 to index
        %get3A_265 = arith.constant 112 : index
        %get3A_266 = tpu.vector_load %arg10[%get3A_264, %get3A_265] {strides = array<i32>} : memref<128x128xf32, #tpu.memory_space<vmem>>, vector<16xf32>,
        %get3A_267 = arith.index_cast %add3A_168 : i32 to index
        %get3A_268 = arith.constant 112 : index
        %get3A_269 = tpu.vector_load %arg11[%get3A_267, %get3A_268] {strides = array<i32>} : memref<128x128xf32, #tpu.memory_space<vmem>>, vector<16xf32>,
        %mul3A_270 = arith.mulf %get3A_266, %get3A_269 : vector<16xf32>
        %add3A_271 = arith.addf %add3A_258, %mul3A_270 : vector<16xf32>
        %get3A_272 = arith.index_cast %add3A_168 : i32 to index
        %get3A_273 = arith.constant 112 : index
        %get3A_274 = tpu.vector_load %arg12[%get3A_272, %get3A_273] {strides = array<i32>} : memref<128x128xf32, #tpu.memory_space<vmem>>, vector<16xf32>,
        %mul3A_275 = arith.mulf %get3A_266, %get3A_274 : vector<16xf32>
        %add3A_276 = arith.addf %add3A_263, %mul3A_275 : vector<16xf32>
        %reduce_sum3A_277 = arith.constant true
        %reduce_sum3A_278 = vector.broadcast %reduce_sum3A_277 : i1 to vector<16xi1>
        %reduce_sum3A_279 = tpu.scan <sum>, %add3A_276 masked %reduce_sum3A_278 : vector<16xf32>, vector<16xi1> -> vector<16xf32>
        %reduce_sum3A_280 = vector.extract %reduce_sum3A_279[15] : f32 from vector<16xf32>
        %reduce_sum3A_281 = arith.constant true
        %reduce_sum3A_282 = vector.broadcast %reduce_sum3A_281 : i1 to vector<16xi1>
        %reduce_sum3A_283 = tpu.scan <sum>, %add3A_271 masked %reduce_sum3A_282 : vector<16xf32>, vector<16xi1> -> vector<16xf32>
        %reduce_sum3A_284 = vector.extract %reduce_sum3A_283[15] : f32 from vector<16xf32>
        %sub3A_285 = arith.subf %reduce_sum3A_280, %reduce_sum3A_284 : f32
        %add3A_286 = arith.constant 1.000000e-01 : f32
        %add3A_287 = arith.addf %sub3A_285, %add3A_286 : f32
        %max3A_288 = arith.constant 0.000000e+00 : f32
        %max3A_289 = arith.maximumf %add3A_287, %max3A_288 : f32
        %eq3A_290 = arith.constant 1 : i32
        %eq3A_291 = vector.broadcast %eq3A_290 : i32 to vector<16xi32>
        %eq3A_292 = arith.cmpi eq, %iota3A, %eq3A_291 : vector<16xi32>
        %broadcast_in_dim3A_293 = vector.broadcast %max3A_289 : f32 to vector<16xf32>
        %select_n3A_294 = arith.select %eq3A_292, %broadcast_in_dim3A_293, %select_n3A : vector<16xi1>, vector<16xf32>
        %mul3A_295 = arith.constant 16 : i32
        %mul3A_296 = arith.muli %scan3A_38, %mul3A_295 : i32
        %add3A_297 = arith.constant 2 : i32
        %add3A_298 = arith.addi %mul3A_296, %add3A_297 : i32
        %broadcast_in_dim3A_299 = arith.constant 0.000000e+00 : f32
        %broadcast_in_dim3A_300 = vector.broadcast %broadcast_in_dim3A_299 : f32 to vector<16xf32>
        %broadcast_in_dim3A_301 = arith.constant 0.000000e+00 : f32
        %broadcast_in_dim3A_302 = vector.broadcast %broadcast_in_dim3A_301 : f32 to vector<16xf32>
        %get3A_303 = arith.index_cast %add3A_298 : i32 to index
        %get3A_304 = arith.constant 0 : index
        %get3A_305 = tpu.vector_load %arg10[%get3A_303, %get3A_304] {strides = array<i32>} : memref<128x128xf32, #tpu.memory_space<vmem>>, vector<16xf32>,
        %get3A_306 = arith.index_cast %add3A_298 : i32 to index
        %get3A_307 = arith.constant 0 : index
        %get3A_308 = tpu.vector_load %arg11[%get3A_306, %get3A_307] {strides = array<i32>} : memref<128x128xf32, #tpu.memory_space<vmem>>, vector<16xf32>,
        %mul3A_309 = arith.mulf %get3A_305, %get3A_308 : vector<16xf32>
        %add3A_310 = arith.addf %broadcast_in_dim3A_300, %mul3A_309 : vector<16xf32>
        %get3A_311 = arith.index_cast %add3A_298 : i32 to index
        %get3A_312 = arith.constant 0 : index
        %get3A_313 = tpu.vector_load %arg12[%get3A_311, %get3A_312] {strides = array<i32>} : memref<128x128xf32, #tpu.memory_space<vmem>>, vector<16xf32>,
        %mul3A_314 = arith.mulf %get3A_305, %get3A_313 : vector<16xf32>
        %add3A_315 = arith.addf %broadcast_in_dim3A_302, %mul3A_314 : vector<16xf32>
        %get3A_316 = arith.index_cast %add3A_298 : i32 to index
        %get3A_317 = arith.constant 16 : index
        %get3A_318 = tpu.vector_load %arg10[%get3A_316, %get3A_317] {strides = array<i32>} : memref<128x128xf32, #tpu.memory_space<vmem>>, vector<16xf32>,
        %get3A_319 = arith.index_cast %add3A_298 : i32 to index
        %get3A_320 = arith.constant 16 : index
        %get3A_321 = tpu.vector_load %arg11[%get3A_319, %get3A_320] {strides = array<i32>} : memref<128x128xf32, #tpu.memory_space<vmem>>, vector<16xf32>,
        %mul3A_322 = arith.mulf %get3A_318, %get3A_321 : vector<16xf32>
        %add3A_323 = arith.addf %add3A_310, %mul3A_322 : vector<16xf32>
        %get3A_324 = arith.index_cast %add3A_298 : i32 to index
        %get3A_325 = arith.constant 16 : index
        %get3A_326 = tpu.vector_load %arg12[%get3A_324, %get3A_325] {strides = array<i32>} : memref<128x128xf32, #tpu.memory_space<vmem>>, vector<16xf32>,
        %mul3A_327 = arith.mulf %get3A_318, %get3A_326 : vector<16xf32>
        %add3A_328 = arith.addf %add3A_315, %mul3A_327 : vector<16xf32>
        %get3A_329 = arith.index_cast %add3A_298 : i32 to index
        %get3A_330 = arith.constant 32 : index
        %get3A_331 = tpu.vector_load %arg10[%get3A_329, %get3A_330] {strides = array<i32>} : memref<128x128xf32, #tpu.memory_space<vmem>>, vector<16xf32>,
        %get3A_332 = arith.index_cast %add3A_298 : i32 to index
        %get3A_333 = arith.constant 32 : index
        %get3A_334 = tpu.vector_load %arg11[%get3A_332, %get3A_333] {strides = array<i32>} : memref<128x128xf32, #tpu.memory_space<vmem>>, vector<16xf32>,
        %mul3A_335 = arith.mulf %get3A_331, %get3A_334 : vector<16xf32>
        %add3A_336 = arith.addf %add3A_323, %mul3A_335 : vector<16xf32>
        %get3A_337 = arith.index_cast %add3A_298 : i32 to index
        %get3A_338 = arith.constant 32 : index
        %get3A_339 = tpu.vector_load %arg12[%get3A_337, %get3A_338] {strides = array<i32>} : memref<128x128xf32, #tpu.memory_space<vmem>>, vector<16xf32>,
        %mul3A_340 = arith.mulf %get3A_331, %get3A_339 : vector<16xf32>
        %add3A_341 = arith.addf %add3A_328, %mul3A_340 : vector<16xf32>
        %get3A_342 = arith.index_cast %add3A_298 : i32 to index
        %get3A_343 = arith.constant 48 : index
        %get3A_344 = tpu.vector_load %arg10[%get3A_342, %get3A_343] {strides = array<i32>} : memref<128x128xf32, #tpu.memory_space<vmem>>, vector<16xf32>,
        %get3A_345 = arith.index_cast %add3A_298 : i32 to index
        %get3A_346 = arith.constant 48 : index
        %get3A_347 = tpu.vector_load %arg11[%get3A_345, %get3A_346] {strides = array<i32>} : memref<128x128xf32, #tpu.memory_space<vmem>>, vector<16xf32>,
        %mul3A_348 = arith.mulf %get3A_344, %get3A_347 : vector<16xf32>
        %add3A_349 = arith.addf %add3A_336, %mul3A_348 : vector<16xf32>
        %get3A_350 = arith.index_cast %add3A_298 : i32 to index
        %get3A_351 = arith.constant 48 : index
        %get3A_352 = tpu.vector_load %arg12[%get3A_350, %get3A_351] {strides = array<i32>} : memref<128x128xf32, #tpu.memory_space<vmem>>, vector<16xf32>,
        %mul3A_353 = arith.mulf %get3A_344, %get3A_352 : vector<16xf32>
        %add3A_354 = arith.addf %add3A_341, %mul3A_353 : vector<16xf32>
        %get3A_355 = arith.index_cast %add3A_298 : i32 to index
        %get3A_356 = arith.constant 64 : index
        %get3A_357 = tpu.vector_load %arg10[%get3A_355, %get3A_356] {strides = array<i32>} : memref<128x128xf32, #tpu.memory_space<vmem>>, vector<16xf32>,
        %get3A_358 = arith.index_cast %add3A_298 : i32 to index
        %get3A_359 = arith.constant 64 : index
        %get3A_360 = tpu.vector_load %arg11[%get3A_358, %get3A_359] {strides = array<i32>} : memref<128x128xf32, #tpu.memory_space<vmem>>, vector<16xf32>,
        %mul3A_361 = arith.mulf %get3A_357, %get3A_360 : vector<16xf32>
        %add3A_362 = arith.addf %add3A_349, %mul3A_361 : vector<16xf32>
        %get3A_363 = arith.index_cast %add3A_298 : i32 to index
        %get3A_364 = arith.constant 64 : index
        %get3A_365 = tpu.vector_load %arg12[%get3A_363, %get3A_364] {strides = array<i32>} : memref<128x128xf32, #tpu.memory_space<vmem>>, vector<16xf32>,
        %mul3A_366 = arith.mulf %get3A_357, %get3A_365 : vector<16xf32>
        %add3A_367 = arith.addf %add3A_354, %mul3A_366 : vector<16xf32>
        %get3A_368 = arith.index_cast %add3A_298 : i32 to index
        %get3A_369 = arith.constant 80 : index
        %get3A_370 = tpu.vector_load %arg10[%get3A_368, %get3A_369] {strides = array<i32>} : memref<128x128xf32, #tpu.memory_space<vmem>>, vector<16xf32>,
        %get3A_371 = arith.index_cast %add3A_298 : i32 to index
        %get3A_372 = arith.constant 80 : index
        %get3A_373 = tpu.vector_load %arg11[%get3A_371, %get3A_372] {strides = array<i32>} : memref<128x128xf32, #tpu.memory_space<vmem>>, vector<16xf32>,
        %mul3A_374 = arith.mulf %get3A_370, %get3A_373 : vector<16xf32>
        %add3A_375 = arith.addf %add3A_362, %mul3A_374 : vector<16xf32>
        %get3A_376 = arith.index_cast %add3A_298 : i32 to index
        %get3A_377 = arith.constant 80 : index
        %get3A_378 = tpu.vector_load %arg12[%get3A_376, %get3A_377] {strides = array<i32>} : memref<128x128xf32, #tpu.memory_space<vmem>>, vector<16xf32>,
        %mul3A_379 = arith.mulf %get3A_370, %get3A_378 : vector<16xf32>
        %add3A_380 = arith.addf %add3A_367, %mul3A_379 : vector<16xf32>
        %get3A_381 = arith.index_cast %add3A_298 : i32 to index
        %get3A_382 = arith.constant 96 : index
        %get3A_383 = tpu.vector_load %arg10[%get3A_381, %get3A_382] {strides = array<i32>} : memref<128x128xf32, #tpu.memory_space<vmem>>, vector<16xf32>,
        %get3A_384 = arith.index_cast %add3A_298 : i32 to index
        %get3A_385 = arith.constant 96 : index
        %get3A_386 = tpu.vector_load %arg11[%get3A_384, %get3A_385] {strides = array<i32>} : memref<128x128xf32, #tpu.memory_space<vmem>>, vector<16xf32>,
        %mul3A_387 = arith.mulf %get3A_383, %get3A_386 : vector<16xf32>
        %add3A_388 = arith.addf %add3A_375, %mul3A_387 : vector<16xf32>
        %get3A_389 = arith.index_cast %add3A_298 : i32 to index
        %get3A_390 = arith.constant 96 : index
        %get3A_391 = tpu.vector_load %arg12[%get3A_389, %get3A_390] {strides = array<i32>} : memref<128x128xf32, #tpu.memory_space<vmem>>, vector<16xf32>,
        %mul3A_392 = arith.mulf %get3A_383, %get3A_391 : vector<16xf32>
        %add3A_393 = arith.addf %add3A_380, %mul3A_392 : vector<16xf32>
        %get3A_394 = arith.index_cast %add3A_298 : i32 to index
        %get3A_395 = arith.constant 112 : index
        %get3A_396 = tpu.vector_load %arg10[%get3A_394, %get3A_395] {strides = array<i32>} : memref<128x128xf32, #tpu.memory_space<vmem>>, vector<16xf32>,
        %get3A_397 = arith.index_cast %add3A_298 : i32 to index
        %get3A_398 = arith.constant 112 : index
        %get3A_399 = tpu.vector_load %arg11[%get3A_397, %get3A_398] {strides = array<i32>} : memref<128x128xf32, #tpu.memory_space<vmem>>, vector<16xf32>,
        %mul3A_400 = arith.mulf %get3A_396, %get3A_399 : vector<16xf32>
        %add3A_401 = arith.addf %add3A_388, %mul3A_400 : vector<16xf32>
        %get3A_402 = arith.index_cast %add3A_298 : i32 to index
        %get3A_403 = arith.constant 112 : index
        %get3A_404 = tpu.vector_load %arg12[%get3A_402, %get3A_403] {strides = array<i32>} : memref<128x128xf32, #tpu.memory_space<vmem>>, vector<16xf32>,
        %mul3A_405 = arith.mulf %get3A_396, %get3A_404 : vector<16xf32>
        %add3A_406 = arith.addf %add3A_393, %mul3A_405 : vector<16xf32>
        %reduce_sum3A_407 = arith.constant true
        %reduce_sum3A_408 = vector.broadcast %reduce_sum3A_407 : i1 to vector<16xi1>
        %reduce_sum3A_409 = tpu.scan <sum>, %add3A_406 masked %reduce_sum3A_408 : vector<16xf32>, vector<16xi1> -> vector<16xf32>
        %reduce_sum3A_410 = vector.extract %reduce_sum3A_409[15] : f32 from vector<16xf32>
        %reduce_sum3A_411 = arith.constant true
        %reduce_sum3A_412 = vector.broadcast %reduce_sum3A_411 : i1 to vector<16xi1>
        %reduce_sum3A_413 = tpu.scan <sum>, %add3A_401 masked %reduce_sum3A_412 : vector<16xf32>, vector<16xi1> -> vector<16xf32>
        %reduce_sum3A_414 = vector.extract %reduce_sum3A_413[15] : f32 from vector<16xf32>
        %sub3A_415 = arith.subf %reduce_sum3A_410, %reduce_sum3A_414 : f32
        %add3A_416 = arith.constant 1.000000e-01 : f32
        %add3A_417 = arith.addf %sub3A_415, %add3A_416 : f32
        %max3A_418 = arith.constant 0.000000e+00 : f32
        %max3A_419 = arith.maximumf %add3A_417, %max3A_418 : f32
        %eq3A_420 = arith.constant 2 : i32
        %eq3A_421 = vector.broadcast %eq3A_420 : i32 to vector<16xi32>
        %eq3A_422 = arith.cmpi eq, %iota3A, %eq3A_421 : vector<16xi32>
        %broadcast_in_dim3A_423 = vector.broadcast %max3A_419 : f32 to vector<16xf32>
        %select_n3A_424 = arith.select %eq3A_422, %broadcast_in_dim3A_423, %select_n3A_294 : vector<16xi1>, vector<16xf32>
        %mul3A_425 = arith.constant 16 : i32
        %mul3A_426 = arith.muli %scan3A_38, %mul3A_425 : i32
        %add3A_427 = arith.constant 3 : i32
        %add3A_428 = arith.addi %mul3A_426, %add3A_427 : i32
        %broadcast_in_dim3A_429 = arith.constant 0.000000e+00 : f32
        %broadcast_in_dim3A_430 = vector.broadcast %broadcast_in_dim3A_429 : f32 to vector<16xf32>
        %broadcast_in_dim3A_431 = arith.constant 0.000000e+00 : f32
        %broadcast_in_dim3A_432 = vector.broadcast %broadcast_in_dim3A_431 : f32 to vector<16xf32>
        %get3A_433 = arith.index_cast %add3A_428 : i32 to index
        %get3A_434 = arith.constant 0 : index
        %get3A_435 = tpu.vector_load %arg10[%get3A_433, %get3A_434] {strides = array<i32>} : memref<128x128xf32, #tpu.memory_space<vmem>>, vector<16xf32>,
        %get3A_436 = arith.index_cast %add3A_428 : i32 to index
        %get3A_437 = arith.constant 0 : index
        %get3A_438 = tpu.vector_load %arg11[%get3A_436, %get3A_437] {strides = array<i32>} : memref<128x128xf32, #tpu.memory_space<vmem>>, vector<16xf32>,
        %mul3A_439 = arith.mulf %get3A_435, %get3A_438 : vector<16xf32>
        %add3A_440 = arith.addf %broadcast_in_dim3A_430, %mul3A_439 : vector<16xf32>
        %get3A_441 = arith.index_cast %add3A_428 : i32 to index
        %get3A_442 = arith.constant 0 : index
        %get3A_443 = tpu.vector_load %arg12[%get3A_441, %get3A_442] {strides = array<i32>} : memref<128x128xf32, #tpu.memory_space<vmem>>, vector<16xf32>,
        %mul3A_444 = arith.mulf %get3A_435, %get3A_443 : vector<16xf32>
        %add3A_445 = arith.addf %broadcast_in_dim3A_432, %mul3A_444 : vector<16xf32>
        %get3A_446 = arith.index_cast %add3A_428 : i32 to index
        %get3A_447 = arith.constant 16 : index
        %get3A_448 = tpu.vector_load %arg10[%get3A_446, %get3A_447] {strides = array<i32>} : memref<128x128xf32, #tpu.memory_space<vmem>>, vector<16xf32>,
        %get3A_449 = arith.index_cast %add3A_428 : i32 to index
        %get3A_450 = arith.constant 16 : index
        %get3A_451 = tpu.vector_load %arg11[%get3A_449, %get3A_450] {strides = array<i32>} : memref<128x128xf32, #tpu.memory_space<vmem>>, vector<16xf32>,
        %mul3A_452 = arith.mulf %get3A_448, %get3A_451 : vector<16xf32>
        %add3A_453 = arith.addf %add3A_440, %mul3A_452 : vector<16xf32>
        %get3A_454 = arith.index_cast %add3A_428 : i32 to index
        %get3A_455 = arith.constant 16 : index
        %get3A_456 = tpu.vector_load %arg12[%get3A_454, %get3A_455] {strides = array<i32>} : memref<128x128xf32, #tpu.memory_space<vmem>>, vector<16xf32>,
        %mul3A_457 = arith.mulf %get3A_448, %get3A_456 : vector<16xf32>
        %add3A_458 = arith.addf %add3A_445, %mul3A_457 : vector<16xf32>
        %get3A_459 = arith.index_cast %add3A_428 : i32 to index
        %get3A_460 = arith.constant 32 : index
        %get3A_461 = tpu.vector_load %arg10[%get3A_459, %get3A_460] {strides = array<i32>} : memref<128x128xf32, #tpu.memory_space<vmem>>, vector<16xf32>,
        %get3A_462 = arith.index_cast %add3A_428 : i32 to index
        %get3A_463 = arith.constant 32 : index
        %get3A_464 = tpu.vector_load %arg11[%get3A_462, %get3A_463] {strides = array<i32>} : memref<128x128xf32, #tpu.memory_space<vmem>>, vector<16xf32>,
        %mul3A_465 = arith.mulf %get3A_461, %get3A_464 : vector<16xf32>
        %add3A_466 = arith.addf %add3A_453, %mul3A_465 : vector<16xf32>
        %get3A_467 = arith.index_cast %add3A_428 : i32 to index
        %get3A_468 = arith.constant 32 : index
        %get3A_469 = tpu.vector_load %arg12[%get3A_467, %get3A_468] {strides = array<i32>} : memref<128x128xf32, #tpu.memory_space<vmem>>, vector<16xf32>,
        %mul3A_470 = arith.mulf %get3A_461, %get3A_469 : vector<16xf32>
        %add3A_471 = arith.addf %add3A_458, %mul3A_470 : vector<16xf32>
        %get3A_472 = arith.index_cast %add3A_428 : i32 to index
        %get3A_473 = arith.constant 48 : index
        %get3A_474 = tpu.vector_load %arg10[%get3A_472, %get3A_473] {strides = array<i32>} : memref<128x128xf32, #tpu.memory_space<vmem>>, vector<16xf32>,
        %get3A_475 = arith.index_cast %add3A_428 : i32 to index
        %get3A_476 = arith.constant 48 : index
        %get3A_477 = tpu.vector_load %arg11[%get3A_475, %get3A_476] {strides = array<i32>} : memref<128x128xf32, #tpu.memory_space<vmem>>, vector<16xf32>,
        %mul3A_478 = arith.mulf %get3A_474, %get3A_477 : vector<16xf32>
        %add3A_479 = arith.addf %add3A_466, %mul3A_478 : vector<16xf32>
        %get3A_480 = arith.index_cast %add3A_428 : i32 to index
        %get3A_481 = arith.constant 48 : index
        %get3A_482 = tpu.vector_load %arg12[%get3A_480, %get3A_481] {strides = array<i32>} : memref<128x128xf32, #tpu.memory_space<vmem>>, vector<16xf32>,
        %mul3A_483 = arith.mulf %get3A_474, %get3A_482 : vector<16xf32>
        %add3A_484 = arith.addf %add3A_471, %mul3A_483 : vector<16xf32>
        %get3A_485 = arith.index_cast %add3A_428 : i32 to index
        %get3A_486 = arith.constant 64 : index
        %get3A_487 = tpu.vector_load %arg10[%get3A_485, %get3A_486] {strides = array<i32>} : memref<128x128xf32, #tpu.memory_space<vmem>>, vector<16xf32>,
        %get3A_488 = arith.index_cast %add3A_428 : i32 to index
        %get3A_489 = arith.constant 64 : index
        %get3A_490 = tpu.vector_load %arg11[%get3A_488, %get3A_489] {strides = array<i32>} : memref<128x128xf32, #tpu.memory_space<vmem>>, vector<16xf32>,
        %mul3A_491 = arith.mulf %get3A_487, %get3A_490 : vector<16xf32>
        %add3A_492 = arith.addf %add3A_479, %mul3A_491 : vector<16xf32>
        %get3A_493 = arith.index_cast %add3A_428 : i32 to index
        %get3A_494 = arith.constant 64 : index
        %get3A_495 = tpu.vector_load %arg12[%get3A_493, %get3A_494] {strides = array<i32>} : memref<128x128xf32, #tpu.memory_space<vmem>>, vector<16xf32>,
        %mul3A_496 = arith.mulf %get3A_487, %get3A_495 : vector<16xf32>
        %add3A_497 = arith.addf %add3A_484, %mul3A_496 : vector<16xf32>
        %get3A_498 = arith.index_cast %add3A_428 : i32 to index
        %get3A_499 = arith.constant 80 : index
        %get3A_500 = tpu.vector_load %arg10[%get3A_498, %get3A_499] {strides = array<i32>} : memref<128x128xf32, #tpu.memory_space<vmem>>, vector<16xf32>,
        %get3A_501 = arith.index_cast %add3A_428 : i32 to index
        %get3A_502 = arith.constant 80 : index
        %get3A_503 = tpu.vector_load %arg11[%get3A_501, %get3A_502] {strides = array<i32>} : memref<128x128xf32, #tpu.memory_space<vmem>>, vector<16xf32>,
        %mul3A_504 = arith.mulf %get3A_500, %get3A_503 : vector<16xf32>
        %add3A_505 = arith.addf %add3A_492, %mul3A_504 : vector<16xf32>
        %get3A_506 = arith.index_cast %add3A_428 : i32 to index
        %get3A_507 = arith.constant 80 : index
        %get3A_508 = tpu.vector_load %arg12[%get3A_506, %get3A_507] {strides = array<i32>} : memref<128x128xf32, #tpu.memory_space<vmem>>, vector<16xf32>,
        %mul3A_509 = arith.mulf %get3A_500, %get3A_508 : vector<16xf32>
        %add3A_510 = arith.addf %add3A_497, %mul3A_509 : vector<16xf32>
        %get3A_511 = arith.index_cast %add3A_428 : i32 to index
        %get3A_512 = arith.constant 96 : index
        %get3A_513 = tpu.vector_load %arg10[%get3A_511, %get3A_512] {strides = array<i32>} : memref<128x128xf32, #tpu.memory_space<vmem>>, vector<16xf32>,
        %get3A_514 = arith.index_cast %add3A_428 : i32 to index
        %get3A_515 = arith.constant 96 : index
        %get3A_516 = tpu.vector_load %arg11[%get3A_514, %get3A_515] {strides = array<i32>} : memref<128x128xf32, #tpu.memory_space<vmem>>, vector<16xf32>,
        %mul3A_517 = arith.mulf %get3A_513, %get3A_516 : vector<16xf32>
        %add3A_518 = arith.addf %add3A_505, %mul3A_517 : vector<16xf32>
        %get3A_519 = arith.index_cast %add3A_428 : i32 to index
        %get3A_520 = arith.constant 96 : index
        %get3A_521 = tpu.vector_load %arg12[%get3A_519, %get3A_520] {strides = array<i32>} : memref<128x128xf32, #tpu.memory_space<vmem>>, vector<16xf32>,
        %mul3A_522 = arith.mulf %get3A_513, %get3A_521 : vector<16xf32>
        %add3A_523 = arith.addf %add3A_510, %mul3A_522 : vector<16xf32>
        %get3A_524 = arith.index_cast %add3A_428 : i32 to index
        %get3A_525 = arith.constant 112 : index
        %get3A_526 = tpu.vector_load %arg10[%get3A_524, %get3A_525] {strides = array<i32>} : memref<128x128xf32, #tpu.memory_space<vmem>>, vector<16xf32>,
        %get3A_527 = arith.index_cast %add3A_428 : i32 to index
        %get3A_528 = arith.constant 112 : index
        %get3A_529 = tpu.vector_load %arg11[%get3A_527, %get3A_528] {strides = array<i32>} : memref<128x128xf32, #tpu.memory_space<vmem>>, vector<16xf32>,
        %mul3A_530 = arith.mulf %get3A_526, %get3A_529 : vector<16xf32>
        %add3A_531 = arith.addf %add3A_518, %mul3A_530 : vector<16xf32>
        %get3A_532 = arith.index_cast %add3A_428 : i32 to index
        %get3A_533 = arith.constant 112 : index
        %get3A_534 = tpu.vector_load %arg12[%get3A_532, %get3A_533] {strides = array<i32>} : memref<128x128xf32, #tpu.memory_space<vmem>>, vector<16xf32>,
        %mul3A_535 = arith.mulf %get3A_526, %get3A_534 : vector<16xf32>
        %add3A_536 = arith.addf %add3A_523, %mul3A_535 : vector<16xf32>
        %reduce_sum3A_537 = arith.constant true
        %reduce_sum3A_538 = vector.broadcast %reduce_sum3A_537 : i1 to vector<16xi1>
        %reduce_sum3A_539 = tpu.scan <sum>, %add3A_536 masked %reduce_sum3A_538 : vector<16xf32>, vector<16xi1> -> vector<16xf32>
        %reduce_sum3A_540 = vector.extract %reduce_sum3A_539[15] : f32 from vector<16xf32>
        %reduce_sum3A_541 = arith.constant true
        %reduce_sum3A_542 = vector.broadcast %reduce_sum3A_541 : i1 to vector<16xi1>
        %reduce_sum3A_543 = tpu.scan <sum>, %add3A_531 masked %reduce_sum3A_542 : vector<16xf32>, vector<16xi1> -> vector<16xf32>
        %reduce_sum3A_544 = vector.extract %reduce_sum3A_543[15] : f32 from vector<16xf32>
        %sub3A_545 = arith.subf %reduce_sum3A_540, %reduce_sum3A_544 : f32
        %add3A_546 = arith.constant 1.000000e-01 : f32
        %add3A_547 = arith.addf %sub3A_545, %add3A_546 : f32
        %max3A_548 = arith.constant 0.000000e+00 : f32
        %max3A_549 = arith.maximumf %add3A_547, %max3A_548 : f32
        %eq3A_550 = arith.constant 3 : i32
        %eq3A_551 = vector.broadcast %eq3A_550 : i32 to vector<16xi32>
        %eq3A_552 = arith.cmpi eq, %iota3A, %eq3A_551 : vector<16xi32>
        %broadcast_in_dim3A_553 = vector.broadcast %max3A_549 : f32 to vector<16xf32>
        %select_n3A_554 = arith.select %eq3A_552, %broadcast_in_dim3A_553, %select_n3A_424 : vector<16xi1>, vector<16xf32>
        %mul3A_555 = arith.constant 16 : i32
        %mul3A_556 = arith.muli %scan3A_38, %mul3A_555 : i32
        %add3A_557 = arith.constant 4 : i32
        %add3A_558 = arith.addi %mul3A_556, %add3A_557 : i32
        %broadcast_in_dim3A_559 = arith.constant 0.000000e+00 : f32
        %broadcast_in_dim3A_560 = vector.broadcast %broadcast_in_dim3A_559 : f32 to vector<16xf32>
        %broadcast_in_dim3A_561 = arith.constant 0.000000e+00 : f32
        %broadcast_in_dim3A_562 = vector.broadcast %broadcast_in_dim3A_561 : f32 to vector<16xf32>
        %get3A_563 = arith.index_cast %add3A_558 : i32 to index
        %get3A_564 = arith.constant 0 : index
        %get3A_565 = tpu.vector_load %arg10[%get3A_563, %get3A_564] {strides = array<i32>} : memref<128x128xf32, #tpu.memory_space<vmem>>, vector<16xf32>,
        %get3A_566 = arith.index_cast %add3A_558 : i32 to index
        %get3A_567 = arith.constant 0 : index
        %get3A_568 = tpu.vector_load %arg11[%get3A_566, %get3A_567] {strides = array<i32>} : memref<128x128xf32, #tpu.memory_space<vmem>>, vector<16xf32>,
        %mul3A_569 = arith.mulf %get3A_565, %get3A_568 : vector<16xf32>
        %add3A_570 = arith.addf %broadcast_in_dim3A_560, %mul3A_569 : vector<16xf32>
        %get3A_571 = arith.index_cast %add3A_558 : i32 to index
        %get3A_572 = arith.constant 0 : index
        %get3A_573 = tpu.vector_load %arg12[%get3A_571, %get3A_572] {strides = array<i32>} : memref<128x128xf32, #tpu.memory_space<vmem>>, vector<16xf32>,
        %mul3A_574 = arith.mulf %get3A_565, %get3A_573 : vector<16xf32>
        %add3A_575 = arith.addf %broadcast_in_dim3A_562, %mul3A_574 : vector<16xf32>
        %get3A_576 = arith.index_cast %add3A_558 : i32 to index
        %get3A_577 = arith.constant 16 : index
        %get3A_578 = tpu.vector_load %arg10[%get3A_576, %get3A_577] {strides = array<i32>} : memref<128x128xf32, #tpu.memory_space<vmem>>, vector<16xf32>,
        %get3A_579 = arith.index_cast %add3A_558 : i32 to index
        %get3A_580 = arith.constant 16 : index
        %get3A_581 = tpu.vector_load %arg11[%get3A_579, %get3A_580] {strides = array<i32>} : memref<128x128xf32, #tpu.memory_space<vmem>>, vector<16xf32>,
        %mul3A_582 = arith.mulf %get3A_578, %get3A_581 : vector<16xf32>
        %add3A_583 = arith.addf %add3A_570, %mul3A_582 : vector<16xf32>
        %get3A_584 = arith.index_cast %add3A_558 : i32 to index
        %get3A_585 = arith.constant 16 : index
        %get3A_586 = tpu.vector_load %arg12[%get3A_584, %get3A_585] {strides = array<i32>} : memref<128x128xf32, #tpu.memory_space<vmem>>, vector<16xf32>,
        %mul3A_587 = arith.mulf %get3A_578, %get3A_586 : vector<16xf32>
        %add3A_588 = arith.addf %add3A_575, %mul3A_587 : vector<16xf32>
        %get3A_589 = arith.index_cast %add3A_558 : i32 to index
        %get3A_590 = arith.constant 32 : index
        %get3A_591 = tpu.vector_load %arg10[%get3A_589, %get3A_590] {strides = array<i32>} : memref<128x128xf32, #tpu.memory_space<vmem>>, vector<16xf32>,
        %get3A_592 = arith.index_cast %add3A_558 : i32 to index
        %get3A_593 = arith.constant 32 : index
        %get3A_594 = tpu.vector_load %arg11[%get3A_592, %get3A_593] {strides = array<i32>} : memref<128x128xf32, #tpu.memory_space<vmem>>, vector<16xf32>,
        %mul3A_595 = arith.mulf %get3A_591, %get3A_594 : vector<16xf32>
        %add3A_596 = arith.addf %add3A_583, %mul3A_595 : vector<16xf32>
        %get3A_597 = arith.index_cast %add3A_558 : i32 to index
        %get3A_598 = arith.constant 32 : index
        %get3A_599 = tpu.vector_load %arg12[%get3A_597, %get3A_598] {strides = array<i32>} : memref<128x128xf32, #tpu.memory_space<vmem>>, vector<16xf32>,
        %mul3A_600 = arith.mulf %get3A_591, %get3A_599 : vector<16xf32>
        %add3A_601 = arith.addf %add3A_588, %mul3A_600 : vector<16xf32>
        %get3A_602 = arith.index_cast %add3A_558 : i32 to index
        %get3A_603 = arith.constant 48 : index
        %get3A_604 = tpu.vector_load %arg10[%get3A_602, %get3A_603] {strides = array<i32>} : memref<128x128xf32, #tpu.memory_space<vmem>>, vector<16xf32>,
        %get3A_605 = arith.index_cast %add3A_558 : i32 to index
        %get3A_606 = arith.constant 48 : index
        %get3A_607 = tpu.vector_load %arg11[%get3A_605, %get3A_606] {strides = array<i32>} : memref<128x128xf32, #tpu.memory_space<vmem>>, vector<16xf32>,
        %mul3A_608 = arith.mulf %get3A_604, %get3A_607 : vector<16xf32>
        %add3A_609 = arith.addf %add3A_596, %mul3A_608 : vector<16xf32>
        %get3A_610 = arith.index_cast %add3A_558 : i32 to index
        %get3A_611 = arith.constant 48 : index
        %get3A_612 = tpu.vector_load %arg12[%get3A_610, %get3A_611] {strides = array<i32>} : memref<128x128xf32, #tpu.memory_space<vmem>>, vector<16xf32>,
        %mul3A_613 = arith.mulf %get3A_604, %get3A_612 : vector<16xf32>
        %add3A_614 = arith.addf %add3A_601, %mul3A_613 : vector<16xf32>
        %get3A_615 = arith.index_cast %add3A_558 : i32 to index
        %get3A_616 = arith.constant 64 : index
        %get3A_617 = tpu.vector_load %arg10[%get3A_615, %get3A_616] {strides = array<i32>} : memref<128x128xf32, #tpu.memory_space<vmem>>, vector<16xf32>,
        %get3A_618 = arith.index_cast %add3A_558 : i32 to index
        %get3A_619 = arith.constant 64 : index
        %get3A_620 = tpu.vector_load %arg11[%get3A_618, %get3A_619] {strides = array<i32>} : memref<128x128xf32, #tpu.memory_space<vmem>>, vector<16xf32>,
        %mul3A_621 = arith.mulf %get3A_617, %get3A_620 : vector<16xf32>
        %add3A_622 = arith.addf %add3A_609, %mul3A_621 : vector<16xf32>
        %get3A_623 = arith.index_cast %add3A_558 : i32 to index
        %get3A_624 = arith.constant 64 : index
        %get3A_625 = tpu.vector_load %arg12[%get3A_623, %get3A_624] {strides = array<i32>} : memref<128x128xf32, #tpu.memory_space<vmem>>, vector<16xf32>,
        %mul3A_626 = arith.mulf %get3A_617, %get3A_625 : vector<16xf32>
        %add3A_627 = arith.addf %add3A_614, %mul3A_626 : vector<16xf32>
        %get3A_628 = arith.index_cast %add3A_558 : i32 to index
        %get3A_629 = arith.constant 80 : index
        %get3A_630 = tpu.vector_load %arg10[%get3A_628, %get3A_629] {strides = array<i32>} : memref<128x128xf32, #tpu.memory_space<vmem>>, vector<16xf32>,
        %get3A_631 = arith.index_cast %add3A_558 : i32 to index
        %get3A_632 = arith.constant 80 : index
        %get3A_633 = tpu.vector_load %arg11[%get3A_631, %get3A_632] {strides = array<i32>} : memref<128x128xf32, #tpu.memory_space<vmem>>, vector<16xf32>,
        %mul3A_634 = arith.mulf %get3A_630, %get3A_633 : vector<16xf32>
        %add3A_635 = arith.addf %add3A_622, %mul3A_634 : vector<16xf32>
        %get3A_636 = arith.index_cast %add3A_558 : i32 to index
        %get3A_637 = arith.constant 80 : index
        %get3A_638 = tpu.vector_load %arg12[%get3A_636, %get3A_637] {strides = array<i32>} : memref<128x128xf32, #tpu.memory_space<vmem>>, vector<16xf32>,
        %mul3A_639 = arith.mulf %get3A_630, %get3A_638 : vector<16xf32>
        %add3A_640 = arith.addf %add3A_627, %mul3A_639 : vector<16xf32>
        %get3A_641 = arith.index_cast %add3A_558 : i32 to index
        %get3A_642 = arith.constant 96 : index
        %get3A_643 = tpu.vector_load %arg10[%get3A_641, %get3A_642] {strides = array<i32>} : memref<128x128xf32, #tpu.memory_space<vmem>>, vector<16xf32>,
        %get3A_644 = arith.index_cast %add3A_558 : i32 to index
        %get3A_645 = arith.constant 96 : index
        %get3A_646 = tpu.vector_load %arg11[%get3A_644, %get3A_645] {strides = array<i32>} : memref<128x128xf32, #tpu.memory_space<vmem>>, vector<16xf32>,
        %mul3A_647 = arith.mulf %get3A_643, %get3A_646 : vector<16xf32>
        %add3A_648 = arith.addf %add3A_635, %mul3A_647 : vector<16xf32>
        %get3A_649 = arith.index_cast %add3A_558 : i32 to index
        %get3A_650 = arith.constant 96 : index
        %get3A_651 = tpu.vector_load %arg12[%get3A_649, %get3A_650] {strides = array<i32>} : memref<128x128xf32, #tpu.memory_space<vmem>>, vector<16xf32>,
        %mul3A_652 = arith.mulf %get3A_643, %get3A_651 : vector<16xf32>
        %add3A_653 = arith.addf %add3A_640, %mul3A_652 : vector<16xf32>
        %get3A_654 = arith.index_cast %add3A_558 : i32 to index
        %get3A_655 = arith.constant 112 : index
        %get3A_656 = tpu.vector_load %arg10[%get3A_654, %get3A_655] {strides = array<i32>} : memref<128x128xf32, #tpu.memory_space<vmem>>, vector<16xf32>,
        %get3A_657 = arith.index_cast %add3A_558 : i32 to index
        %get3A_658 = arith.constant 112 : index
        %get3A_659 = tpu.vector_load %arg11[%get3A_657, %get3A_658] {strides = array<i32>} : memref<128x128xf32, #tpu.memory_space<vmem>>, vector<16xf32>,
        %mul3A_660 = arith.mulf %get3A_656, %get3A_659 : vector<16xf32>
        %add3A_661 = arith.addf %add3A_648, %mul3A_660 : vector<16xf32>
        %get3A_662 = arith.index_cast %add3A_558 : i32 to index
        %get3A_663 = arith.constant 112 : index
        %get3A_664 = tpu.vector_load %arg12[%get3A_662, %get3A_663] {strides = array<i32>} : memref<128x128xf32, #tpu.memory_space<vmem>>, vector<16xf32>,
        %mul3A_665 = arith.mulf %get3A_656, %get3A_664 : vector<16xf32>
        %add3A_666 = arith.addf %add3A_653, %mul3A_665 : vector<16xf32>
        %reduce_sum3A_667 = arith.constant true
        %reduce_sum3A_668 = vector.broadcast %reduce_sum3A_667 : i1 to vector<16xi1>
        %reduce_sum3A_669 = tpu.scan <sum>, %add3A_666 masked %reduce_sum3A_668 : vector<16xf32>, vector<16xi1> -> vector<16xf32>
        %reduce_sum3A_670 = vector.extract %reduce_sum3A_669[15] : f32 from vector<16xf32>
        %reduce_sum3A_671 = arith.constant true
        %reduce_sum3A_672 = vector.broadcast %reduce_sum3A_671 : i1 to vector<16xi1>
        %reduce_sum3A_673 = tpu.scan <sum>, %add3A_661 masked %reduce_sum3A_672 : vector<16xf32>, vector<16xi1> -> vector<16xf32>
        %reduce_sum3A_674 = vector.extract %reduce_sum3A_673[15] : f32 from vector<16xf32>
        %sub3A_675 = arith.subf %reduce_sum3A_670, %reduce_sum3A_674 : f32
        %add3A_676 = arith.constant 1.000000e-01 : f32
        %add3A_677 = arith.addf %sub3A_675, %add3A_676 : f32
        %max3A_678 = arith.constant 0.000000e+00 : f32
        %max3A_679 = arith.maximumf %add3A_677, %max3A_678 : f32
        %eq3A_680 = arith.constant 4 : i32
        %eq3A_681 = vector.broadcast %eq3A_680 : i32 to vector<16xi32>
        %eq3A_682 = arith.cmpi eq, %iota3A, %eq3A_681 : vector<16xi32>
        %broadcast_in_dim3A_683 = vector.broadcast %max3A_679 : f32 to vector<16xf32>
        %select_n3A_684 = arith.select %eq3A_682, %broadcast_in_dim3A_683, %select_n3A_554 : vector<16xi1>, vector<16xf32>
        %mul3A_685 = arith.constant 16 : i32
        %mul3A_686 = arith.muli %scan3A_38, %mul3A_685 : i32
        %add3A_687 = arith.constant 5 : i32
        %add3A_688 = arith.addi %mul3A_686, %add3A_687 : i32
        %broadcast_in_dim3A_689 = arith.constant 0.000000e+00 : f32
        %broadcast_in_dim3A_690 = vector.broadcast %broadcast_in_dim3A_689 : f32 to vector<16xf32>
        %broadcast_in_dim3A_691 = arith.constant 0.000000e+00 : f32
        %broadcast_in_dim3A_692 = vector.broadcast %broadcast_in_dim3A_691 : f32 to vector<16xf32>
        %get3A_693 = arith.index_cast %add3A_688 : i32 to index
        %get3A_694 = arith.constant 0 : index
        %get3A_695 = tpu.vector_load %arg10[%get3A_693, %get3A_694] {strides = array<i32>} : memref<128x128xf32, #tpu.memory_space<vmem>>, vector<16xf32>,
        %get3A_696 = arith.index_cast %add3A_688 : i32 to index
        %get3A_697 = arith.constant 0 : index
        %get3A_698 = tpu.vector_load %arg11[%get3A_696, %get3A_697] {strides = array<i32>} : memref<128x128xf32, #tpu.memory_space<vmem>>, vector<16xf32>,
        %mul3A_699 = arith.mulf %get3A_695, %get3A_698 : vector<16xf32>
        %add3A_700 = arith.addf %broadcast_in_dim3A_690, %mul3A_699 : vector<16xf32>
        %get3A_701 = arith.index_cast %add3A_688 : i32 to index
        %get3A_702 = arith.constant 0 : index
        %get3A_703 = tpu.vector_load %arg12[%get3A_701, %get3A_702] {strides = array<i32>} : memref<128x128xf32, #tpu.memory_space<vmem>>, vector<16xf32>,
        %mul3A_704 = arith.mulf %get3A_695, %get3A_703 : vector<16xf32>
        %add3A_705 = arith.addf %broadcast_in_dim3A_692, %mul3A_704 : vector<16xf32>
        %get3A_706 = arith.index_cast %add3A_688 : i32 to index
        %get3A_707 = arith.constant 16 : index
        %get3A_708 = tpu.vector_load %arg10[%get3A_706, %get3A_707] {strides = array<i32>} : memref<128x128xf32, #tpu.memory_space<vmem>>, vector<16xf32>,
        %get3A_709 = arith.index_cast %add3A_688 : i32 to index
        %get3A_710 = arith.constant 16 : index
        %get3A_711 = tpu.vector_load %arg11[%get3A_709, %get3A_710] {strides = array<i32>} : memref<128x128xf32, #tpu.memory_space<vmem>>, vector<16xf32>,
        %mul3A_712 = arith.mulf %get3A_708, %get3A_711 : vector<16xf32>
        %add3A_713 = arith.addf %add3A_700, %mul3A_712 : vector<16xf32>
        %get3A_714 = arith.index_cast %add3A_688 : i32 to index
        %get3A_715 = arith.constant 16 : index
        %get3A_716 = tpu.vector_load %arg12[%get3A_714, %get3A_715] {strides = array<i32>} : memref<128x128xf32, #tpu.memory_space<vmem>>, vector<16xf32>,
        %mul3A_717 = arith.mulf %get3A_708, %get3A_716 : vector<16xf32>
        %add3A_718 = arith.addf %add3A_705, %mul3A_717 : vector<16xf32>
        %get3A_719 = arith.index_cast %add3A_688 : i32 to index
        %get3A_720 = arith.constant 32 : index
        %get3A_721 = tpu.vector_load %arg10[%get3A_719, %get3A_720] {strides = array<i32>} : memref<128x128xf32, #tpu.memory_space<vmem>>, vector<16xf32>,
        %get3A_722 = arith.index_cast %add3A_688 : i32 to index
        %get3A_723 = arith.constant 32 : index
        %get3A_724 = tpu.vector_load %arg11[%get3A_722, %get3A_723] {strides = array<i32>} : memref<128x128xf32, #tpu.memory_space<vmem>>, vector<16xf32>,
        %mul3A_725 = arith.mulf %get3A_721, %get3A_724 : vector<16xf32>
        %add3A_726 = arith.addf %add3A_713, %mul3A_725 : vector<16xf32>
        %get3A_727 = arith.index_cast %add3A_688 : i32 to index
        %get3A_728 = arith.constant 32 : index
        %get3A_729 = tpu.vector_load %arg12[%get3A_727, %get3A_728] {strides = array<i32>} : memref<128x128xf32, #tpu.memory_space<vmem>>, vector<16xf32>,
        %mul3A_730 = arith.mulf %get3A_721, %get3A_729 : vector<16xf32>
        %add3A_731 = arith.addf %add3A_718, %mul3A_730 : vector<16xf32>
        %get3A_732 = arith.index_cast %add3A_688 : i32 to index
        %get3A_733 = arith.constant 48 : index
        %get3A_734 = tpu.vector_load %arg10[%get3A_732, %get3A_733] {strides = array<i32>} : memref<128x128xf32, #tpu.memory_space<vmem>>, vector<16xf32>,
        %get3A_735 = arith.index_cast %add3A_688 : i32 to index
        %get3A_736 = arith.constant 48 : index
        %get3A_737 = tpu.vector_load %arg11[%get3A_735, %get3A_736] {strides = array<i32>} : memref<128x128xf32, #tpu.memory_space<vmem>>, vector<16xf32>,
        %mul3A_738 = arith.mulf %get3A_734, %get3A_737 : vector<16xf32>
        %add3A_739 = arith.addf %add3A_726, %mul3A_738 : vector<16xf32>
        %get3A_740 = arith.index_cast %add3A_688 : i32 to index
        %get3A_741 = arith.constant 48 : index
        %get3A_742 = tpu.vector_load %arg12[%get3A_740, %get3A_741] {strides = array<i32>} : memref<128x128xf32, #tpu.memory_space<vmem>>, vector<16xf32>,
        %mul3A_743 = arith.mulf %get3A_734, %get3A_742 : vector<16xf32>
        %add3A_744 = arith.addf %add3A_731, %mul3A_743 : vector<16xf32>
        %get3A_745 = arith.index_cast %add3A_688 : i32 to index
        %get3A_746 = arith.constant 64 : index
        %get3A_747 = tpu.vector_load %arg10[%get3A_745, %get3A_746] {strides = array<i32>} : memref<128x128xf32, #tpu.memory_space<vmem>>, vector<16xf32>,
        %get3A_748 = arith.index_cast %add3A_688 : i32 to index
        %get3A_749 = arith.constant 64 : index
        %get3A_750 = tpu.vector_load %arg11[%get3A_748, %get3A_749] {strides = array<i32>} : memref<128x128xf32, #tpu.memory_space<vmem>>, vector<16xf32>,
        %mul3A_751 = arith.mulf %get3A_747, %get3A_750 : vector<16xf32>
        %add3A_752 = arith.addf %add3A_739, %mul3A_751 : vector<16xf32>
        %get3A_753 = arith.index_cast %add3A_688 : i32 to index
        %get3A_754 = arith.constant 64 : index
        %get3A_755 = tpu.vector_load %arg12[%get3A_753, %get3A_754] {strides = array<i32>} : memref<128x128xf32, #tpu.memory_space<vmem>>, vector<16xf32>,
        %mul3A_756 = arith.mulf %get3A_747, %get3A_755 : vector<16xf32>
        %add3A_757 = arith.addf %add3A_744, %mul3A_756 : vector<16xf32>
        %get3A_758 = arith.index_cast %add3A_688 : i32 to index
        %get3A_759 = arith.constant 80 : index
        %get3A_760 = tpu.vector_load %arg10[%get3A_758, %get3A_759] {strides = array<i32>} : memref<128x128xf32, #tpu.memory_space<vmem>>, vector<16xf32>,
        %get3A_761 = arith.index_cast %add3A_688 : i32 to index
        %get3A_762 = arith.constant 80 : index
        %get3A_763 = tpu.vector_load %arg11[%get3A_761, %get3A_762] {strides = array<i32>} : memref<128x128xf32, #tpu.memory_space<vmem>>, vector<16xf32>,
        %mul3A_764 = arith.mulf %get3A_760, %get3A_763 : vector<16xf32>
        %add3A_765 = arith.addf %add3A_752, %mul3A_764 : vector<16xf32>
        %get3A_766 = arith.index_cast %add3A_688 : i32 to index
        %get3A_767 = arith.constant 80 : index
        %get3A_768 = tpu.vector_load %arg12[%get3A_766, %get3A_767] {strides = array<i32>} : memref<128x128xf32, #tpu.memory_space<vmem>>, vector<16xf32>,
        %mul3A_769 = arith.mulf %get3A_760, %get3A_768 : vector<16xf32>
        %add3A_770 = arith.addf %add3A_757, %mul3A_769 : vector<16xf32>
        %get3A_771 = arith.index_cast %add3A_688 : i32 to index
        %get3A_772 = arith.constant 96 : index
        %get3A_773 = tpu.vector_load %arg10[%get3A_771, %get3A_772] {strides = array<i32>} : memref<128x128xf32, #tpu.memory_space<vmem>>, vector<16xf32>,
        %get3A_774 = arith.index_cast %add3A_688 : i32 to index
        %get3A_775 = arith.constant 96 : index
        %get3A_776 = tpu.vector_load %arg11[%get3A_774, %get3A_775] {strides = array<i32>} : memref<128x128xf32, #tpu.memory_space<vmem>>, vector<16xf32>,
        %mul3A_777 = arith.mulf %get3A_773, %get3A_776 : vector<16xf32>
        %add3A_778 = arith.addf %add3A_765, %mul3A_777 : vector<16xf32>
        %get3A_779 = arith.index_cast %add3A_688 : i32 to index
        %get3A_780 = arith.constant 96 : index
        %get3A_781 = tpu.vector_load %arg12[%get3A_779, %get3A_780] {strides = array<i32>} : memref<128x128xf32, #tpu.memory_space<vmem>>, vector<16xf32>,
        %mul3A_782 = arith.mulf %get3A_773, %get3A_781 : vector<16xf32>
        %add3A_783 = arith.addf %add3A_770, %mul3A_782 : vector<16xf32>
        %get3A_784 = arith.index_cast %add3A_688 : i32 to index
        %get3A_785 = arith.constant 112 : index
        %get3A_786 = tpu.vector_load %arg10[%get3A_784, %get3A_785] {strides = array<i32>} : memref<128x128xf32, #tpu.memory_space<vmem>>, vector<16xf32>,
        %get3A_787 = arith.index_cast %add3A_688 : i32 to index
        %get3A_788 = arith.constant 112 : index
        %get3A_789 = tpu.vector_load %arg11[%get3A_787, %get3A_788] {strides = array<i32>} : memref<128x128xf32, #tpu.memory_space<vmem>>, vector<16xf32>,
        %mul3A_790 = arith.mulf %get3A_786, %get3A_789 : vector<16xf32>
        %add3A_791 = arith.addf %add3A_778, %mul3A_790 : vector<16xf32>
        %get3A_792 = arith.index_cast %add3A_688 : i32 to index
        %get3A_793 = arith.constant 112 : index
        %get3A_794 = tpu.vector_load %arg12[%get3A_792, %get3A_793] {strides = array<i32>} : memref<128x128xf32, #tpu.memory_space<vmem>>, vector<16xf32>,
        %mul3A_795 = arith.mulf %get3A_786, %get3A_794 : vector<16xf32>
        %add3A_796 = arith.addf %add3A_783, %mul3A_795 : vector<16xf32>
        %reduce_sum3A_797 = arith.constant true
        %reduce_sum3A_798 = vector.broadcast %reduce_sum3A_797 : i1 to vector<16xi1>
        %reduce_sum3A_799 = tpu.scan <sum>, %add3A_796 masked %reduce_sum3A_798 : vector<16xf32>, vector<16xi1> -> vector<16xf32>
        %reduce_sum3A_800 = vector.extract %reduce_sum3A_799[15] : f32 from vector<16xf32>
        %reduce_sum3A_801 = arith.constant true
        %reduce_sum3A_802 = vector.broadcast %reduce_sum3A_801 : i1 to vector<16xi1>
        %reduce_sum3A_803 = tpu.scan <sum>, %add3A_791 masked %reduce_sum3A_802 : vector<16xf32>, vector<16xi1> -> vector<16xf32>
        %reduce_sum3A_804 = vector.extract %reduce_sum3A_803[15] : f32 from vector<16xf32>
        %sub3A_805 = arith.subf %reduce_sum3A_800, %reduce_sum3A_804 : f32
        %add3A_806 = arith.constant 1.000000e-01 : f32
        %add3A_807 = arith.addf %sub3A_805, %add3A_806 : f32
        %max3A_808 = arith.constant 0.000000e+00 : f32
        %max3A_809 = arith.maximumf %add3A_807, %max3A_808 : f32
        %eq3A_810 = arith.constant 5 : i32
        %eq3A_811 = vector.broadcast %eq3A_810 : i32 to vector<16xi32>
        %eq3A_812 = arith.cmpi eq, %iota3A, %eq3A_811 : vector<16xi32>
        %broadcast_in_dim3A_813 = vector.broadcast %max3A_809 : f32 to vector<16xf32>
        %select_n3A_814 = arith.select %eq3A_812, %broadcast_in_dim3A_813, %select_n3A_684 : vector<16xi1>, vector<16xf32>
        %mul3A_815 = arith.constant 16 : i32
        %mul3A_816 = arith.muli %scan3A_38, %mul3A_815 : i32
        %add3A_817 = arith.constant 6 : i32
        %add3A_818 = arith.addi %mul3A_816, %add3A_817 : i32
        %broadcast_in_dim3A_819 = arith.constant 0.000000e+00 : f32
        %broadcast_in_dim3A_820 = vector.broadcast %broadcast_in_dim3A_819 : f32 to vector<16xf32>
        %broadcast_in_dim3A_821 = arith.constant 0.000000e+00 : f32
        %broadcast_in_dim3A_822 = vector.broadcast %broadcast_in_dim3A_821 : f32 to vector<16xf32>
        %get3A_823 = arith.index_cast %add3A_818 : i32 to index
        %get3A_824 = arith.constant 0 : index
        %get3A_825 = tpu.vector_load %arg10[%get3A_823, %get3A_824] {strides = array<i32>} : memref<128x128xf32, #tpu.memory_space<vmem>>, vector<16xf32>,
        %get3A_826 = arith.index_cast %add3A_818 : i32 to index
        %get3A_827 = arith.constant 0 : index
        %get3A_828 = tpu.vector_load %arg11[%get3A_826, %get3A_827] {strides = array<i32>} : memref<128x128xf32, #tpu.memory_space<vmem>>, vector<16xf32>,
        %mul3A_829 = arith.mulf %get3A_825, %get3A_828 : vector<16xf32>
        %add3A_830 = arith.addf %broadcast_in_dim3A_820, %mul3A_829 : vector<16xf32>
        %get3A_831 = arith.index_cast %add3A_818 : i32 to index
        %get3A_832 = arith.constant 0 : index
        %get3A_833 = tpu.vector_load %arg12[%get3A_831, %get3A_832] {strides = array<i32>} : memref<128x128xf32, #tpu.memory_space<vmem>>, vector<16xf32>,
        %mul3A_834 = arith.mulf %get3A_825, %get3A_833 : vector<16xf32>
        %add3A_835 = arith.addf %broadcast_in_dim3A_822, %mul3A_834 : vector<16xf32>
        %get3A_836 = arith.index_cast %add3A_818 : i32 to index
        %get3A_837 = arith.constant 16 : index
        %get3A_838 = tpu.vector_load %arg10[%get3A_836, %get3A_837] {strides = array<i32>} : memref<128x128xf32, #tpu.memory_space<vmem>>, vector<16xf32>,
        %get3A_839 = arith.index_cast %add3A_818 : i32 to index
        %get3A_840 = arith.constant 16 : index
        %get3A_841 = tpu.vector_load %arg11[%get3A_839, %get3A_840] {strides = array<i32>} : memref<128x128xf32, #tpu.memory_space<vmem>>, vector<16xf32>,
        %mul3A_842 = arith.mulf %get3A_838, %get3A_841 : vector<16xf32>
        %add3A_843 = arith.addf %add3A_830, %mul3A_842 : vector<16xf32>
        %get3A_844 = arith.index_cast %add3A_818 : i32 to index
        %get3A_845 = arith.constant 16 : index
        %get3A_846 = tpu.vector_load %arg12[%get3A_844, %get3A_845] {strides = array<i32>} : memref<128x128xf32, #tpu.memory_space<vmem>>, vector<16xf32>,
        %mul3A_847 = arith.mulf %get3A_838, %get3A_846 : vector<16xf32>
        %add3A_848 = arith.addf %add3A_835, %mul3A_847 : vector<16xf32>
        %get3A_849 = arith.index_cast %add3A_818 : i32 to index
        %get3A_850 = arith.constant 32 : index
        %get3A_851 = tpu.vector_load %arg10[%get3A_849, %get3A_850] {strides = array<i32>} : memref<128x128xf32, #tpu.memory_space<vmem>>, vector<16xf32>,
        %get3A_852 = arith.index_cast %add3A_818 : i32 to index
        %get3A_853 = arith.constant 32 : index
        %get3A_854 = tpu.vector_load %arg11[%get3A_852, %get3A_853] {strides = array<i32>} : memref<128x128xf32, #tpu.memory_space<vmem>>, vector<16xf32>,
        %mul3A_855 = arith.mulf %get3A_851, %get3A_854 : vector<16xf32>
        %add3A_856 = arith.addf %add3A_843, %mul3A_855 : vector<16xf32>
        %get3A_857 = arith.index_cast %add3A_818 : i32 to index
        %get3A_858 = arith.constant 32 : index
        %get3A_859 = tpu.vector_load %arg12[%get3A_857, %get3A_858] {strides = array<i32>} : memref<128x128xf32, #tpu.memory_space<vmem>>, vector<16xf32>,
        %mul3A_860 = arith.mulf %get3A_851, %get3A_859 : vector<16xf32>
        %add3A_861 = arith.addf %add3A_848, %mul3A_860 : vector<16xf32>
        %get3A_862 = arith.index_cast %add3A_818 : i32 to index
        %get3A_863 = arith.constant 48 : index
        %get3A_864 = tpu.vector_load %arg10[%get3A_862, %get3A_863] {strides = array<i32>} : memref<128x128xf32, #tpu.memory_space<vmem>>, vector<16xf32>,
        %get3A_865 = arith.index_cast %add3A_818 : i32 to index
        %get3A_866 = arith.constant 48 : index
        %get3A_867 = tpu.vector_load %arg11[%get3A_865, %get3A_866] {strides = array<i32>} : memref<128x128xf32, #tpu.memory_space<vmem>>, vector<16xf32>,
        %mul3A_868 = arith.mulf %get3A_864, %get3A_867 : vector<16xf32>
        %add3A_869 = arith.addf %add3A_856, %mul3A_868 : vector<16xf32>
        %get3A_870 = arith.index_cast %add3A_818 : i32 to index
        %get3A_871 = arith.constant 48 : index
        %get3A_872 = tpu.vector_load %arg12[%get3A_870, %get3A_871] {strides = array<i32>} : memref<128x128xf32, #tpu.memory_space<vmem>>, vector<16xf32>,
        %mul3A_873 = arith.mulf %get3A_864, %get3A_872 : vector<16xf32>
        %add3A_874 = arith.addf %add3A_861, %mul3A_873 : vector<16xf32>
        %get3A_875 = arith.index_cast %add3A_818 : i32 to index
        %get3A_876 = arith.constant 64 : index
        %get3A_877 = tpu.vector_load %arg10[%get3A_875, %get3A_876] {strides = array<i32>} : memref<128x128xf32, #tpu.memory_space<vmem>>, vector<16xf32>,
        %get3A_878 = arith.index_cast %add3A_818 : i32 to index
        %get3A_879 = arith.constant 64 : index
        %get3A_880 = tpu.vector_load %arg11[%get3A_878, %get3A_879] {strides = array<i32>} : memref<128x128xf32, #tpu.memory_space<vmem>>, vector<16xf32>,
        %mul3A_881 = arith.mulf %get3A_877, %get3A_880 : vector<16xf32>
        %add3A_882 = arith.addf %add3A_869, %mul3A_881 : vector<16xf32>
        %get3A_883 = arith.index_cast %add3A_818 : i32 to index
        %get3A_884 = arith.constant 64 : index
        %get3A_885 = tpu.vector_load %arg12[%get3A_883, %get3A_884] {strides = array<i32>} : memref<128x128xf32, #tpu.memory_space<vmem>>, vector<16xf32>,
        %mul3A_886 = arith.mulf %get3A_877, %get3A_885 : vector<16xf32>
        %add3A_887 = arith.addf %add3A_874, %mul3A_886 : vector<16xf32>
        %get3A_888 = arith.index_cast %add3A_818 : i32 to index
        %get3A_889 = arith.constant 80 : index
        %get3A_890 = tpu.vector_load %arg10[%get3A_888, %get3A_889] {strides = array<i32>} : memref<128x128xf32, #tpu.memory_space<vmem>>, vector<16xf32>,
        %get3A_891 = arith.index_cast %add3A_818 : i32 to index
        %get3A_892 = arith.constant 80 : index
        %get3A_893 = tpu.vector_load %arg11[%get3A_891, %get3A_892] {strides = array<i32>} : memref<128x128xf32, #tpu.memory_space<vmem>>, vector<16xf32>,
        %mul3A_894 = arith.mulf %get3A_890, %get3A_893 : vector<16xf32>
        %add3A_895 = arith.addf %add3A_882, %mul3A_894 : vector<16xf32>
        %get3A_896 = arith.index_cast %add3A_818 : i32 to index
        %get3A_897 = arith.constant 80 : index
        %get3A_898 = tpu.vector_load %arg12[%get3A_896, %get3A_897] {strides = array<i32>} : memref<128x128xf32, #tpu.memory_space<vmem>>, vector<16xf32>,
        %mul3A_899 = arith.mulf %get3A_890, %get3A_898 : vector<16xf32>
        %add3A_900 = arith.addf %add3A_887, %mul3A_899 : vector<16xf32>
        %get3A_901 = arith.index_cast %add3A_818 : i32 to index
        %get3A_902 = arith.constant 96 : index
        %get3A_903 = tpu.vector_load %arg10[%get3A_901, %get3A_902] {strides = array<i32>} : memref<128x128xf32, #tpu.memory_space<vmem>>, vector<16xf32>,
        %get3A_904 = arith.index_cast %add3A_818 : i32 to index
        %get3A_905 = arith.constant 96 : index
        %get3A_906 = tpu.vector_load %arg11[%get3A_904, %get3A_905] {strides = array<i32>} : memref<128x128xf32, #tpu.memory_space<vmem>>, vector<16xf32>,
        %mul3A_907 = arith.mulf %get3A_903, %get3A_906 : vector<16xf32>
        %add3A_908 = arith.addf %add3A_895, %mul3A_907 : vector<16xf32>
        %get3A_909 = arith.index_cast %add3A_818 : i32 to index
        %get3A_910 = arith.constant 96 : index
        %get3A_911 = tpu.vector_load %arg12[%get3A_909, %get3A_910] {strides = array<i32>} : memref<128x128xf32, #tpu.memory_space<vmem>>, vector<16xf32>,
        %mul3A_912 = arith.mulf %get3A_903, %get3A_911 : vector<16xf32>
        %add3A_913 = arith.addf %add3A_900, %mul3A_912 : vector<16xf32>
        %get3A_914 = arith.index_cast %add3A_818 : i32 to index
        %get3A_915 = arith.constant 112 : index
        %get3A_916 = tpu.vector_load %arg10[%get3A_914, %get3A_915] {strides = array<i32>} : memref<128x128xf32, #tpu.memory_space<vmem>>, vector<16xf32>,
        %get3A_917 = arith.index_cast %add3A_818 : i32 to index
        %get3A_918 = arith.constant 112 : index
        %get3A_919 = tpu.vector_load %arg11[%get3A_917, %get3A_918] {strides = array<i32>} : memref<128x128xf32, #tpu.memory_space<vmem>>, vector<16xf32>,
        %mul3A_920 = arith.mulf %get3A_916, %get3A_919 : vector<16xf32>
        %add3A_921 = arith.addf %add3A_908, %mul3A_920 : vector<16xf32>
        %get3A_922 = arith.index_cast %add3A_818 : i32 to index
        %get3A_923 = arith.constant 112 : index
        %get3A_924 = tpu.vector_load %arg12[%get3A_922, %get3A_923] {strides = array<i32>} : memref<128x128xf32, #tpu.memory_space<vmem>>, vector<16xf32>,
        %mul3A_925 = arith.mulf %get3A_916, %get3A_924 : vector<16xf32>
        %add3A_926 = arith.addf %add3A_913, %mul3A_925 : vector<16xf32>
        %reduce_sum3A_927 = arith.constant true
        %reduce_sum3A_928 = vector.broadcast %reduce_sum3A_927 : i1 to vector<16xi1>
        %reduce_sum3A_929 = tpu.scan <sum>, %add3A_926 masked %reduce_sum3A_928 : vector<16xf32>, vector<16xi1> -> vector<16xf32>
        %reduce_sum3A_930 = vector.extract %reduce_sum3A_929[15] : f32 from vector<16xf32>
        %reduce_sum3A_931 = arith.constant true
        %reduce_sum3A_932 = vector.broadcast %reduce_sum3A_931 : i1 to vector<16xi1>
        %reduce_sum3A_933 = tpu.scan <sum>, %add3A_921 masked %reduce_sum3A_932 : vector<16xf32>, vector<16xi1> -> vector<16xf32>
        %reduce_sum3A_934 = vector.extract %reduce_sum3A_933[15] : f32 from vector<16xf32>
        %sub3A_935 = arith.subf %reduce_sum3A_930, %reduce_sum3A_934 : f32
        %add3A_936 = arith.constant 1.000000e-01 : f32
        %add3A_937 = arith.addf %sub3A_935, %add3A_936 : f32
        %max3A_938 = arith.constant 0.000000e+00 : f32
        %max3A_939 = arith.maximumf %add3A_937, %max3A_938 : f32
        %eq3A_940 = arith.constant 6 : i32
        %eq3A_941 = vector.broadcast %eq3A_940 : i32 to vector<16xi32>
        %eq3A_942 = arith.cmpi eq, %iota3A, %eq3A_941 : vector<16xi32>
        %broadcast_in_dim3A_943 = vector.broadcast %max3A_939 : f32 to vector<16xf32>
        %select_n3A_944 = arith.select %eq3A_942, %broadcast_in_dim3A_943, %select_n3A_814 : vector<16xi1>, vector<16xf32>
        %mul3A_945 = arith.constant 16 : i32
        %mul3A_946 = arith.muli %scan3A_38, %mul3A_945 : i32
        %add3A_947 = arith.constant 7 : i32
        %add3A_948 = arith.addi %mul3A_946, %add3A_947 : i32
        %broadcast_in_dim3A_949 = arith.constant 0.000000e+00 : f32
        %broadcast_in_dim3A_950 = vector.broadcast %broadcast_in_dim3A_949 : f32 to vector<16xf32>
        %broadcast_in_dim3A_951 = arith.constant 0.000000e+00 : f32
        %broadcast_in_dim3A_952 = vector.broadcast %broadcast_in_dim3A_951 : f32 to vector<16xf32>
        %get3A_953 = arith.index_cast %add3A_948 : i32 to index
        %get3A_954 = arith.constant 0 : index
        %get3A_955 = tpu.vector_load %arg10[%get3A_953, %get3A_954] {strides = array<i32>} : memref<128x128xf32, #tpu.memory_space<vmem>>, vector<16xf32>,
        %get3A_956 = arith.index_cast %add3A_948 : i32 to index
        %get3A_957 = arith.constant 0 : index
        %get3A_958 = tpu.vector_load %arg11[%get3A_956, %get3A_957] {strides = array<i32>} : memref<128x128xf32, #tpu.memory_space<vmem>>, vector<16xf32>,
        %mul3A_959 = arith.mulf %get3A_955, %get3A_958 : vector<16xf32>
        %add3A_960 = arith.addf %broadcast_in_dim3A_950, %mul3A_959 : vector<16xf32>
        %get3A_961 = arith.index_cast %add3A_948 : i32 to index
        %get3A_962 = arith.constant 0 : index
        %get3A_963 = tpu.vector_load %arg12[%get3A_961, %get3A_962] {strides = array<i32>} : memref<128x128xf32, #tpu.memory_space<vmem>>, vector<16xf32>,
        %mul3A_964 = arith.mulf %get3A_955, %get3A_963 : vector<16xf32>
        %add3A_965 = arith.addf %broadcast_in_dim3A_952, %mul3A_964 : vector<16xf32>
        %get3A_966 = arith.index_cast %add3A_948 : i32 to index
        %get3A_967 = arith.constant 16 : index
        %get3A_968 = tpu.vector_load %arg10[%get3A_966, %get3A_967] {strides = array<i32>} : memref<128x128xf32, #tpu.memory_space<vmem>>, vector<16xf32>,
        %get3A_969 = arith.index_cast %add3A_948 : i32 to index
        %get3A_970 = arith.constant 16 : index
        %get3A_971 = tpu.vector_load %arg11[%get3A_969, %get3A_970] {strides = array<i32>} : memref<128x128xf32, #tpu.memory_space<vmem>>, vector<16xf32>,
        %mul3A_972 = arith.mulf %get3A_968, %get3A_971 : vector<16xf32>
        %add3A_973 = arith.addf %add3A_960, %mul3A_972 : vector<16xf32>
        %get3A_974 = arith.index_cast %add3A_948 : i32 to index
        %get3A_975 = arith.constant 16 : index
        %get3A_976 = tpu.vector_load %arg12[%get3A_974, %get3A_975] {strides = array<i32>} : memref<128x128xf32, #tpu.memory_space<vmem>>, vector<16xf32>,
        %mul3A_977 = arith.mulf %get3A_968, %get3A_976 : vector<16xf32>
        %add3A_978 = arith.addf %add3A_965, %mul3A_977 : vector<16xf32>
        %get3A_979 = arith.index_cast %add3A_948 : i32 to index
        %get3A_980 = arith.constant 32 : index
        %get3A_981 = tpu.vector_load %arg10[%get3A_979, %get3A_980] {strides = array<i32>} : memref<128x128xf32, #tpu.memory_space<vmem>>, vector<16xf32>,
        %get3A_982 = arith.index_cast %add3A_948 : i32 to index
        %get3A_983 = arith.constant 32 : index
        %get3A_984 = tpu.vector_load %arg11[%get3A_982, %get3A_983] {strides = array<i32>} : memref<128x128xf32, #tpu.memory_space<vmem>>, vector<16xf32>,
        %mul3A_985 = arith.mulf %get3A_981, %get3A_984 : vector<16xf32>
        %add3A_986 = arith.addf %add3A_973, %mul3A_985 : vector<16xf32>
        %get3A_987 = arith.index_cast %add3A_948 : i32 to index
        %get3A_988 = arith.constant 32 : index
        %get3A_989 = tpu.vector_load %arg12[%get3A_987, %get3A_988] {strides = array<i32>} : memref<128x128xf32, #tpu.memory_space<vmem>>, vector<16xf32>,
        %mul3A_990 = arith.mulf %get3A_981, %get3A_989 : vector<16xf32>
        %add3A_991 = arith.addf %add3A_978, %mul3A_990 : vector<16xf32>
        %get3A_992 = arith.index_cast %add3A_948 : i32 to index
        %get3A_993 = arith.constant 48 : index
        %get3A_994 = tpu.vector_load %arg10[%get3A_992, %get3A_993] {strides = array<i32>} : memref<128x128xf32, #tpu.memory_space<vmem>>, vector<16xf32>,
        %get3A_995 = arith.index_cast %add3A_948 : i32 to index
        %get3A_996 = arith.constant 48 : index
        %get3A_997 = tpu.vector_load %arg11[%get3A_995, %get3A_996] {strides = array<i32>} : memref<128x128xf32, #tpu.memory_space<vmem>>, vector<16xf32>,
        %mul3A_998 = arith.mulf %get3A_994, %get3A_997 : vector<16xf32>
        %add3A_999 = arith.addf %add3A_986, %mul3A_998 : vector<16xf32>
        %get3A_1000 = arith.index_cast %add3A_948 : i32 to index
        %get3A_1001 = arith.constant 48 : index
        %get3A_1002 = tpu.vector_load %arg12[%get3A_1000, %get3A_1001] {strides = array<i32>} : memref<128x128xf32, #tpu.memory_space<vmem>>, vector<16xf32>,
        %mul3A_1003 = arith.mulf %get3A_994, %get3A_1002 : vector<16xf32>
        %add3A_1004 = arith.addf %add3A_991, %mul3A_1003 : vector<16xf32>
        %get3A_1005 = arith.index_cast %add3A_948 : i32 to index
        %get3A_1006 = arith.constant 64 : index
        %get3A_1007 = tpu.vector_load %arg10[%get3A_1005, %get3A_1006] {strides = array<i32>} : memref<128x128xf32, #tpu.memory_space<vmem>>, vector<16xf32>,
        %get3A_1008 = arith.index_cast %add3A_948 : i32 to index
        %get3A_1009 = arith.constant 64 : index
        %get3A_1010 = tpu.vector_load %arg11[%get3A_1008, %get3A_1009] {strides = array<i32>} : memref<128x128xf32, #tpu.memory_space<vmem>>, vector<16xf32>,
        %mul3A_1011 = arith.mulf %get3A_1007, %get3A_1010 : vector<16xf32>
        %add3A_1012 = arith.addf %add3A_999, %mul3A_1011 : vector<16xf32>
        %get3A_1013 = arith.index_cast %add3A_948 : i32 to index
        %get3A_1014 = arith.constant 64 : index
        %get3A_1015 = tpu.vector_load %arg12[%get3A_1013, %get3A_1014] {strides = array<i32>} : memref<128x128xf32, #tpu.memory_space<vmem>>, vector<16xf32>,
        %mul3A_1016 = arith.mulf %get3A_1007, %get3A_1015 : vector<16xf32>
        %add3A_1017 = arith.addf %add3A_1004, %mul3A_1016 : vector<16xf32>
        %get3A_1018 = arith.index_cast %add3A_948 : i32 to index
        %get3A_1019 = arith.constant 80 : index
        %get3A_1020 = tpu.vector_load %arg10[%get3A_1018, %get3A_1019] {strides = array<i32>} : memref<128x128xf32, #tpu.memory_space<vmem>>, vector<16xf32>,
        %get3A_1021 = arith.index_cast %add3A_948 : i32 to index
        %get3A_1022 = arith.constant 80 : index
        %get3A_1023 = tpu.vector_load %arg11[%get3A_1021, %get3A_1022] {strides = array<i32>} : memref<128x128xf32, #tpu.memory_space<vmem>>, vector<16xf32>,
        %mul3A_1024 = arith.mulf %get3A_1020, %get3A_1023 : vector<16xf32>
        %add3A_1025 = arith.addf %add3A_1012, %mul3A_1024 : vector<16xf32>
        %get3A_1026 = arith.index_cast %add3A_948 : i32 to index
        %get3A_1027 = arith.constant 80 : index
        %get3A_1028 = tpu.vector_load %arg12[%get3A_1026, %get3A_1027] {strides = array<i32>} : memref<128x128xf32, #tpu.memory_space<vmem>>, vector<16xf32>,
        %mul3A_1029 = arith.mulf %get3A_1020, %get3A_1028 : vector<16xf32>
        %add3A_1030 = arith.addf %add3A_1017, %mul3A_1029 : vector<16xf32>
        %get3A_1031 = arith.index_cast %add3A_948 : i32 to index
        %get3A_1032 = arith.constant 96 : index
        %get3A_1033 = tpu.vector_load %arg10[%get3A_1031, %get3A_1032] {strides = array<i32>} : memref<128x128xf32, #tpu.memory_space<vmem>>, vector<16xf32>,
        %get3A_1034 = arith.index_cast %add3A_948 : i32 to index
        %get3A_1035 = arith.constant 96 : index
        %get3A_1036 = tpu.vector_load %arg11[%get3A_1034, %get3A_1035] {strides = array<i32>} : memref<128x128xf32, #tpu.memory_space<vmem>>, vector<16xf32>,
        %mul3A_1037 = arith.mulf %get3A_1033, %get3A_1036 : vector<16xf32>
        %add3A_1038 = arith.addf %add3A_1025, %mul3A_1037 : vector<16xf32>
        %get3A_1039 = arith.index_cast %add3A_948 : i32 to index
        %get3A_1040 = arith.constant 96 : index
        %get3A_1041 = tpu.vector_load %arg12[%get3A_1039, %get3A_1040] {strides = array<i32>} : memref<128x128xf32, #tpu.memory_space<vmem>>, vector<16xf32>,
        %mul3A_1042 = arith.mulf %get3A_1033, %get3A_1041 : vector<16xf32>
        %add3A_1043 = arith.addf %add3A_1030, %mul3A_1042 : vector<16xf32>
        %get3A_1044 = arith.index_cast %add3A_948 : i32 to index
        %get3A_1045 = arith.constant 112 : index
        %get3A_1046 = tpu.vector_load %arg10[%get3A_1044, %get3A_1045] {strides = array<i32>} : memref<128x128xf32, #tpu.memory_space<vmem>>, vector<16xf32>,
        %get3A_1047 = arith.index_cast %add3A_948 : i32 to index
        %get3A_1048 = arith.constant 112 : index
        %get3A_1049 = tpu.vector_load %arg11[%get3A_1047, %get3A_1048] {strides = array<i32>} : memref<128x128xf32, #tpu.memory_space<vmem>>, vector<16xf32>,
        %mul3A_1050 = arith.mulf %get3A_1046, %get3A_1049 : vector<16xf32>
        %add3A_1051 = arith.addf %add3A_1038, %mul3A_1050 : vector<16xf32>
        %get3A_1052 = arith.index_cast %add3A_948 : i32 to index
        %get3A_1053 = arith.constant 112 : index
        %get3A_1054 = tpu.vector_load %arg12[%get3A_1052, %get3A_1053] {strides = array<i32>} : memref<128x128xf32, #tpu.memory_space<vmem>>, vector<16xf32>,
        %mul3A_1055 = arith.mulf %get3A_1046, %get3A_1054 : vector<16xf32>
        %add3A_1056 = arith.addf %add3A_1043, %mul3A_1055 : vector<16xf32>
        %reduce_sum3A_1057 = arith.constant true
        %reduce_sum3A_1058 = vector.broadcast %reduce_sum3A_1057 : i1 to vector<16xi1>
        %reduce_sum3A_1059 = tpu.scan <sum>, %add3A_1056 masked %reduce_sum3A_1058 : vector<16xf32>, vector<16xi1> -> vector<16xf32>
        %reduce_sum3A_1060 = vector.extract %reduce_sum3A_1059[15] : f32 from vector<16xf32>
        %reduce_sum3A_1061 = arith.constant true
        %reduce_sum3A_1062 = vector.broadcast %reduce_sum3A_1061 : i1 to vector<16xi1>
        %reduce_sum3A_1063 = tpu.scan <sum>, %add3A_1051 masked %reduce_sum3A_1062 : vector<16xf32>, vector<16xi1> -> vector<16xf32>
        %reduce_sum3A_1064 = vector.extract %reduce_sum3A_1063[15] : f32 from vector<16xf32>
        %sub3A_1065 = arith.subf %reduce_sum3A_1060, %reduce_sum3A_1064 : f32
        %add3A_1066 = arith.constant 1.000000e-01 : f32
        %add3A_1067 = arith.addf %sub3A_1065, %add3A_1066 : f32
        %max3A_1068 = arith.constant 0.000000e+00 : f32
        %max3A_1069 = arith.maximumf %add3A_1067, %max3A_1068 : f32
        %eq3A_1070 = arith.constant 7 : i32
        %eq3A_1071 = vector.broadcast %eq3A_1070 : i32 to vector<16xi32>
        %eq3A_1072 = arith.cmpi eq, %iota3A, %eq3A_1071 : vector<16xi32>
        %broadcast_in_dim3A_1073 = vector.broadcast %max3A_1069 : f32 to vector<16xf32>
        %select_n3A_1074 = arith.select %eq3A_1072, %broadcast_in_dim3A_1073, %select_n3A_944 : vector<16xi1>, vector<16xf32>
        %mul3A_1075 = arith.constant 16 : i32
        %mul3A_1076 = arith.muli %scan3A_38, %mul3A_1075 : i32
        %add3A_1077 = arith.constant 8 : i32
        %add3A_1078 = arith.addi %mul3A_1076, %add3A_1077 : i32
        %broadcast_in_dim3A_1079 = arith.constant 0.000000e+00 : f32
        %broadcast_in_dim3A_1080 = vector.broadcast %broadcast_in_dim3A_1079 : f32 to vector<16xf32>
        %broadcast_in_dim3A_1081 = arith.constant 0.000000e+00 : f32
        %broadcast_in_dim3A_1082 = vector.broadcast %broadcast_in_dim3A_1081 : f32 to vector<16xf32>
        %get3A_1083 = arith.index_cast %add3A_1078 : i32 to index
        %get3A_1084 = arith.constant 0 : index
        %get3A_1085 = tpu.vector_load %arg10[%get3A_1083, %get3A_1084] {strides = array<i32>} : memref<128x128xf32, #tpu.memory_space<vmem>>, vector<16xf32>,
        %get3A_1086 = arith.index_cast %add3A_1078 : i32 to index
        %get3A_1087 = arith.constant 0 : index
        %get3A_1088 = tpu.vector_load %arg11[%get3A_1086, %get3A_1087] {strides = array<i32>} : memref<128x128xf32, #tpu.memory_space<vmem>>, vector<16xf32>,
        %mul3A_1089 = arith.mulf %get3A_1085, %get3A_1088 : vector<16xf32>
        %add3A_1090 = arith.addf %broadcast_in_dim3A_1080, %mul3A_1089 : vector<16xf32>
        %get3A_1091 = arith.index_cast %add3A_1078 : i32 to index
        %get3A_1092 = arith.constant 0 : index
        %get3A_1093 = tpu.vector_load %arg12[%get3A_1091, %get3A_1092] {strides = array<i32>} : memref<128x128xf32, #tpu.memory_space<vmem>>, vector<16xf32>,
        %mul3A_1094 = arith.mulf %get3A_1085, %get3A_1093 : vector<16xf32>
        %add3A_1095 = arith.addf %broadcast_in_dim3A_1082, %mul3A_1094 : vector<16xf32>
        %get3A_1096 = arith.index_cast %add3A_1078 : i32 to index
        %get3A_1097 = arith.constant 16 : index
        %get3A_1098 = tpu.vector_load %arg10[%get3A_1096, %get3A_1097] {strides = array<i32>} : memref<128x128xf32, #tpu.memory_space<vmem>>, vector<16xf32>,
        %get3A_1099 = arith.index_cast %add3A_1078 : i32 to index
        %get3A_1100 = arith.constant 16 : index
        %get3A_1101 = tpu.vector_load %arg11[%get3A_1099, %get3A_1100] {strides = array<i32>} : memref<128x128xf32, #tpu.memory_space<vmem>>, vector<16xf32>,
        %mul3A_1102 = arith.mulf %get3A_1098, %get3A_1101 : vector<16xf32>
        %add3A_1103 = arith.addf %add3A_1090, %mul3A_1102 : vector<16xf32>
        %get3A_1104 = arith.index_cast %add3A_1078 : i32 to index
        %get3A_1105 = arith.constant 16 : index
        %get3A_1106 = tpu.vector_load %arg12[%get3A_1104, %get3A_1105] {strides = array<i32>} : memref<128x128xf32, #tpu.memory_space<vmem>>, vector<16xf32>,
        %mul3A_1107 = arith.mulf %get3A_1098, %get3A_1106 : vector<16xf32>
        %add3A_1108 = arith.addf %add3A_1095, %mul3A_1107 : vector<16xf32>
        %get3A_1109 = arith.index_cast %add3A_1078 : i32 to index
        %get3A_1110 = arith.constant 32 : index
        %get3A_1111 = tpu.vector_load %arg10[%get3A_1109, %get3A_1110] {strides = array<i32>} : memref<128x128xf32, #tpu.memory_space<vmem>>, vector<16xf32>,
        %get3A_1112 = arith.index_cast %add3A_1078 : i32 to index
        %get3A_1113 = arith.constant 32 : index
        %get3A_1114 = tpu.vector_load %arg11[%get3A_1112, %get3A_1113] {strides = array<i32>} : memref<128x128xf32, #tpu.memory_space<vmem>>, vector<16xf32>,
        %mul3A_1115 = arith.mulf %get3A_1111, %get3A_1114 : vector<16xf32>
        %add3A_1116 = arith.addf %add3A_1103, %mul3A_1115 : vector<16xf32>
        %get3A_1117 = arith.index_cast %add3A_1078 : i32 to index
        %get3A_1118 = arith.constant 32 : index
        %get3A_1119 = tpu.vector_load %arg12[%get3A_1117, %get3A_1118] {strides = array<i32>} : memref<128x128xf32, #tpu.memory_space<vmem>>, vector<16xf32>,
        %mul3A_1120 = arith.mulf %get3A_1111, %get3A_1119 : vector<16xf32>
        %add3A_1121 = arith.addf %add3A_1108, %mul3A_1120 : vector<16xf32>
        %get3A_1122 = arith.index_cast %add3A_1078 : i32 to index
        %get3A_1123 = arith.constant 48 : index
        %get3A_1124 = tpu.vector_load %arg10[%get3A_1122, %get3A_1123] {strides = array<i32>} : memref<128x128xf32, #tpu.memory_space<vmem>>, vector<16xf32>,
        %get3A_1125 = arith.index_cast %add3A_1078 : i32 to index
        %get3A_1126 = arith.constant 48 : index
        %get3A_1127 = tpu.vector_load %arg11[%get3A_1125, %get3A_1126] {strides = array<i32>} : memref<128x128xf32, #tpu.memory_space<vmem>>, vector<16xf32>,
        %mul3A_1128 = arith.mulf %get3A_1124, %get3A_1127 : vector<16xf32>
        %add3A_1129 = arith.addf %add3A_1116, %mul3A_1128 : vector<16xf32>
        %get3A_1130 = arith.index_cast %add3A_1078 : i32 to index
        %get3A_1131 = arith.constant 48 : index
        %get3A_1132 = tpu.vector_load %arg12[%get3A_1130, %get3A_1131] {strides = array<i32>} : memref<128x128xf32, #tpu.memory_space<vmem>>, vector<16xf32>,
        %mul3A_1133 = arith.mulf %get3A_1124, %get3A_1132 : vector<16xf32>
        %add3A_1134 = arith.addf %add3A_1121, %mul3A_1133 : vector<16xf32>
        %get3A_1135 = arith.index_cast %add3A_1078 : i32 to index
        %get3A_1136 = arith.constant 64 : index
        %get3A_1137 = tpu.vector_load %arg10[%get3A_1135, %get3A_1136] {strides = array<i32>} : memref<128x128xf32, #tpu.memory_space<vmem>>, vector<16xf32>,
        %get3A_1138 = arith.index_cast %add3A_1078 : i32 to index
        %get3A_1139 = arith.constant 64 : index
        %get3A_1140 = tpu.vector_load %arg11[%get3A_1138, %get3A_1139] {strides = array<i32>} : memref<128x128xf32, #tpu.memory_space<vmem>>, vector<16xf32>,
        %mul3A_1141 = arith.mulf %get3A_1137, %get3A_1140 : vector<16xf32>
        %add3A_1142 = arith.addf %add3A_1129, %mul3A_1141 : vector<16xf32>
        %get3A_1143 = arith.index_cast %add3A_1078 : i32 to index
        %get3A_1144 = arith.constant 64 : index
        %get3A_1145 = tpu.vector_load %arg12[%get3A_1143, %get3A_1144] {strides = array<i32>} : memref<128x128xf32, #tpu.memory_space<vmem>>, vector<16xf32>,
        %mul3A_1146 = arith.mulf %get3A_1137, %get3A_1145 : vector<16xf32>
        %add3A_1147 = arith.addf %add3A_1134, %mul3A_1146 : vector<16xf32>
        %get3A_1148 = arith.index_cast %add3A_1078 : i32 to index
        %get3A_1149 = arith.constant 80 : index
        %get3A_1150 = tpu.vector_load %arg10[%get3A_1148, %get3A_1149] {strides = array<i32>} : memref<128x128xf32, #tpu.memory_space<vmem>>, vector<16xf32>,
        %get3A_1151 = arith.index_cast %add3A_1078 : i32 to index
        %get3A_1152 = arith.constant 80 : index
        %get3A_1153 = tpu.vector_load %arg11[%get3A_1151, %get3A_1152] {strides = array<i32>} : memref<128x128xf32, #tpu.memory_space<vmem>>, vector<16xf32>,
        %mul3A_1154 = arith.mulf %get3A_1150, %get3A_1153 : vector<16xf32>
        %add3A_1155 = arith.addf %add3A_1142, %mul3A_1154 : vector<16xf32>
        %get3A_1156 = arith.index_cast %add3A_1078 : i32 to index
        %get3A_1157 = arith.constant 80 : index
        %get3A_1158 = tpu.vector_load %arg12[%get3A_1156, %get3A_1157] {strides = array<i32>} : memref<128x128xf32, #tpu.memory_space<vmem>>, vector<16xf32>,
        %mul3A_1159 = arith.mulf %get3A_1150, %get3A_1158 : vector<16xf32>
        %add3A_1160 = arith.addf %add3A_1147, %mul3A_1159 : vector<16xf32>
        %get3A_1161 = arith.index_cast %add3A_1078 : i32 to index
        %get3A_1162 = arith.constant 96 : index
        %get3A_1163 = tpu.vector_load %arg10[%get3A_1161, %get3A_1162] {strides = array<i32>} : memref<128x128xf32, #tpu.memory_space<vmem>>, vector<16xf32>,
        %get3A_1164 = arith.index_cast %add3A_1078 : i32 to index
        %get3A_1165 = arith.constant 96 : index
        %get3A_1166 = tpu.vector_load %arg11[%get3A_1164, %get3A_1165] {strides = array<i32>} : memref<128x128xf32, #tpu.memory_space<vmem>>, vector<16xf32>,
        %mul3A_1167 = arith.mulf %get3A_1163, %get3A_1166 : vector<16xf32>
        %add3A_1168 = arith.addf %add3A_1155, %mul3A_1167 : vector<16xf32>
        %get3A_1169 = arith.index_cast %add3A_1078 : i32 to index
        %get3A_1170 = arith.constant 96 : index
        %get3A_1171 = tpu.vector_load %arg12[%get3A_1169, %get3A_1170] {strides = array<i32>} : memref<128x128xf32, #tpu.memory_space<vmem>>, vector<16xf32>,
        %mul3A_1172 = arith.mulf %get3A_1163, %get3A_1171 : vector<16xf32>
        %add3A_1173 = arith.addf %add3A_1160, %mul3A_1172 : vector<16xf32>
        %get3A_1174 = arith.index_cast %add3A_1078 : i32 to index
        %get3A_1175 = arith.constant 112 : index
        %get3A_1176 = tpu.vector_load %arg10[%get3A_1174, %get3A_1175] {strides = array<i32>} : memref<128x128xf32, #tpu.memory_space<vmem>>, vector<16xf32>,
        %get3A_1177 = arith.index_cast %add3A_1078 : i32 to index
        %get3A_1178 = arith.constant 112 : index
        %get3A_1179 = tpu.vector_load %arg11[%get3A_1177, %get3A_1178] {strides = array<i32>} : memref<128x128xf32, #tpu.memory_space<vmem>>, vector<16xf32>,
        %mul3A_1180 = arith.mulf %get3A_1176, %get3A_1179 : vector<16xf32>
        %add3A_1181 = arith.addf %add3A_1168, %mul3A_1180 : vector<16xf32>
        %get3A_1182 = arith.index_cast %add3A_1078 : i32 to index
        %get3A_1183 = arith.constant 112 : index
        %get3A_1184 = tpu.vector_load %arg12[%get3A_1182, %get3A_1183] {strides = array<i32>} : memref<128x128xf32, #tpu.memory_space<vmem>>, vector<16xf32>,
        %mul3A_1185 = arith.mulf %get3A_1176, %get3A_1184 : vector<16xf32>
        %add3A_1186 = arith.addf %add3A_1173, %mul3A_1185 : vector<16xf32>
        %reduce_sum3A_1187 = arith.constant true
        %reduce_sum3A_1188 = vector.broadcast %reduce_sum3A_1187 : i1 to vector<16xi1>
        %reduce_sum3A_1189 = tpu.scan <sum>, %add3A_1186 masked %reduce_sum3A_1188 : vector<16xf32>, vector<16xi1> -> vector<16xf32>
        %reduce_sum3A_1190 = vector.extract %reduce_sum3A_1189[15] : f32 from vector<16xf32>
        %reduce_sum3A_1191 = arith.constant true
        %reduce_sum3A_1192 = vector.broadcast %reduce_sum3A_1191 : i1 to vector<16xi1>
        %reduce_sum3A_1193 = tpu.scan <sum>, %add3A_1181 masked %reduce_sum3A_1192 : vector<16xf32>, vector<16xi1> -> vector<16xf32>
        %reduce_sum3A_1194 = vector.extract %reduce_sum3A_1193[15] : f32 from vector<16xf32>
        %sub3A_1195 = arith.subf %reduce_sum3A_1190, %reduce_sum3A_1194 : f32
        %add3A_1196 = arith.constant 1.000000e-01 : f32
        %add3A_1197 = arith.addf %sub3A_1195, %add3A_1196 : f32
        %max3A_1198 = arith.constant 0.000000e+00 : f32
        %max3A_1199 = arith.maximumf %add3A_1197, %max3A_1198 : f32
        %eq3A_1200 = arith.constant 8 : i32
        %eq3A_1201 = vector.broadcast %eq3A_1200 : i32 to vector<16xi32>
        %eq3A_1202 = arith.cmpi eq, %iota3A, %eq3A_1201 : vector<16xi32>
        %broadcast_in_dim3A_1203 = vector.broadcast %max3A_1199 : f32 to vector<16xf32>
        %select_n3A_1204 = arith.select %eq3A_1202, %broadcast_in_dim3A_1203, %select_n3A_1074 : vector<16xi1>, vector<16xf32>
        %mul3A_1205 = arith.constant 16 : i32
        %mul3A_1206 = arith.muli %scan3A_38, %mul3A_1205 : i32
        %add3A_1207 = arith.constant 9 : i32
        %add3A_1208 = arith.addi %mul3A_1206, %add3A_1207 : i32
        %broadcast_in_dim3A_1209 = arith.constant 0.000000e+00 : f32
        %broadcast_in_dim3A_1210 = vector.broadcast %broadcast_in_dim3A_1209 : f32 to vector<16xf32>
        %broadcast_in_dim3A_1211 = arith.constant 0.000000e+00 : f32
        %broadcast_in_dim3A_1212 = vector.broadcast %broadcast_in_dim3A_1211 : f32 to vector<16xf32>
        %get3A_1213 = arith.index_cast %add3A_1208 : i32 to index
        %get3A_1214 = arith.constant 0 : index
        %get3A_1215 = tpu.vector_load %arg10[%get3A_1213, %get3A_1214] {strides = array<i32>} : memref<128x128xf32, #tpu.memory_space<vmem>>, vector<16xf32>,
        %get3A_1216 = arith.index_cast %add3A_1208 : i32 to index
        %get3A_1217 = arith.constant 0 : index
        %get3A_1218 = tpu.vector_load %arg11[%get3A_1216, %get3A_1217] {strides = array<i32>} : memref<128x128xf32, #tpu.memory_space<vmem>>, vector<16xf32>,
        %mul3A_1219 = arith.mulf %get3A_1215, %get3A_1218 : vector<16xf32>
        %add3A_1220 = arith.addf %broadcast_in_dim3A_1210, %mul3A_1219 : vector<16xf32>
        %get3A_1221 = arith.index_cast %add3A_1208 : i32 to index
        %get3A_1222 = arith.constant 0 : index
        %get3A_1223 = tpu.vector_load %arg12[%get3A_1221, %get3A_1222] {strides = array<i32>} : memref<128x128xf32, #tpu.memory_space<vmem>>, vector<16xf32>,
        %mul3A_1224 = arith.mulf %get3A_1215, %get3A_1223 : vector<16xf32>
        %add3A_1225 = arith.addf %broadcast_in_dim3A_1212, %mul3A_1224 : vector<16xf32>
        %get3A_1226 = arith.index_cast %add3A_1208 : i32 to index
        %get3A_1227 = arith.constant 16 : index
        %get3A_1228 = tpu.vector_load %arg10[%get3A_1226, %get3A_1227] {strides = array<i32>} : memref<128x128xf32, #tpu.memory_space<vmem>>, vector<16xf32>,
        %get3A_1229 = arith.index_cast %add3A_1208 : i32 to index
        %get3A_1230 = arith.constant 16 : index
        %get3A_1231 = tpu.vector_load %arg11[%get3A_1229, %get3A_1230] {strides = array<i32>} : memref<128x128xf32, #tpu.memory_space<vmem>>, vector<16xf32>,
        %mul3A_1232 = arith.mulf %get3A_1228, %get3A_1231 : vector<16xf32>
        %add3A_1233 = arith.addf %add3A_1220, %mul3A_1232 : vector<16xf32>
        %get3A_1234 = arith.index_cast %add3A_1208 : i32 to index
        %get3A_1235 = arith.constant 16 : index
        %get3A_1236 = tpu.vector_load %arg12[%get3A_1234, %get3A_1235] {strides = array<i32>} : memref<128x128xf32, #tpu.memory_space<vmem>>, vector<16xf32>,
        %mul3A_1237 = arith.mulf %get3A_1228, %get3A_1236 : vector<16xf32>
        %add3A_1238 = arith.addf %add3A_1225, %mul3A_1237 : vector<16xf32>
        %get3A_1239 = arith.index_cast %add3A_1208 : i32 to index
        %get3A_1240 = arith.constant 32 : index
        %get3A_1241 = tpu.vector_load %arg10[%get3A_1239, %get3A_1240] {strides = array<i32>} : memref<128x128xf32, #tpu.memory_space<vmem>>, vector<16xf32>,
        %get3A_1242 = arith.index_cast %add3A_1208 : i32 to index
        %get3A_1243 = arith.constant 32 : index
        %get3A_1244 = tpu.vector_load %arg11[%get3A_1242, %get3A_1243] {strides = array<i32>} : memref<128x128xf32, #tpu.memory_space<vmem>>, vector<16xf32>,
        %mul3A_1245 = arith.mulf %get3A_1241, %get3A_1244 : vector<16xf32>
        %add3A_1246 = arith.addf %add3A_1233, %mul3A_1245 : vector<16xf32>
        %get3A_1247 = arith.index_cast %add3A_1208 : i32 to index
        %get3A_1248 = arith.constant 32 : index
        %get3A_1249 = tpu.vector_load %arg12[%get3A_1247, %get3A_1248] {strides = array<i32>} : memref<128x128xf32, #tpu.memory_space<vmem>>, vector<16xf32>,
        %mul3A_1250 = arith.mulf %get3A_1241, %get3A_1249 : vector<16xf32>
        %add3A_1251 = arith.addf %add3A_1238, %mul3A_1250 : vector<16xf32>
        %get3A_1252 = arith.index_cast %add3A_1208 : i32 to index
        %get3A_1253 = arith.constant 48 : index
        %get3A_1254 = tpu.vector_load %arg10[%get3A_1252, %get3A_1253] {strides = array<i32>} : memref<128x128xf32, #tpu.memory_space<vmem>>, vector<16xf32>,
        %get3A_1255 = arith.index_cast %add3A_1208 : i32 to index
        %get3A_1256 = arith.constant 48 : index
        %get3A_1257 = tpu.vector_load %arg11[%get3A_1255, %get3A_1256] {strides = array<i32>} : memref<128x128xf32, #tpu.memory_space<vmem>>, vector<16xf32>,
        %mul3A_1258 = arith.mulf %get3A_1254, %get3A_1257 : vector<16xf32>
        %add3A_1259 = arith.addf %add3A_1246, %mul3A_1258 : vector<16xf32>
        %get3A_1260 = arith.index_cast %add3A_1208 : i32 to index
        %get3A_1261 = arith.constant 48 : index
        %get3A_1262 = tpu.vector_load %arg12[%get3A_1260, %get3A_1261] {strides = array<i32>} : memref<128x128xf32, #tpu.memory_space<vmem>>, vector<16xf32>,
        %mul3A_1263 = arith.mulf %get3A_1254, %get3A_1262 : vector<16xf32>
        %add3A_1264 = arith.addf %add3A_1251, %mul3A_1263 : vector<16xf32>
        %get3A_1265 = arith.index_cast %add3A_1208 : i32 to index
        %get3A_1266 = arith.constant 64 : index
        %get3A_1267 = tpu.vector_load %arg10[%get3A_1265, %get3A_1266] {strides = array<i32>} : memref<128x128xf32, #tpu.memory_space<vmem>>, vector<16xf32>,
        %get3A_1268 = arith.index_cast %add3A_1208 : i32 to index
        %get3A_1269 = arith.constant 64 : index
        %get3A_1270 = tpu.vector_load %arg11[%get3A_1268, %get3A_1269] {strides = array<i32>} : memref<128x128xf32, #tpu.memory_space<vmem>>, vector<16xf32>,
        %mul3A_1271 = arith.mulf %get3A_1267, %get3A_1270 : vector<16xf32>
        %add3A_1272 = arith.addf %add3A_1259, %mul3A_1271 : vector<16xf32>
        %get3A_1273 = arith.index_cast %add3A_1208 : i32 to index
        %get3A_1274 = arith.constant 64 : index
        %get3A_1275 = tpu.vector_load %arg12[%get3A_1273, %get3A_1274] {strides = array<i32>} : memref<128x128xf32, #tpu.memory_space<vmem>>, vector<16xf32>,
        %mul3A_1276 = arith.mulf %get3A_1267, %get3A_1275 : vector<16xf32>
        %add3A_1277 = arith.addf %add3A_1264, %mul3A_1276 : vector<16xf32>
        %get3A_1278 = arith.index_cast %add3A_1208 : i32 to index
        %get3A_1279 = arith.constant 80 : index
        %get3A_1280 = tpu.vector_load %arg10[%get3A_1278, %get3A_1279] {strides = array<i32>} : memref<128x128xf32, #tpu.memory_space<vmem>>, vector<16xf32>,
        %get3A_1281 = arith.index_cast %add3A_1208 : i32 to index
        %get3A_1282 = arith.constant 80 : index
        %get3A_1283 = tpu.vector_load %arg11[%get3A_1281, %get3A_1282] {strides = array<i32>} : memref<128x128xf32, #tpu.memory_space<vmem>>, vector<16xf32>,
        %mul3A_1284 = arith.mulf %get3A_1280, %get3A_1283 : vector<16xf32>
        %add3A_1285 = arith.addf %add3A_1272, %mul3A_1284 : vector<16xf32>
        %get3A_1286 = arith.index_cast %add3A_1208 : i32 to index
        %get3A_1287 = arith.constant 80 : index
        %get3A_1288 = tpu.vector_load %arg12[%get3A_1286, %get3A_1287] {strides = array<i32>} : memref<128x128xf32, #tpu.memory_space<vmem>>, vector<16xf32>,
        %mul3A_1289 = arith.mulf %get3A_1280, %get3A_1288 : vector<16xf32>
        %add3A_1290 = arith.addf %add3A_1277, %mul3A_1289 : vector<16xf32>
        %get3A_1291 = arith.index_cast %add3A_1208 : i32 to index
        %get3A_1292 = arith.constant 96 : index
        %get3A_1293 = tpu.vector_load %arg10[%get3A_1291, %get3A_1292] {strides = array<i32>} : memref<128x128xf32, #tpu.memory_space<vmem>>, vector<16xf32>,
        %get3A_1294 = arith.index_cast %add3A_1208 : i32 to index
        %get3A_1295 = arith.constant 96 : index
        %get3A_1296 = tpu.vector_load %arg11[%get3A_1294, %get3A_1295] {strides = array<i32>} : memref<128x128xf32, #tpu.memory_space<vmem>>, vector<16xf32>,
        %mul3A_1297 = arith.mulf %get3A_1293, %get3A_1296 : vector<16xf32>
        %add3A_1298 = arith.addf %add3A_1285, %mul3A_1297 : vector<16xf32>
        %get3A_1299 = arith.index_cast %add3A_1208 : i32 to index
        %get3A_1300 = arith.constant 96 : index
        %get3A_1301 = tpu.vector_load %arg12[%get3A_1299, %get3A_1300] {strides = array<i32>} : memref<128x128xf32, #tpu.memory_space<vmem>>, vector<16xf32>,
        %mul3A_1302 = arith.mulf %get3A_1293, %get3A_1301 : vector<16xf32>
        %add3A_1303 = arith.addf %add3A_1290, %mul3A_1302 : vector<16xf32>
        %get3A_1304 = arith.index_cast %add3A_1208 : i32 to index
        %get3A_1305 = arith.constant 112 : index
        %get3A_1306 = tpu.vector_load %arg10[%get3A_1304, %get3A_1305] {strides = array<i32>} : memref<128x128xf32, #tpu.memory_space<vmem>>, vector<16xf32>,
        %get3A_1307 = arith.index_cast %add3A_1208 : i32 to index
        %get3A_1308 = arith.constant 112 : index
        %get3A_1309 = tpu.vector_load %arg11[%get3A_1307, %get3A_1308] {strides = array<i32>} : memref<128x128xf32, #tpu.memory_space<vmem>>, vector<16xf32>,
        %mul3A_1310 = arith.mulf %get3A_1306, %get3A_1309 : vector<16xf32>
        %add3A_1311 = arith.addf %add3A_1298, %mul3A_1310 : vector<16xf32>
        %get3A_1312 = arith.index_cast %add3A_1208 : i32 to index
        %get3A_1313 = arith.constant 112 : index
        %get3A_1314 = tpu.vector_load %arg12[%get3A_1312, %get3A_1313] {strides = array<i32>} : memref<128x128xf32, #tpu.memory_space<vmem>>, vector<16xf32>,
        %mul3A_1315 = arith.mulf %get3A_1306, %get3A_1314 : vector<16xf32>
        %add3A_1316 = arith.addf %add3A_1303, %mul3A_1315 : vector<16xf32>
        %reduce_sum3A_1317 = arith.constant true
        %reduce_sum3A_1318 = vector.broadcast %reduce_sum3A_1317 : i1 to vector<16xi1>
        %reduce_sum3A_1319 = tpu.scan <sum>, %add3A_1316 masked %reduce_sum3A_1318 : vector<16xf32>, vector<16xi1> -> vector<16xf32>
        %reduce_sum3A_1320 = vector.extract %reduce_sum3A_1319[15] : f32 from vector<16xf32>
        %reduce_sum3A_1321 = arith.constant true
        %reduce_sum3A_1322 = vector.broadcast %reduce_sum3A_1321 : i1 to vector<16xi1>
        %reduce_sum3A_1323 = tpu.scan <sum>, %add3A_1311 masked %reduce_sum3A_1322 : vector<16xf32>, vector<16xi1> -> vector<16xf32>
        %reduce_sum3A_1324 = vector.extract %reduce_sum3A_1323[15] : f32 from vector<16xf32>
        %sub3A_1325 = arith.subf %reduce_sum3A_1320, %reduce_sum3A_1324 : f32
        %add3A_1326 = arith.constant 1.000000e-01 : f32
        %add3A_1327 = arith.addf %sub3A_1325, %add3A_1326 : f32
        %max3A_1328 = arith.constant 0.000000e+00 : f32
        %max3A_1329 = arith.maximumf %add3A_1327, %max3A_1328 : f32
        %eq3A_1330 = arith.constant 9 : i32
        %eq3A_1331 = vector.broadcast %eq3A_1330 : i32 to vector<16xi32>
        %eq3A_1332 = arith.cmpi eq, %iota3A, %eq3A_1331 : vector<16xi32>
        %broadcast_in_dim3A_1333 = vector.broadcast %max3A_1329 : f32 to vector<16xf32>
        %select_n3A_1334 = arith.select %eq3A_1332, %broadcast_in_dim3A_1333, %select_n3A_1204 : vector<16xi1>, vector<16xf32>
        %mul3A_1335 = arith.constant 16 : i32
        %mul3A_1336 = arith.muli %scan3A_38, %mul3A_1335 : i32
        %add3A_1337 = arith.constant 10 : i32
        %add3A_1338 = arith.addi %mul3A_1336, %add3A_1337 : i32
        %broadcast_in_dim3A_1339 = arith.constant 0.000000e+00 : f32
        %broadcast_in_dim3A_1340 = vector.broadcast %broadcast_in_dim3A_1339 : f32 to vector<16xf32>
        %broadcast_in_dim3A_1341 = arith.constant 0.000000e+00 : f32
        %broadcast_in_dim3A_1342 = vector.broadcast %broadcast_in_dim3A_1341 : f32 to vector<16xf32>
        %get3A_1343 = arith.index_cast %add3A_1338 : i32 to index
        %get3A_1344 = arith.constant 0 : index
        %get3A_1345 = tpu.vector_load %arg10[%get3A_1343, %get3A_1344] {strides = array<i32>} : memref<128x128xf32, #tpu.memory_space<vmem>>, vector<16xf32>,
        %get3A_1346 = arith.index_cast %add3A_1338 : i32 to index
        %get3A_1347 = arith.constant 0 : index
        %get3A_1348 = tpu.vector_load %arg11[%get3A_1346, %get3A_1347] {strides = array<i32>} : memref<128x128xf32, #tpu.memory_space<vmem>>, vector<16xf32>,
        %mul3A_1349 = arith.mulf %get3A_1345, %get3A_1348 : vector<16xf32>
        %add3A_1350 = arith.addf %broadcast_in_dim3A_1340, %mul3A_1349 : vector<16xf32>
        %get3A_1351 = arith.index_cast %add3A_1338 : i32 to index
        %get3A_1352 = arith.constant 0 : index
        %get3A_1353 = tpu.vector_load %arg12[%get3A_1351, %get3A_1352] {strides = array<i32>} : memref<128x128xf32, #tpu.memory_space<vmem>>, vector<16xf32>,
        %mul3A_1354 = arith.mulf %get3A_1345, %get3A_1353 : vector<16xf32>
        %add3A_1355 = arith.addf %broadcast_in_dim3A_1342, %mul3A_1354 : vector<16xf32>
        %get3A_1356 = arith.index_cast %add3A_1338 : i32 to index
        %get3A_1357 = arith.constant 16 : index
        %get3A_1358 = tpu.vector_load %arg10[%get3A_1356, %get3A_1357] {strides = array<i32>} : memref<128x128xf32, #tpu.memory_space<vmem>>, vector<16xf32>,
        %get3A_1359 = arith.index_cast %add3A_1338 : i32 to index
        %get3A_1360 = arith.constant 16 : index
        %get3A_1361 = tpu.vector_load %arg11[%get3A_1359, %get3A_1360] {strides = array<i32>} : memref<128x128xf32, #tpu.memory_space<vmem>>, vector<16xf32>,
        %mul3A_1362 = arith.mulf %get3A_1358, %get3A_1361 : vector<16xf32>
        %add3A_1363 = arith.addf %add3A_1350, %mul3A_1362 : vector<16xf32>
        %get3A_1364 = arith.index_cast %add3A_1338 : i32 to index
        %get3A_1365 = arith.constant 16 : index
        %get3A_1366 = tpu.vector_load %arg12[%get3A_1364, %get3A_1365] {strides = array<i32>} : memref<128x128xf32, #tpu.memory_space<vmem>>, vector<16xf32>,
        %mul3A_1367 = arith.mulf %get3A_1358, %get3A_1366 : vector<16xf32>
        %add3A_1368 = arith.addf %add3A_1355, %mul3A_1367 : vector<16xf32>
        %get3A_1369 = arith.index_cast %add3A_1338 : i32 to index
        %get3A_1370 = arith.constant 32 : index
        %get3A_1371 = tpu.vector_load %arg10[%get3A_1369, %get3A_1370] {strides = array<i32>} : memref<128x128xf32, #tpu.memory_space<vmem>>, vector<16xf32>,
        %get3A_1372 = arith.index_cast %add3A_1338 : i32 to index
        %get3A_1373 = arith.constant 32 : index
        %get3A_1374 = tpu.vector_load %arg11[%get3A_1372, %get3A_1373] {strides = array<i32>} : memref<128x128xf32, #tpu.memory_space<vmem>>, vector<16xf32>,
        %mul3A_1375 = arith.mulf %get3A_1371, %get3A_1374 : vector<16xf32>
        %add3A_1376 = arith.addf %add3A_1363, %mul3A_1375 : vector<16xf32>
        %get3A_1377 = arith.index_cast %add3A_1338 : i32 to index
        %get3A_1378 = arith.constant 32 : index
        %get3A_1379 = tpu.vector_load %arg12[%get3A_1377, %get3A_1378] {strides = array<i32>} : memref<128x128xf32, #tpu.memory_space<vmem>>, vector<16xf32>,
        %mul3A_1380 = arith.mulf %get3A_1371, %get3A_1379 : vector<16xf32>
        %add3A_1381 = arith.addf %add3A_1368, %mul3A_1380 : vector<16xf32>
        %get3A_1382 = arith.index_cast %add3A_1338 : i32 to index
        %get3A_1383 = arith.constant 48 : index
        %get3A_1384 = tpu.vector_load %arg10[%get3A_1382, %get3A_1383] {strides = array<i32>} : memref<128x128xf32, #tpu.memory_space<vmem>>, vector<16xf32>,
        %get3A_1385 = arith.index_cast %add3A_1338 : i32 to index
        %get3A_1386 = arith.constant 48 : index
        %get3A_1387 = tpu.vector_load %arg11[%get3A_1385, %get3A_1386] {strides = array<i32>} : memref<128x128xf32, #tpu.memory_space<vmem>>, vector<16xf32>,
        %mul3A_1388 = arith.mulf %get3A_1384, %get3A_1387 : vector<16xf32>
        %add3A_1389 = arith.addf %add3A_1376, %mul3A_1388 : vector<16xf32>
        %get3A_1390 = arith.index_cast %add3A_1338 : i32 to index
        %get3A_1391 = arith.constant 48 : index
        %get3A_1392 = tpu.vector_load %arg12[%get3A_1390, %get3A_1391] {strides = array<i32>} : memref<128x128xf32, #tpu.memory_space<vmem>>, vector<16xf32>,
        %mul3A_1393 = arith.mulf %get3A_1384, %get3A_1392 : vector<16xf32>
        %add3A_1394 = arith.addf %add3A_1381, %mul3A_1393 : vector<16xf32>
        %get3A_1395 = arith.index_cast %add3A_1338 : i32 to index
        %get3A_1396 = arith.constant 64 : index
        %get3A_1397 = tpu.vector_load %arg10[%get3A_1395, %get3A_1396] {strides = array<i32>} : memref<128x128xf32, #tpu.memory_space<vmem>>, vector<16xf32>,
        %get3A_1398 = arith.index_cast %add3A_1338 : i32 to index
        %get3A_1399 = arith.constant 64 : index
        %get3A_1400 = tpu.vector_load %arg11[%get3A_1398, %get3A_1399] {strides = array<i32>} : memref<128x128xf32, #tpu.memory_space<vmem>>, vector<16xf32>,
        %mul3A_1401 = arith.mulf %get3A_1397, %get3A_1400 : vector<16xf32>
        %add3A_1402 = arith.addf %add3A_1389, %mul3A_1401 : vector<16xf32>
        %get3A_1403 = arith.index_cast %add3A_1338 : i32 to index
        %get3A_1404 = arith.constant 64 : index
        %get3A_1405 = tpu.vector_load %arg12[%get3A_1403, %get3A_1404] {strides = array<i32>} : memref<128x128xf32, #tpu.memory_space<vmem>>, vector<16xf32>,
        %mul3A_1406 = arith.mulf %get3A_1397, %get3A_1405 : vector<16xf32>
        %add3A_1407 = arith.addf %add3A_1394, %mul3A_1406 : vector<16xf32>
        %get3A_1408 = arith.index_cast %add3A_1338 : i32 to index
        %get3A_1409 = arith.constant 80 : index
        %get3A_1410 = tpu.vector_load %arg10[%get3A_1408, %get3A_1409] {strides = array<i32>} : memref<128x128xf32, #tpu.memory_space<vmem>>, vector<16xf32>,
        %get3A_1411 = arith.index_cast %add3A_1338 : i32 to index
        %get3A_1412 = arith.constant 80 : index
        %get3A_1413 = tpu.vector_load %arg11[%get3A_1411, %get3A_1412] {strides = array<i32>} : memref<128x128xf32, #tpu.memory_space<vmem>>, vector<16xf32>,
        %mul3A_1414 = arith.mulf %get3A_1410, %get3A_1413 : vector<16xf32>
        %add3A_1415 = arith.addf %add3A_1402, %mul3A_1414 : vector<16xf32>
        %get3A_1416 = arith.index_cast %add3A_1338 : i32 to index
        %get3A_1417 = arith.constant 80 : index
        %get3A_1418 = tpu.vector_load %arg12[%get3A_1416, %get3A_1417] {strides = array<i32>} : memref<128x128xf32, #tpu.memory_space<vmem>>, vector<16xf32>,
        %mul3A_1419 = arith.mulf %get3A_1410, %get3A_1418 : vector<16xf32>
        %add3A_1420 = arith.addf %add3A_1407, %mul3A_1419 : vector<16xf32>
        %get3A_1421 = arith.index_cast %add3A_1338 : i32 to index
        %get3A_1422 = arith.constant 96 : index
        %get3A_1423 = tpu.vector_load %arg10[%get3A_1421, %get3A_1422] {strides = array<i32>} : memref<128x128xf32, #tpu.memory_space<vmem>>, vector<16xf32>,
        %get3A_1424 = arith.index_cast %add3A_1338 : i32 to index
        %get3A_1425 = arith.constant 96 : index
        %get3A_1426 = tpu.vector_load %arg11[%get3A_1424, %get3A_1425] {strides = array<i32>} : memref<128x128xf32, #tpu.memory_space<vmem>>, vector<16xf32>,
        %mul3A_1427 = arith.mulf %get3A_1423, %get3A_1426 : vector<16xf32>
        %add3A_1428 = arith.addf %add3A_1415, %mul3A_1427 : vector<16xf32>
        %get3A_1429 = arith.index_cast %add3A_1338 : i32 to index
        %get3A_1430 = arith.constant 96 : index
        %get3A_1431 = tpu.vector_load %arg12[%get3A_1429, %get3A_1430] {strides = array<i32>} : memref<128x128xf32, #tpu.memory_space<vmem>>, vector<16xf32>,
        %mul3A_1432 = arith.mulf %get3A_1423, %get3A_1431 : vector<16xf32>
        %add3A_1433 = arith.addf %add3A_1420, %mul3A_1432 : vector<16xf32>
        %get3A_1434 = arith.index_cast %add3A_1338 : i32 to index
        %get3A_1435 = arith.constant 112 : index
        %get3A_1436 = tpu.vector_load %arg10[%get3A_1434, %get3A_1435] {strides = array<i32>} : memref<128x128xf32, #tpu.memory_space<vmem>>, vector<16xf32>,
        %get3A_1437 = arith.index_cast %add3A_1338 : i32 to index
        %get3A_1438 = arith.constant 112 : index
        %get3A_1439 = tpu.vector_load %arg11[%get3A_1437, %get3A_1438] {strides = array<i32>} : memref<128x128xf32, #tpu.memory_space<vmem>>, vector<16xf32>,
        %mul3A_1440 = arith.mulf %get3A_1436, %get3A_1439 : vector<16xf32>
        %add3A_1441 = arith.addf %add3A_1428, %mul3A_1440 : vector<16xf32>
        %get3A_1442 = arith.index_cast %add3A_1338 : i32 to index
        %get3A_1443 = arith.constant 112 : index
        %get3A_1444 = tpu.vector_load %arg12[%get3A_1442, %get3A_1443] {strides = array<i32>} : memref<128x128xf32, #tpu.memory_space<vmem>>, vector<16xf32>,
        %mul3A_1445 = arith.mulf %get3A_1436, %get3A_1444 : vector<16xf32>
        %add3A_1446 = arith.addf %add3A_1433, %mul3A_1445 : vector<16xf32>
        %reduce_sum3A_1447 = arith.constant true
        %reduce_sum3A_1448 = vector.broadcast %reduce_sum3A_1447 : i1 to vector<16xi1>
        %reduce_sum3A_1449 = tpu.scan <sum>, %add3A_1446 masked %reduce_sum3A_1448 : vector<16xf32>, vector<16xi1> -> vector<16xf32>
        %reduce_sum3A_1450 = vector.extract %reduce_sum3A_1449[15] : f32 from vector<16xf32>
        %reduce_sum3A_1451 = arith.constant true
        %reduce_sum3A_1452 = vector.broadcast %reduce_sum3A_1451 : i1 to vector<16xi1>
        %reduce_sum3A_1453 = tpu.scan <sum>, %add3A_1441 masked %reduce_sum3A_1452 : vector<16xf32>, vector<16xi1> -> vector<16xf32>
        %reduce_sum3A_1454 = vector.extract %reduce_sum3A_1453[15] : f32 from vector<16xf32>
        %sub3A_1455 = arith.subf %reduce_sum3A_1450, %reduce_sum3A_1454 : f32
        %add3A_1456 = arith.constant 1.000000e-01 : f32
        %add3A_1457 = arith.addf %sub3A_1455, %add3A_1456 : f32
        %max3A_1458 = arith.constant 0.000000e+00 : f32
        %max3A_1459 = arith.maximumf %add3A_1457, %max3A_1458 : f32
        %eq3A_1460 = arith.constant 10 : i32
        %eq3A_1461 = vector.broadcast %eq3A_1460 : i32 to vector<16xi32>
        %eq3A_1462 = arith.cmpi eq, %iota3A, %eq3A_1461 : vector<16xi32>
        %broadcast_in_dim3A_1463 = vector.broadcast %max3A_1459 : f32 to vector<16xf32>
        %select_n3A_1464 = arith.select %eq3A_1462, %broadcast_in_dim3A_1463, %select_n3A_1334 : vector<16xi1>, vector<16xf32>
        %mul3A_1465 = arith.constant 16 : i32
        %mul3A_1466 = arith.muli %scan3A_38, %mul3A_1465 : i32
        %add3A_1467 = arith.constant 11 : i32
        %add3A_1468 = arith.addi %mul3A_1466, %add3A_1467 : i32
        %broadcast_in_dim3A_1469 = arith.constant 0.000000e+00 : f32
        %broadcast_in_dim3A_1470 = vector.broadcast %broadcast_in_dim3A_1469 : f32 to vector<16xf32>
        %broadcast_in_dim3A_1471 = arith.constant 0.000000e+00 : f32
        %broadcast_in_dim3A_1472 = vector.broadcast %broadcast_in_dim3A_1471 : f32 to vector<16xf32>
        %get3A_1473 = arith.index_cast %add3A_1468 : i32 to index
        %get3A_1474 = arith.constant 0 : index
        %get3A_1475 = tpu.vector_load %arg10[%get3A_1473, %get3A_1474] {strides = array<i32>} : memref<128x128xf32, #tpu.memory_space<vmem>>, vector<16xf32>,
        %get3A_1476 = arith.index_cast %add3A_1468 : i32 to index
        %get3A_1477 = arith.constant 0 : index
        %get3A_1478 = tpu.vector_load %arg11[%get3A_1476, %get3A_1477] {strides = array<i32>} : memref<128x128xf32, #tpu.memory_space<vmem>>, vector<16xf32>,
        %mul3A_1479 = arith.mulf %get3A_1475, %get3A_1478 : vector<16xf32>
        %add3A_1480 = arith.addf %broadcast_in_dim3A_1470, %mul3A_1479 : vector<16xf32>
        %get3A_1481 = arith.index_cast %add3A_1468 : i32 to index
        %get3A_1482 = arith.constant 0 : index
        %get3A_1483 = tpu.vector_load %arg12[%get3A_1481, %get3A_1482] {strides = array<i32>} : memref<128x128xf32, #tpu.memory_space<vmem>>, vector<16xf32>,
        %mul3A_1484 = arith.mulf %get3A_1475, %get3A_1483 : vector<16xf32>
        %add3A_1485 = arith.addf %broadcast_in_dim3A_1472, %mul3A_1484 : vector<16xf32>
        %get3A_1486 = arith.index_cast %add3A_1468 : i32 to index
        %get3A_1487 = arith.constant 16 : index
        %get3A_1488 = tpu.vector_load %arg10[%get3A_1486, %get3A_1487] {strides = array<i32>} : memref<128x128xf32, #tpu.memory_space<vmem>>, vector<16xf32>,
        %get3A_1489 = arith.index_cast %add3A_1468 : i32 to index
        %get3A_1490 = arith.constant 16 : index
        %get3A_1491 = tpu.vector_load %arg11[%get3A_1489, %get3A_1490] {strides = array<i32>} : memref<128x128xf32, #tpu.memory_space<vmem>>, vector<16xf32>,
        %mul3A_1492 = arith.mulf %get3A_1488, %get3A_1491 : vector<16xf32>
        %add3A_1493 = arith.addf %add3A_1480, %mul3A_1492 : vector<16xf32>
        %get3A_1494 = arith.index_cast %add3A_1468 : i32 to index
        %get3A_1495 = arith.constant 16 : index
        %get3A_1496 = tpu.vector_load %arg12[%get3A_1494, %get3A_1495] {strides = array<i32>} : memref<128x128xf32, #tpu.memory_space<vmem>>, vector<16xf32>,
        %mul3A_1497 = arith.mulf %get3A_1488, %get3A_1496 : vector<16xf32>
        %add3A_1498 = arith.addf %add3A_1485, %mul3A_1497 : vector<16xf32>
        %get3A_1499 = arith.index_cast %add3A_1468 : i32 to index
        %get3A_1500 = arith.constant 32 : index
        %get3A_1501 = tpu.vector_load %arg10[%get3A_1499, %get3A_1500] {strides = array<i32>} : memref<128x128xf32, #tpu.memory_space<vmem>>, vector<16xf32>,
        %get3A_1502 = arith.index_cast %add3A_1468 : i32 to index
        %get3A_1503 = arith.constant 32 : index
        %get3A_1504 = tpu.vector_load %arg11[%get3A_1502, %get3A_1503] {strides = array<i32>} : memref<128x128xf32, #tpu.memory_space<vmem>>, vector<16xf32>,
        %mul3A_1505 = arith.mulf %get3A_1501, %get3A_1504 : vector<16xf32>
        %add3A_1506 = arith.addf %add3A_1493, %mul3A_1505 : vector<16xf32>
        %get3A_1507 = arith.index_cast %add3A_1468 : i32 to index
        %get3A_1508 = arith.constant 32 : index
        %get3A_1509 = tpu.vector_load %arg12[%get3A_1507, %get3A_1508] {strides = array<i32>} : memref<128x128xf32, #tpu.memory_space<vmem>>, vector<16xf32>,
        %mul3A_1510 = arith.mulf %get3A_1501, %get3A_1509 : vector<16xf32>
        %add3A_1511 = arith.addf %add3A_1498, %mul3A_1510 : vector<16xf32>
        %get3A_1512 = arith.index_cast %add3A_1468 : i32 to index
        %get3A_1513 = arith.constant 48 : index
        %get3A_1514 = tpu.vector_load %arg10[%get3A_1512, %get3A_1513] {strides = array<i32>} : memref<128x128xf32, #tpu.memory_space<vmem>>, vector<16xf32>,
        %get3A_1515 = arith.index_cast %add3A_1468 : i32 to index
        %get3A_1516 = arith.constant 48 : index
        %get3A_1517 = tpu.vector_load %arg11[%get3A_1515, %get3A_1516] {strides = array<i32>} : memref<128x128xf32, #tpu.memory_space<vmem>>, vector<16xf32>,
        %mul3A_1518 = arith.mulf %get3A_1514, %get3A_1517 : vector<16xf32>
        %add3A_1519 = arith.addf %add3A_1506, %mul3A_1518 : vector<16xf32>
        %get3A_1520 = arith.index_cast %add3A_1468 : i32 to index
        %get3A_1521 = arith.constant 48 : index
        %get3A_1522 = tpu.vector_load %arg12[%get3A_1520, %get3A_1521] {strides = array<i32>} : memref<128x128xf32, #tpu.memory_space<vmem>>, vector<16xf32>,
        %mul3A_1523 = arith.mulf %get3A_1514, %get3A_1522 : vector<16xf32>
        %add3A_1524 = arith.addf %add3A_1511, %mul3A_1523 : vector<16xf32>
        %get3A_1525 = arith.index_cast %add3A_1468 : i32 to index
        %get3A_1526 = arith.constant 64 : index
        %get3A_1527 = tpu.vector_load %arg10[%get3A_1525, %get3A_1526] {strides = array<i32>} : memref<128x128xf32, #tpu.memory_space<vmem>>, vector<16xf32>,
        %get3A_1528 = arith.index_cast %add3A_1468 : i32 to index
        %get3A_1529 = arith.constant 64 : index
        %get3A_1530 = tpu.vector_load %arg11[%get3A_1528, %get3A_1529] {strides = array<i32>} : memref<128x128xf32, #tpu.memory_space<vmem>>, vector<16xf32>,
        %mul3A_1531 = arith.mulf %get3A_1527, %get3A_1530 : vector<16xf32>
        %add3A_1532 = arith.addf %add3A_1519, %mul3A_1531 : vector<16xf32>
        %get3A_1533 = arith.index_cast %add3A_1468 : i32 to index
        %get3A_1534 = arith.constant 64 : index
        %get3A_1535 = tpu.vector_load %arg12[%get3A_1533, %get3A_1534] {strides = array<i32>} : memref<128x128xf32, #tpu.memory_space<vmem>>, vector<16xf32>,
        %mul3A_1536 = arith.mulf %get3A_1527, %get3A_1535 : vector<16xf32>
        %add3A_1537 = arith.addf %add3A_1524, %mul3A_1536 : vector<16xf32>
        %get3A_1538 = arith.index_cast %add3A_1468 : i32 to index
        %get3A_1539 = arith.constant 80 : index
        %get3A_1540 = tpu.vector_load %arg10[%get3A_1538, %get3A_1539] {strides = array<i32>} : memref<128x128xf32, #tpu.memory_space<vmem>>, vector<16xf32>,
        %get3A_1541 = arith.index_cast %add3A_1468 : i32 to index
        %get3A_1542 = arith.constant 80 : index
        %get3A_1543 = tpu.vector_load %arg11[%get3A_1541, %get3A_1542] {strides = array<i32>} : memref<128x128xf32, #tpu.memory_space<vmem>>, vector<16xf32>,
        %mul3A_1544 = arith.mulf %get3A_1540, %get3A_1543 : vector<16xf32>
        %add3A_1545 = arith.addf %add3A_1532, %mul3A_1544 : vector<16xf32>
        %get3A_1546 = arith.index_cast %add3A_1468 : i32 to index
        %get3A_1547 = arith.constant 80 : index
        %get3A_1548 = tpu.vector_load %arg12[%get3A_1546, %get3A_1547] {strides = array<i32>} : memref<128x128xf32, #tpu.memory_space<vmem>>, vector<16xf32>,
        %mul3A_1549 = arith.mulf %get3A_1540, %get3A_1548 : vector<16xf32>
        %add3A_1550 = arith.addf %add3A_1537, %mul3A_1549 : vector<16xf32>
        %get3A_1551 = arith.index_cast %add3A_1468 : i32 to index
        %get3A_1552 = arith.constant 96 : index
        %get3A_1553 = tpu.vector_load %arg10[%get3A_1551, %get3A_1552] {strides = array<i32>} : memref<128x128xf32, #tpu.memory_space<vmem>>, vector<16xf32>,
        %get3A_1554 = arith.index_cast %add3A_1468 : i32 to index
        %get3A_1555 = arith.constant 96 : index
        %get3A_1556 = tpu.vector_load %arg11[%get3A_1554, %get3A_1555] {strides = array<i32>} : memref<128x128xf32, #tpu.memory_space<vmem>>, vector<16xf32>,
        %mul3A_1557 = arith.mulf %get3A_1553, %get3A_1556 : vector<16xf32>
        %add3A_1558 = arith.addf %add3A_1545, %mul3A_1557 : vector<16xf32>
        %get3A_1559 = arith.index_cast %add3A_1468 : i32 to index
        %get3A_1560 = arith.constant 96 : index
        %get3A_1561 = tpu.vector_load %arg12[%get3A_1559, %get3A_1560] {strides = array<i32>} : memref<128x128xf32, #tpu.memory_space<vmem>>, vector<16xf32>,
        %mul3A_1562 = arith.mulf %get3A_1553, %get3A_1561 : vector<16xf32>
        %add3A_1563 = arith.addf %add3A_1550, %mul3A_1562 : vector<16xf32>
        %get3A_1564 = arith.index_cast %add3A_1468 : i32 to index
        %get3A_1565 = arith.constant 112 : index
        %get3A_1566 = tpu.vector_load %arg10[%get3A_1564, %get3A_1565] {strides = array<i32>} : memref<128x128xf32, #tpu.memory_space<vmem>>, vector<16xf32>,
        %get3A_1567 = arith.index_cast %add3A_1468 : i32 to index
        %get3A_1568 = arith.constant 112 : index
        %get3A_1569 = tpu.vector_load %arg11[%get3A_1567, %get3A_1568] {strides = array<i32>} : memref<128x128xf32, #tpu.memory_space<vmem>>, vector<16xf32>,
        %mul3A_1570 = arith.mulf %get3A_1566, %get3A_1569 : vector<16xf32>
        %add3A_1571 = arith.addf %add3A_1558, %mul3A_1570 : vector<16xf32>
        %get3A_1572 = arith.index_cast %add3A_1468 : i32 to index
        %get3A_1573 = arith.constant 112 : index
        %get3A_1574 = tpu.vector_load %arg12[%get3A_1572, %get3A_1573] {strides = array<i32>} : memref<128x128xf32, #tpu.memory_space<vmem>>, vector<16xf32>,
        %mul3A_1575 = arith.mulf %get3A_1566, %get3A_1574 : vector<16xf32>
        %add3A_1576 = arith.addf %add3A_1563, %mul3A_1575 : vector<16xf32>
        %reduce_sum3A_1577 = arith.constant true
        %reduce_sum3A_1578 = vector.broadcast %reduce_sum3A_1577 : i1 to vector<16xi1>
        %reduce_sum3A_1579 = tpu.scan <sum>, %add3A_1576 masked %reduce_sum3A_1578 : vector<16xf32>, vector<16xi1> -> vector<16xf32>
        %reduce_sum3A_1580 = vector.extract %reduce_sum3A_1579[15] : f32 from vector<16xf32>
        %reduce_sum3A_1581 = arith.constant true
        %reduce_sum3A_1582 = vector.broadcast %reduce_sum3A_1581 : i1 to vector<16xi1>
        %reduce_sum3A_1583 = tpu.scan <sum>, %add3A_1571 masked %reduce_sum3A_1582 : vector<16xf32>, vector<16xi1> -> vector<16xf32>
        %reduce_sum3A_1584 = vector.extract %reduce_sum3A_1583[15] : f32 from vector<16xf32>
        %sub3A_1585 = arith.subf %reduce_sum3A_1580, %reduce_sum3A_1584 : f32
        %add3A_1586 = arith.constant 1.000000e-01 : f32
        %add3A_1587 = arith.addf %sub3A_1585, %add3A_1586 : f32
        %max3A_1588 = arith.constant 0.000000e+00 : f32
        %max3A_1589 = arith.maximumf %add3A_1587, %max3A_1588 : f32
        %eq3A_1590 = arith.constant 11 : i32
        %eq3A_1591 = vector.broadcast %eq3A_1590 : i32 to vector<16xi32>
        %eq3A_1592 = arith.cmpi eq, %iota3A, %eq3A_1591 : vector<16xi32>
        %broadcast_in_dim3A_1593 = vector.broadcast %max3A_1589 : f32 to vector<16xf32>
        %select_n3A_1594 = arith.select %eq3A_1592, %broadcast_in_dim3A_1593, %select_n3A_1464 : vector<16xi1>, vector<16xf32>
        %mul3A_1595 = arith.constant 16 : i32
        %mul3A_1596 = arith.muli %scan3A_38, %mul3A_1595 : i32
        %add3A_1597 = arith.constant 12 : i32
        %add3A_1598 = arith.addi %mul3A_1596, %add3A_1597 : i32
        %broadcast_in_dim3A_1599 = arith.constant 0.000000e+00 : f32
        %broadcast_in_dim3A_1600 = vector.broadcast %broadcast_in_dim3A_1599 : f32 to vector<16xf32>
        %broadcast_in_dim3A_1601 = arith.constant 0.000000e+00 : f32
        %broadcast_in_dim3A_1602 = vector.broadcast %broadcast_in_dim3A_1601 : f32 to vector<16xf32>
        %get3A_1603 = arith.index_cast %add3A_1598 : i32 to index
        %get3A_1604 = arith.constant 0 : index
        %get3A_1605 = tpu.vector_load %arg10[%get3A_1603, %get3A_1604] {strides = array<i32>} : memref<128x128xf32, #tpu.memory_space<vmem>>, vector<16xf32>,
        %get3A_1606 = arith.index_cast %add3A_1598 : i32 to index
        %get3A_1607 = arith.constant 0 : index
        %get3A_1608 = tpu.vector_load %arg11[%get3A_1606, %get3A_1607] {strides = array<i32>} : memref<128x128xf32, #tpu.memory_space<vmem>>, vector<16xf32>,
        %mul3A_1609 = arith.mulf %get3A_1605, %get3A_1608 : vector<16xf32>
        %add3A_1610 = arith.addf %broadcast_in_dim3A_1600, %mul3A_1609 : vector<16xf32>
        %get3A_1611 = arith.index_cast %add3A_1598 : i32 to index
        %get3A_1612 = arith.constant 0 : index
        %get3A_1613 = tpu.vector_load %arg12[%get3A_1611, %get3A_1612] {strides = array<i32>} : memref<128x128xf32, #tpu.memory_space<vmem>>, vector<16xf32>,
        %mul3A_1614 = arith.mulf %get3A_1605, %get3A_1613 : vector<16xf32>
        %add3A_1615 = arith.addf %broadcast_in_dim3A_1602, %mul3A_1614 : vector<16xf32>
        %get3A_1616 = arith.index_cast %add3A_1598 : i32 to index
        %get3A_1617 = arith.constant 16 : index
        %get3A_1618 = tpu.vector_load %arg10[%get3A_1616, %get3A_1617] {strides = array<i32>} : memref<128x128xf32, #tpu.memory_space<vmem>>, vector<16xf32>,
        %get3A_1619 = arith.index_cast %add3A_1598 : i32 to index
        %get3A_1620 = arith.constant 16 : index
        %get3A_1621 = tpu.vector_load %arg11[%get3A_1619, %get3A_1620] {strides = array<i32>} : memref<128x128xf32, #tpu.memory_space<vmem>>, vector<16xf32>,
        %mul3A_1622 = arith.mulf %get3A_1618, %get3A_1621 : vector<16xf32>
        %add3A_1623 = arith.addf %add3A_1610, %mul3A_1622 : vector<16xf32>
        %get3A_1624 = arith.index_cast %add3A_1598 : i32 to index
        %get3A_1625 = arith.constant 16 : index
        %get3A_1626 = tpu.vector_load %arg12[%get3A_1624, %get3A_1625] {strides = array<i32>} : memref<128x128xf32, #tpu.memory_space<vmem>>, vector<16xf32>,
        %mul3A_1627 = arith.mulf %get3A_1618, %get3A_1626 : vector<16xf32>
        %add3A_1628 = arith.addf %add3A_1615, %mul3A_1627 : vector<16xf32>
        %get3A_1629 = arith.index_cast %add3A_1598 : i32 to index
        %get3A_1630 = arith.constant 32 : index
        %get3A_1631 = tpu.vector_load %arg10[%get3A_1629, %get3A_1630] {strides = array<i32>} : memref<128x128xf32, #tpu.memory_space<vmem>>, vector<16xf32>,
        %get3A_1632 = arith.index_cast %add3A_1598 : i32 to index
        %get3A_1633 = arith.constant 32 : index
        %get3A_1634 = tpu.vector_load %arg11[%get3A_1632, %get3A_1633] {strides = array<i32>} : memref<128x128xf32, #tpu.memory_space<vmem>>, vector<16xf32>,
        %mul3A_1635 = arith.mulf %get3A_1631, %get3A_1634 : vector<16xf32>
        %add3A_1636 = arith.addf %add3A_1623, %mul3A_1635 : vector<16xf32>
        %get3A_1637 = arith.index_cast %add3A_1598 : i32 to index
        %get3A_1638 = arith.constant 32 : index
        %get3A_1639 = tpu.vector_load %arg12[%get3A_1637, %get3A_1638] {strides = array<i32>} : memref<128x128xf32, #tpu.memory_space<vmem>>, vector<16xf32>,
        %mul3A_1640 = arith.mulf %get3A_1631, %get3A_1639 : vector<16xf32>
        %add3A_1641 = arith.addf %add3A_1628, %mul3A_1640 : vector<16xf32>
        %get3A_1642 = arith.index_cast %add3A_1598 : i32 to index
        %get3A_1643 = arith.constant 48 : index
        %get3A_1644 = tpu.vector_load %arg10[%get3A_1642, %get3A_1643] {strides = array<i32>} : memref<128x128xf32, #tpu.memory_space<vmem>>, vector<16xf32>,
        %get3A_1645 = arith.index_cast %add3A_1598 : i32 to index
        %get3A_1646 = arith.constant 48 : index
        %get3A_1647 = tpu.vector_load %arg11[%get3A_1645, %get3A_1646] {strides = array<i32>} : memref<128x128xf32, #tpu.memory_space<vmem>>, vector<16xf32>,
        %mul3A_1648 = arith.mulf %get3A_1644, %get3A_1647 : vector<16xf32>
        %add3A_1649 = arith.addf %add3A_1636, %mul3A_1648 : vector<16xf32>
        %get3A_1650 = arith.index_cast %add3A_1598 : i32 to index
        %get3A_1651 = arith.constant 48 : index
        %get3A_1652 = tpu.vector_load %arg12[%get3A_1650, %get3A_1651] {strides = array<i32>} : memref<128x128xf32, #tpu.memory_space<vmem>>, vector<16xf32>,
        %mul3A_1653 = arith.mulf %get3A_1644, %get3A_1652 : vector<16xf32>
        %add3A_1654 = arith.addf %add3A_1641, %mul3A_1653 : vector<16xf32>
        %get3A_1655 = arith.index_cast %add3A_1598 : i32 to index
        %get3A_1656 = arith.constant 64 : index
        %get3A_1657 = tpu.vector_load %arg10[%get3A_1655, %get3A_1656] {strides = array<i32>} : memref<128x128xf32, #tpu.memory_space<vmem>>, vector<16xf32>,
        %get3A_1658 = arith.index_cast %add3A_1598 : i32 to index
        %get3A_1659 = arith.constant 64 : index
        %get3A_1660 = tpu.vector_load %arg11[%get3A_1658, %get3A_1659] {strides = array<i32>} : memref<128x128xf32, #tpu.memory_space<vmem>>, vector<16xf32>,
        %mul3A_1661 = arith.mulf %get3A_1657, %get3A_1660 : vector<16xf32>
        %add3A_1662 = arith.addf %add3A_1649, %mul3A_1661 : vector<16xf32>
        %get3A_1663 = arith.index_cast %add3A_1598 : i32 to index
        %get3A_1664 = arith.constant 64 : index
        %get3A_1665 = tpu.vector_load %arg12[%get3A_1663, %get3A_1664] {strides = array<i32>} : memref<128x128xf32, #tpu.memory_space<vmem>>, vector<16xf32>,
        %mul3A_1666 = arith.mulf %get3A_1657, %get3A_1665 : vector<16xf32>
        %add3A_1667 = arith.addf %add3A_1654, %mul3A_1666 : vector<16xf32>
        %get3A_1668 = arith.index_cast %add3A_1598 : i32 to index
        %get3A_1669 = arith.constant 80 : index
        %get3A_1670 = tpu.vector_load %arg10[%get3A_1668, %get3A_1669] {strides = array<i32>} : memref<128x128xf32, #tpu.memory_space<vmem>>, vector<16xf32>,
        %get3A_1671 = arith.index_cast %add3A_1598 : i32 to index
        %get3A_1672 = arith.constant 80 : index
        %get3A_1673 = tpu.vector_load %arg11[%get3A_1671, %get3A_1672] {strides = array<i32>} : memref<128x128xf32, #tpu.memory_space<vmem>>, vector<16xf32>,
        %mul3A_1674 = arith.mulf %get3A_1670, %get3A_1673 : vector<16xf32>
        %add3A_1675 = arith.addf %add3A_1662, %mul3A_1674 : vector<16xf32>
        %get3A_1676 = arith.index_cast %add3A_1598 : i32 to index
        %get3A_1677 = arith.constant 80 : index
        %get3A_1678 = tpu.vector_load %arg12[%get3A_1676, %get3A_1677] {strides = array<i32>} : memref<128x128xf32, #tpu.memory_space<vmem>>, vector<16xf32>,
        %mul3A_1679 = arith.mulf %get3A_1670, %get3A_1678 : vector<16xf32>
        %add3A_1680 = arith.addf %add3A_1667, %mul3A_1679 : vector<16xf32>
        %get3A_1681 = arith.index_cast %add3A_1598 : i32 to index
        %get3A_1682 = arith.constant 96 : index
        %get3A_1683 = tpu.vector_load %arg10[%get3A_1681, %get3A_1682] {strides = array<i32>} : memref<128x128xf32, #tpu.memory_space<vmem>>, vector<16xf32>,
        %get3A_1684 = arith.index_cast %add3A_1598 : i32 to index
        %get3A_1685 = arith.constant 96 : index
        %get3A_1686 = tpu.vector_load %arg11[%get3A_1684, %get3A_1685] {strides = array<i32>} : memref<128x128xf32, #tpu.memory_space<vmem>>, vector<16xf32>,
        %mul3A_1687 = arith.mulf %get3A_1683, %get3A_1686 : vector<16xf32>
        %add3A_1688 = arith.addf %add3A_1675, %mul3A_1687 : vector<16xf32>
        %get3A_1689 = arith.index_cast %add3A_1598 : i32 to index
        %get3A_1690 = arith.constant 96 : index
        %get3A_1691 = tpu.vector_load %arg12[%get3A_1689, %get3A_1690] {strides = array<i32>} : memref<128x128xf32, #tpu.memory_space<vmem>>, vector<16xf32>,
        %mul3A_1692 = arith.mulf %get3A_1683, %get3A_1691 : vector<16xf32>
        %add3A_1693 = arith.addf %add3A_1680, %mul3A_1692 : vector<16xf32>
        %get3A_1694 = arith.index_cast %add3A_1598 : i32 to index
        %get3A_1695 = arith.constant 112 : index
        %get3A_1696 = tpu.vector_load %arg10[%get3A_1694, %get3A_1695] {strides = array<i32>} : memref<128x128xf32, #tpu.memory_space<vmem>>, vector<16xf32>,
        %get3A_1697 = arith.index_cast %add3A_1598 : i32 to index
        %get3A_1698 = arith.constant 112 : index
        %get3A_1699 = tpu.vector_load %arg11[%get3A_1697, %get3A_1698] {strides = array<i32>} : memref<128x128xf32, #tpu.memory_space<vmem>>, vector<16xf32>,
        %mul3A_1700 = arith.mulf %get3A_1696, %get3A_1699 : vector<16xf32>
        %add3A_1701 = arith.addf %add3A_1688, %mul3A_1700 : vector<16xf32>
        %get3A_1702 = arith.index_cast %add3A_1598 : i32 to index
        %get3A_1703 = arith.constant 112 : index
        %get3A_1704 = tpu.vector_load %arg12[%get3A_1702, %get3A_1703] {strides = array<i32>} : memref<128x128xf32, #tpu.memory_space<vmem>>, vector<16xf32>,
        %mul3A_1705 = arith.mulf %get3A_1696, %get3A_1704 : vector<16xf32>
        %add3A_1706 = arith.addf %add3A_1693, %mul3A_1705 : vector<16xf32>
        %reduce_sum3A_1707 = arith.constant true
        %reduce_sum3A_1708 = vector.broadcast %reduce_sum3A_1707 : i1 to vector<16xi1>
        %reduce_sum3A_1709 = tpu.scan <sum>, %add3A_1706 masked %reduce_sum3A_1708 : vector<16xf32>, vector<16xi1> -> vector<16xf32>
        %reduce_sum3A_1710 = vector.extract %reduce_sum3A_1709[15] : f32 from vector<16xf32>
        %reduce_sum3A_1711 = arith.constant true
        %reduce_sum3A_1712 = vector.broadcast %reduce_sum3A_1711 : i1 to vector<16xi1>
        %reduce_sum3A_1713 = tpu.scan <sum>, %add3A_1701 masked %reduce_sum3A_1712 : vector<16xf32>, vector<16xi1> -> vector<16xf32>
        %reduce_sum3A_1714 = vector.extract %reduce_sum3A_1713[15] : f32 from vector<16xf32>
        %sub3A_1715 = arith.subf %reduce_sum3A_1710, %reduce_sum3A_1714 : f32
        %add3A_1716 = arith.constant 1.000000e-01 : f32
        %add3A_1717 = arith.addf %sub3A_1715, %add3A_1716 : f32
        %max3A_1718 = arith.constant 0.000000e+00 : f32
        %max3A_1719 = arith.maximumf %add3A_1717, %max3A_1718 : f32
        %eq3A_1720 = arith.constant 12 : i32
        %eq3A_1721 = vector.broadcast %eq3A_1720 : i32 to vector<16xi32>
        %eq3A_1722 = arith.cmpi eq, %iota3A, %eq3A_1721 : vector<16xi32>
        %broadcast_in_dim3A_1723 = vector.broadcast %max3A_1719 : f32 to vector<16xf32>
        %select_n3A_1724 = arith.select %eq3A_1722, %broadcast_in_dim3A_1723, %select_n3A_1594 : vector<16xi1>, vector<16xf32>
        %mul3A_1725 = arith.constant 16 : i32
        %mul3A_1726 = arith.muli %scan3A_38, %mul3A_1725 : i32
        %add3A_1727 = arith.constant 13 : i32
        %add3A_1728 = arith.addi %mul3A_1726, %add3A_1727 : i32
        %broadcast_in_dim3A_1729 = arith.constant 0.000000e+00 : f32
        %broadcast_in_dim3A_1730 = vector.broadcast %broadcast_in_dim3A_1729 : f32 to vector<16xf32>
        %broadcast_in_dim3A_1731 = arith.constant 0.000000e+00 : f32
        %broadcast_in_dim3A_1732 = vector.broadcast %broadcast_in_dim3A_1731 : f32 to vector<16xf32>
        %get3A_1733 = arith.index_cast %add3A_1728 : i32 to index
        %get3A_1734 = arith.constant 0 : index
        %get3A_1735 = tpu.vector_load %arg10[%get3A_1733, %get3A_1734] {strides = array<i32>} : memref<128x128xf32, #tpu.memory_space<vmem>>, vector<16xf32>,
        %get3A_1736 = arith.index_cast %add3A_1728 : i32 to index
        %get3A_1737 = arith.constant 0 : index
        %get3A_1738 = tpu.vector_load %arg11[%get3A_1736, %get3A_1737] {strides = array<i32>} : memref<128x128xf32, #tpu.memory_space<vmem>>, vector<16xf32>,
        %mul3A_1739 = arith.mulf %get3A_1735, %get3A_1738 : vector<16xf32>
        %add3A_1740 = arith.addf %broadcast_in_dim3A_1730, %mul3A_1739 : vector<16xf32>
        %get3A_1741 = arith.index_cast %add3A_1728 : i32 to index
        %get3A_1742 = arith.constant 0 : index
        %get3A_1743 = tpu.vector_load %arg12[%get3A_1741, %get3A_1742] {strides = array<i32>} : memref<128x128xf32, #tpu.memory_space<vmem>>, vector<16xf32>,
        %mul3A_1744 = arith.mulf %get3A_1735, %get3A_1743 : vector<16xf32>
        %add3A_1745 = arith.addf %broadcast_in_dim3A_1732, %mul3A_1744 : vector<16xf32>
        %get3A_1746 = arith.index_cast %add3A_1728 : i32 to index
        %get3A_1747 = arith.constant 16 : index
        %get3A_1748 = tpu.vector_load %arg10[%get3A_1746, %get3A_1747] {strides = array<i32>} : memref<128x128xf32, #tpu.memory_space<vmem>>, vector<16xf32>,
        %get3A_1749 = arith.index_cast %add3A_1728 : i32 to index
        %get3A_1750 = arith.constant 16 : index
        %get3A_1751 = tpu.vector_load %arg11[%get3A_1749, %get3A_1750] {strides = array<i32>} : memref<128x128xf32, #tpu.memory_space<vmem>>, vector<16xf32>,
        %mul3A_1752 = arith.mulf %get3A_1748, %get3A_1751 : vector<16xf32>
        %add3A_1753 = arith.addf %add3A_1740, %mul3A_1752 : vector<16xf32>
        %get3A_1754 = arith.index_cast %add3A_1728 : i32 to index
        %get3A_1755 = arith.constant 16 : index
        %get3A_1756 = tpu.vector_load %arg12[%get3A_1754, %get3A_1755] {strides = array<i32>} : memref<128x128xf32, #tpu.memory_space<vmem>>, vector<16xf32>,
        %mul3A_1757 = arith.mulf %get3A_1748, %get3A_1756 : vector<16xf32>
        %add3A_1758 = arith.addf %add3A_1745, %mul3A_1757 : vector<16xf32>
        %get3A_1759 = arith.index_cast %add3A_1728 : i32 to index
        %get3A_1760 = arith.constant 32 : index
        %get3A_1761 = tpu.vector_load %arg10[%get3A_1759, %get3A_1760] {strides = array<i32>} : memref<128x128xf32, #tpu.memory_space<vmem>>, vector<16xf32>,
        %get3A_1762 = arith.index_cast %add3A_1728 : i32 to index
        %get3A_1763 = arith.constant 32 : index
        %get3A_1764 = tpu.vector_load %arg11[%get3A_1762, %get3A_1763] {strides = array<i32>} : memref<128x128xf32, #tpu.memory_space<vmem>>, vector<16xf32>,
        %mul3A_1765 = arith.mulf %get3A_1761, %get3A_1764 : vector<16xf32>
        %add3A_1766 = arith.addf %add3A_1753, %mul3A_1765 : vector<16xf32>
        %get3A_1767 = arith.index_cast %add3A_1728 : i32 to index
        %get3A_1768 = arith.constant 32 : index
        %get3A_1769 = tpu.vector_load %arg12[%get3A_1767, %get3A_1768] {strides = array<i32>} : memref<128x128xf32, #tpu.memory_space<vmem>>, vector<16xf32>,
        %mul3A_1770 = arith.mulf %get3A_1761, %get3A_1769 : vector<16xf32>
        %add3A_1771 = arith.addf %add3A_1758, %mul3A_1770 : vector<16xf32>
        %get3A_1772 = arith.index_cast %add3A_1728 : i32 to index
        %get3A_1773 = arith.constant 48 : index
        %get3A_1774 = tpu.vector_load %arg10[%get3A_1772, %get3A_1773] {strides = array<i32>} : memref<128x128xf32, #tpu.memory_space<vmem>>, vector<16xf32>,
        %get3A_1775 = arith.index_cast %add3A_1728 : i32 to index
        %get3A_1776 = arith.constant 48 : index
        %get3A_1777 = tpu.vector_load %arg11[%get3A_1775, %get3A_1776] {strides = array<i32>} : memref<128x128xf32, #tpu.memory_space<vmem>>, vector<16xf32>,
        %mul3A_1778 = arith.mulf %get3A_1774, %get3A_1777 : vector<16xf32>
        %add3A_1779 = arith.addf %add3A_1766, %mul3A_1778 : vector<16xf32>
        %get3A_1780 = arith.index_cast %add3A_1728 : i32 to index
        %get3A_1781 = arith.constant 48 : index
        %get3A_1782 = tpu.vector_load %arg12[%get3A_1780, %get3A_1781] {strides = array<i32>} : memref<128x128xf32, #tpu.memory_space<vmem>>, vector<16xf32>,
        %mul3A_1783 = arith.mulf %get3A_1774, %get3A_1782 : vector<16xf32>
        %add3A_1784 = arith.addf %add3A_1771, %mul3A_1783 : vector<16xf32>
        %get3A_1785 = arith.index_cast %add3A_1728 : i32 to index
        %get3A_1786 = arith.constant 64 : index
        %get3A_1787 = tpu.vector_load %arg10[%get3A_1785, %get3A_1786] {strides = array<i32>} : memref<128x128xf32, #tpu.memory_space<vmem>>, vector<16xf32>,
        %get3A_1788 = arith.index_cast %add3A_1728 : i32 to index
        %get3A_1789 = arith.constant 64 : index
        %get3A_1790 = tpu.vector_load %arg11[%get3A_1788, %get3A_1789] {strides = array<i32>} : memref<128x128xf32, #tpu.memory_space<vmem>>, vector<16xf32>,
        %mul3A_1791 = arith.mulf %get3A_1787, %get3A_1790 : vector<16xf32>
        %add3A_1792 = arith.addf %add3A_1779, %mul3A_1791 : vector<16xf32>
        %get3A_1793 = arith.index_cast %add3A_1728 : i32 to index
        %get3A_1794 = arith.constant 64 : index
        %get3A_1795 = tpu.vector_load %arg12[%get3A_1793, %get3A_1794] {strides = array<i32>} : memref<128x128xf32, #tpu.memory_space<vmem>>, vector<16xf32>,
        %mul3A_1796 = arith.mulf %get3A_1787, %get3A_1795 : vector<16xf32>
        %add3A_1797 = arith.addf %add3A_1784, %mul3A_1796 : vector<16xf32>
        %get3A_1798 = arith.index_cast %add3A_1728 : i32 to index
        %get3A_1799 = arith.constant 80 : index
        %get3A_1800 = tpu.vector_load %arg10[%get3A_1798, %get3A_1799] {strides = array<i32>} : memref<128x128xf32, #tpu.memory_space<vmem>>, vector<16xf32>,
        %get3A_1801 = arith.index_cast %add3A_1728 : i32 to index
        %get3A_1802 = arith.constant 80 : index
        %get3A_1803 = tpu.vector_load %arg11[%get3A_1801, %get3A_1802] {strides = array<i32>} : memref<128x128xf32, #tpu.memory_space<vmem>>, vector<16xf32>,
        %mul3A_1804 = arith.mulf %get3A_1800, %get3A_1803 : vector<16xf32>
        %add3A_1805 = arith.addf %add3A_1792, %mul3A_1804 : vector<16xf32>
        %get3A_1806 = arith.index_cast %add3A_1728 : i32 to index
        %get3A_1807 = arith.constant 80 : index
        %get3A_1808 = tpu.vector_load %arg12[%get3A_1806, %get3A_1807] {strides = array<i32>} : memref<128x128xf32, #tpu.memory_space<vmem>>, vector<16xf32>,
        %mul3A_1809 = arith.mulf %get3A_1800, %get3A_1808 : vector<16xf32>
        %add3A_1810 = arith.addf %add3A_1797, %mul3A_1809 : vector<16xf32>
        %get3A_1811 = arith.index_cast %add3A_1728 : i32 to index
        %get3A_1812 = arith.constant 96 : index
        %get3A_1813 = tpu.vector_load %arg10[%get3A_1811, %get3A_1812] {strides = array<i32>} : memref<128x128xf32, #tpu.memory_space<vmem>>, vector<16xf32>,
        %get3A_1814 = arith.index_cast %add3A_1728 : i32 to index
        %get3A_1815 = arith.constant 96 : index
        %get3A_1816 = tpu.vector_load %arg11[%get3A_1814, %get3A_1815] {strides = array<i32>} : memref<128x128xf32, #tpu.memory_space<vmem>>, vector<16xf32>,
        %mul3A_1817 = arith.mulf %get3A_1813, %get3A_1816 : vector<16xf32>
        %add3A_1818 = arith.addf %add3A_1805, %mul3A_1817 : vector<16xf32>
        %get3A_1819 = arith.index_cast %add3A_1728 : i32 to index
        %get3A_1820 = arith.constant 96 : index
        %get3A_1821 = tpu.vector_load %arg12[%get3A_1819, %get3A_1820] {strides = array<i32>} : memref<128x128xf32, #tpu.memory_space<vmem>>, vector<16xf32>,
        %mul3A_1822 = arith.mulf %get3A_1813, %get3A_1821 : vector<16xf32>
        %add3A_1823 = arith.addf %add3A_1810, %mul3A_1822 : vector<16xf32>
        %get3A_1824 = arith.index_cast %add3A_1728 : i32 to index
        %get3A_1825 = arith.constant 112 : index
        %get3A_1826 = tpu.vector_load %arg10[%get3A_1824, %get3A_1825] {strides = array<i32>} : memref<128x128xf32, #tpu.memory_space<vmem>>, vector<16xf32>,
        %get3A_1827 = arith.index_cast %add3A_1728 : i32 to index
        %get3A_1828 = arith.constant 112 : index
        %get3A_1829 = tpu.vector_load %arg11[%get3A_1827, %get3A_1828] {strides = array<i32>} : memref<128x128xf32, #tpu.memory_space<vmem>>, vector<16xf32>,
        %mul3A_1830 = arith.mulf %get3A_1826, %get3A_1829 : vector<16xf32>
        %add3A_1831 = arith.addf %add3A_1818, %mul3A_1830 : vector<16xf32>
        %get3A_1832 = arith.index_cast %add3A_1728 : i32 to index
        %get3A_1833 = arith.constant 112 : index
        %get3A_1834 = tpu.vector_load %arg12[%get3A_1832, %get3A_1833] {strides = array<i32>} : memref<128x128xf32, #tpu.memory_space<vmem>>, vector<16xf32>,
        %mul3A_1835 = arith.mulf %get3A_1826, %get3A_1834 : vector<16xf32>
        %add3A_1836 = arith.addf %add3A_1823, %mul3A_1835 : vector<16xf32>
        %reduce_sum3A_1837 = arith.constant true
        %reduce_sum3A_1838 = vector.broadcast %reduce_sum3A_1837 : i1 to vector<16xi1>
        %reduce_sum3A_1839 = tpu.scan <sum>, %add3A_1836 masked %reduce_sum3A_1838 : vector<16xf32>, vector<16xi1> -> vector<16xf32>
        %reduce_sum3A_1840 = vector.extract %reduce_sum3A_1839[15] : f32 from vector<16xf32>
        %reduce_sum3A_1841 = arith.constant true
        %reduce_sum3A_1842 = vector.broadcast %reduce_sum3A_1841 : i1 to vector<16xi1>
        %reduce_sum3A_1843 = tpu.scan <sum>, %add3A_1831 masked %reduce_sum3A_1842 : vector<16xf32>, vector<16xi1> -> vector<16xf32>
        %reduce_sum3A_1844 = vector.extract %reduce_sum3A_1843[15] : f32 from vector<16xf32>
        %sub3A_1845 = arith.subf %reduce_sum3A_1840, %reduce_sum3A_1844 : f32
        %add3A_1846 = arith.constant 1.000000e-01 : f32
        %add3A_1847 = arith.addf %sub3A_1845, %add3A_1846 : f32
        %max3A_1848 = arith.constant 0.000000e+00 : f32
        %max3A_1849 = arith.maximumf %add3A_1847, %max3A_1848 : f32
        %eq3A_1850 = arith.constant 13 : i32
        %eq3A_1851 = vector.broadcast %eq3A_1850 : i32 to vector<16xi32>
        %eq3A_1852 = arith.cmpi eq, %iota3A, %eq3A_1851 : vector<16xi32>
        %broadcast_in_dim3A_1853 = vector.broadcast %max3A_1849 : f32 to vector<16xf32>
        %select_n3A_1854 = arith.select %eq3A_1852, %broadcast_in_dim3A_1853, %select_n3A_1724 : vector<16xi1>, vector<16xf32>
        %mul3A_1855 = arith.constant 16 : i32
        %mul3A_1856 = arith.muli %scan3A_38, %mul3A_1855 : i32
        %add3A_1857 = arith.constant 14 : i32
        %add3A_1858 = arith.addi %mul3A_1856, %add3A_1857 : i32
        %broadcast_in_dim3A_1859 = arith.constant 0.000000e+00 : f32
        %broadcast_in_dim3A_1860 = vector.broadcast %broadcast_in_dim3A_1859 : f32 to vector<16xf32>
        %broadcast_in_dim3A_1861 = arith.constant 0.000000e+00 : f32
        %broadcast_in_dim3A_1862 = vector.broadcast %broadcast_in_dim3A_1861 : f32 to vector<16xf32>
        %get3A_1863 = arith.index_cast %add3A_1858 : i32 to index
        %get3A_1864 = arith.constant 0 : index
        %get3A_1865 = tpu.vector_load %arg10[%get3A_1863, %get3A_1864] {strides = array<i32>} : memref<128x128xf32, #tpu.memory_space<vmem>>, vector<16xf32>,
        %get3A_1866 = arith.index_cast %add3A_1858 : i32 to index
        %get3A_1867 = arith.constant 0 : index
        %get3A_1868 = tpu.vector_load %arg11[%get3A_1866, %get3A_1867] {strides = array<i32>} : memref<128x128xf32, #tpu.memory_space<vmem>>, vector<16xf32>,
        %mul3A_1869 = arith.mulf %get3A_1865, %get3A_1868 : vector<16xf32>
        %add3A_1870 = arith.addf %broadcast_in_dim3A_1860, %mul3A_1869 : vector<16xf32>
        %get3A_1871 = arith.index_cast %add3A_1858 : i32 to index
        %get3A_1872 = arith.constant 0 : index
        %get3A_1873 = tpu.vector_load %arg12[%get3A_1871, %get3A_1872] {strides = array<i32>} : memref<128x128xf32, #tpu.memory_space<vmem>>, vector<16xf32>,
        %mul3A_1874 = arith.mulf %get3A_1865, %get3A_1873 : vector<16xf32>
        %add3A_1875 = arith.addf %broadcast_in_dim3A_1862, %mul3A_1874 : vector<16xf32>
        %get3A_1876 = arith.index_cast %add3A_1858 : i32 to index
        %get3A_1877 = arith.constant 16 : index
        %get3A_1878 = tpu.vector_load %arg10[%get3A_1876, %get3A_1877] {strides = array<i32>} : memref<128x128xf32, #tpu.memory_space<vmem>>, vector<16xf32>,
        %get3A_1879 = arith.index_cast %add3A_1858 : i32 to index
        %get3A_1880 = arith.constant 16 : index
        %get3A_1881 = tpu.vector_load %arg11[%get3A_1879, %get3A_1880] {strides = array<i32>} : memref<128x128xf32, #tpu.memory_space<vmem>>, vector<16xf32>,
        %mul3A_1882 = arith.mulf %get3A_1878, %get3A_1881 : vector<16xf32>
        %add3A_1883 = arith.addf %add3A_1870, %mul3A_1882 : vector<16xf32>
        %get3A_1884 = arith.index_cast %add3A_1858 : i32 to index
        %get3A_1885 = arith.constant 16 : index
        %get3A_1886 = tpu.vector_load %arg12[%get3A_1884, %get3A_1885] {strides = array<i32>} : memref<128x128xf32, #tpu.memory_space<vmem>>, vector<16xf32>,
        %mul3A_1887 = arith.mulf %get3A_1878, %get3A_1886 : vector<16xf32>
        %add3A_1888 = arith.addf %add3A_1875, %mul3A_1887 : vector<16xf32>
        %get3A_1889 = arith.index_cast %add3A_1858 : i32 to index
        %get3A_1890 = arith.constant 32 : index
        %get3A_1891 = tpu.vector_load %arg10[%get3A_1889, %get3A_1890] {strides = array<i32>} : memref<128x128xf32, #tpu.memory_space<vmem>>, vector<16xf32>,
        %get3A_1892 = arith.index_cast %add3A_1858 : i32 to index
        %get3A_1893 = arith.constant 32 : index
        %get3A_1894 = tpu.vector_load %arg11[%get3A_1892, %get3A_1893] {strides = array<i32>} : memref<128x128xf32, #tpu.memory_space<vmem>>, vector<16xf32>,
        %mul3A_1895 = arith.mulf %get3A_1891, %get3A_1894 : vector<16xf32>
        %add3A_1896 = arith.addf %add3A_1883, %mul3A_1895 : vector<16xf32>
        %get3A_1897 = arith.index_cast %add3A_1858 : i32 to index
        %get3A_1898 = arith.constant 32 : index
        %get3A_1899 = tpu.vector_load %arg12[%get3A_1897, %get3A_1898] {strides = array<i32>} : memref<128x128xf32, #tpu.memory_space<vmem>>, vector<16xf32>,
        %mul3A_1900 = arith.mulf %get3A_1891, %get3A_1899 : vector<16xf32>
        %add3A_1901 = arith.addf %add3A_1888, %mul3A_1900 : vector<16xf32>
        %get3A_1902 = arith.index_cast %add3A_1858 : i32 to index
        %get3A_1903 = arith.constant 48 : index
        %get3A_1904 = tpu.vector_load %arg10[%get3A_1902, %get3A_1903] {strides = array<i32>} : memref<128x128xf32, #tpu.memory_space<vmem>>, vector<16xf32>,
        %get3A_1905 = arith.index_cast %add3A_1858 : i32 to index
        %get3A_1906 = arith.constant 48 : index
        %get3A_1907 = tpu.vector_load %arg11[%get3A_1905, %get3A_1906] {strides = array<i32>} : memref<128x128xf32, #tpu.memory_space<vmem>>, vector<16xf32>,
        %mul3A_1908 = arith.mulf %get3A_1904, %get3A_1907 : vector<16xf32>
        %add3A_1909 = arith.addf %add3A_1896, %mul3A_1908 : vector<16xf32>
        %get3A_1910 = arith.index_cast %add3A_1858 : i32 to index
        %get3A_1911 = arith.constant 48 : index
        %get3A_1912 = tpu.vector_load %arg12[%get3A_1910, %get3A_1911] {strides = array<i32>} : memref<128x128xf32, #tpu.memory_space<vmem>>, vector<16xf32>,
        %mul3A_1913 = arith.mulf %get3A_1904, %get3A_1912 : vector<16xf32>
        %add3A_1914 = arith.addf %add3A_1901, %mul3A_1913 : vector<16xf32>
        %get3A_1915 = arith.index_cast %add3A_1858 : i32 to index
        %get3A_1916 = arith.constant 64 : index
        %get3A_1917 = tpu.vector_load %arg10[%get3A_1915, %get3A_1916] {strides = array<i32>} : memref<128x128xf32, #tpu.memory_space<vmem>>, vector<16xf32>,
        %get3A_1918 = arith.index_cast %add3A_1858 : i32 to index
        %get3A_1919 = arith.constant 64 : index
        %get3A_1920 = tpu.vector_load %arg11[%get3A_1918, %get3A_1919] {strides = array<i32>} : memref<128x128xf32, #tpu.memory_space<vmem>>, vector<16xf32>,
        %mul3A_1921 = arith.mulf %get3A_1917, %get3A_1920 : vector<16xf32>
        %add3A_1922 = arith.addf %add3A_1909, %mul3A_1921 : vector<16xf32>
        %get3A_1923 = arith.index_cast %add3A_1858 : i32 to index
        %get3A_1924 = arith.constant 64 : index
        %get3A_1925 = tpu.vector_load %arg12[%get3A_1923, %get3A_1924] {strides = array<i32>} : memref<128x128xf32, #tpu.memory_space<vmem>>, vector<16xf32>,
        %mul3A_1926 = arith.mulf %get3A_1917, %get3A_1925 : vector<16xf32>
        %add3A_1927 = arith.addf %add3A_1914, %mul3A_1926 : vector<16xf32>
        %get3A_1928 = arith.index_cast %add3A_1858 : i32 to index
        %get3A_1929 = arith.constant 80 : index
        %get3A_1930 = tpu.vector_load %arg10[%get3A_1928, %get3A_1929] {strides = array<i32>} : memref<128x128xf32, #tpu.memory_space<vmem>>, vector<16xf32>,
        %get3A_1931 = arith.index_cast %add3A_1858 : i32 to index
        %get3A_1932 = arith.constant 80 : index
        %get3A_1933 = tpu.vector_load %arg11[%get3A_1931, %get3A_1932] {strides = array<i32>} : memref<128x128xf32, #tpu.memory_space<vmem>>, vector<16xf32>,
        %mul3A_1934 = arith.mulf %get3A_1930, %get3A_1933 : vector<16xf32>
        %add3A_1935 = arith.addf %add3A_1922, %mul3A_1934 : vector<16xf32>
        %get3A_1936 = arith.index_cast %add3A_1858 : i32 to index
        %get3A_1937 = arith.constant 80 : index
        %get3A_1938 = tpu.vector_load %arg12[%get3A_1936, %get3A_1937] {strides = array<i32>} : memref<128x128xf32, #tpu.memory_space<vmem>>, vector<16xf32>,
        %mul3A_1939 = arith.mulf %get3A_1930, %get3A_1938 : vector<16xf32>
        %add3A_1940 = arith.addf %add3A_1927, %mul3A_1939 : vector<16xf32>
        %get3A_1941 = arith.index_cast %add3A_1858 : i32 to index
        %get3A_1942 = arith.constant 96 : index
        %get3A_1943 = tpu.vector_load %arg10[%get3A_1941, %get3A_1942] {strides = array<i32>} : memref<128x128xf32, #tpu.memory_space<vmem>>, vector<16xf32>,
        %get3A_1944 = arith.index_cast %add3A_1858 : i32 to index
        %get3A_1945 = arith.constant 96 : index
        %get3A_1946 = tpu.vector_load %arg11[%get3A_1944, %get3A_1945] {strides = array<i32>} : memref<128x128xf32, #tpu.memory_space<vmem>>, vector<16xf32>,
        %mul3A_1947 = arith.mulf %get3A_1943, %get3A_1946 : vector<16xf32>
        %add3A_1948 = arith.addf %add3A_1935, %mul3A_1947 : vector<16xf32>
        %get3A_1949 = arith.index_cast %add3A_1858 : i32 to index
        %get3A_1950 = arith.constant 96 : index
        %get3A_1951 = tpu.vector_load %arg12[%get3A_1949, %get3A_1950] {strides = array<i32>} : memref<128x128xf32, #tpu.memory_space<vmem>>, vector<16xf32>,
        %mul3A_1952 = arith.mulf %get3A_1943, %get3A_1951 : vector<16xf32>
        %add3A_1953 = arith.addf %add3A_1940, %mul3A_1952 : vector<16xf32>
        %get3A_1954 = arith.index_cast %add3A_1858 : i32 to index
        %get3A_1955 = arith.constant 112 : index
        %get3A_1956 = tpu.vector_load %arg10[%get3A_1954, %get3A_1955] {strides = array<i32>} : memref<128x128xf32, #tpu.memory_space<vmem>>, vector<16xf32>,
        %get3A_1957 = arith.index_cast %add3A_1858 : i32 to index
        %get3A_1958 = arith.constant 112 : index
        %get3A_1959 = tpu.vector_load %arg11[%get3A_1957, %get3A_1958] {strides = array<i32>} : memref<128x128xf32, #tpu.memory_space<vmem>>, vector<16xf32>,
        %mul3A_1960 = arith.mulf %get3A_1956, %get3A_1959 : vector<16xf32>
        %add3A_1961 = arith.addf %add3A_1948, %mul3A_1960 : vector<16xf32>
        %get3A_1962 = arith.index_cast %add3A_1858 : i32 to index
        %get3A_1963 = arith.constant 112 : index
        %get3A_1964 = tpu.vector_load %arg12[%get3A_1962, %get3A_1963] {strides = array<i32>} : memref<128x128xf32, #tpu.memory_space<vmem>>, vector<16xf32>,
        %mul3A_1965 = arith.mulf %get3A_1956, %get3A_1964 : vector<16xf32>
        %add3A_1966 = arith.addf %add3A_1953, %mul3A_1965 : vector<16xf32>
        %reduce_sum3A_1967 = arith.constant true
        %reduce_sum3A_1968 = vector.broadcast %reduce_sum3A_1967 : i1 to vector<16xi1>
        %reduce_sum3A_1969 = tpu.scan <sum>, %add3A_1966 masked %reduce_sum3A_1968 : vector<16xf32>, vector<16xi1> -> vector<16xf32>
        %reduce_sum3A_1970 = vector.extract %reduce_sum3A_1969[15] : f32 from vector<16xf32>
        %reduce_sum3A_1971 = arith.constant true
        %reduce_sum3A_1972 = vector.broadcast %reduce_sum3A_1971 : i1 to vector<16xi1>
        %reduce_sum3A_1973 = tpu.scan <sum>, %add3A_1961 masked %reduce_sum3A_1972 : vector<16xf32>, vector<16xi1> -> vector<16xf32>
        %reduce_sum3A_1974 = vector.extract %reduce_sum3A_1973[15] : f32 from vector<16xf32>
        %sub3A_1975 = arith.subf %reduce_sum3A_1970, %reduce_sum3A_1974 : f32
        %add3A_1976 = arith.constant 1.000000e-01 : f32
        %add3A_1977 = arith.addf %sub3A_1975, %add3A_1976 : f32
        %max3A_1978 = arith.constant 0.000000e+00 : f32
        %max3A_1979 = arith.maximumf %add3A_1977, %max3A_1978 : f32
        %eq3A_1980 = arith.constant 14 : i32
        %eq3A_1981 = vector.broadcast %eq3A_1980 : i32 to vector<16xi32>
        %eq3A_1982 = arith.cmpi eq, %iota3A, %eq3A_1981 : vector<16xi32>
        %broadcast_in_dim3A_1983 = vector.broadcast %max3A_1979 : f32 to vector<16xf32>
        %select_n3A_1984 = arith.select %eq3A_1982, %broadcast_in_dim3A_1983, %select_n3A_1854 : vector<16xi1>, vector<16xf32>
        %mul3A_1985 = arith.constant 16 : i32
        %mul3A_1986 = arith.muli %scan3A_38, %mul3A_1985 : i32
        %add3A_1987 = arith.constant 15 : i32
        %add3A_1988 = arith.addi %mul3A_1986, %add3A_1987 : i32
        %broadcast_in_dim3A_1989 = arith.constant 0.000000e+00 : f32
        %broadcast_in_dim3A_1990 = vector.broadcast %broadcast_in_dim3A_1989 : f32 to vector<16xf32>
        %broadcast_in_dim3A_1991 = arith.constant 0.000000e+00 : f32
        %broadcast_in_dim3A_1992 = vector.broadcast %broadcast_in_dim3A_1991 : f32 to vector<16xf32>
        %get3A_1993 = arith.index_cast %add3A_1988 : i32 to index
        %get3A_1994 = arith.constant 0 : index
        %get3A_1995 = tpu.vector_load %arg10[%get3A_1993, %get3A_1994] {strides = array<i32>} : memref<128x128xf32, #tpu.memory_space<vmem>>, vector<16xf32>,
        %get3A_1996 = arith.index_cast %add3A_1988 : i32 to index
        %get3A_1997 = arith.constant 0 : index
        %get3A_1998 = tpu.vector_load %arg11[%get3A_1996, %get3A_1997] {strides = array<i32>} : memref<128x128xf32, #tpu.memory_space<vmem>>, vector<16xf32>,
        %mul3A_1999 = arith.mulf %get3A_1995, %get3A_1998 : vector<16xf32>
        %add3A_2000 = arith.addf %broadcast_in_dim3A_1990, %mul3A_1999 : vector<16xf32>
        %get3A_2001 = arith.index_cast %add3A_1988 : i32 to index
        %get3A_2002 = arith.constant 0 : index
        %get3A_2003 = tpu.vector_load %arg12[%get3A_2001, %get3A_2002] {strides = array<i32>} : memref<128x128xf32, #tpu.memory_space<vmem>>, vector<16xf32>,
        %mul3A_2004 = arith.mulf %get3A_1995, %get3A_2003 : vector<16xf32>
        %add3A_2005 = arith.addf %broadcast_in_dim3A_1992, %mul3A_2004 : vector<16xf32>
        %get3A_2006 = arith.index_cast %add3A_1988 : i32 to index
        %get3A_2007 = arith.constant 16 : index
        %get3A_2008 = tpu.vector_load %arg10[%get3A_2006, %get3A_2007] {strides = array<i32>} : memref<128x128xf32, #tpu.memory_space<vmem>>, vector<16xf32>,
        %get3A_2009 = arith.index_cast %add3A_1988 : i32 to index
        %get3A_2010 = arith.constant 16 : index
        %get3A_2011 = tpu.vector_load %arg11[%get3A_2009, %get3A_2010] {strides = array<i32>} : memref<128x128xf32, #tpu.memory_space<vmem>>, vector<16xf32>,
        %mul3A_2012 = arith.mulf %get3A_2008, %get3A_2011 : vector<16xf32>
        %add3A_2013 = arith.addf %add3A_2000, %mul3A_2012 : vector<16xf32>
        %get3A_2014 = arith.index_cast %add3A_1988 : i32 to index
        %get3A_2015 = arith.constant 16 : index
        %get3A_2016 = tpu.vector_load %arg12[%get3A_2014, %get3A_2015] {strides = array<i32>} : memref<128x128xf32, #tpu.memory_space<vmem>>, vector<16xf32>,
        %mul3A_2017 = arith.mulf %get3A_2008, %get3A_2016 : vector<16xf32>
        %add3A_2018 = arith.addf %add3A_2005, %mul3A_2017 : vector<16xf32>
        %get3A_2019 = arith.index_cast %add3A_1988 : i32 to index
        %get3A_2020 = arith.constant 32 : index
        %get3A_2021 = tpu.vector_load %arg10[%get3A_2019, %get3A_2020] {strides = array<i32>} : memref<128x128xf32, #tpu.memory_space<vmem>>, vector<16xf32>,
        %get3A_2022 = arith.index_cast %add3A_1988 : i32 to index
        %get3A_2023 = arith.constant 32 : index
        %get3A_2024 = tpu.vector_load %arg11[%get3A_2022, %get3A_2023] {strides = array<i32>} : memref<128x128xf32, #tpu.memory_space<vmem>>, vector<16xf32>,
        %mul3A_2025 = arith.mulf %get3A_2021, %get3A_2024 : vector<16xf32>
        %add3A_2026 = arith.addf %add3A_2013, %mul3A_2025 : vector<16xf32>
        %get3A_2027 = arith.index_cast %add3A_1988 : i32 to index
        %get3A_2028 = arith.constant 32 : index
        %get3A_2029 = tpu.vector_load %arg12[%get3A_2027, %get3A_2028] {strides = array<i32>} : memref<128x128xf32, #tpu.memory_space<vmem>>, vector<16xf32>,
        %mul3A_2030 = arith.mulf %get3A_2021, %get3A_2029 : vector<16xf32>
        %add3A_2031 = arith.addf %add3A_2018, %mul3A_2030 : vector<16xf32>
        %get3A_2032 = arith.index_cast %add3A_1988 : i32 to index
        %get3A_2033 = arith.constant 48 : index
        %get3A_2034 = tpu.vector_load %arg10[%get3A_2032, %get3A_2033] {strides = array<i32>} : memref<128x128xf32, #tpu.memory_space<vmem>>, vector<16xf32>,
        %get3A_2035 = arith.index_cast %add3A_1988 : i32 to index
        %get3A_2036 = arith.constant 48 : index
        %get3A_2037 = tpu.vector_load %arg11[%get3A_2035, %get3A_2036] {strides = array<i32>} : memref<128x128xf32, #tpu.memory_space<vmem>>, vector<16xf32>,
        %mul3A_2038 = arith.mulf %get3A_2034, %get3A_2037 : vector<16xf32>
        %add3A_2039 = arith.addf %add3A_2026, %mul3A_2038 : vector<16xf32>
        %get3A_2040 = arith.index_cast %add3A_1988 : i32 to index
        %get3A_2041 = arith.constant 48 : index
        %get3A_2042 = tpu.vector_load %arg12[%get3A_2040, %get3A_2041] {strides = array<i32>} : memref<128x128xf32, #tpu.memory_space<vmem>>, vector<16xf32>,
        %mul3A_2043 = arith.mulf %get3A_2034, %get3A_2042 : vector<16xf32>
        %add3A_2044 = arith.addf %add3A_2031, %mul3A_2043 : vector<16xf32>
        %get3A_2045 = arith.index_cast %add3A_1988 : i32 to index
        %get3A_2046 = arith.constant 64 : index
        %get3A_2047 = tpu.vector_load %arg10[%get3A_2045, %get3A_2046] {strides = array<i32>} : memref<128x128xf32, #tpu.memory_space<vmem>>, vector<16xf32>,
        %get3A_2048 = arith.index_cast %add3A_1988 : i32 to index
        %get3A_2049 = arith.constant 64 : index
        %get3A_2050 = tpu.vector_load %arg11[%get3A_2048, %get3A_2049] {strides = array<i32>} : memref<128x128xf32, #tpu.memory_space<vmem>>, vector<16xf32>,
        %mul3A_2051 = arith.mulf %get3A_2047, %get3A_2050 : vector<16xf32>
        %add3A_2052 = arith.addf %add3A_2039, %mul3A_2051 : vector<16xf32>
        %get3A_2053 = arith.index_cast %add3A_1988 : i32 to index
        %get3A_2054 = arith.constant 64 : index
        %get3A_2055 = tpu.vector_load %arg12[%get3A_2053, %get3A_2054] {strides = array<i32>} : memref<128x128xf32, #tpu.memory_space<vmem>>, vector<16xf32>,
        %mul3A_2056 = arith.mulf %get3A_2047, %get3A_2055 : vector<16xf32>
        %add3A_2057 = arith.addf %add3A_2044, %mul3A_2056 : vector<16xf32>
        %get3A_2058 = arith.index_cast %add3A_1988 : i32 to index
        %get3A_2059 = arith.constant 80 : index
        %get3A_2060 = tpu.vector_load %arg10[%get3A_2058, %get3A_2059] {strides = array<i32>} : memref<128x128xf32, #tpu.memory_space<vmem>>, vector<16xf32>,
        %get3A_2061 = arith.index_cast %add3A_1988 : i32 to index
        %get3A_2062 = arith.constant 80 : index
        %get3A_2063 = tpu.vector_load %arg11[%get3A_2061, %get3A_2062] {strides = array<i32>} : memref<128x128xf32, #tpu.memory_space<vmem>>, vector<16xf32>,
        %mul3A_2064 = arith.mulf %get3A_2060, %get3A_2063 : vector<16xf32>
        %add3A_2065 = arith.addf %add3A_2052, %mul3A_2064 : vector<16xf32>
        %get3A_2066 = arith.index_cast %add3A_1988 : i32 to index
        %get3A_2067 = arith.constant 80 : index
        %get3A_2068 = tpu.vector_load %arg12[%get3A_2066, %get3A_2067] {strides = array<i32>} : memref<128x128xf32, #tpu.memory_space<vmem>>, vector<16xf32>,
        %mul3A_2069 = arith.mulf %get3A_2060, %get3A_2068 : vector<16xf32>
        %add3A_2070 = arith.addf %add3A_2057, %mul3A_2069 : vector<16xf32>
        %get3A_2071 = arith.index_cast %add3A_1988 : i32 to index
        %get3A_2072 = arith.constant 96 : index
        %get3A_2073 = tpu.vector_load %arg10[%get3A_2071, %get3A_2072] {strides = array<i32>} : memref<128x128xf32, #tpu.memory_space<vmem>>, vector<16xf32>,
        %get3A_2074 = arith.index_cast %add3A_1988 : i32 to index
        %get3A_2075 = arith.constant 96 : index
        %get3A_2076 = tpu.vector_load %arg11[%get3A_2074, %get3A_2075] {strides = array<i32>} : memref<128x128xf32, #tpu.memory_space<vmem>>, vector<16xf32>,
        %mul3A_2077 = arith.mulf %get3A_2073, %get3A_2076 : vector<16xf32>
        %add3A_2078 = arith.addf %add3A_2065, %mul3A_2077 : vector<16xf32>
        %get3A_2079 = arith.index_cast %add3A_1988 : i32 to index
        %get3A_2080 = arith.constant 96 : index
        %get3A_2081 = tpu.vector_load %arg12[%get3A_2079, %get3A_2080] {strides = array<i32>} : memref<128x128xf32, #tpu.memory_space<vmem>>, vector<16xf32>,
        %mul3A_2082 = arith.mulf %get3A_2073, %get3A_2081 : vector<16xf32>
        %add3A_2083 = arith.addf %add3A_2070, %mul3A_2082 : vector<16xf32>
        %get3A_2084 = arith.index_cast %add3A_1988 : i32 to index
        %get3A_2085 = arith.constant 112 : index
        %get3A_2086 = tpu.vector_load %arg10[%get3A_2084, %get3A_2085] {strides = array<i32>} : memref<128x128xf32, #tpu.memory_space<vmem>>, vector<16xf32>,
        %get3A_2087 = arith.index_cast %add3A_1988 : i32 to index
        %get3A_2088 = arith.constant 112 : index
        %get3A_2089 = tpu.vector_load %arg11[%get3A_2087, %get3A_2088] {strides = array<i32>} : memref<128x128xf32, #tpu.memory_space<vmem>>, vector<16xf32>,
        %mul3A_2090 = arith.mulf %get3A_2086, %get3A_2089 : vector<16xf32>
        %add3A_2091 = arith.addf %add3A_2078, %mul3A_2090 : vector<16xf32>
        %get3A_2092 = arith.index_cast %add3A_1988 : i32 to index
        %get3A_2093 = arith.constant 112 : index
        %get3A_2094 = tpu.vector_load %arg12[%get3A_2092, %get3A_2093] {strides = array<i32>} : memref<128x128xf32, #tpu.memory_space<vmem>>, vector<16xf32>,
        %mul3A_2095 = arith.mulf %get3A_2086, %get3A_2094 : vector<16xf32>
        %add3A_2096 = arith.addf %add3A_2083, %mul3A_2095 : vector<16xf32>
        %reduce_sum3A_2097 = arith.constant true
        %reduce_sum3A_2098 = vector.broadcast %reduce_sum3A_2097 : i1 to vector<16xi1>
        %reduce_sum3A_2099 = tpu.scan <sum>, %add3A_2096 masked %reduce_sum3A_2098 : vector<16xf32>, vector<16xi1> -> vector<16xf32>
        %reduce_sum3A_2100 = vector.extract %reduce_sum3A_2099[15] : f32 from vector<16xf32>
        %reduce_sum3A_2101 = arith.constant true
        %reduce_sum3A_2102 = vector.broadcast %reduce_sum3A_2101 : i1 to vector<16xi1>
        %reduce_sum3A_2103 = tpu.scan <sum>, %add3A_2091 masked %reduce_sum3A_2102 : vector<16xf32>, vector<16xi1> -> vector<16xf32>
        %reduce_sum3A_2104 = vector.extract %reduce_sum3A_2103[15] : f32 from vector<16xf32>
        %sub3A_2105 = arith.subf %reduce_sum3A_2100, %reduce_sum3A_2104 : f32
        %add3A_2106 = arith.constant 1.000000e-01 : f32
        %add3A_2107 = arith.addf %sub3A_2105, %add3A_2106 : f32
        %max3A_2108 = arith.constant 0.000000e+00 : f32
        %max3A_2109 = arith.maximumf %add3A_2107, %max3A_2108 : f32
        %eq3A_2110 = arith.constant 15 : i32
        %eq3A_2111 = vector.broadcast %eq3A_2110 : i32 to vector<16xi32>
        %eq3A_2112 = arith.cmpi eq, %iota3A, %eq3A_2111 : vector<16xi32>
        %broadcast_in_dim3A_2113 = vector.broadcast %max3A_2109 : f32 to vector<16xf32>
        %select_n3A_2114 = arith.select %eq3A_2112, %broadcast_in_dim3A_2113, %select_n3A_1984 : vector<16xi1>, vector<16xf32>
        %mul3A_2115 = arith.constant 16 : i32
        %mul3A_2116 = arith.muli %scan3A_38, %mul3A_2115 : i32
        %swap3A = arith.index_cast %mul3A_2116 : i32 to index
        %swap3A_2117 = tpu.vector_load %arg13[%swap3A] {strides = array<i32>} : memref<128xf32, #tpu.memory_space<vmem>>, vector<16xf32>,
        tpu.vector_store %arg13[%swap3A], %select_n3A_2114 {strides = array<i32>} : memref<128xf32, #tpu.memory_space<vmem>>, vector<16xf32>,
        %scan3A_2118 = arith.constant 0 : i32
        scf.yield %scan3A_2118 : i32
      }
      %scan3A_36 = arith.constant 8 : i32
      "tpu.region"() ({
        %run_scoped3A = tpu.sem_alloc : memref<!tpu.dma_semaphore, #tpu.memory_space<semaphore_mem>>
        %dma_start3A_38 = tpu.memref_slice %arg6[%add3A_13] : memref<8192xf32, #tpu.memory_space<hbm>> -> memref<128xf32, #tpu.memory_space<hbm>>
        %dma_start3A_39 = tpu.memref_slice %arg6[%add3A_13] : memref<8192xf32, #tpu.memory_space<hbm>> -> memref<128xf32, #tpu.memory_space<hbm>>
        tpu.enqueue_dma source(%arg13 : memref<128xf32, #tpu.memory_space<vmem>>) target(%dma_start3A_39 : memref<128xf32, #tpu.memory_space<hbm>>) target_semaphore(%run_scoped3A : memref<!tpu.dma_semaphore, #tpu.memory_space<semaphore_mem>>)
        %dma_wait3A_40 = tpu.memref_slice %arg6[%add3A_13] : memref<8192xf32, #tpu.memory_space<hbm>> -> memref<128xf32, #tpu.memory_space<hbm>>
        %dma_wait3A_41 = tpu.memref_slice %arg6[%add3A_13] : memref<8192xf32, #tpu.memory_space<hbm>> -> memref<128xf32, #tpu.memory_space<hbm>>
        tpu.wait_dma2 semaphore(%run_scoped3A : memref<!tpu.dma_semaphore, #tpu.memory_space<semaphore_mem>>) src(%arg13 : memref<128xf32, #tpu.memory_space<vmem>>) dst(%dma_wait3A_41 : memref<128xf32, #tpu.memory_space<hbm>>)
        tpu.yield
      }) : () -> ()
      %scan3A_37 = arith.constant 0 : i32
      scf.yield %scan3A_37 : i32
    }
    %scan3A_6 = arith.constant 2 : i32
    return
  }
}

#map = affine_map<(d0, d1) -> (0, 0)>
#map1 = affine_map<(d0, d1) -> (0, 0, 0)>
module attributes {stable_mosaic.version = 14 : i64} {
  func.func @_edge_agg(%arg0: i32, %arg1: i32, %arg2: memref<10240x128xf32, #tpu.memory_space<hbm>>, %arg3: memref<2560x2x128xi32, #tpu.memory_space<hbm>>, %arg4: memref<2x10240x128xf32, #tpu.memory_space<hbm>>, %arg5: memref<32x10240xf32, #tpu.memory_space<hbm>>, %arg6: memref<4x2x128xi32, #tpu.memory_space<vmem>>, %arg7: memref<128x128xf32, #tpu.memory_space<vmem>>, %arg8: memref<128x128xf32, #tpu.memory_space<vmem>>, %arg9: memref<10240xf32, #tpu.memory_space<vmem>>, %arg10: memref<10240x128xf32, #tpu.memory_space<vmem_shared>>, %arg11: memref<!tpu.dma_semaphore, #tpu.memory_space<semaphore_mem>>, %arg12: memref<!tpu.dma_semaphore, #tpu.memory_space<semaphore_mem>>, %arg13: memref<!tpu.dma_semaphore, #tpu.memory_space<semaphore_mem>>, %arg14: memref<!tpu.dma_semaphore, #tpu.memory_space<semaphore_mem>>, %arg15: memref<!tpu.dma_semaphore, #tpu.memory_space<semaphore_mem>>, %arg16: memref<!tpu.dma_semaphore, #tpu.memory_space<semaphore_mem>>, %arg17: memref<!tpu.dma_semaphore, #tpu.memory_space<semaphore_mem>>, %arg18: memref<!tpu.dma_semaphore, #tpu.memory_space<semaphore_mem>>) attributes {dimension_semantics = [#tpu.dimension_semantics<core_parallel>, #tpu.dimension_semantics<subcore_parallel>], iteration_bounds = array<i64: 2, 16>, scalar_prefetch = 0 : i64, scratch_operands = 13 : i64, tpu.core_type = #tpu.core_type<sc_vector_subcore>, window_params = [{transform_indices = #map}, {transform_indices = #map1}, {transform_indices = #map1}, {transform_indices = #map}]} {
    %mul3A = arith.constant 16 : i32
    %mul3A_0 = arith.muli %arg0, %mul3A : i32
    %add3A = arith.addi %mul3A_0, %arg1 : i32
    %broadcast_in_dim3A = arith.constant 0.000000e+00 : f32
    %broadcast_in_dim3A_1 = vector.broadcast %broadcast_in_dim3A : f32 to vector<16xf32>
    %broadcast_in_dim3A_2 = arith.constant 1.000000e+00 : f32
    %broadcast_in_dim3A_3 = vector.broadcast %broadcast_in_dim3A_2 : f32 to vector<16xf32>
    %scan3A = arith.constant 0 : i32
    %scan3A_4 = arith.constant 0 : i32
    %scan3A_5 = arith.constant 640 : i32
    %scan3A_6 = arith.addi %scan3A_4, %scan3A_5 : i32
    %scan3A_7 = arith.constant 1 : i32
    %scan3A_8 = scf.for %scan3A_217 = %scan3A_4 to %scan3A_6 step %scan3A_7 iter_args(%scan3A_218 = %scan3A) -> (i32)  : i32 {
      %mul3A_219 = arith.constant 16 : i32
      %mul3A_220 = arith.muli %scan3A_217, %mul3A_219 : i32
      %swap3A = arith.index_cast %mul3A_220 : i32 to index
      %swap3A_221 = tpu.vector_load %arg9[%swap3A] {strides = array<i32>} : memref<10240xf32, #tpu.memory_space<vmem>>, vector<16xf32>,
      tpu.vector_store %arg9[%swap3A], %broadcast_in_dim3A_1 {strides = array<i32>} : memref<10240xf32, #tpu.memory_space<vmem>>, vector<16xf32>,
      %scan3A_222 = arith.constant 0 : i32
      scf.yield %scan3A_222 : i32
    }
    %scan3A_9 = arith.constant 640 : i32
    %scan3A_10 = arith.constant 0 : i32
    %scan3A_11 = arith.constant 0 : i32
    %scan3A_12 = arith.constant 128 : i32
    %scan3A_13 = arith.addi %scan3A_11, %scan3A_12 : i32
    %scan3A_14 = arith.constant 1 : i32
    %scan3A_15 = scf.for %scan3A_217 = %scan3A_11 to %scan3A_13 step %scan3A_14 iter_args(%scan3A_218 = %scan3A_10) -> (i32)  : i32 {
      %swap3A = arith.index_cast %scan3A_217 : i32 to index
      %swap3A_219 = arith.constant 0 : index
      %swap3A_220 = tpu.vector_load %arg7[%swap3A, %swap3A_219] {strides = array<i32>} : memref<128x128xf32, #tpu.memory_space<vmem>>, vector<16xf32>,
      tpu.vector_store %arg7[%swap3A, %swap3A_219], %broadcast_in_dim3A_1 {strides = array<i32>} : memref<128x128xf32, #tpu.memory_space<vmem>>, vector<16xf32>,
      %swap3A_221 = arith.index_cast %scan3A_217 : i32 to index
      %swap3A_222 = arith.constant 16 : index
      %swap3A_223 = tpu.vector_load %arg7[%swap3A_221, %swap3A_222] {strides = array<i32>} : memref<128x128xf32, #tpu.memory_space<vmem>>, vector<16xf32>,
      tpu.vector_store %arg7[%swap3A_221, %swap3A_222], %broadcast_in_dim3A_1 {strides = array<i32>} : memref<128x128xf32, #tpu.memory_space<vmem>>, vector<16xf32>,
      %swap3A_224 = arith.index_cast %scan3A_217 : i32 to index
      %swap3A_225 = arith.constant 32 : index
      %swap3A_226 = tpu.vector_load %arg7[%swap3A_224, %swap3A_225] {strides = array<i32>} : memref<128x128xf32, #tpu.memory_space<vmem>>, vector<16xf32>,
      tpu.vector_store %arg7[%swap3A_224, %swap3A_225], %broadcast_in_dim3A_1 {strides = array<i32>} : memref<128x128xf32, #tpu.memory_space<vmem>>, vector<16xf32>,
      %swap3A_227 = arith.index_cast %scan3A_217 : i32 to index
      %swap3A_228 = arith.constant 48 : index
      %swap3A_229 = tpu.vector_load %arg7[%swap3A_227, %swap3A_228] {strides = array<i32>} : memref<128x128xf32, #tpu.memory_space<vmem>>, vector<16xf32>,
      tpu.vector_store %arg7[%swap3A_227, %swap3A_228], %broadcast_in_dim3A_1 {strides = array<i32>} : memref<128x128xf32, #tpu.memory_space<vmem>>, vector<16xf32>,
      %swap3A_230 = arith.index_cast %scan3A_217 : i32 to index
      %swap3A_231 = arith.constant 64 : index
      %swap3A_232 = tpu.vector_load %arg7[%swap3A_230, %swap3A_231] {strides = array<i32>} : memref<128x128xf32, #tpu.memory_space<vmem>>, vector<16xf32>,
      tpu.vector_store %arg7[%swap3A_230, %swap3A_231], %broadcast_in_dim3A_1 {strides = array<i32>} : memref<128x128xf32, #tpu.memory_space<vmem>>, vector<16xf32>,
      %swap3A_233 = arith.index_cast %scan3A_217 : i32 to index
      %swap3A_234 = arith.constant 80 : index
      %swap3A_235 = tpu.vector_load %arg7[%swap3A_233, %swap3A_234] {strides = array<i32>} : memref<128x128xf32, #tpu.memory_space<vmem>>, vector<16xf32>,
      tpu.vector_store %arg7[%swap3A_233, %swap3A_234], %broadcast_in_dim3A_1 {strides = array<i32>} : memref<128x128xf32, #tpu.memory_space<vmem>>, vector<16xf32>,
      %swap3A_236 = arith.index_cast %scan3A_217 : i32 to index
      %swap3A_237 = arith.constant 96 : index
      %swap3A_238 = tpu.vector_load %arg7[%swap3A_236, %swap3A_237] {strides = array<i32>} : memref<128x128xf32, #tpu.memory_space<vmem>>, vector<16xf32>,
      tpu.vector_store %arg7[%swap3A_236, %swap3A_237], %broadcast_in_dim3A_1 {strides = array<i32>} : memref<128x128xf32, #tpu.memory_space<vmem>>, vector<16xf32>,
      %swap3A_239 = arith.index_cast %scan3A_217 : i32 to index
      %swap3A_240 = arith.constant 112 : index
      %swap3A_241 = tpu.vector_load %arg7[%swap3A_239, %swap3A_240] {strides = array<i32>} : memref<128x128xf32, #tpu.memory_space<vmem>>, vector<16xf32>,
      tpu.vector_store %arg7[%swap3A_239, %swap3A_240], %broadcast_in_dim3A_1 {strides = array<i32>} : memref<128x128xf32, #tpu.memory_space<vmem>>, vector<16xf32>,
      %scan3A_242 = arith.constant 0 : i32
      scf.yield %scan3A_242 : i32
    }
    %scan3A_16 = arith.constant 128 : i32
    %mul3A_17 = arith.constant 640 : i32
    %mul3A_18 = arith.muli %arg1, %mul3A_17 : i32
    %add3A_19 = arith.constant 0 : i32
    %add3A_20 = arith.addi %mul3A_18, %add3A_19 : i32
    "tpu.region"() ({
      %run_scoped3A = tpu.sem_alloc : memref<!tpu.dma_semaphore, #tpu.memory_space<semaphore_mem>>
      %dma_start3A_217 = arith.constant 0 : i32
      %dma_start3A_218 = tpu.memref_slice %arg10[%add3A_20, %dma_start3A_217] : memref<10240x128xf32, #tpu.memory_space<vmem_shared>> -> memref<128x128xf32, #tpu.memory_space<vmem_shared>>
      %dma_start3A_219 = arith.constant 0 : i32
      %dma_start3A_220 = tpu.memref_slice %arg10[%add3A_20, %dma_start3A_219] : memref<10240x128xf32, #tpu.memory_space<vmem_shared>> -> memref<128x128xf32, #tpu.memory_space<vmem_shared>>
      tpu.enqueue_dma source(%arg7 : memref<128x128xf32, #tpu.memory_space<vmem>>) target(%dma_start3A_220 : memref<128x128xf32, #tpu.memory_space<vmem_shared>>) target_semaphore(%run_scoped3A : memref<!tpu.dma_semaphore, #tpu.memory_space<semaphore_mem>>)
      %dma_wait3A_221 = arith.constant 0 : i32
      %dma_wait3A_222 = tpu.memref_slice %arg10[%add3A_20, %dma_wait3A_221] : memref<10240x128xf32, #tpu.memory_space<vmem_shared>> -> memref<128x128xf32, #tpu.memory_space<vmem_shared>>
      %dma_wait3A_223 = arith.constant 0 : i32
      %dma_wait3A_224 = tpu.memref_slice %arg10[%add3A_20, %dma_wait3A_223] : memref<10240x128xf32, #tpu.memory_space<vmem_shared>> -> memref<128x128xf32, #tpu.memory_space<vmem_shared>>
      tpu.wait_dma2 semaphore(%run_scoped3A : memref<!tpu.dma_semaphore, #tpu.memory_space<semaphore_mem>>) src(%arg7 : memref<128x128xf32, #tpu.memory_space<vmem>>) dst(%dma_wait3A_224 : memref<128x128xf32, #tpu.memory_space<vmem_shared>>)
      tpu.yield
    }) : () -> ()
    %mul3A_21 = arith.constant 640 : i32
    %mul3A_22 = arith.muli %arg1, %mul3A_21 : i32
    %add3A_23 = arith.constant 128 : i32
    %add3A_24 = arith.addi %mul3A_22, %add3A_23 : i32
    "tpu.region"() ({
      %run_scoped3A = tpu.sem_alloc : memref<!tpu.dma_semaphore, #tpu.memory_space<semaphore_mem>>
      %dma_start3A_217 = arith.constant 0 : i32
      %dma_start3A_218 = tpu.memref_slice %arg10[%add3A_24, %dma_start3A_217] : memref<10240x128xf32, #tpu.memory_space<vmem_shared>> -> memref<128x128xf32, #tpu.memory_space<vmem_shared>>
      %dma_start3A_219 = arith.constant 0 : i32
      %dma_start3A_220 = tpu.memref_slice %arg10[%add3A_24, %dma_start3A_219] : memref<10240x128xf32, #tpu.memory_space<vmem_shared>> -> memref<128x128xf32, #tpu.memory_space<vmem_shared>>
      tpu.enqueue_dma source(%arg7 : memref<128x128xf32, #tpu.memory_space<vmem>>) target(%dma_start3A_220 : memref<128x128xf32, #tpu.memory_space<vmem_shared>>) target_semaphore(%run_scoped3A : memref<!tpu.dma_semaphore, #tpu.memory_space<semaphore_mem>>)
      %dma_wait3A_221 = arith.constant 0 : i32
      %dma_wait3A_222 = tpu.memref_slice %arg10[%add3A_24, %dma_wait3A_221] : memref<10240x128xf32, #tpu.memory_space<vmem_shared>> -> memref<128x128xf32, #tpu.memory_space<vmem_shared>>
      %dma_wait3A_223 = arith.constant 0 : i32
      %dma_wait3A_224 = tpu.memref_slice %arg10[%add3A_24, %dma_wait3A_223] : memref<10240x128xf32, #tpu.memory_space<vmem_shared>> -> memref<128x128xf32, #tpu.memory_space<vmem_shared>>
      tpu.wait_dma2 semaphore(%run_scoped3A : memref<!tpu.dma_semaphore, #tpu.memory_space<semaphore_mem>>) src(%arg7 : memref<128x128xf32, #tpu.memory_space<vmem>>) dst(%dma_wait3A_224 : memref<128x128xf32, #tpu.memory_space<vmem_shared>>)
      tpu.yield
    }) : () -> ()
    %mul3A_25 = arith.constant 640 : i32
    %mul3A_26 = arith.muli %arg1, %mul3A_25 : i32
    %add3A_27 = arith.constant 256 : i32
    %add3A_28 = arith.addi %mul3A_26, %add3A_27 : i32
    "tpu.region"() ({
      %run_scoped3A = tpu.sem_alloc : memref<!tpu.dma_semaphore, #tpu.memory_space<semaphore_mem>>
      %dma_start3A_217 = arith.constant 0 : i32
      %dma_start3A_218 = tpu.memref_slice %arg10[%add3A_28, %dma_start3A_217] : memref<10240x128xf32, #tpu.memory_space<vmem_shared>> -> memref<128x128xf32, #tpu.memory_space<vmem_shared>>
      %dma_start3A_219 = arith.constant 0 : i32
      %dma_start3A_220 = tpu.memref_slice %arg10[%add3A_28, %dma_start3A_219] : memref<10240x128xf32, #tpu.memory_space<vmem_shared>> -> memref<128x128xf32, #tpu.memory_space<vmem_shared>>
      tpu.enqueue_dma source(%arg7 : memref<128x128xf32, #tpu.memory_space<vmem>>) target(%dma_start3A_220 : memref<128x128xf32, #tpu.memory_space<vmem_shared>>) target_semaphore(%run_scoped3A : memref<!tpu.dma_semaphore, #tpu.memory_space<semaphore_mem>>)
      %dma_wait3A_221 = arith.constant 0 : i32
      %dma_wait3A_222 = tpu.memref_slice %arg10[%add3A_28, %dma_wait3A_221] : memref<10240x128xf32, #tpu.memory_space<vmem_shared>> -> memref<128x128xf32, #tpu.memory_space<vmem_shared>>
      %dma_wait3A_223 = arith.constant 0 : i32
      %dma_wait3A_224 = tpu.memref_slice %arg10[%add3A_28, %dma_wait3A_223] : memref<10240x128xf32, #tpu.memory_space<vmem_shared>> -> memref<128x128xf32, #tpu.memory_space<vmem_shared>>
      tpu.wait_dma2 semaphore(%run_scoped3A : memref<!tpu.dma_semaphore, #tpu.memory_space<semaphore_mem>>) src(%arg7 : memref<128x128xf32, #tpu.memory_space<vmem>>) dst(%dma_wait3A_224 : memref<128x128xf32, #tpu.memory_space<vmem_shared>>)
      tpu.yield
    }) : () -> ()
    %mul3A_29 = arith.constant 640 : i32
    %mul3A_30 = arith.muli %arg1, %mul3A_29 : i32
    %add3A_31 = arith.constant 384 : i32
    %add3A_32 = arith.addi %mul3A_30, %add3A_31 : i32
    "tpu.region"() ({
      %run_scoped3A = tpu.sem_alloc : memref<!tpu.dma_semaphore, #tpu.memory_space<semaphore_mem>>
      %dma_start3A_217 = arith.constant 0 : i32
      %dma_start3A_218 = tpu.memref_slice %arg10[%add3A_32, %dma_start3A_217] : memref<10240x128xf32, #tpu.memory_space<vmem_shared>> -> memref<128x128xf32, #tpu.memory_space<vmem_shared>>
      %dma_start3A_219 = arith.constant 0 : i32
      %dma_start3A_220 = tpu.memref_slice %arg10[%add3A_32, %dma_start3A_219] : memref<10240x128xf32, #tpu.memory_space<vmem_shared>> -> memref<128x128xf32, #tpu.memory_space<vmem_shared>>
      tpu.enqueue_dma source(%arg7 : memref<128x128xf32, #tpu.memory_space<vmem>>) target(%dma_start3A_220 : memref<128x128xf32, #tpu.memory_space<vmem_shared>>) target_semaphore(%run_scoped3A : memref<!tpu.dma_semaphore, #tpu.memory_space<semaphore_mem>>)
      %dma_wait3A_221 = arith.constant 0 : i32
      %dma_wait3A_222 = tpu.memref_slice %arg10[%add3A_32, %dma_wait3A_221] : memref<10240x128xf32, #tpu.memory_space<vmem_shared>> -> memref<128x128xf32, #tpu.memory_space<vmem_shared>>
      %dma_wait3A_223 = arith.constant 0 : i32
      %dma_wait3A_224 = tpu.memref_slice %arg10[%add3A_32, %dma_wait3A_223] : memref<10240x128xf32, #tpu.memory_space<vmem_shared>> -> memref<128x128xf32, #tpu.memory_space<vmem_shared>>
      tpu.wait_dma2 semaphore(%run_scoped3A : memref<!tpu.dma_semaphore, #tpu.memory_space<semaphore_mem>>) src(%arg7 : memref<128x128xf32, #tpu.memory_space<vmem>>) dst(%dma_wait3A_224 : memref<128x128xf32, #tpu.memory_space<vmem_shared>>)
      tpu.yield
    }) : () -> ()
    %mul3A_33 = arith.constant 640 : i32
    %mul3A_34 = arith.muli %arg1, %mul3A_33 : i32
    %add3A_35 = arith.constant 512 : i32
    %add3A_36 = arith.addi %mul3A_34, %add3A_35 : i32
    "tpu.region"() ({
      %run_scoped3A = tpu.sem_alloc : memref<!tpu.dma_semaphore, #tpu.memory_space<semaphore_mem>>
      %dma_start3A_217 = arith.constant 0 : i32
      %dma_start3A_218 = tpu.memref_slice %arg10[%add3A_36, %dma_start3A_217] : memref<10240x128xf32, #tpu.memory_space<vmem_shared>> -> memref<128x128xf32, #tpu.memory_space<vmem_shared>>
      %dma_start3A_219 = arith.constant 0 : i32
      %dma_start3A_220 = tpu.memref_slice %arg10[%add3A_36, %dma_start3A_219] : memref<10240x128xf32, #tpu.memory_space<vmem_shared>> -> memref<128x128xf32, #tpu.memory_space<vmem_shared>>
      tpu.enqueue_dma source(%arg7 : memref<128x128xf32, #tpu.memory_space<vmem>>) target(%dma_start3A_220 : memref<128x128xf32, #tpu.memory_space<vmem_shared>>) target_semaphore(%run_scoped3A : memref<!tpu.dma_semaphore, #tpu.memory_space<semaphore_mem>>)
      %dma_wait3A_221 = arith.constant 0 : i32
      %dma_wait3A_222 = tpu.memref_slice %arg10[%add3A_36, %dma_wait3A_221] : memref<10240x128xf32, #tpu.memory_space<vmem_shared>> -> memref<128x128xf32, #tpu.memory_space<vmem_shared>>
      %dma_wait3A_223 = arith.constant 0 : i32
      %dma_wait3A_224 = tpu.memref_slice %arg10[%add3A_36, %dma_wait3A_223] : memref<10240x128xf32, #tpu.memory_space<vmem_shared>> -> memref<128x128xf32, #tpu.memory_space<vmem_shared>>
      tpu.wait_dma2 semaphore(%run_scoped3A : memref<!tpu.dma_semaphore, #tpu.memory_space<semaphore_mem>>) src(%arg7 : memref<128x128xf32, #tpu.memory_space<vmem>>) dst(%dma_wait3A_224 : memref<128x128xf32, #tpu.memory_space<vmem_shared>>)
      tpu.yield
    }) : () -> ()
    %barrier3A = arith.constant 0 : index
    tpu.barrier barrier_id(%barrier3A)
    %eq3A = arith.constant 0 : i32
    %eq3A_37 = arith.cmpi eq, %arg0, %eq3A : i32
    %jit3A = arith.constant 120 : i32
    %jit3A_38 = arith.constant 40 : i32
    %select_n3A = arith.select %eq3A_37, %jit3A, %jit3A_38 : i32
    %mul3A_39 = arith.constant 1920 : i32
    %mul3A_40 = arith.muli %arg0, %mul3A_39 : i32
    %mul3A_41 = arith.muli %arg1, %select_n3A : i32
    %add3A_42 = arith.addi %mul3A_40, %mul3A_41 : i32
    %add3A_43 = arith.constant 0 : i32
    %add3A_44 = arith.addi %add3A_42, %add3A_43 : i32
    %dma_start3A = arith.constant 0 : i32
    %dma_start3A_45 = arith.constant 0 : i32
    %dma_start3A_46 = arith.constant 0 : i32
    %dma_start3A_47 = tpu.memref_slice %arg6[%dma_start3A, %dma_start3A_45, %dma_start3A_46] : memref<4x2x128xi32, #tpu.memory_space<vmem>> -> memref<1x2x128xi32, #tpu.memory_space<vmem>>
    %dma_start3A_48 = tpu.memref_squeeze %dma_start3A_47 : memref<1x2x128xi32, #tpu.memory_space<vmem>> -> memref<2x128xi32, #tpu.memory_space<vmem>>
    %dma_start3A_49 = arith.constant 0 : i32
    %dma_start3A_50 = arith.constant 0 : i32
    %dma_start3A_51 = tpu.memref_slice %arg3[%add3A_44, %dma_start3A_49, %dma_start3A_50] : memref<2560x2x128xi32, #tpu.memory_space<hbm>> -> memref<1x2x128xi32, #tpu.memory_space<hbm>>
    %dma_start3A_52 = tpu.memref_squeeze %dma_start3A_51 : memref<1x2x128xi32, #tpu.memory_space<hbm>> -> memref<2x128xi32, #tpu.memory_space<hbm>>
    %dma_start3A_53 = arith.constant 0 : i32
    %dma_start3A_54 = arith.constant 0 : i32
    %dma_start3A_55 = tpu.memref_slice %arg6[%dma_start3A, %dma_start3A_53, %dma_start3A_54] : memref<4x2x128xi32, #tpu.memory_space<vmem>> -> memref<1x2x128xi32, #tpu.memory_space<vmem>>
    %dma_start3A_56 = tpu.memref_squeeze %dma_start3A_55 : memref<1x2x128xi32, #tpu.memory_space<vmem>> -> memref<2x128xi32, #tpu.memory_space<vmem>>
    %dma_start3A_57 = arith.constant 0 : i32
    %dma_start3A_58 = arith.constant 0 : i32
    %dma_start3A_59 = tpu.memref_slice %arg3[%add3A_44, %dma_start3A_57, %dma_start3A_58] : memref<2560x2x128xi32, #tpu.memory_space<hbm>> -> memref<1x2x128xi32, #tpu.memory_space<hbm>>
    %dma_start3A_60 = tpu.memref_squeeze %dma_start3A_59 : memref<1x2x128xi32, #tpu.memory_space<hbm>> -> memref<2x128xi32, #tpu.memory_space<hbm>>
    tpu.enqueue_dma source(%dma_start3A_60 : memref<2x128xi32, #tpu.memory_space<hbm>>) target(%dma_start3A_56 : memref<2x128xi32, #tpu.memory_space<vmem>>) target_semaphore(%arg11 : memref<!tpu.dma_semaphore, #tpu.memory_space<semaphore_mem>>)
    %add3A_61 = arith.constant 1 : i32
    %add3A_62 = arith.addi %add3A_42, %add3A_61 : i32
    %dma_start3A_63 = arith.constant 1 : i32
    %dma_start3A_64 = arith.constant 0 : i32
    %dma_start3A_65 = arith.constant 0 : i32
    %dma_start3A_66 = tpu.memref_slice %arg6[%dma_start3A_63, %dma_start3A_64, %dma_start3A_65] : memref<4x2x128xi32, #tpu.memory_space<vmem>> -> memref<1x2x128xi32, #tpu.memory_space<vmem>>
    %dma_start3A_67 = tpu.memref_squeeze %dma_start3A_66 : memref<1x2x128xi32, #tpu.memory_space<vmem>> -> memref<2x128xi32, #tpu.memory_space<vmem>>
    %dma_start3A_68 = arith.constant 0 : i32
    %dma_start3A_69 = arith.constant 0 : i32
    %dma_start3A_70 = tpu.memref_slice %arg3[%add3A_62, %dma_start3A_68, %dma_start3A_69] : memref<2560x2x128xi32, #tpu.memory_space<hbm>> -> memref<1x2x128xi32, #tpu.memory_space<hbm>>
    %dma_start3A_71 = tpu.memref_squeeze %dma_start3A_70 : memref<1x2x128xi32, #tpu.memory_space<hbm>> -> memref<2x128xi32, #tpu.memory_space<hbm>>
    %dma_start3A_72 = arith.constant 0 : i32
    %dma_start3A_73 = arith.constant 0 : i32
    %dma_start3A_74 = tpu.memref_slice %arg6[%dma_start3A_63, %dma_start3A_72, %dma_start3A_73] : memref<4x2x128xi32, #tpu.memory_space<vmem>> -> memref<1x2x128xi32, #tpu.memory_space<vmem>>
    %dma_start3A_75 = tpu.memref_squeeze %dma_start3A_74 : memref<1x2x128xi32, #tpu.memory_space<vmem>> -> memref<2x128xi32, #tpu.memory_space<vmem>>
    %dma_start3A_76 = arith.constant 0 : i32
    %dma_start3A_77 = arith.constant 0 : i32
    %dma_start3A_78 = tpu.memref_slice %arg3[%add3A_62, %dma_start3A_76, %dma_start3A_77] : memref<2560x2x128xi32, #tpu.memory_space<hbm>> -> memref<1x2x128xi32, #tpu.memory_space<hbm>>
    %dma_start3A_79 = tpu.memref_squeeze %dma_start3A_78 : memref<1x2x128xi32, #tpu.memory_space<hbm>> -> memref<2x128xi32, #tpu.memory_space<hbm>>
    tpu.enqueue_dma source(%dma_start3A_79 : memref<2x128xi32, #tpu.memory_space<hbm>>) target(%dma_start3A_75 : memref<2x128xi32, #tpu.memory_space<vmem>>) target_semaphore(%arg12 : memref<!tpu.dma_semaphore, #tpu.memory_space<semaphore_mem>>)
    %add3A_80 = arith.constant 2 : i32
    %add3A_81 = arith.addi %add3A_42, %add3A_80 : i32
    %dma_start3A_82 = arith.constant 2 : i32
    %dma_start3A_83 = arith.constant 0 : i32
    %dma_start3A_84 = arith.constant 0 : i32
    %dma_start3A_85 = tpu.memref_slice %arg6[%dma_start3A_82, %dma_start3A_83, %dma_start3A_84] : memref<4x2x128xi32, #tpu.memory_space<vmem>> -> memref<1x2x128xi32, #tpu.memory_space<vmem>>
    %dma_start3A_86 = tpu.memref_squeeze %dma_start3A_85 : memref<1x2x128xi32, #tpu.memory_space<vmem>> -> memref<2x128xi32, #tpu.memory_space<vmem>>
    %dma_start3A_87 = arith.constant 0 : i32
    %dma_start3A_88 = arith.constant 0 : i32
    %dma_start3A_89 = tpu.memref_slice %arg3[%add3A_81, %dma_start3A_87, %dma_start3A_88] : memref<2560x2x128xi32, #tpu.memory_space<hbm>> -> memref<1x2x128xi32, #tpu.memory_space<hbm>>
    %dma_start3A_90 = tpu.memref_squeeze %dma_start3A_89 : memref<1x2x128xi32, #tpu.memory_space<hbm>> -> memref<2x128xi32, #tpu.memory_space<hbm>>
    %dma_start3A_91 = arith.constant 0 : i32
    %dma_start3A_92 = arith.constant 0 : i32
    %dma_start3A_93 = tpu.memref_slice %arg6[%dma_start3A_82, %dma_start3A_91, %dma_start3A_92] : memref<4x2x128xi32, #tpu.memory_space<vmem>> -> memref<1x2x128xi32, #tpu.memory_space<vmem>>
    %dma_start3A_94 = tpu.memref_squeeze %dma_start3A_93 : memref<1x2x128xi32, #tpu.memory_space<vmem>> -> memref<2x128xi32, #tpu.memory_space<vmem>>
    %dma_start3A_95 = arith.constant 0 : i32
    %dma_start3A_96 = arith.constant 0 : i32
    %dma_start3A_97 = tpu.memref_slice %arg3[%add3A_81, %dma_start3A_95, %dma_start3A_96] : memref<2560x2x128xi32, #tpu.memory_space<hbm>> -> memref<1x2x128xi32, #tpu.memory_space<hbm>>
    %dma_start3A_98 = tpu.memref_squeeze %dma_start3A_97 : memref<1x2x128xi32, #tpu.memory_space<hbm>> -> memref<2x128xi32, #tpu.memory_space<hbm>>
    tpu.enqueue_dma source(%dma_start3A_98 : memref<2x128xi32, #tpu.memory_space<hbm>>) target(%dma_start3A_94 : memref<2x128xi32, #tpu.memory_space<vmem>>) target_semaphore(%arg13 : memref<!tpu.dma_semaphore, #tpu.memory_space<semaphore_mem>>)
    %add3A_99 = arith.constant 3 : i32
    %add3A_100 = arith.addi %add3A_42, %add3A_99 : i32
    %dma_start3A_101 = arith.constant 3 : i32
    %dma_start3A_102 = arith.constant 0 : i32
    %dma_start3A_103 = arith.constant 0 : i32
    %dma_start3A_104 = tpu.memref_slice %arg6[%dma_start3A_101, %dma_start3A_102, %dma_start3A_103] : memref<4x2x128xi32, #tpu.memory_space<vmem>> -> memref<1x2x128xi32, #tpu.memory_space<vmem>>
    %dma_start3A_105 = tpu.memref_squeeze %dma_start3A_104 : memref<1x2x128xi32, #tpu.memory_space<vmem>> -> memref<2x128xi32, #tpu.memory_space<vmem>>
    %dma_start3A_106 = arith.constant 0 : i32
    %dma_start3A_107 = arith.constant 0 : i32
    %dma_start3A_108 = tpu.memref_slice %arg3[%add3A_100, %dma_start3A_106, %dma_start3A_107] : memref<2560x2x128xi32, #tpu.memory_space<hbm>> -> memref<1x2x128xi32, #tpu.memory_space<hbm>>
    %dma_start3A_109 = tpu.memref_squeeze %dma_start3A_108 : memref<1x2x128xi32, #tpu.memory_space<hbm>> -> memref<2x128xi32, #tpu.memory_space<hbm>>
    %dma_start3A_110 = arith.constant 0 : i32
    %dma_start3A_111 = arith.constant 0 : i32
    %dma_start3A_112 = tpu.memref_slice %arg6[%dma_start3A_101, %dma_start3A_110, %dma_start3A_111] : memref<4x2x128xi32, #tpu.memory_space<vmem>> -> memref<1x2x128xi32, #tpu.memory_space<vmem>>
    %dma_start3A_113 = tpu.memref_squeeze %dma_start3A_112 : memref<1x2x128xi32, #tpu.memory_space<vmem>> -> memref<2x128xi32, #tpu.memory_space<vmem>>
    %dma_start3A_114 = arith.constant 0 : i32
    %dma_start3A_115 = arith.constant 0 : i32
    %dma_start3A_116 = tpu.memref_slice %arg3[%add3A_100, %dma_start3A_114, %dma_start3A_115] : memref<2560x2x128xi32, #tpu.memory_space<hbm>> -> memref<1x2x128xi32, #tpu.memory_space<hbm>>
    %dma_start3A_117 = tpu.memref_squeeze %dma_start3A_116 : memref<1x2x128xi32, #tpu.memory_space<hbm>> -> memref<2x128xi32, #tpu.memory_space<hbm>>
    tpu.enqueue_dma source(%dma_start3A_117 : memref<2x128xi32, #tpu.memory_space<hbm>>) target(%dma_start3A_113 : memref<2x128xi32, #tpu.memory_space<vmem>>) target_semaphore(%arg14 : memref<!tpu.dma_semaphore, #tpu.memory_space<semaphore_mem>>)
    %dma_wait3A = arith.constant 0 : i32
    %dma_wait3A_118 = arith.constant 0 : i32
    %dma_wait3A_119 = arith.constant 0 : i32
    %dma_wait3A_120 = tpu.memref_slice %arg6[%dma_wait3A, %dma_wait3A_118, %dma_wait3A_119] : memref<4x2x128xi32, #tpu.memory_space<vmem>> -> memref<1x2x128xi32, #tpu.memory_space<vmem>>
    %dma_wait3A_121 = tpu.memref_squeeze %dma_wait3A_120 : memref<1x2x128xi32, #tpu.memory_space<vmem>> -> memref<2x128xi32, #tpu.memory_space<vmem>>
    %dma_wait3A_122 = arith.constant 0 : i32
    %dma_wait3A_123 = arith.constant 0 : i32
    %dma_wait3A_124 = tpu.memref_slice %arg3[%add3A_42, %dma_wait3A_122, %dma_wait3A_123] : memref<2560x2x128xi32, #tpu.memory_space<hbm>> -> memref<1x2x128xi32, #tpu.memory_space<hbm>>
    %dma_wait3A_125 = tpu.memref_squeeze %dma_wait3A_124 : memref<1x2x128xi32, #tpu.memory_space<hbm>> -> memref<2x128xi32, #tpu.memory_space<hbm>>
    %dma_wait3A_126 = arith.constant 0 : i32
    %dma_wait3A_127 = arith.constant 0 : i32
    %dma_wait3A_128 = tpu.memref_slice %arg6[%dma_wait3A, %dma_wait3A_126, %dma_wait3A_127] : memref<4x2x128xi32, #tpu.memory_space<vmem>> -> memref<1x2x128xi32, #tpu.memory_space<vmem>>
    %dma_wait3A_129 = tpu.memref_squeeze %dma_wait3A_128 : memref<1x2x128xi32, #tpu.memory_space<vmem>> -> memref<2x128xi32, #tpu.memory_space<vmem>>
    %dma_wait3A_130 = arith.constant 0 : i32
    %dma_wait3A_131 = arith.constant 0 : i32
    %dma_wait3A_132 = tpu.memref_slice %arg3[%add3A_42, %dma_wait3A_130, %dma_wait3A_131] : memref<2560x2x128xi32, #tpu.memory_space<hbm>> -> memref<1x2x128xi32, #tpu.memory_space<hbm>>
    %dma_wait3A_133 = tpu.memref_squeeze %dma_wait3A_132 : memref<1x2x128xi32, #tpu.memory_space<hbm>> -> memref<2x128xi32, #tpu.memory_space<hbm>>
    tpu.wait_dma2 semaphore(%arg11 : memref<!tpu.dma_semaphore, #tpu.memory_space<semaphore_mem>>) src(%dma_wait3A_133 : memref<2x128xi32, #tpu.memory_space<hbm>>) dst(%dma_wait3A_129 : memref<2x128xi32, #tpu.memory_space<vmem>>)
    %dma_start3A_134 = arith.constant 0 : i32
    %dma_start3A_135 = arith.constant 0 : i32
    %dma_start3A_136 = arith.constant 0 : i32
    %dma_start3A_137 = tpu.memref_slice %arg6[%dma_start3A_134, %dma_start3A_135, %dma_start3A_136] : memref<4x2x128xi32, #tpu.memory_space<vmem>> -> memref<1x1x128xi32, #tpu.memory_space<vmem>>
    %dma_start3A_138 = tpu.memref_squeeze %dma_start3A_137 : memref<1x1x128xi32, #tpu.memory_space<vmem>> -> memref<128xi32, #tpu.memory_space<vmem>>
    %dma_start3A_139 = arith.constant 0 : i32
    %dma_start3A_140 = arith.constant 0 : i32
    %dma_start3A_141 = tpu.memref_slice %arg2[%dma_start3A_139, %dma_start3A_140] : memref<10240x128xf32, #tpu.memory_space<hbm>> -> memref<10240x128xf32, #tpu.memory_space<hbm>>
    tpu.enqueue_indirect_dma source(%dma_start3A_141 : memref<10240x128xf32, #tpu.memory_space<hbm>>) target(%arg7 : memref<128x128xf32, #tpu.memory_space<vmem>>) offsets(%dma_start3A_138 : memref<128xi32, #tpu.memory_space<vmem>>) semaphore(%arg15 : memref<!tpu.dma_semaphore, #tpu.memory_space<semaphore_mem>>)
    %dma_wait3A_142 = arith.constant 1 : i32
    %dma_wait3A_143 = arith.constant 0 : i32
    %dma_wait3A_144 = arith.constant 0 : i32
    %dma_wait3A_145 = tpu.memref_slice %arg6[%dma_wait3A_142, %dma_wait3A_143, %dma_wait3A_144] : memref<4x2x128xi32, #tpu.memory_space<vmem>> -> memref<1x2x128xi32, #tpu.memory_space<vmem>>
    %dma_wait3A_146 = tpu.memref_squeeze %dma_wait3A_145 : memref<1x2x128xi32, #tpu.memory_space<vmem>> -> memref<2x128xi32, #tpu.memory_space<vmem>>
    %dma_wait3A_147 = arith.constant 0 : i32
    %dma_wait3A_148 = arith.constant 0 : i32
    %dma_wait3A_149 = tpu.memref_slice %arg3[%add3A_42, %dma_wait3A_147, %dma_wait3A_148] : memref<2560x2x128xi32, #tpu.memory_space<hbm>> -> memref<1x2x128xi32, #tpu.memory_space<hbm>>
    %dma_wait3A_150 = tpu.memref_squeeze %dma_wait3A_149 : memref<1x2x128xi32, #tpu.memory_space<hbm>> -> memref<2x128xi32, #tpu.memory_space<hbm>>
    %dma_wait3A_151 = arith.constant 0 : i32
    %dma_wait3A_152 = arith.constant 0 : i32
    %dma_wait3A_153 = tpu.memref_slice %arg6[%dma_wait3A_142, %dma_wait3A_151, %dma_wait3A_152] : memref<4x2x128xi32, #tpu.memory_space<vmem>> -> memref<1x2x128xi32, #tpu.memory_space<vmem>>
    %dma_wait3A_154 = tpu.memref_squeeze %dma_wait3A_153 : memref<1x2x128xi32, #tpu.memory_space<vmem>> -> memref<2x128xi32, #tpu.memory_space<vmem>>
    %dma_wait3A_155 = arith.constant 0 : i32
    %dma_wait3A_156 = arith.constant 0 : i32
    %dma_wait3A_157 = tpu.memref_slice %arg3[%add3A_42, %dma_wait3A_155, %dma_wait3A_156] : memref<2560x2x128xi32, #tpu.memory_space<hbm>> -> memref<1x2x128xi32, #tpu.memory_space<hbm>>
    %dma_wait3A_158 = tpu.memref_squeeze %dma_wait3A_157 : memref<1x2x128xi32, #tpu.memory_space<hbm>> -> memref<2x128xi32, #tpu.memory_space<hbm>>
    tpu.wait_dma2 semaphore(%arg12 : memref<!tpu.dma_semaphore, #tpu.memory_space<semaphore_mem>>) src(%dma_wait3A_158 : memref<2x128xi32, #tpu.memory_space<hbm>>) dst(%dma_wait3A_154 : memref<2x128xi32, #tpu.memory_space<vmem>>)
    %dma_start3A_159 = arith.constant 1 : i32
    %dma_start3A_160 = arith.constant 0 : i32
    %dma_start3A_161 = arith.constant 0 : i32
    %dma_start3A_162 = tpu.memref_slice %arg6[%dma_start3A_159, %dma_start3A_160, %dma_start3A_161] : memref<4x2x128xi32, #tpu.memory_space<vmem>> -> memref<1x1x128xi32, #tpu.memory_space<vmem>>
    %dma_start3A_163 = tpu.memref_squeeze %dma_start3A_162 : memref<1x1x128xi32, #tpu.memory_space<vmem>> -> memref<128xi32, #tpu.memory_space<vmem>>
    %dma_start3A_164 = arith.constant 0 : i32
    %dma_start3A_165 = arith.constant 0 : i32
    %dma_start3A_166 = tpu.memref_slice %arg2[%dma_start3A_164, %dma_start3A_165] : memref<10240x128xf32, #tpu.memory_space<hbm>> -> memref<10240x128xf32, #tpu.memory_space<hbm>>
    tpu.enqueue_indirect_dma source(%dma_start3A_166 : memref<10240x128xf32, #tpu.memory_space<hbm>>) target(%arg8 : memref<128x128xf32, #tpu.memory_space<vmem>>) offsets(%dma_start3A_163 : memref<128xi32, #tpu.memory_space<vmem>>) semaphore(%arg16 : memref<!tpu.dma_semaphore, #tpu.memory_space<semaphore_mem>>)
    %jit3A_167 = arith.constant 4 : i32
    %div3A = arith.divsi %select_n3A, %jit3A_167 : i32
    %sign3A = arith.constant 0 : i32
    %sign3A_168 = arith.cmpi sgt, %select_n3A, %sign3A : i32
    %sign3A_169 = arith.extui %sign3A_168 : i1 to i32
    %sign3A_170 = arith.constant 0 : i32
    %sign3A_171 = arith.cmpi slt, %select_n3A, %sign3A_170 : i32
    %sign3A_172 = arith.extui %sign3A_171 : i1 to i32
    %sign3A_173 = arith.subi %sign3A_169, %sign3A_172 : i32
    %sign3A_174 = arith.constant 0 : i32
    %sign3A_175 = arith.cmpi sgt, %jit3A_167, %sign3A_174 : i32
    %sign3A_176 = arith.extui %sign3A_175 : i1 to i32
    %sign3A_177 = arith.constant 0 : i32
    %sign3A_178 = arith.cmpi slt, %jit3A_167, %sign3A_177 : i32
    %sign3A_179 = arith.extui %sign3A_178 : i1 to i32
    %sign3A_180 = arith.subi %sign3A_176, %sign3A_179 : i32
    %ne3A = arith.cmpi ne, %sign3A_173, %sign3A_180 : i32
    %rem3A = arith.remsi %select_n3A, %jit3A_167 : i32
    %ne3A_181 = arith.constant 0 : i32
    %ne3A_182 = arith.cmpi ne, %rem3A, %ne3A_181 : i32
    %and3A = arith.andi %ne3A, %ne3A_182 : i1
    %sub3A = arith.constant 1 : i32
    %sub3A_183 = arith.subi %div3A, %sub3A : i32
    %select_n3A_184 = arith.select %and3A, %sub3A_183, %div3A : i32
    %while3A = arith.constant 0 : i32
    %while3A_185 = arith.constant 0 : i32
    %while3A_186 = arith.subi %select_n3A_184, %while3A : i32
    %while3A_187 = arith.addi %while3A, %while3A_186 : i32
    %while3A_188 = arith.constant 1 : i32
    %while3A_189 = arith.divsi %while3A_186, %while3A_188 : i32
    %while3A_190 = arith.muli %while3A_189, %while3A_188 : i32
    %while3A_191 = arith.addi %while3A, %while3A_190 : i32
    %while3A_192 = arith.constant 1 : i32
    %while3A_193 = scf.for %while3A_217 = %while3A to %while3A_191 step %while3A_192 iter_args(%while3A_218 = %while3A_185) -> (i32)  : i32 {
      %mul3A_219 = arith.constant 4 : i32
      %mul3A_220 = arith.muli %while3A_217, %mul3A_219 : i32
      %add3A_221 = arith.constant 0 : i32
      %add3A_222 = arith.addi %mul3A_220, %add3A_221 : i32
      %dma_wait3A_223 = arith.constant 0 : i32
      %dma_wait3A_224 = arith.constant 0 : i32
      %dma_wait3A_225 = arith.constant 0 : i32
      %dma_wait3A_226 = tpu.memref_slice %arg6[%dma_wait3A_223, %dma_wait3A_224, %dma_wait3A_225] : memref<4x2x128xi32, #tpu.memory_space<vmem>> -> memref<1x1x128xi32, #tpu.memory_space<vmem>>
      %dma_wait3A_227 = tpu.memref_squeeze %dma_wait3A_226 : memref<1x1x128xi32, #tpu.memory_space<vmem>> -> memref<128xi32, #tpu.memory_space<vmem>>
      %dma_wait3A_228 = arith.constant 0 : i32
      %dma_wait3A_229 = arith.constant 0 : i32
      %dma_wait3A_230 = tpu.memref_slice %arg2[%dma_wait3A_228, %dma_wait3A_229] : memref<10240x128xf32, #tpu.memory_space<hbm>> -> memref<10240x128xf32, #tpu.memory_space<hbm>>
      tpu.wait_indirect_dma semaphore(%arg15 : memref<!tpu.dma_semaphore, #tpu.memory_space<semaphore_mem>>) src(%dma_wait3A_230 : memref<10240x128xf32, #tpu.memory_space<hbm>>) dst(%arg7 : memref<128x128xf32, #tpu.memory_space<vmem>>)
      %dma_start3A_231 = arith.constant 0 : i32
      %dma_start3A_232 = arith.constant 1 : i32
      %dma_start3A_233 = arith.constant 0 : i32
      %dma_start3A_234 = tpu.memref_slice %arg6[%dma_start3A_231, %dma_start3A_232, %dma_start3A_233] : memref<4x2x128xi32, #tpu.memory_space<vmem>> -> memref<1x1x128xi32, #tpu.memory_space<vmem>>
      %dma_start3A_235 = tpu.memref_squeeze %dma_start3A_234 : memref<1x1x128xi32, #tpu.memory_space<vmem>> -> memref<128xi32, #tpu.memory_space<vmem>>
      %dma_start3A_236 = arith.constant 0 : i32
      %dma_start3A_237 = arith.constant 0 : i32
      %dma_start3A_238 = tpu.memref_slice %arg10[%dma_start3A_236, %dma_start3A_237] : memref<10240x128xf32, #tpu.memory_space<vmem_shared>> -> memref<10240x128xf32, #tpu.memory_space<vmem_shared>>
      tpu.enqueue_indirect_dma source(%arg7 : memref<128x128xf32, #tpu.memory_space<vmem>>) target(%dma_start3A_238 : memref<10240x128xf32, #tpu.memory_space<vmem_shared>>) offsets(%dma_start3A_235 : memref<128xi32, #tpu.memory_space<vmem>>) semaphore(%arg17 : memref<!tpu.dma_semaphore, #tpu.memory_space<semaphore_mem>>) {add = true}
      %get3A = arith.constant 0 : i32
      %get3A_239 = arith.constant 1 : i32
      %get3A_240 = arith.index_cast %get3A : i32 to index
      %get3A_241 = arith.index_cast %get3A_239 : i32 to index
      %get3A_242 = arith.constant 0 : index
      %get3A_243 = tpu.vector_load %arg6[%get3A_240, %get3A_241, %get3A_242] {strides = array<i32>} : memref<4x2x128xi32, #tpu.memory_space<vmem>>, vector<16xi32>,
      tpu.vector_store_idx %arg9[%get3A_243], %broadcast_in_dim3A_3 {add = true} : memref<10240xf32, #tpu.memory_space<vmem>>[vector<16xi32>], vector<16xf32>,
      %get3A_244 = arith.constant 0 : i32
      %get3A_245 = arith.constant 1 : i32
      %get3A_246 = arith.index_cast %get3A_244 : i32 to index
      %get3A_247 = arith.index_cast %get3A_245 : i32 to index
      %get3A_248 = arith.constant 16 : index
      %get3A_249 = tpu.vector_load %arg6[%get3A_246, %get3A_247, %get3A_248] {strides = array<i32>} : memref<4x2x128xi32, #tpu.memory_space<vmem>>, vector<16xi32>,
      tpu.vector_store_idx %arg9[%get3A_249], %broadcast_in_dim3A_3 {add = true} : memref<10240xf32, #tpu.memory_space<vmem>>[vector<16xi32>], vector<16xf32>,
      %get3A_250 = arith.constant 0 : i32
      %get3A_251 = arith.constant 1 : i32
      %get3A_252 = arith.index_cast %get3A_250 : i32 to index
      %get3A_253 = arith.index_cast %get3A_251 : i32 to index
      %get3A_254 = arith.constant 32 : index
      %get3A_255 = tpu.vector_load %arg6[%get3A_252, %get3A_253, %get3A_254] {strides = array<i32>} : memref<4x2x128xi32, #tpu.memory_space<vmem>>, vector<16xi32>,
      tpu.vector_store_idx %arg9[%get3A_255], %broadcast_in_dim3A_3 {add = true} : memref<10240xf32, #tpu.memory_space<vmem>>[vector<16xi32>], vector<16xf32>,
      %get3A_256 = arith.constant 0 : i32
      %get3A_257 = arith.constant 1 : i32
      %get3A_258 = arith.index_cast %get3A_256 : i32 to index
      %get3A_259 = arith.index_cast %get3A_257 : i32 to index
      %get3A_260 = arith.constant 48 : index
      %get3A_261 = tpu.vector_load %arg6[%get3A_258, %get3A_259, %get3A_260] {strides = array<i32>} : memref<4x2x128xi32, #tpu.memory_space<vmem>>, vector<16xi32>,
      tpu.vector_store_idx %arg9[%get3A_261], %broadcast_in_dim3A_3 {add = true} : memref<10240xf32, #tpu.memory_space<vmem>>[vector<16xi32>], vector<16xf32>,
      %get3A_262 = arith.constant 0 : i32
      %get3A_263 = arith.constant 1 : i32
      %get3A_264 = arith.index_cast %get3A_262 : i32 to index
      %get3A_265 = arith.index_cast %get3A_263 : i32 to index
      %get3A_266 = arith.constant 64 : index
      %get3A_267 = tpu.vector_load %arg6[%get3A_264, %get3A_265, %get3A_266] {strides = array<i32>} : memref<4x2x128xi32, #tpu.memory_space<vmem>>, vector<16xi32>,
      tpu.vector_store_idx %arg9[%get3A_267], %broadcast_in_dim3A_3 {add = true} : memref<10240xf32, #tpu.memory_space<vmem>>[vector<16xi32>], vector<16xf32>,
      %get3A_268 = arith.constant 0 : i32
      %get3A_269 = arith.constant 1 : i32
      %get3A_270 = arith.index_cast %get3A_268 : i32 to index
      %get3A_271 = arith.index_cast %get3A_269 : i32 to index
      %get3A_272 = arith.constant 80 : index
      %get3A_273 = tpu.vector_load %arg6[%get3A_270, %get3A_271, %get3A_272] {strides = array<i32>} : memref<4x2x128xi32, #tpu.memory_space<vmem>>, vector<16xi32>,
      tpu.vector_store_idx %arg9[%get3A_273], %broadcast_in_dim3A_3 {add = true} : memref<10240xf32, #tpu.memory_space<vmem>>[vector<16xi32>], vector<16xf32>,
      %get3A_274 = arith.constant 0 : i32
      %get3A_275 = arith.constant 1 : i32
      %get3A_276 = arith.index_cast %get3A_274 : i32 to index
      %get3A_277 = arith.index_cast %get3A_275 : i32 to index
      %get3A_278 = arith.constant 96 : index
      %get3A_279 = tpu.vector_load %arg6[%get3A_276, %get3A_277, %get3A_278] {strides = array<i32>} : memref<4x2x128xi32, #tpu.memory_space<vmem>>, vector<16xi32>,
      tpu.vector_store_idx %arg9[%get3A_279], %broadcast_in_dim3A_3 {add = true} : memref<10240xf32, #tpu.memory_space<vmem>>[vector<16xi32>], vector<16xf32>,
      %get3A_280 = arith.constant 0 : i32
      %get3A_281 = arith.constant 1 : i32
      %get3A_282 = arith.index_cast %get3A_280 : i32 to index
      %get3A_283 = arith.index_cast %get3A_281 : i32 to index
      %get3A_284 = arith.constant 112 : index
      %get3A_285 = tpu.vector_load %arg6[%get3A_282, %get3A_283, %get3A_284] {strides = array<i32>} : memref<4x2x128xi32, #tpu.memory_space<vmem>>, vector<16xi32>,
      tpu.vector_store_idx %arg9[%get3A_285], %broadcast_in_dim3A_3 {add = true} : memref<10240xf32, #tpu.memory_space<vmem>>[vector<16xi32>], vector<16xf32>,
      %dma_wait3A_286 = arith.constant 0 : i32
      %dma_wait3A_287 = arith.constant 1 : i32
      %dma_wait3A_288 = arith.constant 0 : i32
      %dma_wait3A_289 = tpu.memref_slice %arg6[%dma_wait3A_286, %dma_wait3A_287, %dma_wait3A_288] : memref<4x2x128xi32, #tpu.memory_space<vmem>> -> memref<1x1x128xi32, #tpu.memory_space<vmem>>
      %dma_wait3A_290 = tpu.memref_squeeze %dma_wait3A_289 : memref<1x1x128xi32, #tpu.memory_space<vmem>> -> memref<128xi32, #tpu.memory_space<vmem>>
      %dma_wait3A_291 = arith.constant 0 : i32
      %dma_wait3A_292 = arith.constant 0 : i32
      %dma_wait3A_293 = tpu.memref_slice %arg10[%dma_wait3A_291, %dma_wait3A_292] : memref<10240x128xf32, #tpu.memory_space<vmem_shared>> -> memref<10240x128xf32, #tpu.memory_space<vmem_shared>>
      tpu.wait_indirect_dma semaphore(%arg17 : memref<!tpu.dma_semaphore, #tpu.memory_space<semaphore_mem>>) src(%arg7 : memref<128x128xf32, #tpu.memory_space<vmem>>) dst(%dma_wait3A_293 : memref<10240x128xf32, #tpu.memory_space<vmem_shared>>)
      %add3A_294 = arith.constant 4 : i32
      %add3A_295 = arith.addi %add3A_222, %add3A_294 : i32
      %lt3A = arith.cmpi slt, %add3A_295, %select_n3A : i32
      %convert_element_type3A = arith.extui %lt3A : i1 to i32
      %cond3A = arith.constant 0 : i32
      %cond3A_296 = arith.cmpi ne, %convert_element_type3A, %cond3A : i32
      scf.if %cond3A_296 {
        %add3A_568 = arith.constant 4 : i32
        %add3A_569 = arith.addi %add3A_222, %add3A_568 : i32
        %add3A_570 = arith.addi %add3A_42, %add3A_569 : i32
        %dma_start3A_571 = arith.constant 0 : i32
        %dma_start3A_572 = arith.constant 0 : i32
        %dma_start3A_573 = arith.constant 0 : i32
        %dma_start3A_574 = tpu.memref_slice %arg6[%dma_start3A_571, %dma_start3A_572, %dma_start3A_573] : memref<4x2x128xi32, #tpu.memory_space<vmem>> -> memref<1x2x128xi32, #tpu.memory_space<vmem>>
        %dma_start3A_575 = tpu.memref_squeeze %dma_start3A_574 : memref<1x2x128xi32, #tpu.memory_space<vmem>> -> memref<2x128xi32, #tpu.memory_space<vmem>>
        %dma_start3A_576 = arith.constant 0 : i32
        %dma_start3A_577 = arith.constant 0 : i32
        %dma_start3A_578 = tpu.memref_slice %arg3[%add3A_570, %dma_start3A_576, %dma_start3A_577] : memref<2560x2x128xi32, #tpu.memory_space<hbm>> -> memref<1x2x128xi32, #tpu.memory_space<hbm>>
        %dma_start3A_579 = tpu.memref_squeeze %dma_start3A_578 : memref<1x2x128xi32, #tpu.memory_space<hbm>> -> memref<2x128xi32, #tpu.memory_space<hbm>>
        %dma_start3A_580 = arith.constant 0 : i32
        %dma_start3A_581 = arith.constant 0 : i32
        %dma_start3A_582 = tpu.memref_slice %arg6[%dma_start3A_571, %dma_start3A_580, %dma_start3A_581] : memref<4x2x128xi32, #tpu.memory_space<vmem>> -> memref<1x2x128xi32, #tpu.memory_space<vmem>>
        %dma_start3A_583 = tpu.memref_squeeze %dma_start3A_582 : memref<1x2x128xi32, #tpu.memory_space<vmem>> -> memref<2x128xi32, #tpu.memory_space<vmem>>
        %dma_start3A_584 = arith.constant 0 : i32
        %dma_start3A_585 = arith.constant 0 : i32
        %dma_start3A_586 = tpu.memref_slice %arg3[%add3A_570, %dma_start3A_584, %dma_start3A_585] : memref<2560x2x128xi32, #tpu.memory_space<hbm>> -> memref<1x2x128xi32, #tpu.memory_space<hbm>>
        %dma_start3A_587 = tpu.memref_squeeze %dma_start3A_586 : memref<1x2x128xi32, #tpu.memory_space<hbm>> -> memref<2x128xi32, #tpu.memory_space<hbm>>
        tpu.enqueue_dma source(%dma_start3A_587 : memref<2x128xi32, #tpu.memory_space<hbm>>) target(%dma_start3A_583 : memref<2x128xi32, #tpu.memory_space<vmem>>) target_semaphore(%arg11 : memref<!tpu.dma_semaphore, #tpu.memory_space<semaphore_mem>>)
      } else {
      }
      %add3A_297 = arith.constant 2 : i32
      %add3A_298 = arith.addi %add3A_222, %add3A_297 : i32
      %lt3A_299 = arith.cmpi slt, %add3A_298, %select_n3A : i32
      %convert_element_type3A_300 = arith.extui %lt3A_299 : i1 to i32
      %cond3A_301 = arith.constant 0 : i32
      %cond3A_302 = arith.cmpi ne, %convert_element_type3A_300, %cond3A_301 : i32
      scf.if %cond3A_302 {
        %dma_wait3A_568 = arith.constant 2 : i32
        %dma_wait3A_569 = arith.constant 0 : i32
        %dma_wait3A_570 = arith.constant 0 : i32
        %dma_wait3A_571 = tpu.memref_slice %arg6[%dma_wait3A_568, %dma_wait3A_569, %dma_wait3A_570] : memref<4x2x128xi32, #tpu.memory_space<vmem>> -> memref<1x2x128xi32, #tpu.memory_space<vmem>>
        %dma_wait3A_572 = tpu.memref_squeeze %dma_wait3A_571 : memref<1x2x128xi32, #tpu.memory_space<vmem>> -> memref<2x128xi32, #tpu.memory_space<vmem>>
        %dma_wait3A_573 = arith.constant 0 : i32
        %dma_wait3A_574 = arith.constant 0 : i32
        %dma_wait3A_575 = tpu.memref_slice %arg3[%add3A_42, %dma_wait3A_573, %dma_wait3A_574] : memref<2560x2x128xi32, #tpu.memory_space<hbm>> -> memref<1x2x128xi32, #tpu.memory_space<hbm>>
        %dma_wait3A_576 = tpu.memref_squeeze %dma_wait3A_575 : memref<1x2x128xi32, #tpu.memory_space<hbm>> -> memref<2x128xi32, #tpu.memory_space<hbm>>
        %dma_wait3A_577 = arith.constant 0 : i32
        %dma_wait3A_578 = arith.constant 0 : i32
        %dma_wait3A_579 = tpu.memref_slice %arg6[%dma_wait3A_568, %dma_wait3A_577, %dma_wait3A_578] : memref<4x2x128xi32, #tpu.memory_space<vmem>> -> memref<1x2x128xi32, #tpu.memory_space<vmem>>
        %dma_wait3A_580 = tpu.memref_squeeze %dma_wait3A_579 : memref<1x2x128xi32, #tpu.memory_space<vmem>> -> memref<2x128xi32, #tpu.memory_space<vmem>>
        %dma_wait3A_581 = arith.constant 0 : i32
        %dma_wait3A_582 = arith.constant 0 : i32
        %dma_wait3A_583 = tpu.memref_slice %arg3[%add3A_42, %dma_wait3A_581, %dma_wait3A_582] : memref<2560x2x128xi32, #tpu.memory_space<hbm>> -> memref<1x2x128xi32, #tpu.memory_space<hbm>>
        %dma_wait3A_584 = tpu.memref_squeeze %dma_wait3A_583 : memref<1x2x128xi32, #tpu.memory_space<hbm>> -> memref<2x128xi32, #tpu.memory_space<hbm>>
        tpu.wait_dma2 semaphore(%arg13 : memref<!tpu.dma_semaphore, #tpu.memory_space<semaphore_mem>>) src(%dma_wait3A_584 : memref<2x128xi32, #tpu.memory_space<hbm>>) dst(%dma_wait3A_580 : memref<2x128xi32, #tpu.memory_space<vmem>>)
        %dma_start3A_585 = arith.constant 2 : i32
        %dma_start3A_586 = arith.constant 0 : i32
        %dma_start3A_587 = arith.constant 0 : i32
        %dma_start3A_588 = tpu.memref_slice %arg6[%dma_start3A_585, %dma_start3A_586, %dma_start3A_587] : memref<4x2x128xi32, #tpu.memory_space<vmem>> -> memref<1x1x128xi32, #tpu.memory_space<vmem>>
        %dma_start3A_589 = tpu.memref_squeeze %dma_start3A_588 : memref<1x1x128xi32, #tpu.memory_space<vmem>> -> memref<128xi32, #tpu.memory_space<vmem>>
        %dma_start3A_590 = arith.constant 0 : i32
        %dma_start3A_591 = arith.constant 0 : i32
        %dma_start3A_592 = tpu.memref_slice %arg2[%dma_start3A_590, %dma_start3A_591] : memref<10240x128xf32, #tpu.memory_space<hbm>> -> memref<10240x128xf32, #tpu.memory_space<hbm>>
        tpu.enqueue_indirect_dma source(%dma_start3A_592 : memref<10240x128xf32, #tpu.memory_space<hbm>>) target(%arg7 : memref<128x128xf32, #tpu.memory_space<vmem>>) offsets(%dma_start3A_589 : memref<128xi32, #tpu.memory_space<vmem>>) semaphore(%arg15 : memref<!tpu.dma_semaphore, #tpu.memory_space<semaphore_mem>>)
      } else {
      }
      %mul3A_303 = arith.constant 4 : i32
      %mul3A_304 = arith.muli %while3A_217, %mul3A_303 : i32
      %add3A_305 = arith.constant 1 : i32
      %add3A_306 = arith.addi %mul3A_304, %add3A_305 : i32
      %dma_wait3A_307 = arith.constant 1 : i32
      %dma_wait3A_308 = arith.constant 0 : i32
      %dma_wait3A_309 = arith.constant 0 : i32
      %dma_wait3A_310 = tpu.memref_slice %arg6[%dma_wait3A_307, %dma_wait3A_308, %dma_wait3A_309] : memref<4x2x128xi32, #tpu.memory_space<vmem>> -> memref<1x1x128xi32, #tpu.memory_space<vmem>>
      %dma_wait3A_311 = tpu.memref_squeeze %dma_wait3A_310 : memref<1x1x128xi32, #tpu.memory_space<vmem>> -> memref<128xi32, #tpu.memory_space<vmem>>
      %dma_wait3A_312 = arith.constant 0 : i32
      %dma_wait3A_313 = arith.constant 0 : i32
      %dma_wait3A_314 = tpu.memref_slice %arg2[%dma_wait3A_312, %dma_wait3A_313] : memref<10240x128xf32, #tpu.memory_space<hbm>> -> memref<10240x128xf32, #tpu.memory_space<hbm>>
      tpu.wait_indirect_dma semaphore(%arg16 : memref<!tpu.dma_semaphore, #tpu.memory_space<semaphore_mem>>) src(%dma_wait3A_314 : memref<10240x128xf32, #tpu.memory_space<hbm>>) dst(%arg8 : memref<128x128xf32, #tpu.memory_space<vmem>>)
      %dma_start3A_315 = arith.constant 1 : i32
      %dma_start3A_316 = arith.constant 1 : i32
      %dma_start3A_317 = arith.constant 0 : i32
      %dma_start3A_318 = tpu.memref_slice %arg6[%dma_start3A_315, %dma_start3A_316, %dma_start3A_317] : memref<4x2x128xi32, #tpu.memory_space<vmem>> -> memref<1x1x128xi32, #tpu.memory_space<vmem>>
      %dma_start3A_319 = tpu.memref_squeeze %dma_start3A_318 : memref<1x1x128xi32, #tpu.memory_space<vmem>> -> memref<128xi32, #tpu.memory_space<vmem>>
      %dma_start3A_320 = arith.constant 0 : i32
      %dma_start3A_321 = arith.constant 0 : i32
      %dma_start3A_322 = tpu.memref_slice %arg10[%dma_start3A_320, %dma_start3A_321] : memref<10240x128xf32, #tpu.memory_space<vmem_shared>> -> memref<10240x128xf32, #tpu.memory_space<vmem_shared>>
      tpu.enqueue_indirect_dma source(%arg8 : memref<128x128xf32, #tpu.memory_space<vmem>>) target(%dma_start3A_322 : memref<10240x128xf32, #tpu.memory_space<vmem_shared>>) offsets(%dma_start3A_319 : memref<128xi32, #tpu.memory_space<vmem>>) semaphore(%arg18 : memref<!tpu.dma_semaphore, #tpu.memory_space<semaphore_mem>>) {add = true}
      %get3A_323 = arith.constant 1 : i32
      %get3A_324 = arith.constant 1 : i32
      %get3A_325 = arith.index_cast %get3A_323 : i32 to index
      %get3A_326 = arith.index_cast %get3A_324 : i32 to index
      %get3A_327 = arith.constant 0 : index
      %get3A_328 = tpu.vector_load %arg6[%get3A_325, %get3A_326, %get3A_327] {strides = array<i32>} : memref<4x2x128xi32, #tpu.memory_space<vmem>>, vector<16xi32>,
      tpu.vector_store_idx %arg9[%get3A_328], %broadcast_in_dim3A_3 {add = true} : memref<10240xf32, #tpu.memory_space<vmem>>[vector<16xi32>], vector<16xf32>,
      %get3A_329 = arith.constant 1 : i32
      %get3A_330 = arith.constant 1 : i32
      %get3A_331 = arith.index_cast %get3A_329 : i32 to index
      %get3A_332 = arith.index_cast %get3A_330 : i32 to index
      %get3A_333 = arith.constant 16 : index
      %get3A_334 = tpu.vector_load %arg6[%get3A_331, %get3A_332, %get3A_333] {strides = array<i32>} : memref<4x2x128xi32, #tpu.memory_space<vmem>>, vector<16xi32>,
      tpu.vector_store_idx %arg9[%get3A_334], %broadcast_in_dim3A_3 {add = true} : memref<10240xf32, #tpu.memory_space<vmem>>[vector<16xi32>], vector<16xf32>,
      %get3A_335 = arith.constant 1 : i32
      %get3A_336 = arith.constant 1 : i32
      %get3A_337 = arith.index_cast %get3A_335 : i32 to index
      %get3A_338 = arith.index_cast %get3A_336 : i32 to index
      %get3A_339 = arith.constant 32 : index
      %get3A_340 = tpu.vector_load %arg6[%get3A_337, %get3A_338, %get3A_339] {strides = array<i32>} : memref<4x2x128xi32, #tpu.memory_space<vmem>>, vector<16xi32>,
      tpu.vector_store_idx %arg9[%get3A_340], %broadcast_in_dim3A_3 {add = true} : memref<10240xf32, #tpu.memory_space<vmem>>[vector<16xi32>], vector<16xf32>,
      %get3A_341 = arith.constant 1 : i32
      %get3A_342 = arith.constant 1 : i32
      %get3A_343 = arith.index_cast %get3A_341 : i32 to index
      %get3A_344 = arith.index_cast %get3A_342 : i32 to index
      %get3A_345 = arith.constant 48 : index
      %get3A_346 = tpu.vector_load %arg6[%get3A_343, %get3A_344, %get3A_345] {strides = array<i32>} : memref<4x2x128xi32, #tpu.memory_space<vmem>>, vector<16xi32>,
      tpu.vector_store_idx %arg9[%get3A_346], %broadcast_in_dim3A_3 {add = true} : memref<10240xf32, #tpu.memory_space<vmem>>[vector<16xi32>], vector<16xf32>,
      %get3A_347 = arith.constant 1 : i32
      %get3A_348 = arith.constant 1 : i32
      %get3A_349 = arith.index_cast %get3A_347 : i32 to index
      %get3A_350 = arith.index_cast %get3A_348 : i32 to index
      %get3A_351 = arith.constant 64 : index
      %get3A_352 = tpu.vector_load %arg6[%get3A_349, %get3A_350, %get3A_351] {strides = array<i32>} : memref<4x2x128xi32, #tpu.memory_space<vmem>>, vector<16xi32>,
      tpu.vector_store_idx %arg9[%get3A_352], %broadcast_in_dim3A_3 {add = true} : memref<10240xf32, #tpu.memory_space<vmem>>[vector<16xi32>], vector<16xf32>,
      %get3A_353 = arith.constant 1 : i32
      %get3A_354 = arith.constant 1 : i32
      %get3A_355 = arith.index_cast %get3A_353 : i32 to index
      %get3A_356 = arith.index_cast %get3A_354 : i32 to index
      %get3A_357 = arith.constant 80 : index
      %get3A_358 = tpu.vector_load %arg6[%get3A_355, %get3A_356, %get3A_357] {strides = array<i32>} : memref<4x2x128xi32, #tpu.memory_space<vmem>>, vector<16xi32>,
      tpu.vector_store_idx %arg9[%get3A_358], %broadcast_in_dim3A_3 {add = true} : memref<10240xf32, #tpu.memory_space<vmem>>[vector<16xi32>], vector<16xf32>,
      %get3A_359 = arith.constant 1 : i32
      %get3A_360 = arith.constant 1 : i32
      %get3A_361 = arith.index_cast %get3A_359 : i32 to index
      %get3A_362 = arith.index_cast %get3A_360 : i32 to index
      %get3A_363 = arith.constant 96 : index
      %get3A_364 = tpu.vector_load %arg6[%get3A_361, %get3A_362, %get3A_363] {strides = array<i32>} : memref<4x2x128xi32, #tpu.memory_space<vmem>>, vector<16xi32>,
      tpu.vector_store_idx %arg9[%get3A_364], %broadcast_in_dim3A_3 {add = true} : memref<10240xf32, #tpu.memory_space<vmem>>[vector<16xi32>], vector<16xf32>,
      %get3A_365 = arith.constant 1 : i32
      %get3A_366 = arith.constant 1 : i32
      %get3A_367 = arith.index_cast %get3A_365 : i32 to index
      %get3A_368 = arith.index_cast %get3A_366 : i32 to index
      %get3A_369 = arith.constant 112 : index
      %get3A_370 = tpu.vector_load %arg6[%get3A_367, %get3A_368, %get3A_369] {strides = array<i32>} : memref<4x2x128xi32, #tpu.memory_space<vmem>>, vector<16xi32>,
      tpu.vector_store_idx %arg9[%get3A_370], %broadcast_in_dim3A_3 {add = true} : memref<10240xf32, #tpu.memory_space<vmem>>[vector<16xi32>], vector<16xf32>,
      %dma_wait3A_371 = arith.constant 1 : i32
      %dma_wait3A_372 = arith.constant 1 : i32
      %dma_wait3A_373 = arith.constant 0 : i32
      %dma_wait3A_374 = tpu.memref_slice %arg6[%dma_wait3A_371, %dma_wait3A_372, %dma_wait3A_373] : memref<4x2x128xi32, #tpu.memory_space<vmem>> -> memref<1x1x128xi32, #tpu.memory_space<vmem>>
      %dma_wait3A_375 = tpu.memref_squeeze %dma_wait3A_374 : memref<1x1x128xi32, #tpu.memory_space<vmem>> -> memref<128xi32, #tpu.memory_space<vmem>>
      %dma_wait3A_376 = arith.constant 0 : i32
      %dma_wait3A_377 = arith.constant 0 : i32
      %dma_wait3A_378 = tpu.memref_slice %arg10[%dma_wait3A_376, %dma_wait3A_377] : memref<10240x128xf32, #tpu.memory_space<vmem_shared>> -> memref<10240x128xf32, #tpu.memory_space<vmem_shared>>
      tpu.wait_indirect_dma semaphore(%arg18 : memref<!tpu.dma_semaphore, #tpu.memory_space<semaphore_mem>>) src(%arg8 : memref<128x128xf32, #tpu.memory_space<vmem>>) dst(%dma_wait3A_378 : memref<10240x128xf32, #tpu.memory_space<vmem_shared>>)
      %add3A_379 = arith.constant 4 : i32
      %add3A_380 = arith.addi %add3A_306, %add3A_379 : i32
      %lt3A_381 = arith.cmpi slt, %add3A_380, %select_n3A : i32
      %convert_element_type3A_382 = arith.extui %lt3A_381 : i1 to i32
      %cond3A_383 = arith.constant 0 : i32
      %cond3A_384 = arith.cmpi ne, %convert_element_type3A_382, %cond3A_383 : i32
      scf.if %cond3A_384 {
        %add3A_568 = arith.constant 4 : i32
        %add3A_569 = arith.addi %add3A_306, %add3A_568 : i32
        %add3A_570 = arith.addi %add3A_42, %add3A_569 : i32
        %dma_start3A_571 = arith.constant 1 : i32
        %dma_start3A_572 = arith.constant 0 : i32
        %dma_start3A_573 = arith.constant 0 : i32
        %dma_start3A_574 = tpu.memref_slice %arg6[%dma_start3A_571, %dma_start3A_572, %dma_start3A_573] : memref<4x2x128xi32, #tpu.memory_space<vmem>> -> memref<1x2x128xi32, #tpu.memory_space<vmem>>
        %dma_start3A_575 = tpu.memref_squeeze %dma_start3A_574 : memref<1x2x128xi32, #tpu.memory_space<vmem>> -> memref<2x128xi32, #tpu.memory_space<vmem>>
        %dma_start3A_576 = arith.constant 0 : i32
        %dma_start3A_577 = arith.constant 0 : i32
        %dma_start3A_578 = tpu.memref_slice %arg3[%add3A_570, %dma_start3A_576, %dma_start3A_577] : memref<2560x2x128xi32, #tpu.memory_space<hbm>> -> memref<1x2x128xi32, #tpu.memory_space<hbm>>
        %dma_start3A_579 = tpu.memref_squeeze %dma_start3A_578 : memref<1x2x128xi32, #tpu.memory_space<hbm>> -> memref<2x128xi32, #tpu.memory_space<hbm>>
        %dma_start3A_580 = arith.constant 0 : i32
        %dma_start3A_581 = arith.constant 0 : i32
        %dma_start3A_582 = tpu.memref_slice %arg6[%dma_start3A_571, %dma_start3A_580, %dma_start3A_581] : memref<4x2x128xi32, #tpu.memory_space<vmem>> -> memref<1x2x128xi32, #tpu.memory_space<vmem>>
        %dma_start3A_583 = tpu.memref_squeeze %dma_start3A_582 : memref<1x2x128xi32, #tpu.memory_space<vmem>> -> memref<2x128xi32, #tpu.memory_space<vmem>>
        %dma_start3A_584 = arith.constant 0 : i32
        %dma_start3A_585 = arith.constant 0 : i32
        %dma_start3A_586 = tpu.memref_slice %arg3[%add3A_570, %dma_start3A_584, %dma_start3A_585] : memref<2560x2x128xi32, #tpu.memory_space<hbm>> -> memref<1x2x128xi32, #tpu.memory_space<hbm>>
        %dma_start3A_587 = tpu.memref_squeeze %dma_start3A_586 : memref<1x2x128xi32, #tpu.memory_space<hbm>> -> memref<2x128xi32, #tpu.memory_space<hbm>>
        tpu.enqueue_dma source(%dma_start3A_587 : memref<2x128xi32, #tpu.memory_space<hbm>>) target(%dma_start3A_583 : memref<2x128xi32, #tpu.memory_space<vmem>>) target_semaphore(%arg12 : memref<!tpu.dma_semaphore, #tpu.memory_space<semaphore_mem>>)
      } else {
      }
      %add3A_385 = arith.constant 2 : i32
      %add3A_386 = arith.addi %add3A_306, %add3A_385 : i32
      %lt3A_387 = arith.cmpi slt, %add3A_386, %select_n3A : i32
      %convert_element_type3A_388 = arith.extui %lt3A_387 : i1 to i32
      %cond3A_389 = arith.constant 0 : i32
      %cond3A_390 = arith.cmpi ne, %convert_element_type3A_388, %cond3A_389 : i32
      scf.if %cond3A_390 {
        %dma_wait3A_568 = arith.constant 3 : i32
        %dma_wait3A_569 = arith.constant 0 : i32
        %dma_wait3A_570 = arith.constant 0 : i32
        %dma_wait3A_571 = tpu.memref_slice %arg6[%dma_wait3A_568, %dma_wait3A_569, %dma_wait3A_570] : memref<4x2x128xi32, #tpu.memory_space<vmem>> -> memref<1x2x128xi32, #tpu.memory_space<vmem>>
        %dma_wait3A_572 = tpu.memref_squeeze %dma_wait3A_571 : memref<1x2x128xi32, #tpu.memory_space<vmem>> -> memref<2x128xi32, #tpu.memory_space<vmem>>
        %dma_wait3A_573 = arith.constant 0 : i32
        %dma_wait3A_574 = arith.constant 0 : i32
        %dma_wait3A_575 = tpu.memref_slice %arg3[%add3A_42, %dma_wait3A_573, %dma_wait3A_574] : memref<2560x2x128xi32, #tpu.memory_space<hbm>> -> memref<1x2x128xi32, #tpu.memory_space<hbm>>
        %dma_wait3A_576 = tpu.memref_squeeze %dma_wait3A_575 : memref<1x2x128xi32, #tpu.memory_space<hbm>> -> memref<2x128xi32, #tpu.memory_space<hbm>>
        %dma_wait3A_577 = arith.constant 0 : i32
        %dma_wait3A_578 = arith.constant 0 : i32
        %dma_wait3A_579 = tpu.memref_slice %arg6[%dma_wait3A_568, %dma_wait3A_577, %dma_wait3A_578] : memref<4x2x128xi32, #tpu.memory_space<vmem>> -> memref<1x2x128xi32, #tpu.memory_space<vmem>>
        %dma_wait3A_580 = tpu.memref_squeeze %dma_wait3A_579 : memref<1x2x128xi32, #tpu.memory_space<vmem>> -> memref<2x128xi32, #tpu.memory_space<vmem>>
        %dma_wait3A_581 = arith.constant 0 : i32
        %dma_wait3A_582 = arith.constant 0 : i32
        %dma_wait3A_583 = tpu.memref_slice %arg3[%add3A_42, %dma_wait3A_581, %dma_wait3A_582] : memref<2560x2x128xi32, #tpu.memory_space<hbm>> -> memref<1x2x128xi32, #tpu.memory_space<hbm>>
        %dma_wait3A_584 = tpu.memref_squeeze %dma_wait3A_583 : memref<1x2x128xi32, #tpu.memory_space<hbm>> -> memref<2x128xi32, #tpu.memory_space<hbm>>
        tpu.wait_dma2 semaphore(%arg14 : memref<!tpu.dma_semaphore, #tpu.memory_space<semaphore_mem>>) src(%dma_wait3A_584 : memref<2x128xi32, #tpu.memory_space<hbm>>) dst(%dma_wait3A_580 : memref<2x128xi32, #tpu.memory_space<vmem>>)
        %dma_start3A_585 = arith.constant 3 : i32
        %dma_start3A_586 = arith.constant 0 : i32
        %dma_start3A_587 = arith.constant 0 : i32
        %dma_start3A_588 = tpu.memref_slice %arg6[%dma_start3A_585, %dma_start3A_586, %dma_start3A_587] : memref<4x2x128xi32, #tpu.memory_space<vmem>> -> memref<1x1x128xi32, #tpu.memory_space<vmem>>
        %dma_start3A_589 = tpu.memref_squeeze %dma_start3A_588 : memref<1x1x128xi32, #tpu.memory_space<vmem>> -> memref<128xi32, #tpu.memory_space<vmem>>
        %dma_start3A_590 = arith.constant 0 : i32
        %dma_start3A_591 = arith.constant 0 : i32
        %dma_start3A_592 = tpu.memref_slice %arg2[%dma_start3A_590, %dma_start3A_591] : memref<10240x128xf32, #tpu.memory_space<hbm>> -> memref<10240x128xf32, #tpu.memory_space<hbm>>
        tpu.enqueue_indirect_dma source(%dma_start3A_592 : memref<10240x128xf32, #tpu.memory_space<hbm>>) target(%arg8 : memref<128x128xf32, #tpu.memory_space<vmem>>) offsets(%dma_start3A_589 : memref<128xi32, #tpu.memory_space<vmem>>) semaphore(%arg16 : memref<!tpu.dma_semaphore, #tpu.memory_space<semaphore_mem>>)
      } else {
      }
      %mul3A_391 = arith.constant 4 : i32
      %mul3A_392 = arith.muli %while3A_217, %mul3A_391 : i32
      %add3A_393 = arith.constant 2 : i32
      %add3A_394 = arith.addi %mul3A_392, %add3A_393 : i32
      %dma_wait3A_395 = arith.constant 2 : i32
      %dma_wait3A_396 = arith.constant 0 : i32
      %dma_wait3A_397 = arith.constant 0 : i32
      %dma_wait3A_398 = tpu.memref_slice %arg6[%dma_wait3A_395, %dma_wait3A_396, %dma_wait3A_397] : memref<4x2x128xi32, #tpu.memory_space<vmem>> -> memref<1x1x128xi32, #tpu.memory_space<vmem>>
      %dma_wait3A_399 = tpu.memref_squeeze %dma_wait3A_398 : memref<1x1x128xi32, #tpu.memory_space<vmem>> -> memref<128xi32, #tpu.memory_space<vmem>>
      %dma_wait3A_400 = arith.constant 0 : i32
      %dma_wait3A_401 = arith.constant 0 : i32
      %dma_wait3A_402 = tpu.memref_slice %arg2[%dma_wait3A_400, %dma_wait3A_401] : memref<10240x128xf32, #tpu.memory_space<hbm>> -> memref<10240x128xf32, #tpu.memory_space<hbm>>
      tpu.wait_indirect_dma semaphore(%arg15 : memref<!tpu.dma_semaphore, #tpu.memory_space<semaphore_mem>>) src(%dma_wait3A_402 : memref<10240x128xf32, #tpu.memory_space<hbm>>) dst(%arg7 : memref<128x128xf32, #tpu.memory_space<vmem>>)
      %dma_start3A_403 = arith.constant 2 : i32
      %dma_start3A_404 = arith.constant 1 : i32
      %dma_start3A_405 = arith.constant 0 : i32
      %dma_start3A_406 = tpu.memref_slice %arg6[%dma_start3A_403, %dma_start3A_404, %dma_start3A_405] : memref<4x2x128xi32, #tpu.memory_space<vmem>> -> memref<1x1x128xi32, #tpu.memory_space<vmem>>
      %dma_start3A_407 = tpu.memref_squeeze %dma_start3A_406 : memref<1x1x128xi32, #tpu.memory_space<vmem>> -> memref<128xi32, #tpu.memory_space<vmem>>
      %dma_start3A_408 = arith.constant 0 : i32
      %dma_start3A_409 = arith.constant 0 : i32
      %dma_start3A_410 = tpu.memref_slice %arg10[%dma_start3A_408, %dma_start3A_409] : memref<10240x128xf32, #tpu.memory_space<vmem_shared>> -> memref<10240x128xf32, #tpu.memory_space<vmem_shared>>
      tpu.enqueue_indirect_dma source(%arg7 : memref<128x128xf32, #tpu.memory_space<vmem>>) target(%dma_start3A_410 : memref<10240x128xf32, #tpu.memory_space<vmem_shared>>) offsets(%dma_start3A_407 : memref<128xi32, #tpu.memory_space<vmem>>) semaphore(%arg17 : memref<!tpu.dma_semaphore, #tpu.memory_space<semaphore_mem>>) {add = true}
      %get3A_411 = arith.constant 2 : i32
      %get3A_412 = arith.constant 1 : i32
      %get3A_413 = arith.index_cast %get3A_411 : i32 to index
      %get3A_414 = arith.index_cast %get3A_412 : i32 to index
      %get3A_415 = arith.constant 0 : index
      %get3A_416 = tpu.vector_load %arg6[%get3A_413, %get3A_414, %get3A_415] {strides = array<i32>} : memref<4x2x128xi32, #tpu.memory_space<vmem>>, vector<16xi32>,
      tpu.vector_store_idx %arg9[%get3A_416], %broadcast_in_dim3A_3 {add = true} : memref<10240xf32, #tpu.memory_space<vmem>>[vector<16xi32>], vector<16xf32>,
      %get3A_417 = arith.constant 2 : i32
      %get3A_418 = arith.constant 1 : i32
      %get3A_419 = arith.index_cast %get3A_417 : i32 to index
      %get3A_420 = arith.index_cast %get3A_418 : i32 to index
      %get3A_421 = arith.constant 16 : index
      %get3A_422 = tpu.vector_load %arg6[%get3A_419, %get3A_420, %get3A_421] {strides = array<i32>} : memref<4x2x128xi32, #tpu.memory_space<vmem>>, vector<16xi32>,
      tpu.vector_store_idx %arg9[%get3A_422], %broadcast_in_dim3A_3 {add = true} : memref<10240xf32, #tpu.memory_space<vmem>>[vector<16xi32>], vector<16xf32>,
      %get3A_423 = arith.constant 2 : i32
      %get3A_424 = arith.constant 1 : i32
      %get3A_425 = arith.index_cast %get3A_423 : i32 to index
      %get3A_426 = arith.index_cast %get3A_424 : i32 to index
      %get3A_427 = arith.constant 32 : index
      %get3A_428 = tpu.vector_load %arg6[%get3A_425, %get3A_426, %get3A_427] {strides = array<i32>} : memref<4x2x128xi32, #tpu.memory_space<vmem>>, vector<16xi32>,
      tpu.vector_store_idx %arg9[%get3A_428], %broadcast_in_dim3A_3 {add = true} : memref<10240xf32, #tpu.memory_space<vmem>>[vector<16xi32>], vector<16xf32>,
      %get3A_429 = arith.constant 2 : i32
      %get3A_430 = arith.constant 1 : i32
      %get3A_431 = arith.index_cast %get3A_429 : i32 to index
      %get3A_432 = arith.index_cast %get3A_430 : i32 to index
      %get3A_433 = arith.constant 48 : index
      %get3A_434 = tpu.vector_load %arg6[%get3A_431, %get3A_432, %get3A_433] {strides = array<i32>} : memref<4x2x128xi32, #tpu.memory_space<vmem>>, vector<16xi32>,
      tpu.vector_store_idx %arg9[%get3A_434], %broadcast_in_dim3A_3 {add = true} : memref<10240xf32, #tpu.memory_space<vmem>>[vector<16xi32>], vector<16xf32>,
      %get3A_435 = arith.constant 2 : i32
      %get3A_436 = arith.constant 1 : i32
      %get3A_437 = arith.index_cast %get3A_435 : i32 to index
      %get3A_438 = arith.index_cast %get3A_436 : i32 to index
      %get3A_439 = arith.constant 64 : index
      %get3A_440 = tpu.vector_load %arg6[%get3A_437, %get3A_438, %get3A_439] {strides = array<i32>} : memref<4x2x128xi32, #tpu.memory_space<vmem>>, vector<16xi32>,
      tpu.vector_store_idx %arg9[%get3A_440], %broadcast_in_dim3A_3 {add = true} : memref<10240xf32, #tpu.memory_space<vmem>>[vector<16xi32>], vector<16xf32>,
      %get3A_441 = arith.constant 2 : i32
      %get3A_442 = arith.constant 1 : i32
      %get3A_443 = arith.index_cast %get3A_441 : i32 to index
      %get3A_444 = arith.index_cast %get3A_442 : i32 to index
      %get3A_445 = arith.constant 80 : index
      %get3A_446 = tpu.vector_load %arg6[%get3A_443, %get3A_444, %get3A_445] {strides = array<i32>} : memref<4x2x128xi32, #tpu.memory_space<vmem>>, vector<16xi32>,
      tpu.vector_store_idx %arg9[%get3A_446], %broadcast_in_dim3A_3 {add = true} : memref<10240xf32, #tpu.memory_space<vmem>>[vector<16xi32>], vector<16xf32>,
      %get3A_447 = arith.constant 2 : i32
      %get3A_448 = arith.constant 1 : i32
      %get3A_449 = arith.index_cast %get3A_447 : i32 to index
      %get3A_450 = arith.index_cast %get3A_448 : i32 to index
      %get3A_451 = arith.constant 96 : index
      %get3A_452 = tpu.vector_load %arg6[%get3A_449, %get3A_450, %get3A_451] {strides = array<i32>} : memref<4x2x128xi32, #tpu.memory_space<vmem>>, vector<16xi32>,
      tpu.vector_store_idx %arg9[%get3A_452], %broadcast_in_dim3A_3 {add = true} : memref<10240xf32, #tpu.memory_space<vmem>>[vector<16xi32>], vector<16xf32>,
      %get3A_453 = arith.constant 2 : i32
      %get3A_454 = arith.constant 1 : i32
      %get3A_455 = arith.index_cast %get3A_453 : i32 to index
      %get3A_456 = arith.index_cast %get3A_454 : i32 to index
      %get3A_457 = arith.constant 112 : index
      %get3A_458 = tpu.vector_load %arg6[%get3A_455, %get3A_456, %get3A_457] {strides = array<i32>} : memref<4x2x128xi32, #tpu.memory_space<vmem>>, vector<16xi32>,
      tpu.vector_store_idx %arg9[%get3A_458], %broadcast_in_dim3A_3 {add = true} : memref<10240xf32, #tpu.memory_space<vmem>>[vector<16xi32>], vector<16xf32>,
      %dma_wait3A_459 = arith.constant 2 : i32
      %dma_wait3A_460 = arith.constant 1 : i32
      %dma_wait3A_461 = arith.constant 0 : i32
      %dma_wait3A_462 = tpu.memref_slice %arg6[%dma_wait3A_459, %dma_wait3A_460, %dma_wait3A_461] : memref<4x2x128xi32, #tpu.memory_space<vmem>> -> memref<1x1x128xi32, #tpu.memory_space<vmem>>
      %dma_wait3A_463 = tpu.memref_squeeze %dma_wait3A_462 : memref<1x1x128xi32, #tpu.memory_space<vmem>> -> memref<128xi32, #tpu.memory_space<vmem>>
      %dma_wait3A_464 = arith.constant 0 : i32
      %dma_wait3A_465 = arith.constant 0 : i32
      %dma_wait3A_466 = tpu.memref_slice %arg10[%dma_wait3A_464, %dma_wait3A_465] : memref<10240x128xf32, #tpu.memory_space<vmem_shared>> -> memref<10240x128xf32, #tpu.memory_space<vmem_shared>>
      tpu.wait_indirect_dma semaphore(%arg17 : memref<!tpu.dma_semaphore, #tpu.memory_space<semaphore_mem>>) src(%arg7 : memref<128x128xf32, #tpu.memory_space<vmem>>) dst(%dma_wait3A_466 : memref<10240x128xf32, #tpu.memory_space<vmem_shared>>)
      %add3A_467 = arith.constant 4 : i32
      %add3A_468 = arith.addi %add3A_394, %add3A_467 : i32
      %lt3A_469 = arith.cmpi slt, %add3A_468, %select_n3A : i32
      %convert_element_type3A_470 = arith.extui %lt3A_469 : i1 to i32
      %cond3A_471 = arith.constant 0 : i32
      %cond3A_472 = arith.cmpi ne, %convert_element_type3A_470, %cond3A_471 : i32
      scf.if %cond3A_472 {
        %add3A_568 = arith.constant 4 : i32
        %add3A_569 = arith.addi %add3A_394, %add3A_568 : i32
        %add3A_570 = arith.addi %add3A_42, %add3A_569 : i32
        %dma_start3A_571 = arith.constant 2 : i32
        %dma_start3A_572 = arith.constant 0 : i32
        %dma_start3A_573 = arith.constant 0 : i32
        %dma_start3A_574 = tpu.memref_slice %arg6[%dma_start3A_571, %dma_start3A_572, %dma_start3A_573] : memref<4x2x128xi32, #tpu.memory_space<vmem>> -> memref<1x2x128xi32, #tpu.memory_space<vmem>>
        %dma_start3A_575 = tpu.memref_squeeze %dma_start3A_574 : memref<1x2x128xi32, #tpu.memory_space<vmem>> -> memref<2x128xi32, #tpu.memory_space<vmem>>
        %dma_start3A_576 = arith.constant 0 : i32
        %dma_start3A_577 = arith.constant 0 : i32
        %dma_start3A_578 = tpu.memref_slice %arg3[%add3A_570, %dma_start3A_576, %dma_start3A_577] : memref<2560x2x128xi32, #tpu.memory_space<hbm>> -> memref<1x2x128xi32, #tpu.memory_space<hbm>>
        %dma_start3A_579 = tpu.memref_squeeze %dma_start3A_578 : memref<1x2x128xi32, #tpu.memory_space<hbm>> -> memref<2x128xi32, #tpu.memory_space<hbm>>
        %dma_start3A_580 = arith.constant 0 : i32
        %dma_start3A_581 = arith.constant 0 : i32
        %dma_start3A_582 = tpu.memref_slice %arg6[%dma_start3A_571, %dma_start3A_580, %dma_start3A_581] : memref<4x2x128xi32, #tpu.memory_space<vmem>> -> memref<1x2x128xi32, #tpu.memory_space<vmem>>
        %dma_start3A_583 = tpu.memref_squeeze %dma_start3A_582 : memref<1x2x128xi32, #tpu.memory_space<vmem>> -> memref<2x128xi32, #tpu.memory_space<vmem>>
        %dma_start3A_584 = arith.constant 0 : i32
        %dma_start3A_585 = arith.constant 0 : i32
        %dma_start3A_586 = tpu.memref_slice %arg3[%add3A_570, %dma_start3A_584, %dma_start3A_585] : memref<2560x2x128xi32, #tpu.memory_space<hbm>> -> memref<1x2x128xi32, #tpu.memory_space<hbm>>
        %dma_start3A_587 = tpu.memref_squeeze %dma_start3A_586 : memref<1x2x128xi32, #tpu.memory_space<hbm>> -> memref<2x128xi32, #tpu.memory_space<hbm>>
        tpu.enqueue_dma source(%dma_start3A_587 : memref<2x128xi32, #tpu.memory_space<hbm>>) target(%dma_start3A_583 : memref<2x128xi32, #tpu.memory_space<vmem>>) target_semaphore(%arg13 : memref<!tpu.dma_semaphore, #tpu.memory_space<semaphore_mem>>)
      } else {
      }
      %add3A_473 = arith.constant 2 : i32
      %add3A_474 = arith.addi %add3A_394, %add3A_473 : i32
      %lt3A_475 = arith.cmpi slt, %add3A_474, %select_n3A : i32
      %convert_element_type3A_476 = arith.extui %lt3A_475 : i1 to i32
      %cond3A_477 = arith.constant 0 : i32
      %cond3A_478 = arith.cmpi ne, %convert_element_type3A_476, %cond3A_477 : i32
      scf.if %cond3A_478 {
        %dma_wait3A_568 = arith.constant 0 : i32
        %dma_wait3A_569 = arith.constant 0 : i32
        %dma_wait3A_570 = arith.constant 0 : i32
        %dma_wait3A_571 = tpu.memref_slice %arg6[%dma_wait3A_568, %dma_wait3A_569, %dma_wait3A_570] : memref<4x2x128xi32, #tpu.memory_space<vmem>> -> memref<1x2x128xi32, #tpu.memory_space<vmem>>
        %dma_wait3A_572 = tpu.memref_squeeze %dma_wait3A_571 : memref<1x2x128xi32, #tpu.memory_space<vmem>> -> memref<2x128xi32, #tpu.memory_space<vmem>>
        %dma_wait3A_573 = arith.constant 0 : i32
        %dma_wait3A_574 = arith.constant 0 : i32
        %dma_wait3A_575 = tpu.memref_slice %arg3[%add3A_42, %dma_wait3A_573, %dma_wait3A_574] : memref<2560x2x128xi32, #tpu.memory_space<hbm>> -> memref<1x2x128xi32, #tpu.memory_space<hbm>>
        %dma_wait3A_576 = tpu.memref_squeeze %dma_wait3A_575 : memref<1x2x128xi32, #tpu.memory_space<hbm>> -> memref<2x128xi32, #tpu.memory_space<hbm>>
        %dma_wait3A_577 = arith.constant 0 : i32
        %dma_wait3A_578 = arith.constant 0 : i32
        %dma_wait3A_579 = tpu.memref_slice %arg6[%dma_wait3A_568, %dma_wait3A_577, %dma_wait3A_578] : memref<4x2x128xi32, #tpu.memory_space<vmem>> -> memref<1x2x128xi32, #tpu.memory_space<vmem>>
        %dma_wait3A_580 = tpu.memref_squeeze %dma_wait3A_579 : memref<1x2x128xi32, #tpu.memory_space<vmem>> -> memref<2x128xi32, #tpu.memory_space<vmem>>
        %dma_wait3A_581 = arith.constant 0 : i32
        %dma_wait3A_582 = arith.constant 0 : i32
        %dma_wait3A_583 = tpu.memref_slice %arg3[%add3A_42, %dma_wait3A_581, %dma_wait3A_582] : memref<2560x2x128xi32, #tpu.memory_space<hbm>> -> memref<1x2x128xi32, #tpu.memory_space<hbm>>
        %dma_wait3A_584 = tpu.memref_squeeze %dma_wait3A_583 : memref<1x2x128xi32, #tpu.memory_space<hbm>> -> memref<2x128xi32, #tpu.memory_space<hbm>>
        tpu.wait_dma2 semaphore(%arg11 : memref<!tpu.dma_semaphore, #tpu.memory_space<semaphore_mem>>) src(%dma_wait3A_584 : memref<2x128xi32, #tpu.memory_space<hbm>>) dst(%dma_wait3A_580 : memref<2x128xi32, #tpu.memory_space<vmem>>)
        %dma_start3A_585 = arith.constant 0 : i32
        %dma_start3A_586 = arith.constant 0 : i32
        %dma_start3A_587 = arith.constant 0 : i32
        %dma_start3A_588 = tpu.memref_slice %arg6[%dma_start3A_585, %dma_start3A_586, %dma_start3A_587] : memref<4x2x128xi32, #tpu.memory_space<vmem>> -> memref<1x1x128xi32, #tpu.memory_space<vmem>>
        %dma_start3A_589 = tpu.memref_squeeze %dma_start3A_588 : memref<1x1x128xi32, #tpu.memory_space<vmem>> -> memref<128xi32, #tpu.memory_space<vmem>>
        %dma_start3A_590 = arith.constant 0 : i32
        %dma_start3A_591 = arith.constant 0 : i32
        %dma_start3A_592 = tpu.memref_slice %arg2[%dma_start3A_590, %dma_start3A_591] : memref<10240x128xf32, #tpu.memory_space<hbm>> -> memref<10240x128xf32, #tpu.memory_space<hbm>>
        tpu.enqueue_indirect_dma source(%dma_start3A_592 : memref<10240x128xf32, #tpu.memory_space<hbm>>) target(%arg7 : memref<128x128xf32, #tpu.memory_space<vmem>>) offsets(%dma_start3A_589 : memref<128xi32, #tpu.memory_space<vmem>>) semaphore(%arg15 : memref<!tpu.dma_semaphore, #tpu.memory_space<semaphore_mem>>)
      } else {
      }
      %mul3A_479 = arith.constant 4 : i32
      %mul3A_480 = arith.muli %while3A_217, %mul3A_479 : i32
      %add3A_481 = arith.constant 3 : i32
      %add3A_482 = arith.addi %mul3A_480, %add3A_481 : i32
      %dma_wait3A_483 = arith.constant 3 : i32
      %dma_wait3A_484 = arith.constant 0 : i32
      %dma_wait3A_485 = arith.constant 0 : i32
      %dma_wait3A_486 = tpu.memref_slice %arg6[%dma_wait3A_483, %dma_wait3A_484, %dma_wait3A_485] : memref<4x2x128xi32, #tpu.memory_space<vmem>> -> memref<1x1x128xi32, #tpu.memory_space<vmem>>
      %dma_wait3A_487 = tpu.memref_squeeze %dma_wait3A_486 : memref<1x1x128xi32, #tpu.memory_space<vmem>> -> memref<128xi32, #tpu.memory_space<vmem>>
      %dma_wait3A_488 = arith.constant 0 : i32
      %dma_wait3A_489 = arith.constant 0 : i32
      %dma_wait3A_490 = tpu.memref_slice %arg2[%dma_wait3A_488, %dma_wait3A_489] : memref<10240x128xf32, #tpu.memory_space<hbm>> -> memref<10240x128xf32, #tpu.memory_space<hbm>>
      tpu.wait_indirect_dma semaphore(%arg16 : memref<!tpu.dma_semaphore, #tpu.memory_space<semaphore_mem>>) src(%dma_wait3A_490 : memref<10240x128xf32, #tpu.memory_space<hbm>>) dst(%arg8 : memref<128x128xf32, #tpu.memory_space<vmem>>)
      %dma_start3A_491 = arith.constant 3 : i32
      %dma_start3A_492 = arith.constant 1 : i32
      %dma_start3A_493 = arith.constant 0 : i32
      %dma_start3A_494 = tpu.memref_slice %arg6[%dma_start3A_491, %dma_start3A_492, %dma_start3A_493] : memref<4x2x128xi32, #tpu.memory_space<vmem>> -> memref<1x1x128xi32, #tpu.memory_space<vmem>>
      %dma_start3A_495 = tpu.memref_squeeze %dma_start3A_494 : memref<1x1x128xi32, #tpu.memory_space<vmem>> -> memref<128xi32, #tpu.memory_space<vmem>>
      %dma_start3A_496 = arith.constant 0 : i32
      %dma_start3A_497 = arith.constant 0 : i32
      %dma_start3A_498 = tpu.memref_slice %arg10[%dma_start3A_496, %dma_start3A_497] : memref<10240x128xf32, #tpu.memory_space<vmem_shared>> -> memref<10240x128xf32, #tpu.memory_space<vmem_shared>>
      tpu.enqueue_indirect_dma source(%arg8 : memref<128x128xf32, #tpu.memory_space<vmem>>) target(%dma_start3A_498 : memref<10240x128xf32, #tpu.memory_space<vmem_shared>>) offsets(%dma_start3A_495 : memref<128xi32, #tpu.memory_space<vmem>>) semaphore(%arg18 : memref<!tpu.dma_semaphore, #tpu.memory_space<semaphore_mem>>) {add = true}
      %get3A_499 = arith.constant 3 : i32
      %get3A_500 = arith.constant 1 : i32
      %get3A_501 = arith.index_cast %get3A_499 : i32 to index
      %get3A_502 = arith.index_cast %get3A_500 : i32 to index
      %get3A_503 = arith.constant 0 : index
      %get3A_504 = tpu.vector_load %arg6[%get3A_501, %get3A_502, %get3A_503] {strides = array<i32>} : memref<4x2x128xi32, #tpu.memory_space<vmem>>, vector<16xi32>,
      tpu.vector_store_idx %arg9[%get3A_504], %broadcast_in_dim3A_3 {add = true} : memref<10240xf32, #tpu.memory_space<vmem>>[vector<16xi32>], vector<16xf32>,
      %get3A_505 = arith.constant 3 : i32
      %get3A_506 = arith.constant 1 : i32
      %get3A_507 = arith.index_cast %get3A_505 : i32 to index
      %get3A_508 = arith.index_cast %get3A_506 : i32 to index
      %get3A_509 = arith.constant 16 : index
      %get3A_510 = tpu.vector_load %arg6[%get3A_507, %get3A_508, %get3A_509] {strides = array<i32>} : memref<4x2x128xi32, #tpu.memory_space<vmem>>, vector<16xi32>,
      tpu.vector_store_idx %arg9[%get3A_510], %broadcast_in_dim3A_3 {add = true} : memref<10240xf32, #tpu.memory_space<vmem>>[vector<16xi32>], vector<16xf32>,
      %get3A_511 = arith.constant 3 : i32
      %get3A_512 = arith.constant 1 : i32
      %get3A_513 = arith.index_cast %get3A_511 : i32 to index
      %get3A_514 = arith.index_cast %get3A_512 : i32 to index
      %get3A_515 = arith.constant 32 : index
      %get3A_516 = tpu.vector_load %arg6[%get3A_513, %get3A_514, %get3A_515] {strides = array<i32>} : memref<4x2x128xi32, #tpu.memory_space<vmem>>, vector<16xi32>,
      tpu.vector_store_idx %arg9[%get3A_516], %broadcast_in_dim3A_3 {add = true} : memref<10240xf32, #tpu.memory_space<vmem>>[vector<16xi32>], vector<16xf32>,
      %get3A_517 = arith.constant 3 : i32
      %get3A_518 = arith.constant 1 : i32
      %get3A_519 = arith.index_cast %get3A_517 : i32 to index
      %get3A_520 = arith.index_cast %get3A_518 : i32 to index
      %get3A_521 = arith.constant 48 : index
      %get3A_522 = tpu.vector_load %arg6[%get3A_519, %get3A_520, %get3A_521] {strides = array<i32>} : memref<4x2x128xi32, #tpu.memory_space<vmem>>, vector<16xi32>,
      tpu.vector_store_idx %arg9[%get3A_522], %broadcast_in_dim3A_3 {add = true} : memref<10240xf32, #tpu.memory_space<vmem>>[vector<16xi32>], vector<16xf32>,
      %get3A_523 = arith.constant 3 : i32
      %get3A_524 = arith.constant 1 : i32
      %get3A_525 = arith.index_cast %get3A_523 : i32 to index
      %get3A_526 = arith.index_cast %get3A_524 : i32 to index
      %get3A_527 = arith.constant 64 : index
      %get3A_528 = tpu.vector_load %arg6[%get3A_525, %get3A_526, %get3A_527] {strides = array<i32>} : memref<4x2x128xi32, #tpu.memory_space<vmem>>, vector<16xi32>,
      tpu.vector_store_idx %arg9[%get3A_528], %broadcast_in_dim3A_3 {add = true} : memref<10240xf32, #tpu.memory_space<vmem>>[vector<16xi32>], vector<16xf32>,
      %get3A_529 = arith.constant 3 : i32
      %get3A_530 = arith.constant 1 : i32
      %get3A_531 = arith.index_cast %get3A_529 : i32 to index
      %get3A_532 = arith.index_cast %get3A_530 : i32 to index
      %get3A_533 = arith.constant 80 : index
      %get3A_534 = tpu.vector_load %arg6[%get3A_531, %get3A_532, %get3A_533] {strides = array<i32>} : memref<4x2x128xi32, #tpu.memory_space<vmem>>, vector<16xi32>,
      tpu.vector_store_idx %arg9[%get3A_534], %broadcast_in_dim3A_3 {add = true} : memref<10240xf32, #tpu.memory_space<vmem>>[vector<16xi32>], vector<16xf32>,
      %get3A_535 = arith.constant 3 : i32
      %get3A_536 = arith.constant 1 : i32
      %get3A_537 = arith.index_cast %get3A_535 : i32 to index
      %get3A_538 = arith.index_cast %get3A_536 : i32 to index
      %get3A_539 = arith.constant 96 : index
      %get3A_540 = tpu.vector_load %arg6[%get3A_537, %get3A_538, %get3A_539] {strides = array<i32>} : memref<4x2x128xi32, #tpu.memory_space<vmem>>, vector<16xi32>,
      tpu.vector_store_idx %arg9[%get3A_540], %broadcast_in_dim3A_3 {add = true} : memref<10240xf32, #tpu.memory_space<vmem>>[vector<16xi32>], vector<16xf32>,
      %get3A_541 = arith.constant 3 : i32
      %get3A_542 = arith.constant 1 : i32
      %get3A_543 = arith.index_cast %get3A_541 : i32 to index
      %get3A_544 = arith.index_cast %get3A_542 : i32 to index
      %get3A_545 = arith.constant 112 : index
      %get3A_546 = tpu.vector_load %arg6[%get3A_543, %get3A_544, %get3A_545] {strides = array<i32>} : memref<4x2x128xi32, #tpu.memory_space<vmem>>, vector<16xi32>,
      tpu.vector_store_idx %arg9[%get3A_546], %broadcast_in_dim3A_3 {add = true} : memref<10240xf32, #tpu.memory_space<vmem>>[vector<16xi32>], vector<16xf32>,
      %dma_wait3A_547 = arith.constant 3 : i32
      %dma_wait3A_548 = arith.constant 1 : i32
      %dma_wait3A_549 = arith.constant 0 : i32
      %dma_wait3A_550 = tpu.memref_slice %arg6[%dma_wait3A_547, %dma_wait3A_548, %dma_wait3A_549] : memref<4x2x128xi32, #tpu.memory_space<vmem>> -> memref<1x1x128xi32, #tpu.memory_space<vmem>>
      %dma_wait3A_551 = tpu.memref_squeeze %dma_wait3A_550 : memref<1x1x128xi32, #tpu.memory_space<vmem>> -> memref<128xi32, #tpu.memory_space<vmem>>
      %dma_wait3A_552 = arith.constant 0 : i32
      %dma_wait3A_553 = arith.constant 0 : i32
      %dma_wait3A_554 = tpu.memref_slice %arg10[%dma_wait3A_552, %dma_wait3A_553] : memref<10240x128xf32, #tpu.memory_space<vmem_shared>> -> memref<10240x128xf32, #tpu.memory_space<vmem_shared>>
      tpu.wait_indirect_dma semaphore(%arg18 : memref<!tpu.dma_semaphore, #tpu.memory_space<semaphore_mem>>) src(%arg8 : memref<128x128xf32, #tpu.memory_space<vmem>>) dst(%dma_wait3A_554 : memref<10240x128xf32, #tpu.memory_space<vmem_shared>>)
      %add3A_555 = arith.constant 4 : i32
      %add3A_556 = arith.addi %add3A_482, %add3A_555 : i32
      %lt3A_557 = arith.cmpi slt, %add3A_556, %select_n3A : i32
      %convert_element_type3A_558 = arith.extui %lt3A_557 : i1 to i32
      %cond3A_559 = arith.constant 0 : i32
      %cond3A_560 = arith.cmpi ne, %convert_element_type3A_558, %cond3A_559 : i32
      scf.if %cond3A_560 {
        %add3A_568 = arith.constant 4 : i32
        %add3A_569 = arith.addi %add3A_482, %add3A_568 : i32
        %add3A_570 = arith.addi %add3A_42, %add3A_569 : i32
        %dma_start3A_571 = arith.constant 3 : i32
        %dma_start3A_572 = arith.constant 0 : i32
        %dma_start3A_573 = arith.constant 0 : i32
        %dma_start3A_574 = tpu.memref_slice %arg6[%dma_start3A_571, %dma_start3A_572, %dma_start3A_573] : memref<4x2x128xi32, #tpu.memory_space<vmem>> -> memref<1x2x128xi32, #tpu.memory_space<vmem>>
        %dma_start3A_575 = tpu.memref_squeeze %dma_start3A_574 : memref<1x2x128xi32, #tpu.memory_space<vmem>> -> memref<2x128xi32, #tpu.memory_space<vmem>>
        %dma_start3A_576 = arith.constant 0 : i32
        %dma_start3A_577 = arith.constant 0 : i32
        %dma_start3A_578 = tpu.memref_slice %arg3[%add3A_570, %dma_start3A_576, %dma_start3A_577] : memref<2560x2x128xi32, #tpu.memory_space<hbm>> -> memref<1x2x128xi32, #tpu.memory_space<hbm>>
        %dma_start3A_579 = tpu.memref_squeeze %dma_start3A_578 : memref<1x2x128xi32, #tpu.memory_space<hbm>> -> memref<2x128xi32, #tpu.memory_space<hbm>>
        %dma_start3A_580 = arith.constant 0 : i32
        %dma_start3A_581 = arith.constant 0 : i32
        %dma_start3A_582 = tpu.memref_slice %arg6[%dma_start3A_571, %dma_start3A_580, %dma_start3A_581] : memref<4x2x128xi32, #tpu.memory_space<vmem>> -> memref<1x2x128xi32, #tpu.memory_space<vmem>>
        %dma_start3A_583 = tpu.memref_squeeze %dma_start3A_582 : memref<1x2x128xi32, #tpu.memory_space<vmem>> -> memref<2x128xi32, #tpu.memory_space<vmem>>
        %dma_start3A_584 = arith.constant 0 : i32
        %dma_start3A_585 = arith.constant 0 : i32
        %dma_start3A_586 = tpu.memref_slice %arg3[%add3A_570, %dma_start3A_584, %dma_start3A_585] : memref<2560x2x128xi32, #tpu.memory_space<hbm>> -> memref<1x2x128xi32, #tpu.memory_space<hbm>>
        %dma_start3A_587 = tpu.memref_squeeze %dma_start3A_586 : memref<1x2x128xi32, #tpu.memory_space<hbm>> -> memref<2x128xi32, #tpu.memory_space<hbm>>
        tpu.enqueue_dma source(%dma_start3A_587 : memref<2x128xi32, #tpu.memory_space<hbm>>) target(%dma_start3A_583 : memref<2x128xi32, #tpu.memory_space<vmem>>) target_semaphore(%arg14 : memref<!tpu.dma_semaphore, #tpu.memory_space<semaphore_mem>>)
      } else {
      }
      %add3A_561 = arith.constant 2 : i32
      %add3A_562 = arith.addi %add3A_482, %add3A_561 : i32
      %lt3A_563 = arith.cmpi slt, %add3A_562, %select_n3A : i32
      %convert_element_type3A_564 = arith.extui %lt3A_563 : i1 to i32
      %cond3A_565 = arith.constant 0 : i32
      %cond3A_566 = arith.cmpi ne, %convert_element_type3A_564, %cond3A_565 : i32
      scf.if %cond3A_566 {
        %dma_wait3A_568 = arith.constant 1 : i32
        %dma_wait3A_569 = arith.constant 0 : i32
        %dma_wait3A_570 = arith.constant 0 : i32
        %dma_wait3A_571 = tpu.memref_slice %arg6[%dma_wait3A_568, %dma_wait3A_569, %dma_wait3A_570] : memref<4x2x128xi32, #tpu.memory_space<vmem>> -> memref<1x2x128xi32, #tpu.memory_space<vmem>>
        %dma_wait3A_572 = tpu.memref_squeeze %dma_wait3A_571 : memref<1x2x128xi32, #tpu.memory_space<vmem>> -> memref<2x128xi32, #tpu.memory_space<vmem>>
        %dma_wait3A_573 = arith.constant 0 : i32
        %dma_wait3A_574 = arith.constant 0 : i32
        %dma_wait3A_575 = tpu.memref_slice %arg3[%add3A_42, %dma_wait3A_573, %dma_wait3A_574] : memref<2560x2x128xi32, #tpu.memory_space<hbm>> -> memref<1x2x128xi32, #tpu.memory_space<hbm>>
        %dma_wait3A_576 = tpu.memref_squeeze %dma_wait3A_575 : memref<1x2x128xi32, #tpu.memory_space<hbm>> -> memref<2x128xi32, #tpu.memory_space<hbm>>
        %dma_wait3A_577 = arith.constant 0 : i32
        %dma_wait3A_578 = arith.constant 0 : i32
        %dma_wait3A_579 = tpu.memref_slice %arg6[%dma_wait3A_568, %dma_wait3A_577, %dma_wait3A_578] : memref<4x2x128xi32, #tpu.memory_space<vmem>> -> memref<1x2x128xi32, #tpu.memory_space<vmem>>
        %dma_wait3A_580 = tpu.memref_squeeze %dma_wait3A_579 : memref<1x2x128xi32, #tpu.memory_space<vmem>> -> memref<2x128xi32, #tpu.memory_space<vmem>>
        %dma_wait3A_581 = arith.constant 0 : i32
        %dma_wait3A_582 = arith.constant 0 : i32
        %dma_wait3A_583 = tpu.memref_slice %arg3[%add3A_42, %dma_wait3A_581, %dma_wait3A_582] : memref<2560x2x128xi32, #tpu.memory_space<hbm>> -> memref<1x2x128xi32, #tpu.memory_space<hbm>>
        %dma_wait3A_584 = tpu.memref_squeeze %dma_wait3A_583 : memref<1x2x128xi32, #tpu.memory_space<hbm>> -> memref<2x128xi32, #tpu.memory_space<hbm>>
        tpu.wait_dma2 semaphore(%arg12 : memref<!tpu.dma_semaphore, #tpu.memory_space<semaphore_mem>>) src(%dma_wait3A_584 : memref<2x128xi32, #tpu.memory_space<hbm>>) dst(%dma_wait3A_580 : memref<2x128xi32, #tpu.memory_space<vmem>>)
        %dma_start3A_585 = arith.constant 1 : i32
        %dma_start3A_586 = arith.constant 0 : i32
        %dma_start3A_587 = arith.constant 0 : i32
        %dma_start3A_588 = tpu.memref_slice %arg6[%dma_start3A_585, %dma_start3A_586, %dma_start3A_587] : memref<4x2x128xi32, #tpu.memory_space<vmem>> -> memref<1x1x128xi32, #tpu.memory_space<vmem>>
        %dma_start3A_589 = tpu.memref_squeeze %dma_start3A_588 : memref<1x1x128xi32, #tpu.memory_space<vmem>> -> memref<128xi32, #tpu.memory_space<vmem>>
        %dma_start3A_590 = arith.constant 0 : i32
        %dma_start3A_591 = arith.constant 0 : i32
        %dma_start3A_592 = tpu.memref_slice %arg2[%dma_start3A_590, %dma_start3A_591] : memref<10240x128xf32, #tpu.memory_space<hbm>> -> memref<10240x128xf32, #tpu.memory_space<hbm>>
        tpu.enqueue_indirect_dma source(%dma_start3A_592 : memref<10240x128xf32, #tpu.memory_space<hbm>>) target(%arg8 : memref<128x128xf32, #tpu.memory_space<vmem>>) offsets(%dma_start3A_589 : memref<128xi32, #tpu.memory_space<vmem>>) semaphore(%arg16 : memref<!tpu.dma_semaphore, #tpu.memory_space<semaphore_mem>>)
      } else {
      }
      %while3A_567 = arith.constant 0 : i32
      scf.yield %while3A_567 : i32
    }
    %while3A_194 = arith.constant 1 : i32
    %while3A_195 = scf.for %while3A_217 = %while3A_191 to %while3A_187 step %while3A_194 iter_args(%while3A_218 = %while3A_193) -> (i32)  : i32 {
      %mul3A_219 = arith.constant 4 : i32
      %mul3A_220 = arith.muli %while3A_217, %mul3A_219 : i32
      %add3A_221 = arith.constant 0 : i32
      %add3A_222 = arith.addi %mul3A_220, %add3A_221 : i32
      %dma_wait3A_223 = arith.constant 0 : i32
      %dma_wait3A_224 = arith.constant 0 : i32
      %dma_wait3A_225 = arith.constant 0 : i32
      %dma_wait3A_226 = tpu.memref_slice %arg6[%dma_wait3A_223, %dma_wait3A_224, %dma_wait3A_225] : memref<4x2x128xi32, #tpu.memory_space<vmem>> -> memref<1x1x128xi32, #tpu.memory_space<vmem>>
      %dma_wait3A_227 = tpu.memref_squeeze %dma_wait3A_226 : memref<1x1x128xi32, #tpu.memory_space<vmem>> -> memref<128xi32, #tpu.memory_space<vmem>>
      %dma_wait3A_228 = arith.constant 0 : i32
      %dma_wait3A_229 = arith.constant 0 : i32
      %dma_wait3A_230 = tpu.memref_slice %arg2[%dma_wait3A_228, %dma_wait3A_229] : memref<10240x128xf32, #tpu.memory_space<hbm>> -> memref<10240x128xf32, #tpu.memory_space<hbm>>
      tpu.wait_indirect_dma semaphore(%arg15 : memref<!tpu.dma_semaphore, #tpu.memory_space<semaphore_mem>>) src(%dma_wait3A_230 : memref<10240x128xf32, #tpu.memory_space<hbm>>) dst(%arg7 : memref<128x128xf32, #tpu.memory_space<vmem>>)
      %dma_start3A_231 = arith.constant 0 : i32
      %dma_start3A_232 = arith.constant 1 : i32
      %dma_start3A_233 = arith.constant 0 : i32
      %dma_start3A_234 = tpu.memref_slice %arg6[%dma_start3A_231, %dma_start3A_232, %dma_start3A_233] : memref<4x2x128xi32, #tpu.memory_space<vmem>> -> memref<1x1x128xi32, #tpu.memory_space<vmem>>
      %dma_start3A_235 = tpu.memref_squeeze %dma_start3A_234 : memref<1x1x128xi32, #tpu.memory_space<vmem>> -> memref<128xi32, #tpu.memory_space<vmem>>
      %dma_start3A_236 = arith.constant 0 : i32
      %dma_start3A_237 = arith.constant 0 : i32
      %dma_start3A_238 = tpu.memref_slice %arg10[%dma_start3A_236, %dma_start3A_237] : memref<10240x128xf32, #tpu.memory_space<vmem_shared>> -> memref<10240x128xf32, #tpu.memory_space<vmem_shared>>
      tpu.enqueue_indirect_dma source(%arg7 : memref<128x128xf32, #tpu.memory_space<vmem>>) target(%dma_start3A_238 : memref<10240x128xf32, #tpu.memory_space<vmem_shared>>) offsets(%dma_start3A_235 : memref<128xi32, #tpu.memory_space<vmem>>) semaphore(%arg17 : memref<!tpu.dma_semaphore, #tpu.memory_space<semaphore_mem>>) {add = true}
      %get3A = arith.constant 0 : i32
      %get3A_239 = arith.constant 1 : i32
      %get3A_240 = arith.index_cast %get3A : i32 to index
      %get3A_241 = arith.index_cast %get3A_239 : i32 to index
      %get3A_242 = arith.constant 0 : index
      %get3A_243 = tpu.vector_load %arg6[%get3A_240, %get3A_241, %get3A_242] {strides = array<i32>} : memref<4x2x128xi32, #tpu.memory_space<vmem>>, vector<16xi32>,
      tpu.vector_store_idx %arg9[%get3A_243], %broadcast_in_dim3A_3 {add = true} : memref<10240xf32, #tpu.memory_space<vmem>>[vector<16xi32>], vector<16xf32>,
      %get3A_244 = arith.constant 0 : i32
      %get3A_245 = arith.constant 1 : i32
      %get3A_246 = arith.index_cast %get3A_244 : i32 to index
      %get3A_247 = arith.index_cast %get3A_245 : i32 to index
      %get3A_248 = arith.constant 16 : index
      %get3A_249 = tpu.vector_load %arg6[%get3A_246, %get3A_247, %get3A_248] {strides = array<i32>} : memref<4x2x128xi32, #tpu.memory_space<vmem>>, vector<16xi32>,
      tpu.vector_store_idx %arg9[%get3A_249], %broadcast_in_dim3A_3 {add = true} : memref<10240xf32, #tpu.memory_space<vmem>>[vector<16xi32>], vector<16xf32>,
      %get3A_250 = arith.constant 0 : i32
      %get3A_251 = arith.constant 1 : i32
      %get3A_252 = arith.index_cast %get3A_250 : i32 to index
      %get3A_253 = arith.index_cast %get3A_251 : i32 to index
      %get3A_254 = arith.constant 32 : index
      %get3A_255 = tpu.vector_load %arg6[%get3A_252, %get3A_253, %get3A_254] {strides = array<i32>} : memref<4x2x128xi32, #tpu.memory_space<vmem>>, vector<16xi32>,
      tpu.vector_store_idx %arg9[%get3A_255], %broadcast_in_dim3A_3 {add = true} : memref<10240xf32, #tpu.memory_space<vmem>>[vector<16xi32>], vector<16xf32>,
      %get3A_256 = arith.constant 0 : i32
      %get3A_257 = arith.constant 1 : i32
      %get3A_258 = arith.index_cast %get3A_256 : i32 to index
      %get3A_259 = arith.index_cast %get3A_257 : i32 to index
      %get3A_260 = arith.constant 48 : index
      %get3A_261 = tpu.vector_load %arg6[%get3A_258, %get3A_259, %get3A_260] {strides = array<i32>} : memref<4x2x128xi32, #tpu.memory_space<vmem>>, vector<16xi32>,
      tpu.vector_store_idx %arg9[%get3A_261], %broadcast_in_dim3A_3 {add = true} : memref<10240xf32, #tpu.memory_space<vmem>>[vector<16xi32>], vector<16xf32>,
      %get3A_262 = arith.constant 0 : i32
      %get3A_263 = arith.constant 1 : i32
      %get3A_264 = arith.index_cast %get3A_262 : i32 to index
      %get3A_265 = arith.index_cast %get3A_263 : i32 to index
      %get3A_266 = arith.constant 64 : index
      %get3A_267 = tpu.vector_load %arg6[%get3A_264, %get3A_265, %get3A_266] {strides = array<i32>} : memref<4x2x128xi32, #tpu.memory_space<vmem>>, vector<16xi32>,
      tpu.vector_store_idx %arg9[%get3A_267], %broadcast_in_dim3A_3 {add = true} : memref<10240xf32, #tpu.memory_space<vmem>>[vector<16xi32>], vector<16xf32>,
      %get3A_268 = arith.constant 0 : i32
      %get3A_269 = arith.constant 1 : i32
      %get3A_270 = arith.index_cast %get3A_268 : i32 to index
      %get3A_271 = arith.index_cast %get3A_269 : i32 to index
      %get3A_272 = arith.constant 80 : index
      %get3A_273 = tpu.vector_load %arg6[%get3A_270, %get3A_271, %get3A_272] {strides = array<i32>} : memref<4x2x128xi32, #tpu.memory_space<vmem>>, vector<16xi32>,
      tpu.vector_store_idx %arg9[%get3A_273], %broadcast_in_dim3A_3 {add = true} : memref<10240xf32, #tpu.memory_space<vmem>>[vector<16xi32>], vector<16xf32>,
      %get3A_274 = arith.constant 0 : i32
      %get3A_275 = arith.constant 1 : i32
      %get3A_276 = arith.index_cast %get3A_274 : i32 to index
      %get3A_277 = arith.index_cast %get3A_275 : i32 to index
      %get3A_278 = arith.constant 96 : index
      %get3A_279 = tpu.vector_load %arg6[%get3A_276, %get3A_277, %get3A_278] {strides = array<i32>} : memref<4x2x128xi32, #tpu.memory_space<vmem>>, vector<16xi32>,
      tpu.vector_store_idx %arg9[%get3A_279], %broadcast_in_dim3A_3 {add = true} : memref<10240xf32, #tpu.memory_space<vmem>>[vector<16xi32>], vector<16xf32>,
      %get3A_280 = arith.constant 0 : i32
      %get3A_281 = arith.constant 1 : i32
      %get3A_282 = arith.index_cast %get3A_280 : i32 to index
      %get3A_283 = arith.index_cast %get3A_281 : i32 to index
      %get3A_284 = arith.constant 112 : index
      %get3A_285 = tpu.vector_load %arg6[%get3A_282, %get3A_283, %get3A_284] {strides = array<i32>} : memref<4x2x128xi32, #tpu.memory_space<vmem>>, vector<16xi32>,
      tpu.vector_store_idx %arg9[%get3A_285], %broadcast_in_dim3A_3 {add = true} : memref<10240xf32, #tpu.memory_space<vmem>>[vector<16xi32>], vector<16xf32>,
      %dma_wait3A_286 = arith.constant 0 : i32
      %dma_wait3A_287 = arith.constant 1 : i32
      %dma_wait3A_288 = arith.constant 0 : i32
      %dma_wait3A_289 = tpu.memref_slice %arg6[%dma_wait3A_286, %dma_wait3A_287, %dma_wait3A_288] : memref<4x2x128xi32, #tpu.memory_space<vmem>> -> memref<1x1x128xi32, #tpu.memory_space<vmem>>
      %dma_wait3A_290 = tpu.memref_squeeze %dma_wait3A_289 : memref<1x1x128xi32, #tpu.memory_space<vmem>> -> memref<128xi32, #tpu.memory_space<vmem>>
      %dma_wait3A_291 = arith.constant 0 : i32
      %dma_wait3A_292 = arith.constant 0 : i32
      %dma_wait3A_293 = tpu.memref_slice %arg10[%dma_wait3A_291, %dma_wait3A_292] : memref<10240x128xf32, #tpu.memory_space<vmem_shared>> -> memref<10240x128xf32, #tpu.memory_space<vmem_shared>>
      tpu.wait_indirect_dma semaphore(%arg17 : memref<!tpu.dma_semaphore, #tpu.memory_space<semaphore_mem>>) src(%arg7 : memref<128x128xf32, #tpu.memory_space<vmem>>) dst(%dma_wait3A_293 : memref<10240x128xf32, #tpu.memory_space<vmem_shared>>)
      %add3A_294 = arith.constant 4 : i32
      %add3A_295 = arith.addi %add3A_222, %add3A_294 : i32
      %lt3A = arith.cmpi slt, %add3A_295, %select_n3A : i32
      %convert_element_type3A = arith.extui %lt3A : i1 to i32
      %cond3A = arith.constant 0 : i32
      %cond3A_296 = arith.cmpi ne, %convert_element_type3A, %cond3A : i32
      scf.if %cond3A_296 {
        %add3A_568 = arith.constant 4 : i32
        %add3A_569 = arith.addi %add3A_222, %add3A_568 : i32
        %add3A_570 = arith.addi %add3A_42, %add3A_569 : i32
        %dma_start3A_571 = arith.constant 0 : i32
        %dma_start3A_572 = arith.constant 0 : i32
        %dma_start3A_573 = arith.constant 0 : i32
        %dma_start3A_574 = tpu.memref_slice %arg6[%dma_start3A_571, %dma_start3A_572, %dma_start3A_573] : memref<4x2x128xi32, #tpu.memory_space<vmem>> -> memref<1x2x128xi32, #tpu.memory_space<vmem>>
        %dma_start3A_575 = tpu.memref_squeeze %dma_start3A_574 : memref<1x2x128xi32, #tpu.memory_space<vmem>> -> memref<2x128xi32, #tpu.memory_space<vmem>>
        %dma_start3A_576 = arith.constant 0 : i32
        %dma_start3A_577 = arith.constant 0 : i32
        %dma_start3A_578 = tpu.memref_slice %arg3[%add3A_570, %dma_start3A_576, %dma_start3A_577] : memref<2560x2x128xi32, #tpu.memory_space<hbm>> -> memref<1x2x128xi32, #tpu.memory_space<hbm>>
        %dma_start3A_579 = tpu.memref_squeeze %dma_start3A_578 : memref<1x2x128xi32, #tpu.memory_space<hbm>> -> memref<2x128xi32, #tpu.memory_space<hbm>>
        %dma_start3A_580 = arith.constant 0 : i32
        %dma_start3A_581 = arith.constant 0 : i32
        %dma_start3A_582 = tpu.memref_slice %arg6[%dma_start3A_571, %dma_start3A_580, %dma_start3A_581] : memref<4x2x128xi32, #tpu.memory_space<vmem>> -> memref<1x2x128xi32, #tpu.memory_space<vmem>>
        %dma_start3A_583 = tpu.memref_squeeze %dma_start3A_582 : memref<1x2x128xi32, #tpu.memory_space<vmem>> -> memref<2x128xi32, #tpu.memory_space<vmem>>
        %dma_start3A_584 = arith.constant 0 : i32
        %dma_start3A_585 = arith.constant 0 : i32
        %dma_start3A_586 = tpu.memref_slice %arg3[%add3A_570, %dma_start3A_584, %dma_start3A_585] : memref<2560x2x128xi32, #tpu.memory_space<hbm>> -> memref<1x2x128xi32, #tpu.memory_space<hbm>>
        %dma_start3A_587 = tpu.memref_squeeze %dma_start3A_586 : memref<1x2x128xi32, #tpu.memory_space<hbm>> -> memref<2x128xi32, #tpu.memory_space<hbm>>
        tpu.enqueue_dma source(%dma_start3A_587 : memref<2x128xi32, #tpu.memory_space<hbm>>) target(%dma_start3A_583 : memref<2x128xi32, #tpu.memory_space<vmem>>) target_semaphore(%arg11 : memref<!tpu.dma_semaphore, #tpu.memory_space<semaphore_mem>>)
      } else {
      }
      %add3A_297 = arith.constant 2 : i32
      %add3A_298 = arith.addi %add3A_222, %add3A_297 : i32
      %lt3A_299 = arith.cmpi slt, %add3A_298, %select_n3A : i32
      %convert_element_type3A_300 = arith.extui %lt3A_299 : i1 to i32
      %cond3A_301 = arith.constant 0 : i32
      %cond3A_302 = arith.cmpi ne, %convert_element_type3A_300, %cond3A_301 : i32
      scf.if %cond3A_302 {
        %dma_wait3A_568 = arith.constant 2 : i32
        %dma_wait3A_569 = arith.constant 0 : i32
        %dma_wait3A_570 = arith.constant 0 : i32
        %dma_wait3A_571 = tpu.memref_slice %arg6[%dma_wait3A_568, %dma_wait3A_569, %dma_wait3A_570] : memref<4x2x128xi32, #tpu.memory_space<vmem>> -> memref<1x2x128xi32, #tpu.memory_space<vmem>>
        %dma_wait3A_572 = tpu.memref_squeeze %dma_wait3A_571 : memref<1x2x128xi32, #tpu.memory_space<vmem>> -> memref<2x128xi32, #tpu.memory_space<vmem>>
        %dma_wait3A_573 = arith.constant 0 : i32
        %dma_wait3A_574 = arith.constant 0 : i32
        %dma_wait3A_575 = tpu.memref_slice %arg3[%add3A_42, %dma_wait3A_573, %dma_wait3A_574] : memref<2560x2x128xi32, #tpu.memory_space<hbm>> -> memref<1x2x128xi32, #tpu.memory_space<hbm>>
        %dma_wait3A_576 = tpu.memref_squeeze %dma_wait3A_575 : memref<1x2x128xi32, #tpu.memory_space<hbm>> -> memref<2x128xi32, #tpu.memory_space<hbm>>
        %dma_wait3A_577 = arith.constant 0 : i32
        %dma_wait3A_578 = arith.constant 0 : i32
        %dma_wait3A_579 = tpu.memref_slice %arg6[%dma_wait3A_568, %dma_wait3A_577, %dma_wait3A_578] : memref<4x2x128xi32, #tpu.memory_space<vmem>> -> memref<1x2x128xi32, #tpu.memory_space<vmem>>
        %dma_wait3A_580 = tpu.memref_squeeze %dma_wait3A_579 : memref<1x2x128xi32, #tpu.memory_space<vmem>> -> memref<2x128xi32, #tpu.memory_space<vmem>>
        %dma_wait3A_581 = arith.constant 0 : i32
        %dma_wait3A_582 = arith.constant 0 : i32
        %dma_wait3A_583 = tpu.memref_slice %arg3[%add3A_42, %dma_wait3A_581, %dma_wait3A_582] : memref<2560x2x128xi32, #tpu.memory_space<hbm>> -> memref<1x2x128xi32, #tpu.memory_space<hbm>>
        %dma_wait3A_584 = tpu.memref_squeeze %dma_wait3A_583 : memref<1x2x128xi32, #tpu.memory_space<hbm>> -> memref<2x128xi32, #tpu.memory_space<hbm>>
        tpu.wait_dma2 semaphore(%arg13 : memref<!tpu.dma_semaphore, #tpu.memory_space<semaphore_mem>>) src(%dma_wait3A_584 : memref<2x128xi32, #tpu.memory_space<hbm>>) dst(%dma_wait3A_580 : memref<2x128xi32, #tpu.memory_space<vmem>>)
        %dma_start3A_585 = arith.constant 2 : i32
        %dma_start3A_586 = arith.constant 0 : i32
        %dma_start3A_587 = arith.constant 0 : i32
        %dma_start3A_588 = tpu.memref_slice %arg6[%dma_start3A_585, %dma_start3A_586, %dma_start3A_587] : memref<4x2x128xi32, #tpu.memory_space<vmem>> -> memref<1x1x128xi32, #tpu.memory_space<vmem>>
        %dma_start3A_589 = tpu.memref_squeeze %dma_start3A_588 : memref<1x1x128xi32, #tpu.memory_space<vmem>> -> memref<128xi32, #tpu.memory_space<vmem>>
        %dma_start3A_590 = arith.constant 0 : i32
        %dma_start3A_591 = arith.constant 0 : i32
        %dma_start3A_592 = tpu.memref_slice %arg2[%dma_start3A_590, %dma_start3A_591] : memref<10240x128xf32, #tpu.memory_space<hbm>> -> memref<10240x128xf32, #tpu.memory_space<hbm>>
        tpu.enqueue_indirect_dma source(%dma_start3A_592 : memref<10240x128xf32, #tpu.memory_space<hbm>>) target(%arg7 : memref<128x128xf32, #tpu.memory_space<vmem>>) offsets(%dma_start3A_589 : memref<128xi32, #tpu.memory_space<vmem>>) semaphore(%arg15 : memref<!tpu.dma_semaphore, #tpu.memory_space<semaphore_mem>>)
      } else {
      }
      %mul3A_303 = arith.constant 4 : i32
      %mul3A_304 = arith.muli %while3A_217, %mul3A_303 : i32
      %add3A_305 = arith.constant 1 : i32
      %add3A_306 = arith.addi %mul3A_304, %add3A_305 : i32
      %dma_wait3A_307 = arith.constant 1 : i32
      %dma_wait3A_308 = arith.constant 0 : i32
      %dma_wait3A_309 = arith.constant 0 : i32
      %dma_wait3A_310 = tpu.memref_slice %arg6[%dma_wait3A_307, %dma_wait3A_308, %dma_wait3A_309] : memref<4x2x128xi32, #tpu.memory_space<vmem>> -> memref<1x1x128xi32, #tpu.memory_space<vmem>>
      %dma_wait3A_311 = tpu.memref_squeeze %dma_wait3A_310 : memref<1x1x128xi32, #tpu.memory_space<vmem>> -> memref<128xi32, #tpu.memory_space<vmem>>
      %dma_wait3A_312 = arith.constant 0 : i32
      %dma_wait3A_313 = arith.constant 0 : i32
      %dma_wait3A_314 = tpu.memref_slice %arg2[%dma_wait3A_312, %dma_wait3A_313] : memref<10240x128xf32, #tpu.memory_space<hbm>> -> memref<10240x128xf32, #tpu.memory_space<hbm>>
      tpu.wait_indirect_dma semaphore(%arg16 : memref<!tpu.dma_semaphore, #tpu.memory_space<semaphore_mem>>) src(%dma_wait3A_314 : memref<10240x128xf32, #tpu.memory_space<hbm>>) dst(%arg8 : memref<128x128xf32, #tpu.memory_space<vmem>>)
      %dma_start3A_315 = arith.constant 1 : i32
      %dma_start3A_316 = arith.constant 1 : i32
      %dma_start3A_317 = arith.constant 0 : i32
      %dma_start3A_318 = tpu.memref_slice %arg6[%dma_start3A_315, %dma_start3A_316, %dma_start3A_317] : memref<4x2x128xi32, #tpu.memory_space<vmem>> -> memref<1x1x128xi32, #tpu.memory_space<vmem>>
      %dma_start3A_319 = tpu.memref_squeeze %dma_start3A_318 : memref<1x1x128xi32, #tpu.memory_space<vmem>> -> memref<128xi32, #tpu.memory_space<vmem>>
      %dma_start3A_320 = arith.constant 0 : i32
      %dma_start3A_321 = arith.constant 0 : i32
      %dma_start3A_322 = tpu.memref_slice %arg10[%dma_start3A_320, %dma_start3A_321] : memref<10240x128xf32, #tpu.memory_space<vmem_shared>> -> memref<10240x128xf32, #tpu.memory_space<vmem_shared>>
      tpu.enqueue_indirect_dma source(%arg8 : memref<128x128xf32, #tpu.memory_space<vmem>>) target(%dma_start3A_322 : memref<10240x128xf32, #tpu.memory_space<vmem_shared>>) offsets(%dma_start3A_319 : memref<128xi32, #tpu.memory_space<vmem>>) semaphore(%arg18 : memref<!tpu.dma_semaphore, #tpu.memory_space<semaphore_mem>>) {add = true}
      %get3A_323 = arith.constant 1 : i32
      %get3A_324 = arith.constant 1 : i32
      %get3A_325 = arith.index_cast %get3A_323 : i32 to index
      %get3A_326 = arith.index_cast %get3A_324 : i32 to index
      %get3A_327 = arith.constant 0 : index
      %get3A_328 = tpu.vector_load %arg6[%get3A_325, %get3A_326, %get3A_327] {strides = array<i32>} : memref<4x2x128xi32, #tpu.memory_space<vmem>>, vector<16xi32>,
      tpu.vector_store_idx %arg9[%get3A_328], %broadcast_in_dim3A_3 {add = true} : memref<10240xf32, #tpu.memory_space<vmem>>[vector<16xi32>], vector<16xf32>,
      %get3A_329 = arith.constant 1 : i32
      %get3A_330 = arith.constant 1 : i32
      %get3A_331 = arith.index_cast %get3A_329 : i32 to index
      %get3A_332 = arith.index_cast %get3A_330 : i32 to index
      %get3A_333 = arith.constant 16 : index
      %get3A_334 = tpu.vector_load %arg6[%get3A_331, %get3A_332, %get3A_333] {strides = array<i32>} : memref<4x2x128xi32, #tpu.memory_space<vmem>>, vector<16xi32>,
      tpu.vector_store_idx %arg9[%get3A_334], %broadcast_in_dim3A_3 {add = true} : memref<10240xf32, #tpu.memory_space<vmem>>[vector<16xi32>], vector<16xf32>,
      %get3A_335 = arith.constant 1 : i32
      %get3A_336 = arith.constant 1 : i32
      %get3A_337 = arith.index_cast %get3A_335 : i32 to index
      %get3A_338 = arith.index_cast %get3A_336 : i32 to index
      %get3A_339 = arith.constant 32 : index
      %get3A_340 = tpu.vector_load %arg6[%get3A_337, %get3A_338, %get3A_339] {strides = array<i32>} : memref<4x2x128xi32, #tpu.memory_space<vmem>>, vector<16xi32>,
      tpu.vector_store_idx %arg9[%get3A_340], %broadcast_in_dim3A_3 {add = true} : memref<10240xf32, #tpu.memory_space<vmem>>[vector<16xi32>], vector<16xf32>,
      %get3A_341 = arith.constant 1 : i32
      %get3A_342 = arith.constant 1 : i32
      %get3A_343 = arith.index_cast %get3A_341 : i32 to index
      %get3A_344 = arith.index_cast %get3A_342 : i32 to index
      %get3A_345 = arith.constant 48 : index
      %get3A_346 = tpu.vector_load %arg6[%get3A_343, %get3A_344, %get3A_345] {strides = array<i32>} : memref<4x2x128xi32, #tpu.memory_space<vmem>>, vector<16xi32>,
      tpu.vector_store_idx %arg9[%get3A_346], %broadcast_in_dim3A_3 {add = true} : memref<10240xf32, #tpu.memory_space<vmem>>[vector<16xi32>], vector<16xf32>,
      %get3A_347 = arith.constant 1 : i32
      %get3A_348 = arith.constant 1 : i32
      %get3A_349 = arith.index_cast %get3A_347 : i32 to index
      %get3A_350 = arith.index_cast %get3A_348 : i32 to index
      %get3A_351 = arith.constant 64 : index
      %get3A_352 = tpu.vector_load %arg6[%get3A_349, %get3A_350, %get3A_351] {strides = array<i32>} : memref<4x2x128xi32, #tpu.memory_space<vmem>>, vector<16xi32>,
      tpu.vector_store_idx %arg9[%get3A_352], %broadcast_in_dim3A_3 {add = true} : memref<10240xf32, #tpu.memory_space<vmem>>[vector<16xi32>], vector<16xf32>,
      %get3A_353 = arith.constant 1 : i32
      %get3A_354 = arith.constant 1 : i32
      %get3A_355 = arith.index_cast %get3A_353 : i32 to index
      %get3A_356 = arith.index_cast %get3A_354 : i32 to index
      %get3A_357 = arith.constant 80 : index
      %get3A_358 = tpu.vector_load %arg6[%get3A_355, %get3A_356, %get3A_357] {strides = array<i32>} : memref<4x2x128xi32, #tpu.memory_space<vmem>>, vector<16xi32>,
      tpu.vector_store_idx %arg9[%get3A_358], %broadcast_in_dim3A_3 {add = true} : memref<10240xf32, #tpu.memory_space<vmem>>[vector<16xi32>], vector<16xf32>,
      %get3A_359 = arith.constant 1 : i32
      %get3A_360 = arith.constant 1 : i32
      %get3A_361 = arith.index_cast %get3A_359 : i32 to index
      %get3A_362 = arith.index_cast %get3A_360 : i32 to index
      %get3A_363 = arith.constant 96 : index
      %get3A_364 = tpu.vector_load %arg6[%get3A_361, %get3A_362, %get3A_363] {strides = array<i32>} : memref<4x2x128xi32, #tpu.memory_space<vmem>>, vector<16xi32>,
      tpu.vector_store_idx %arg9[%get3A_364], %broadcast_in_dim3A_3 {add = true} : memref<10240xf32, #tpu.memory_space<vmem>>[vector<16xi32>], vector<16xf32>,
      %get3A_365 = arith.constant 1 : i32
      %get3A_366 = arith.constant 1 : i32
      %get3A_367 = arith.index_cast %get3A_365 : i32 to index
      %get3A_368 = arith.index_cast %get3A_366 : i32 to index
      %get3A_369 = arith.constant 112 : index
      %get3A_370 = tpu.vector_load %arg6[%get3A_367, %get3A_368, %get3A_369] {strides = array<i32>} : memref<4x2x128xi32, #tpu.memory_space<vmem>>, vector<16xi32>,
      tpu.vector_store_idx %arg9[%get3A_370], %broadcast_in_dim3A_3 {add = true} : memref<10240xf32, #tpu.memory_space<vmem>>[vector<16xi32>], vector<16xf32>,
      %dma_wait3A_371 = arith.constant 1 : i32
      %dma_wait3A_372 = arith.constant 1 : i32
      %dma_wait3A_373 = arith.constant 0 : i32
      %dma_wait3A_374 = tpu.memref_slice %arg6[%dma_wait3A_371, %dma_wait3A_372, %dma_wait3A_373] : memref<4x2x128xi32, #tpu.memory_space<vmem>> -> memref<1x1x128xi32, #tpu.memory_space<vmem>>
      %dma_wait3A_375 = tpu.memref_squeeze %dma_wait3A_374 : memref<1x1x128xi32, #tpu.memory_space<vmem>> -> memref<128xi32, #tpu.memory_space<vmem>>
      %dma_wait3A_376 = arith.constant 0 : i32
      %dma_wait3A_377 = arith.constant 0 : i32
      %dma_wait3A_378 = tpu.memref_slice %arg10[%dma_wait3A_376, %dma_wait3A_377] : memref<10240x128xf32, #tpu.memory_space<vmem_shared>> -> memref<10240x128xf32, #tpu.memory_space<vmem_shared>>
      tpu.wait_indirect_dma semaphore(%arg18 : memref<!tpu.dma_semaphore, #tpu.memory_space<semaphore_mem>>) src(%arg8 : memref<128x128xf32, #tpu.memory_space<vmem>>) dst(%dma_wait3A_378 : memref<10240x128xf32, #tpu.memory_space<vmem_shared>>)
      %add3A_379 = arith.constant 4 : i32
      %add3A_380 = arith.addi %add3A_306, %add3A_379 : i32
      %lt3A_381 = arith.cmpi slt, %add3A_380, %select_n3A : i32
      %convert_element_type3A_382 = arith.extui %lt3A_381 : i1 to i32
      %cond3A_383 = arith.constant 0 : i32
      %cond3A_384 = arith.cmpi ne, %convert_element_type3A_382, %cond3A_383 : i32
      scf.if %cond3A_384 {
        %add3A_568 = arith.constant 4 : i32
        %add3A_569 = arith.addi %add3A_306, %add3A_568 : i32
        %add3A_570 = arith.addi %add3A_42, %add3A_569 : i32
        %dma_start3A_571 = arith.constant 1 : i32
        %dma_start3A_572 = arith.constant 0 : i32
        %dma_start3A_573 = arith.constant 0 : i32
        %dma_start3A_574 = tpu.memref_slice %arg6[%dma_start3A_571, %dma_start3A_572, %dma_start3A_573] : memref<4x2x128xi32, #tpu.memory_space<vmem>> -> memref<1x2x128xi32, #tpu.memory_space<vmem>>
        %dma_start3A_575 = tpu.memref_squeeze %dma_start3A_574 : memref<1x2x128xi32, #tpu.memory_space<vmem>> -> memref<2x128xi32, #tpu.memory_space<vmem>>
        %dma_start3A_576 = arith.constant 0 : i32
        %dma_start3A_577 = arith.constant 0 : i32
        %dma_start3A_578 = tpu.memref_slice %arg3[%add3A_570, %dma_start3A_576, %dma_start3A_577] : memref<2560x2x128xi32, #tpu.memory_space<hbm>> -> memref<1x2x128xi32, #tpu.memory_space<hbm>>
        %dma_start3A_579 = tpu.memref_squeeze %dma_start3A_578 : memref<1x2x128xi32, #tpu.memory_space<hbm>> -> memref<2x128xi32, #tpu.memory_space<hbm>>
        %dma_start3A_580 = arith.constant 0 : i32
        %dma_start3A_581 = arith.constant 0 : i32
        %dma_start3A_582 = tpu.memref_slice %arg6[%dma_start3A_571, %dma_start3A_580, %dma_start3A_581] : memref<4x2x128xi32, #tpu.memory_space<vmem>> -> memref<1x2x128xi32, #tpu.memory_space<vmem>>
        %dma_start3A_583 = tpu.memref_squeeze %dma_start3A_582 : memref<1x2x128xi32, #tpu.memory_space<vmem>> -> memref<2x128xi32, #tpu.memory_space<vmem>>
        %dma_start3A_584 = arith.constant 0 : i32
        %dma_start3A_585 = arith.constant 0 : i32
        %dma_start3A_586 = tpu.memref_slice %arg3[%add3A_570, %dma_start3A_584, %dma_start3A_585] : memref<2560x2x128xi32, #tpu.memory_space<hbm>> -> memref<1x2x128xi32, #tpu.memory_space<hbm>>
        %dma_start3A_587 = tpu.memref_squeeze %dma_start3A_586 : memref<1x2x128xi32, #tpu.memory_space<hbm>> -> memref<2x128xi32, #tpu.memory_space<hbm>>
        tpu.enqueue_dma source(%dma_start3A_587 : memref<2x128xi32, #tpu.memory_space<hbm>>) target(%dma_start3A_583 : memref<2x128xi32, #tpu.memory_space<vmem>>) target_semaphore(%arg12 : memref<!tpu.dma_semaphore, #tpu.memory_space<semaphore_mem>>)
      } else {
      }
      %add3A_385 = arith.constant 2 : i32
      %add3A_386 = arith.addi %add3A_306, %add3A_385 : i32
      %lt3A_387 = arith.cmpi slt, %add3A_386, %select_n3A : i32
      %convert_element_type3A_388 = arith.extui %lt3A_387 : i1 to i32
      %cond3A_389 = arith.constant 0 : i32
      %cond3A_390 = arith.cmpi ne, %convert_element_type3A_388, %cond3A_389 : i32
      scf.if %cond3A_390 {
        %dma_wait3A_568 = arith.constant 3 : i32
        %dma_wait3A_569 = arith.constant 0 : i32
        %dma_wait3A_570 = arith.constant 0 : i32
        %dma_wait3A_571 = tpu.memref_slice %arg6[%dma_wait3A_568, %dma_wait3A_569, %dma_wait3A_570] : memref<4x2x128xi32, #tpu.memory_space<vmem>> -> memref<1x2x128xi32, #tpu.memory_space<vmem>>
        %dma_wait3A_572 = tpu.memref_squeeze %dma_wait3A_571 : memref<1x2x128xi32, #tpu.memory_space<vmem>> -> memref<2x128xi32, #tpu.memory_space<vmem>>
        %dma_wait3A_573 = arith.constant 0 : i32
        %dma_wait3A_574 = arith.constant 0 : i32
        %dma_wait3A_575 = tpu.memref_slice %arg3[%add3A_42, %dma_wait3A_573, %dma_wait3A_574] : memref<2560x2x128xi32, #tpu.memory_space<hbm>> -> memref<1x2x128xi32, #tpu.memory_space<hbm>>
        %dma_wait3A_576 = tpu.memref_squeeze %dma_wait3A_575 : memref<1x2x128xi32, #tpu.memory_space<hbm>> -> memref<2x128xi32, #tpu.memory_space<hbm>>
        %dma_wait3A_577 = arith.constant 0 : i32
        %dma_wait3A_578 = arith.constant 0 : i32
        %dma_wait3A_579 = tpu.memref_slice %arg6[%dma_wait3A_568, %dma_wait3A_577, %dma_wait3A_578] : memref<4x2x128xi32, #tpu.memory_space<vmem>> -> memref<1x2x128xi32, #tpu.memory_space<vmem>>
        %dma_wait3A_580 = tpu.memref_squeeze %dma_wait3A_579 : memref<1x2x128xi32, #tpu.memory_space<vmem>> -> memref<2x128xi32, #tpu.memory_space<vmem>>
        %dma_wait3A_581 = arith.constant 0 : i32
        %dma_wait3A_582 = arith.constant 0 : i32
        %dma_wait3A_583 = tpu.memref_slice %arg3[%add3A_42, %dma_wait3A_581, %dma_wait3A_582] : memref<2560x2x128xi32, #tpu.memory_space<hbm>> -> memref<1x2x128xi32, #tpu.memory_space<hbm>>
        %dma_wait3A_584 = tpu.memref_squeeze %dma_wait3A_583 : memref<1x2x128xi32, #tpu.memory_space<hbm>> -> memref<2x128xi32, #tpu.memory_space<hbm>>
        tpu.wait_dma2 semaphore(%arg14 : memref<!tpu.dma_semaphore, #tpu.memory_space<semaphore_mem>>) src(%dma_wait3A_584 : memref<2x128xi32, #tpu.memory_space<hbm>>) dst(%dma_wait3A_580 : memref<2x128xi32, #tpu.memory_space<vmem>>)
        %dma_start3A_585 = arith.constant 3 : i32
        %dma_start3A_586 = arith.constant 0 : i32
        %dma_start3A_587 = arith.constant 0 : i32
        %dma_start3A_588 = tpu.memref_slice %arg6[%dma_start3A_585, %dma_start3A_586, %dma_start3A_587] : memref<4x2x128xi32, #tpu.memory_space<vmem>> -> memref<1x1x128xi32, #tpu.memory_space<vmem>>
        %dma_start3A_589 = tpu.memref_squeeze %dma_start3A_588 : memref<1x1x128xi32, #tpu.memory_space<vmem>> -> memref<128xi32, #tpu.memory_space<vmem>>
        %dma_start3A_590 = arith.constant 0 : i32
        %dma_start3A_591 = arith.constant 0 : i32
        %dma_start3A_592 = tpu.memref_slice %arg2[%dma_start3A_590, %dma_start3A_591] : memref<10240x128xf32, #tpu.memory_space<hbm>> -> memref<10240x128xf32, #tpu.memory_space<hbm>>
        tpu.enqueue_indirect_dma source(%dma_start3A_592 : memref<10240x128xf32, #tpu.memory_space<hbm>>) target(%arg8 : memref<128x128xf32, #tpu.memory_space<vmem>>) offsets(%dma_start3A_589 : memref<128xi32, #tpu.memory_space<vmem>>) semaphore(%arg16 : memref<!tpu.dma_semaphore, #tpu.memory_space<semaphore_mem>>)
      } else {
      }
      %mul3A_391 = arith.constant 4 : i32
      %mul3A_392 = arith.muli %while3A_217, %mul3A_391 : i32
      %add3A_393 = arith.constant 2 : i32
      %add3A_394 = arith.addi %mul3A_392, %add3A_393 : i32
      %dma_wait3A_395 = arith.constant 2 : i32
      %dma_wait3A_396 = arith.constant 0 : i32
      %dma_wait3A_397 = arith.constant 0 : i32
      %dma_wait3A_398 = tpu.memref_slice %arg6[%dma_wait3A_395, %dma_wait3A_396, %dma_wait3A_397] : memref<4x2x128xi32, #tpu.memory_space<vmem>> -> memref<1x1x128xi32, #tpu.memory_space<vmem>>
      %dma_wait3A_399 = tpu.memref_squeeze %dma_wait3A_398 : memref<1x1x128xi32, #tpu.memory_space<vmem>> -> memref<128xi32, #tpu.memory_space<vmem>>
      %dma_wait3A_400 = arith.constant 0 : i32
      %dma_wait3A_401 = arith.constant 0 : i32
      %dma_wait3A_402 = tpu.memref_slice %arg2[%dma_wait3A_400, %dma_wait3A_401] : memref<10240x128xf32, #tpu.memory_space<hbm>> -> memref<10240x128xf32, #tpu.memory_space<hbm>>
      tpu.wait_indirect_dma semaphore(%arg15 : memref<!tpu.dma_semaphore, #tpu.memory_space<semaphore_mem>>) src(%dma_wait3A_402 : memref<10240x128xf32, #tpu.memory_space<hbm>>) dst(%arg7 : memref<128x128xf32, #tpu.memory_space<vmem>>)
      %dma_start3A_403 = arith.constant 2 : i32
      %dma_start3A_404 = arith.constant 1 : i32
      %dma_start3A_405 = arith.constant 0 : i32
      %dma_start3A_406 = tpu.memref_slice %arg6[%dma_start3A_403, %dma_start3A_404, %dma_start3A_405] : memref<4x2x128xi32, #tpu.memory_space<vmem>> -> memref<1x1x128xi32, #tpu.memory_space<vmem>>
      %dma_start3A_407 = tpu.memref_squeeze %dma_start3A_406 : memref<1x1x128xi32, #tpu.memory_space<vmem>> -> memref<128xi32, #tpu.memory_space<vmem>>
      %dma_start3A_408 = arith.constant 0 : i32
      %dma_start3A_409 = arith.constant 0 : i32
      %dma_start3A_410 = tpu.memref_slice %arg10[%dma_start3A_408, %dma_start3A_409] : memref<10240x128xf32, #tpu.memory_space<vmem_shared>> -> memref<10240x128xf32, #tpu.memory_space<vmem_shared>>
      tpu.enqueue_indirect_dma source(%arg7 : memref<128x128xf32, #tpu.memory_space<vmem>>) target(%dma_start3A_410 : memref<10240x128xf32, #tpu.memory_space<vmem_shared>>) offsets(%dma_start3A_407 : memref<128xi32, #tpu.memory_space<vmem>>) semaphore(%arg17 : memref<!tpu.dma_semaphore, #tpu.memory_space<semaphore_mem>>) {add = true}
      %get3A_411 = arith.constant 2 : i32
      %get3A_412 = arith.constant 1 : i32
      %get3A_413 = arith.index_cast %get3A_411 : i32 to index
      %get3A_414 = arith.index_cast %get3A_412 : i32 to index
      %get3A_415 = arith.constant 0 : index
      %get3A_416 = tpu.vector_load %arg6[%get3A_413, %get3A_414, %get3A_415] {strides = array<i32>} : memref<4x2x128xi32, #tpu.memory_space<vmem>>, vector<16xi32>,
      tpu.vector_store_idx %arg9[%get3A_416], %broadcast_in_dim3A_3 {add = true} : memref<10240xf32, #tpu.memory_space<vmem>>[vector<16xi32>], vector<16xf32>,
      %get3A_417 = arith.constant 2 : i32
      %get3A_418 = arith.constant 1 : i32
      %get3A_419 = arith.index_cast %get3A_417 : i32 to index
      %get3A_420 = arith.index_cast %get3A_418 : i32 to index
      %get3A_421 = arith.constant 16 : index
      %get3A_422 = tpu.vector_load %arg6[%get3A_419, %get3A_420, %get3A_421] {strides = array<i32>} : memref<4x2x128xi32, #tpu.memory_space<vmem>>, vector<16xi32>,
      tpu.vector_store_idx %arg9[%get3A_422], %broadcast_in_dim3A_3 {add = true} : memref<10240xf32, #tpu.memory_space<vmem>>[vector<16xi32>], vector<16xf32>,
      %get3A_423 = arith.constant 2 : i32
      %get3A_424 = arith.constant 1 : i32
      %get3A_425 = arith.index_cast %get3A_423 : i32 to index
      %get3A_426 = arith.index_cast %get3A_424 : i32 to index
      %get3A_427 = arith.constant 32 : index
      %get3A_428 = tpu.vector_load %arg6[%get3A_425, %get3A_426, %get3A_427] {strides = array<i32>} : memref<4x2x128xi32, #tpu.memory_space<vmem>>, vector<16xi32>,
      tpu.vector_store_idx %arg9[%get3A_428], %broadcast_in_dim3A_3 {add = true} : memref<10240xf32, #tpu.memory_space<vmem>>[vector<16xi32>], vector<16xf32>,
      %get3A_429 = arith.constant 2 : i32
      %get3A_430 = arith.constant 1 : i32
      %get3A_431 = arith.index_cast %get3A_429 : i32 to index
      %get3A_432 = arith.index_cast %get3A_430 : i32 to index
      %get3A_433 = arith.constant 48 : index
      %get3A_434 = tpu.vector_load %arg6[%get3A_431, %get3A_432, %get3A_433] {strides = array<i32>} : memref<4x2x128xi32, #tpu.memory_space<vmem>>, vector<16xi32>,
      tpu.vector_store_idx %arg9[%get3A_434], %broadcast_in_dim3A_3 {add = true} : memref<10240xf32, #tpu.memory_space<vmem>>[vector<16xi32>], vector<16xf32>,
      %get3A_435 = arith.constant 2 : i32
      %get3A_436 = arith.constant 1 : i32
      %get3A_437 = arith.index_cast %get3A_435 : i32 to index
      %get3A_438 = arith.index_cast %get3A_436 : i32 to index
      %get3A_439 = arith.constant 64 : index
      %get3A_440 = tpu.vector_load %arg6[%get3A_437, %get3A_438, %get3A_439] {strides = array<i32>} : memref<4x2x128xi32, #tpu.memory_space<vmem>>, vector<16xi32>,
      tpu.vector_store_idx %arg9[%get3A_440], %broadcast_in_dim3A_3 {add = true} : memref<10240xf32, #tpu.memory_space<vmem>>[vector<16xi32>], vector<16xf32>,
      %get3A_441 = arith.constant 2 : i32
      %get3A_442 = arith.constant 1 : i32
      %get3A_443 = arith.index_cast %get3A_441 : i32 to index
      %get3A_444 = arith.index_cast %get3A_442 : i32 to index
      %get3A_445 = arith.constant 80 : index
      %get3A_446 = tpu.vector_load %arg6[%get3A_443, %get3A_444, %get3A_445] {strides = array<i32>} : memref<4x2x128xi32, #tpu.memory_space<vmem>>, vector<16xi32>,
      tpu.vector_store_idx %arg9[%get3A_446], %broadcast_in_dim3A_3 {add = true} : memref<10240xf32, #tpu.memory_space<vmem>>[vector<16xi32>], vector<16xf32>,
      %get3A_447 = arith.constant 2 : i32
      %get3A_448 = arith.constant 1 : i32
      %get3A_449 = arith.index_cast %get3A_447 : i32 to index
      %get3A_450 = arith.index_cast %get3A_448 : i32 to index
      %get3A_451 = arith.constant 96 : index
      %get3A_452 = tpu.vector_load %arg6[%get3A_449, %get3A_450, %get3A_451] {strides = array<i32>} : memref<4x2x128xi32, #tpu.memory_space<vmem>>, vector<16xi32>,
      tpu.vector_store_idx %arg9[%get3A_452], %broadcast_in_dim3A_3 {add = true} : memref<10240xf32, #tpu.memory_space<vmem>>[vector<16xi32>], vector<16xf32>,
      %get3A_453 = arith.constant 2 : i32
      %get3A_454 = arith.constant 1 : i32
      %get3A_455 = arith.index_cast %get3A_453 : i32 to index
      %get3A_456 = arith.index_cast %get3A_454 : i32 to index
      %get3A_457 = arith.constant 112 : index
      %get3A_458 = tpu.vector_load %arg6[%get3A_455, %get3A_456, %get3A_457] {strides = array<i32>} : memref<4x2x128xi32, #tpu.memory_space<vmem>>, vector<16xi32>,
      tpu.vector_store_idx %arg9[%get3A_458], %broadcast_in_dim3A_3 {add = true} : memref<10240xf32, #tpu.memory_space<vmem>>[vector<16xi32>], vector<16xf32>,
      %dma_wait3A_459 = arith.constant 2 : i32
      %dma_wait3A_460 = arith.constant 1 : i32
      %dma_wait3A_461 = arith.constant 0 : i32
      %dma_wait3A_462 = tpu.memref_slice %arg6[%dma_wait3A_459, %dma_wait3A_460, %dma_wait3A_461] : memref<4x2x128xi32, #tpu.memory_space<vmem>> -> memref<1x1x128xi32, #tpu.memory_space<vmem>>
      %dma_wait3A_463 = tpu.memref_squeeze %dma_wait3A_462 : memref<1x1x128xi32, #tpu.memory_space<vmem>> -> memref<128xi32, #tpu.memory_space<vmem>>
      %dma_wait3A_464 = arith.constant 0 : i32
      %dma_wait3A_465 = arith.constant 0 : i32
      %dma_wait3A_466 = tpu.memref_slice %arg10[%dma_wait3A_464, %dma_wait3A_465] : memref<10240x128xf32, #tpu.memory_space<vmem_shared>> -> memref<10240x128xf32, #tpu.memory_space<vmem_shared>>
      tpu.wait_indirect_dma semaphore(%arg17 : memref<!tpu.dma_semaphore, #tpu.memory_space<semaphore_mem>>) src(%arg7 : memref<128x128xf32, #tpu.memory_space<vmem>>) dst(%dma_wait3A_466 : memref<10240x128xf32, #tpu.memory_space<vmem_shared>>)
      %add3A_467 = arith.constant 4 : i32
      %add3A_468 = arith.addi %add3A_394, %add3A_467 : i32
      %lt3A_469 = arith.cmpi slt, %add3A_468, %select_n3A : i32
      %convert_element_type3A_470 = arith.extui %lt3A_469 : i1 to i32
      %cond3A_471 = arith.constant 0 : i32
      %cond3A_472 = arith.cmpi ne, %convert_element_type3A_470, %cond3A_471 : i32
      scf.if %cond3A_472 {
        %add3A_568 = arith.constant 4 : i32
        %add3A_569 = arith.addi %add3A_394, %add3A_568 : i32
        %add3A_570 = arith.addi %add3A_42, %add3A_569 : i32
        %dma_start3A_571 = arith.constant 2 : i32
        %dma_start3A_572 = arith.constant 0 : i32
        %dma_start3A_573 = arith.constant 0 : i32
        %dma_start3A_574 = tpu.memref_slice %arg6[%dma_start3A_571, %dma_start3A_572, %dma_start3A_573] : memref<4x2x128xi32, #tpu.memory_space<vmem>> -> memref<1x2x128xi32, #tpu.memory_space<vmem>>
        %dma_start3A_575 = tpu.memref_squeeze %dma_start3A_574 : memref<1x2x128xi32, #tpu.memory_space<vmem>> -> memref<2x128xi32, #tpu.memory_space<vmem>>
        %dma_start3A_576 = arith.constant 0 : i32
        %dma_start3A_577 = arith.constant 0 : i32
        %dma_start3A_578 = tpu.memref_slice %arg3[%add3A_570, %dma_start3A_576, %dma_start3A_577] : memref<2560x2x128xi32, #tpu.memory_space<hbm>> -> memref<1x2x128xi32, #tpu.memory_space<hbm>>
        %dma_start3A_579 = tpu.memref_squeeze %dma_start3A_578 : memref<1x2x128xi32, #tpu.memory_space<hbm>> -> memref<2x128xi32, #tpu.memory_space<hbm>>
        %dma_start3A_580 = arith.constant 0 : i32
        %dma_start3A_581 = arith.constant 0 : i32
        %dma_start3A_582 = tpu.memref_slice %arg6[%dma_start3A_571, %dma_start3A_580, %dma_start3A_581] : memref<4x2x128xi32, #tpu.memory_space<vmem>> -> memref<1x2x128xi32, #tpu.memory_space<vmem>>
        %dma_start3A_583 = tpu.memref_squeeze %dma_start3A_582 : memref<1x2x128xi32, #tpu.memory_space<vmem>> -> memref<2x128xi32, #tpu.memory_space<vmem>>
        %dma_start3A_584 = arith.constant 0 : i32
        %dma_start3A_585 = arith.constant 0 : i32
        %dma_start3A_586 = tpu.memref_slice %arg3[%add3A_570, %dma_start3A_584, %dma_start3A_585] : memref<2560x2x128xi32, #tpu.memory_space<hbm>> -> memref<1x2x128xi32, #tpu.memory_space<hbm>>
        %dma_start3A_587 = tpu.memref_squeeze %dma_start3A_586 : memref<1x2x128xi32, #tpu.memory_space<hbm>> -> memref<2x128xi32, #tpu.memory_space<hbm>>
        tpu.enqueue_dma source(%dma_start3A_587 : memref<2x128xi32, #tpu.memory_space<hbm>>) target(%dma_start3A_583 : memref<2x128xi32, #tpu.memory_space<vmem>>) target_semaphore(%arg13 : memref<!tpu.dma_semaphore, #tpu.memory_space<semaphore_mem>>)
      } else {
      }
      %add3A_473 = arith.constant 2 : i32
      %add3A_474 = arith.addi %add3A_394, %add3A_473 : i32
      %lt3A_475 = arith.cmpi slt, %add3A_474, %select_n3A : i32
      %convert_element_type3A_476 = arith.extui %lt3A_475 : i1 to i32
      %cond3A_477 = arith.constant 0 : i32
      %cond3A_478 = arith.cmpi ne, %convert_element_type3A_476, %cond3A_477 : i32
      scf.if %cond3A_478 {
        %dma_wait3A_568 = arith.constant 0 : i32
        %dma_wait3A_569 = arith.constant 0 : i32
        %dma_wait3A_570 = arith.constant 0 : i32
        %dma_wait3A_571 = tpu.memref_slice %arg6[%dma_wait3A_568, %dma_wait3A_569, %dma_wait3A_570] : memref<4x2x128xi32, #tpu.memory_space<vmem>> -> memref<1x2x128xi32, #tpu.memory_space<vmem>>
        %dma_wait3A_572 = tpu.memref_squeeze %dma_wait3A_571 : memref<1x2x128xi32, #tpu.memory_space<vmem>> -> memref<2x128xi32, #tpu.memory_space<vmem>>
        %dma_wait3A_573 = arith.constant 0 : i32
        %dma_wait3A_574 = arith.constant 0 : i32
        %dma_wait3A_575 = tpu.memref_slice %arg3[%add3A_42, %dma_wait3A_573, %dma_wait3A_574] : memref<2560x2x128xi32, #tpu.memory_space<hbm>> -> memref<1x2x128xi32, #tpu.memory_space<hbm>>
        %dma_wait3A_576 = tpu.memref_squeeze %dma_wait3A_575 : memref<1x2x128xi32, #tpu.memory_space<hbm>> -> memref<2x128xi32, #tpu.memory_space<hbm>>
        %dma_wait3A_577 = arith.constant 0 : i32
        %dma_wait3A_578 = arith.constant 0 : i32
        %dma_wait3A_579 = tpu.memref_slice %arg6[%dma_wait3A_568, %dma_wait3A_577, %dma_wait3A_578] : memref<4x2x128xi32, #tpu.memory_space<vmem>> -> memref<1x2x128xi32, #tpu.memory_space<vmem>>
        %dma_wait3A_580 = tpu.memref_squeeze %dma_wait3A_579 : memref<1x2x128xi32, #tpu.memory_space<vmem>> -> memref<2x128xi32, #tpu.memory_space<vmem>>
        %dma_wait3A_581 = arith.constant 0 : i32
        %dma_wait3A_582 = arith.constant 0 : i32
        %dma_wait3A_583 = tpu.memref_slice %arg3[%add3A_42, %dma_wait3A_581, %dma_wait3A_582] : memref<2560x2x128xi32, #tpu.memory_space<hbm>> -> memref<1x2x128xi32, #tpu.memory_space<hbm>>
        %dma_wait3A_584 = tpu.memref_squeeze %dma_wait3A_583 : memref<1x2x128xi32, #tpu.memory_space<hbm>> -> memref<2x128xi32, #tpu.memory_space<hbm>>
        tpu.wait_dma2 semaphore(%arg11 : memref<!tpu.dma_semaphore, #tpu.memory_space<semaphore_mem>>) src(%dma_wait3A_584 : memref<2x128xi32, #tpu.memory_space<hbm>>) dst(%dma_wait3A_580 : memref<2x128xi32, #tpu.memory_space<vmem>>)
        %dma_start3A_585 = arith.constant 0 : i32
        %dma_start3A_586 = arith.constant 0 : i32
        %dma_start3A_587 = arith.constant 0 : i32
        %dma_start3A_588 = tpu.memref_slice %arg6[%dma_start3A_585, %dma_start3A_586, %dma_start3A_587] : memref<4x2x128xi32, #tpu.memory_space<vmem>> -> memref<1x1x128xi32, #tpu.memory_space<vmem>>
        %dma_start3A_589 = tpu.memref_squeeze %dma_start3A_588 : memref<1x1x128xi32, #tpu.memory_space<vmem>> -> memref<128xi32, #tpu.memory_space<vmem>>
        %dma_start3A_590 = arith.constant 0 : i32
        %dma_start3A_591 = arith.constant 0 : i32
        %dma_start3A_592 = tpu.memref_slice %arg2[%dma_start3A_590, %dma_start3A_591] : memref<10240x128xf32, #tpu.memory_space<hbm>> -> memref<10240x128xf32, #tpu.memory_space<hbm>>
        tpu.enqueue_indirect_dma source(%dma_start3A_592 : memref<10240x128xf32, #tpu.memory_space<hbm>>) target(%arg7 : memref<128x128xf32, #tpu.memory_space<vmem>>) offsets(%dma_start3A_589 : memref<128xi32, #tpu.memory_space<vmem>>) semaphore(%arg15 : memref<!tpu.dma_semaphore, #tpu.memory_space<semaphore_mem>>)
      } else {
      }
      %mul3A_479 = arith.constant 4 : i32
      %mul3A_480 = arith.muli %while3A_217, %mul3A_479 : i32
      %add3A_481 = arith.constant 3 : i32
      %add3A_482 = arith.addi %mul3A_480, %add3A_481 : i32
      %dma_wait3A_483 = arith.constant 3 : i32
      %dma_wait3A_484 = arith.constant 0 : i32
      %dma_wait3A_485 = arith.constant 0 : i32
      %dma_wait3A_486 = tpu.memref_slice %arg6[%dma_wait3A_483, %dma_wait3A_484, %dma_wait3A_485] : memref<4x2x128xi32, #tpu.memory_space<vmem>> -> memref<1x1x128xi32, #tpu.memory_space<vmem>>
      %dma_wait3A_487 = tpu.memref_squeeze %dma_wait3A_486 : memref<1x1x128xi32, #tpu.memory_space<vmem>> -> memref<128xi32, #tpu.memory_space<vmem>>
      %dma_wait3A_488 = arith.constant 0 : i32
      %dma_wait3A_489 = arith.constant 0 : i32
      %dma_wait3A_490 = tpu.memref_slice %arg2[%dma_wait3A_488, %dma_wait3A_489] : memref<10240x128xf32, #tpu.memory_space<hbm>> -> memref<10240x128xf32, #tpu.memory_space<hbm>>
      tpu.wait_indirect_dma semaphore(%arg16 : memref<!tpu.dma_semaphore, #tpu.memory_space<semaphore_mem>>) src(%dma_wait3A_490 : memref<10240x128xf32, #tpu.memory_space<hbm>>) dst(%arg8 : memref<128x128xf32, #tpu.memory_space<vmem>>)
      %dma_start3A_491 = arith.constant 3 : i32
      %dma_start3A_492 = arith.constant 1 : i32
      %dma_start3A_493 = arith.constant 0 : i32
      %dma_start3A_494 = tpu.memref_slice %arg6[%dma_start3A_491, %dma_start3A_492, %dma_start3A_493] : memref<4x2x128xi32, #tpu.memory_space<vmem>> -> memref<1x1x128xi32, #tpu.memory_space<vmem>>
      %dma_start3A_495 = tpu.memref_squeeze %dma_start3A_494 : memref<1x1x128xi32, #tpu.memory_space<vmem>> -> memref<128xi32, #tpu.memory_space<vmem>>
      %dma_start3A_496 = arith.constant 0 : i32
      %dma_start3A_497 = arith.constant 0 : i32
      %dma_start3A_498 = tpu.memref_slice %arg10[%dma_start3A_496, %dma_start3A_497] : memref<10240x128xf32, #tpu.memory_space<vmem_shared>> -> memref<10240x128xf32, #tpu.memory_space<vmem_shared>>
      tpu.enqueue_indirect_dma source(%arg8 : memref<128x128xf32, #tpu.memory_space<vmem>>) target(%dma_start3A_498 : memref<10240x128xf32, #tpu.memory_space<vmem_shared>>) offsets(%dma_start3A_495 : memref<128xi32, #tpu.memory_space<vmem>>) semaphore(%arg18 : memref<!tpu.dma_semaphore, #tpu.memory_space<semaphore_mem>>) {add = true}
      %get3A_499 = arith.constant 3 : i32
      %get3A_500 = arith.constant 1 : i32
      %get3A_501 = arith.index_cast %get3A_499 : i32 to index
      %get3A_502 = arith.index_cast %get3A_500 : i32 to index
      %get3A_503 = arith.constant 0 : index
      %get3A_504 = tpu.vector_load %arg6[%get3A_501, %get3A_502, %get3A_503] {strides = array<i32>} : memref<4x2x128xi32, #tpu.memory_space<vmem>>, vector<16xi32>,
      tpu.vector_store_idx %arg9[%get3A_504], %broadcast_in_dim3A_3 {add = true} : memref<10240xf32, #tpu.memory_space<vmem>>[vector<16xi32>], vector<16xf32>,
      %get3A_505 = arith.constant 3 : i32
      %get3A_506 = arith.constant 1 : i32
      %get3A_507 = arith.index_cast %get3A_505 : i32 to index
      %get3A_508 = arith.index_cast %get3A_506 : i32 to index
      %get3A_509 = arith.constant 16 : index
      %get3A_510 = tpu.vector_load %arg6[%get3A_507, %get3A_508, %get3A_509] {strides = array<i32>} : memref<4x2x128xi32, #tpu.memory_space<vmem>>, vector<16xi32>,
      tpu.vector_store_idx %arg9[%get3A_510], %broadcast_in_dim3A_3 {add = true} : memref<10240xf32, #tpu.memory_space<vmem>>[vector<16xi32>], vector<16xf32>,
      %get3A_511 = arith.constant 3 : i32
      %get3A_512 = arith.constant 1 : i32
      %get3A_513 = arith.index_cast %get3A_511 : i32 to index
      %get3A_514 = arith.index_cast %get3A_512 : i32 to index
      %get3A_515 = arith.constant 32 : index
      %get3A_516 = tpu.vector_load %arg6[%get3A_513, %get3A_514, %get3A_515] {strides = array<i32>} : memref<4x2x128xi32, #tpu.memory_space<vmem>>, vector<16xi32>,
      tpu.vector_store_idx %arg9[%get3A_516], %broadcast_in_dim3A_3 {add = true} : memref<10240xf32, #tpu.memory_space<vmem>>[vector<16xi32>], vector<16xf32>,
      %get3A_517 = arith.constant 3 : i32
      %get3A_518 = arith.constant 1 : i32
      %get3A_519 = arith.index_cast %get3A_517 : i32 to index
      %get3A_520 = arith.index_cast %get3A_518 : i32 to index
      %get3A_521 = arith.constant 48 : index
      %get3A_522 = tpu.vector_load %arg6[%get3A_519, %get3A_520, %get3A_521] {strides = array<i32>} : memref<4x2x128xi32, #tpu.memory_space<vmem>>, vector<16xi32>,
      tpu.vector_store_idx %arg9[%get3A_522], %broadcast_in_dim3A_3 {add = true} : memref<10240xf32, #tpu.memory_space<vmem>>[vector<16xi32>], vector<16xf32>,
      %get3A_523 = arith.constant 3 : i32
      %get3A_524 = arith.constant 1 : i32
      %get3A_525 = arith.index_cast %get3A_523 : i32 to index
      %get3A_526 = arith.index_cast %get3A_524 : i32 to index
      %get3A_527 = arith.constant 64 : index
      %get3A_528 = tpu.vector_load %arg6[%get3A_525, %get3A_526, %get3A_527] {strides = array<i32>} : memref<4x2x128xi32, #tpu.memory_space<vmem>>, vector<16xi32>,
      tpu.vector_store_idx %arg9[%get3A_528], %broadcast_in_dim3A_3 {add = true} : memref<10240xf32, #tpu.memory_space<vmem>>[vector<16xi32>], vector<16xf32>,
      %get3A_529 = arith.constant 3 : i32
      %get3A_530 = arith.constant 1 : i32
      %get3A_531 = arith.index_cast %get3A_529 : i32 to index
      %get3A_532 = arith.index_cast %get3A_530 : i32 to index
      %get3A_533 = arith.constant 80 : index
      %get3A_534 = tpu.vector_load %arg6[%get3A_531, %get3A_532, %get3A_533] {strides = array<i32>} : memref<4x2x128xi32, #tpu.memory_space<vmem>>, vector<16xi32>,
      tpu.vector_store_idx %arg9[%get3A_534], %broadcast_in_dim3A_3 {add = true} : memref<10240xf32, #tpu.memory_space<vmem>>[vector<16xi32>], vector<16xf32>,
      %get3A_535 = arith.constant 3 : i32
      %get3A_536 = arith.constant 1 : i32
      %get3A_537 = arith.index_cast %get3A_535 : i32 to index
      %get3A_538 = arith.index_cast %get3A_536 : i32 to index
      %get3A_539 = arith.constant 96 : index
      %get3A_540 = tpu.vector_load %arg6[%get3A_537, %get3A_538, %get3A_539] {strides = array<i32>} : memref<4x2x128xi32, #tpu.memory_space<vmem>>, vector<16xi32>,
      tpu.vector_store_idx %arg9[%get3A_540], %broadcast_in_dim3A_3 {add = true} : memref<10240xf32, #tpu.memory_space<vmem>>[vector<16xi32>], vector<16xf32>,
      %get3A_541 = arith.constant 3 : i32
      %get3A_542 = arith.constant 1 : i32
      %get3A_543 = arith.index_cast %get3A_541 : i32 to index
      %get3A_544 = arith.index_cast %get3A_542 : i32 to index
      %get3A_545 = arith.constant 112 : index
      %get3A_546 = tpu.vector_load %arg6[%get3A_543, %get3A_544, %get3A_545] {strides = array<i32>} : memref<4x2x128xi32, #tpu.memory_space<vmem>>, vector<16xi32>,
      tpu.vector_store_idx %arg9[%get3A_546], %broadcast_in_dim3A_3 {add = true} : memref<10240xf32, #tpu.memory_space<vmem>>[vector<16xi32>], vector<16xf32>,
      %dma_wait3A_547 = arith.constant 3 : i32
      %dma_wait3A_548 = arith.constant 1 : i32
      %dma_wait3A_549 = arith.constant 0 : i32
      %dma_wait3A_550 = tpu.memref_slice %arg6[%dma_wait3A_547, %dma_wait3A_548, %dma_wait3A_549] : memref<4x2x128xi32, #tpu.memory_space<vmem>> -> memref<1x1x128xi32, #tpu.memory_space<vmem>>
      %dma_wait3A_551 = tpu.memref_squeeze %dma_wait3A_550 : memref<1x1x128xi32, #tpu.memory_space<vmem>> -> memref<128xi32, #tpu.memory_space<vmem>>
      %dma_wait3A_552 = arith.constant 0 : i32
      %dma_wait3A_553 = arith.constant 0 : i32
      %dma_wait3A_554 = tpu.memref_slice %arg10[%dma_wait3A_552, %dma_wait3A_553] : memref<10240x128xf32, #tpu.memory_space<vmem_shared>> -> memref<10240x128xf32, #tpu.memory_space<vmem_shared>>
      tpu.wait_indirect_dma semaphore(%arg18 : memref<!tpu.dma_semaphore, #tpu.memory_space<semaphore_mem>>) src(%arg8 : memref<128x128xf32, #tpu.memory_space<vmem>>) dst(%dma_wait3A_554 : memref<10240x128xf32, #tpu.memory_space<vmem_shared>>)
      %add3A_555 = arith.constant 4 : i32
      %add3A_556 = arith.addi %add3A_482, %add3A_555 : i32
      %lt3A_557 = arith.cmpi slt, %add3A_556, %select_n3A : i32
      %convert_element_type3A_558 = arith.extui %lt3A_557 : i1 to i32
      %cond3A_559 = arith.constant 0 : i32
      %cond3A_560 = arith.cmpi ne, %convert_element_type3A_558, %cond3A_559 : i32
      scf.if %cond3A_560 {
        %add3A_568 = arith.constant 4 : i32
        %add3A_569 = arith.addi %add3A_482, %add3A_568 : i32
        %add3A_570 = arith.addi %add3A_42, %add3A_569 : i32
        %dma_start3A_571 = arith.constant 3 : i32
        %dma_start3A_572 = arith.constant 0 : i32
        %dma_start3A_573 = arith.constant 0 : i32
        %dma_start3A_574 = tpu.memref_slice %arg6[%dma_start3A_571, %dma_start3A_572, %dma_start3A_573] : memref<4x2x128xi32, #tpu.memory_space<vmem>> -> memref<1x2x128xi32, #tpu.memory_space<vmem>>
        %dma_start3A_575 = tpu.memref_squeeze %dma_start3A_574 : memref<1x2x128xi32, #tpu.memory_space<vmem>> -> memref<2x128xi32, #tpu.memory_space<vmem>>
        %dma_start3A_576 = arith.constant 0 : i32
        %dma_start3A_577 = arith.constant 0 : i32
        %dma_start3A_578 = tpu.memref_slice %arg3[%add3A_570, %dma_start3A_576, %dma_start3A_577] : memref<2560x2x128xi32, #tpu.memory_space<hbm>> -> memref<1x2x128xi32, #tpu.memory_space<hbm>>
        %dma_start3A_579 = tpu.memref_squeeze %dma_start3A_578 : memref<1x2x128xi32, #tpu.memory_space<hbm>> -> memref<2x128xi32, #tpu.memory_space<hbm>>
        %dma_start3A_580 = arith.constant 0 : i32
        %dma_start3A_581 = arith.constant 0 : i32
        %dma_start3A_582 = tpu.memref_slice %arg6[%dma_start3A_571, %dma_start3A_580, %dma_start3A_581] : memref<4x2x128xi32, #tpu.memory_space<vmem>> -> memref<1x2x128xi32, #tpu.memory_space<vmem>>
        %dma_start3A_583 = tpu.memref_squeeze %dma_start3A_582 : memref<1x2x128xi32, #tpu.memory_space<vmem>> -> memref<2x128xi32, #tpu.memory_space<vmem>>
        %dma_start3A_584 = arith.constant 0 : i32
        %dma_start3A_585 = arith.constant 0 : i32
        %dma_start3A_586 = tpu.memref_slice %arg3[%add3A_570, %dma_start3A_584, %dma_start3A_585] : memref<2560x2x128xi32, #tpu.memory_space<hbm>> -> memref<1x2x128xi32, #tpu.memory_space<hbm>>
        %dma_start3A_587 = tpu.memref_squeeze %dma_start3A_586 : memref<1x2x128xi32, #tpu.memory_space<hbm>> -> memref<2x128xi32, #tpu.memory_space<hbm>>
        tpu.enqueue_dma source(%dma_start3A_587 : memref<2x128xi32, #tpu.memory_space<hbm>>) target(%dma_start3A_583 : memref<2x128xi32, #tpu.memory_space<vmem>>) target_semaphore(%arg14 : memref<!tpu.dma_semaphore, #tpu.memory_space<semaphore_mem>>)
      } else {
      }
      %add3A_561 = arith.constant 2 : i32
      %add3A_562 = arith.addi %add3A_482, %add3A_561 : i32
      %lt3A_563 = arith.cmpi slt, %add3A_562, %select_n3A : i32
      %convert_element_type3A_564 = arith.extui %lt3A_563 : i1 to i32
      %cond3A_565 = arith.constant 0 : i32
      %cond3A_566 = arith.cmpi ne, %convert_element_type3A_564, %cond3A_565 : i32
      scf.if %cond3A_566 {
        %dma_wait3A_568 = arith.constant 1 : i32
        %dma_wait3A_569 = arith.constant 0 : i32
        %dma_wait3A_570 = arith.constant 0 : i32
        %dma_wait3A_571 = tpu.memref_slice %arg6[%dma_wait3A_568, %dma_wait3A_569, %dma_wait3A_570] : memref<4x2x128xi32, #tpu.memory_space<vmem>> -> memref<1x2x128xi32, #tpu.memory_space<vmem>>
        %dma_wait3A_572 = tpu.memref_squeeze %dma_wait3A_571 : memref<1x2x128xi32, #tpu.memory_space<vmem>> -> memref<2x128xi32, #tpu.memory_space<vmem>>
        %dma_wait3A_573 = arith.constant 0 : i32
        %dma_wait3A_574 = arith.constant 0 : i32
        %dma_wait3A_575 = tpu.memref_slice %arg3[%add3A_42, %dma_wait3A_573, %dma_wait3A_574] : memref<2560x2x128xi32, #tpu.memory_space<hbm>> -> memref<1x2x128xi32, #tpu.memory_space<hbm>>
        %dma_wait3A_576 = tpu.memref_squeeze %dma_wait3A_575 : memref<1x2x128xi32, #tpu.memory_space<hbm>> -> memref<2x128xi32, #tpu.memory_space<hbm>>
        %dma_wait3A_577 = arith.constant 0 : i32
        %dma_wait3A_578 = arith.constant 0 : i32
        %dma_wait3A_579 = tpu.memref_slice %arg6[%dma_wait3A_568, %dma_wait3A_577, %dma_wait3A_578] : memref<4x2x128xi32, #tpu.memory_space<vmem>> -> memref<1x2x128xi32, #tpu.memory_space<vmem>>
        %dma_wait3A_580 = tpu.memref_squeeze %dma_wait3A_579 : memref<1x2x128xi32, #tpu.memory_space<vmem>> -> memref<2x128xi32, #tpu.memory_space<vmem>>
        %dma_wait3A_581 = arith.constant 0 : i32
        %dma_wait3A_582 = arith.constant 0 : i32
        %dma_wait3A_583 = tpu.memref_slice %arg3[%add3A_42, %dma_wait3A_581, %dma_wait3A_582] : memref<2560x2x128xi32, #tpu.memory_space<hbm>> -> memref<1x2x128xi32, #tpu.memory_space<hbm>>
        %dma_wait3A_584 = tpu.memref_squeeze %dma_wait3A_583 : memref<1x2x128xi32, #tpu.memory_space<hbm>> -> memref<2x128xi32, #tpu.memory_space<hbm>>
        tpu.wait_dma2 semaphore(%arg12 : memref<!tpu.dma_semaphore, #tpu.memory_space<semaphore_mem>>) src(%dma_wait3A_584 : memref<2x128xi32, #tpu.memory_space<hbm>>) dst(%dma_wait3A_580 : memref<2x128xi32, #tpu.memory_space<vmem>>)
        %dma_start3A_585 = arith.constant 1 : i32
        %dma_start3A_586 = arith.constant 0 : i32
        %dma_start3A_587 = arith.constant 0 : i32
        %dma_start3A_588 = tpu.memref_slice %arg6[%dma_start3A_585, %dma_start3A_586, %dma_start3A_587] : memref<4x2x128xi32, #tpu.memory_space<vmem>> -> memref<1x1x128xi32, #tpu.memory_space<vmem>>
        %dma_start3A_589 = tpu.memref_squeeze %dma_start3A_588 : memref<1x1x128xi32, #tpu.memory_space<vmem>> -> memref<128xi32, #tpu.memory_space<vmem>>
        %dma_start3A_590 = arith.constant 0 : i32
        %dma_start3A_591 = arith.constant 0 : i32
        %dma_start3A_592 = tpu.memref_slice %arg2[%dma_start3A_590, %dma_start3A_591] : memref<10240x128xf32, #tpu.memory_space<hbm>> -> memref<10240x128xf32, #tpu.memory_space<hbm>>
        tpu.enqueue_indirect_dma source(%dma_start3A_592 : memref<10240x128xf32, #tpu.memory_space<hbm>>) target(%arg8 : memref<128x128xf32, #tpu.memory_space<vmem>>) offsets(%dma_start3A_589 : memref<128xi32, #tpu.memory_space<vmem>>) semaphore(%arg16 : memref<!tpu.dma_semaphore, #tpu.memory_space<semaphore_mem>>)
      } else {
      }
      %while3A_567 = arith.constant 0 : i32
      scf.yield %while3A_567 : i32
    }
    %barrier3A_196 = arith.constant 0 : index
    tpu.barrier barrier_id(%barrier3A_196)
    "tpu.region"() ({
      %run_scoped3A = tpu.sem_alloc : memref<!tpu.dma_semaphore, #tpu.memory_space<semaphore_mem>>
      %dma_start3A_217 = arith.constant 0 : i32
      %dma_start3A_218 = tpu.memref_slice %arg5[%add3A, %dma_start3A_217] : memref<32x10240xf32, #tpu.memory_space<hbm>> -> memref<1x10240xf32, #tpu.memory_space<hbm>>
      %dma_start3A_219 = tpu.memref_squeeze %dma_start3A_218 : memref<1x10240xf32, #tpu.memory_space<hbm>> -> memref<10240xf32, #tpu.memory_space<hbm>>
      %dma_start3A_220 = arith.constant 0 : i32
      %dma_start3A_221 = tpu.memref_slice %arg5[%add3A, %dma_start3A_220] : memref<32x10240xf32, #tpu.memory_space<hbm>> -> memref<1x10240xf32, #tpu.memory_space<hbm>>
      %dma_start3A_222 = tpu.memref_squeeze %dma_start3A_221 : memref<1x10240xf32, #tpu.memory_space<hbm>> -> memref<10240xf32, #tpu.memory_space<hbm>>
      tpu.enqueue_dma source(%arg9 : memref<10240xf32, #tpu.memory_space<vmem>>) target(%dma_start3A_222 : memref<10240xf32, #tpu.memory_space<hbm>>) target_semaphore(%run_scoped3A : memref<!tpu.dma_semaphore, #tpu.memory_space<semaphore_mem>>)
      %dma_wait3A_223 = arith.constant 0 : i32
      %dma_wait3A_224 = tpu.memref_slice %arg5[%add3A, %dma_wait3A_223] : memref<32x10240xf32, #tpu.memory_space<hbm>> -> memref<1x10240xf32, #tpu.memory_space<hbm>>
      %dma_wait3A_225 = tpu.memref_squeeze %dma_wait3A_224 : memref<1x10240xf32, #tpu.memory_space<hbm>> -> memref<10240xf32, #tpu.memory_space<hbm>>
      %dma_wait3A_226 = arith.constant 0 : i32
      %dma_wait3A_227 = tpu.memref_slice %arg5[%add3A, %dma_wait3A_226] : memref<32x10240xf32, #tpu.memory_space<hbm>> -> memref<1x10240xf32, #tpu.memory_space<hbm>>
      %dma_wait3A_228 = tpu.memref_squeeze %dma_wait3A_227 : memref<1x10240xf32, #tpu.memory_space<hbm>> -> memref<10240xf32, #tpu.memory_space<hbm>>
      tpu.wait_dma2 semaphore(%run_scoped3A : memref<!tpu.dma_semaphore, #tpu.memory_space<semaphore_mem>>) src(%arg9 : memref<10240xf32, #tpu.memory_space<vmem>>) dst(%dma_wait3A_228 : memref<10240xf32, #tpu.memory_space<hbm>>)
      tpu.yield
    }) : () -> ()
    %mul3A_197 = arith.constant 640 : i32
    %mul3A_198 = arith.muli %arg1, %mul3A_197 : i32
    %add3A_199 = arith.constant 0 : i32
    %add3A_200 = arith.addi %mul3A_198, %add3A_199 : i32
    "tpu.region"() ({
      %run_scoped3A = tpu.sem_alloc : memref<!tpu.dma_semaphore, #tpu.memory_space<semaphore_mem>>
      %dma_start3A_217 = arith.constant 0 : i32
      %dma_start3A_218 = tpu.memref_slice %arg4[%arg0, %add3A_200, %dma_start3A_217] : memref<2x10240x128xf32, #tpu.memory_space<hbm>> -> memref<1x128x128xf32, #tpu.memory_space<hbm>>
      %dma_start3A_219 = tpu.memref_squeeze %dma_start3A_218 : memref<1x128x128xf32, #tpu.memory_space<hbm>> -> memref<128x128xf32, #tpu.memory_space<hbm>>
      %dma_start3A_220 = arith.constant 0 : i32
      %dma_start3A_221 = tpu.memref_slice %arg10[%add3A_200, %dma_start3A_220] : memref<10240x128xf32, #tpu.memory_space<vmem_shared>> -> memref<128x128xf32, #tpu.memory_space<vmem_shared>>
      tpu.enqueue_dma source(%dma_start3A_221 : memref<128x128xf32, #tpu.memory_space<vmem_shared>>) target(%dma_start3A_219 : memref<128x128xf32, #tpu.memory_space<hbm>>) target_semaphore(%run_scoped3A : memref<!tpu.dma_semaphore, #tpu.memory_space<semaphore_mem>>)
      %dma_wait3A_222 = arith.constant 0 : i32
      %dma_wait3A_223 = tpu.memref_slice %arg4[%arg0, %add3A_200, %dma_wait3A_222] : memref<2x10240x128xf32, #tpu.memory_space<hbm>> -> memref<1x128x128xf32, #tpu.memory_space<hbm>>
      %dma_wait3A_224 = tpu.memref_squeeze %dma_wait3A_223 : memref<1x128x128xf32, #tpu.memory_space<hbm>> -> memref<128x128xf32, #tpu.memory_space<hbm>>
      %dma_wait3A_225 = arith.constant 0 : i32
      %dma_wait3A_226 = tpu.memref_slice %arg10[%add3A_200, %dma_wait3A_225] : memref<10240x128xf32, #tpu.memory_space<vmem_shared>> -> memref<128x128xf32, #tpu.memory_space<vmem_shared>>
      tpu.wait_dma2 semaphore(%run_scoped3A : memref<!tpu.dma_semaphore, #tpu.memory_space<semaphore_mem>>) src(%dma_wait3A_226 : memref<128x128xf32, #tpu.memory_space<vmem_shared>>) dst(%dma_wait3A_224 : memref<128x128xf32, #tpu.memory_space<hbm>>)
      tpu.yield
    }) : () -> ()
    %mul3A_201 = arith.constant 640 : i32
    %mul3A_202 = arith.muli %arg1, %mul3A_201 : i32
    %add3A_203 = arith.constant 128 : i32
    %add3A_204 = arith.addi %mul3A_202, %add3A_203 : i32
    "tpu.region"() ({
      %run_scoped3A = tpu.sem_alloc : memref<!tpu.dma_semaphore, #tpu.memory_space<semaphore_mem>>
      %dma_start3A_217 = arith.constant 0 : i32
      %dma_start3A_218 = tpu.memref_slice %arg4[%arg0, %add3A_204, %dma_start3A_217] : memref<2x10240x128xf32, #tpu.memory_space<hbm>> -> memref<1x128x128xf32, #tpu.memory_space<hbm>>
      %dma_start3A_219 = tpu.memref_squeeze %dma_start3A_218 : memref<1x128x128xf32, #tpu.memory_space<hbm>> -> memref<128x128xf32, #tpu.memory_space<hbm>>
      %dma_start3A_220 = arith.constant 0 : i32
      %dma_start3A_221 = tpu.memref_slice %arg10[%add3A_204, %dma_start3A_220] : memref<10240x128xf32, #tpu.memory_space<vmem_shared>> -> memref<128x128xf32, #tpu.memory_space<vmem_shared>>
      tpu.enqueue_dma source(%dma_start3A_221 : memref<128x128xf32, #tpu.memory_space<vmem_shared>>) target(%dma_start3A_219 : memref<128x128xf32, #tpu.memory_space<hbm>>) target_semaphore(%run_scoped3A : memref<!tpu.dma_semaphore, #tpu.memory_space<semaphore_mem>>)
      %dma_wait3A_222 = arith.constant 0 : i32
      %dma_wait3A_223 = tpu.memref_slice %arg4[%arg0, %add3A_204, %dma_wait3A_222] : memref<2x10240x128xf32, #tpu.memory_space<hbm>> -> memref<1x128x128xf32, #tpu.memory_space<hbm>>
      %dma_wait3A_224 = tpu.memref_squeeze %dma_wait3A_223 : memref<1x128x128xf32, #tpu.memory_space<hbm>> -> memref<128x128xf32, #tpu.memory_space<hbm>>
      %dma_wait3A_225 = arith.constant 0 : i32
      %dma_wait3A_226 = tpu.memref_slice %arg10[%add3A_204, %dma_wait3A_225] : memref<10240x128xf32, #tpu.memory_space<vmem_shared>> -> memref<128x128xf32, #tpu.memory_space<vmem_shared>>
      tpu.wait_dma2 semaphore(%run_scoped3A : memref<!tpu.dma_semaphore, #tpu.memory_space<semaphore_mem>>) src(%dma_wait3A_226 : memref<128x128xf32, #tpu.memory_space<vmem_shared>>) dst(%dma_wait3A_224 : memref<128x128xf32, #tpu.memory_space<hbm>>)
      tpu.yield
    }) : () -> ()
    %mul3A_205 = arith.constant 640 : i32
    %mul3A_206 = arith.muli %arg1, %mul3A_205 : i32
    %add3A_207 = arith.constant 256 : i32
    %add3A_208 = arith.addi %mul3A_206, %add3A_207 : i32
    "tpu.region"() ({
      %run_scoped3A = tpu.sem_alloc : memref<!tpu.dma_semaphore, #tpu.memory_space<semaphore_mem>>
      %dma_start3A_217 = arith.constant 0 : i32
      %dma_start3A_218 = tpu.memref_slice %arg4[%arg0, %add3A_208, %dma_start3A_217] : memref<2x10240x128xf32, #tpu.memory_space<hbm>> -> memref<1x128x128xf32, #tpu.memory_space<hbm>>
      %dma_start3A_219 = tpu.memref_squeeze %dma_start3A_218 : memref<1x128x128xf32, #tpu.memory_space<hbm>> -> memref<128x128xf32, #tpu.memory_space<hbm>>
      %dma_start3A_220 = arith.constant 0 : i32
      %dma_start3A_221 = tpu.memref_slice %arg10[%add3A_208, %dma_start3A_220] : memref<10240x128xf32, #tpu.memory_space<vmem_shared>> -> memref<128x128xf32, #tpu.memory_space<vmem_shared>>
      tpu.enqueue_dma source(%dma_start3A_221 : memref<128x128xf32, #tpu.memory_space<vmem_shared>>) target(%dma_start3A_219 : memref<128x128xf32, #tpu.memory_space<hbm>>) target_semaphore(%run_scoped3A : memref<!tpu.dma_semaphore, #tpu.memory_space<semaphore_mem>>)
      %dma_wait3A_222 = arith.constant 0 : i32
      %dma_wait3A_223 = tpu.memref_slice %arg4[%arg0, %add3A_208, %dma_wait3A_222] : memref<2x10240x128xf32, #tpu.memory_space<hbm>> -> memref<1x128x128xf32, #tpu.memory_space<hbm>>
      %dma_wait3A_224 = tpu.memref_squeeze %dma_wait3A_223 : memref<1x128x128xf32, #tpu.memory_space<hbm>> -> memref<128x128xf32, #tpu.memory_space<hbm>>
      %dma_wait3A_225 = arith.constant 0 : i32
      %dma_wait3A_226 = tpu.memref_slice %arg10[%add3A_208, %dma_wait3A_225] : memref<10240x128xf32, #tpu.memory_space<vmem_shared>> -> memref<128x128xf32, #tpu.memory_space<vmem_shared>>
      tpu.wait_dma2 semaphore(%run_scoped3A : memref<!tpu.dma_semaphore, #tpu.memory_space<semaphore_mem>>) src(%dma_wait3A_226 : memref<128x128xf32, #tpu.memory_space<vmem_shared>>) dst(%dma_wait3A_224 : memref<128x128xf32, #tpu.memory_space<hbm>>)
      tpu.yield
    }) : () -> ()
    %mul3A_209 = arith.constant 640 : i32
    %mul3A_210 = arith.muli %arg1, %mul3A_209 : i32
    %add3A_211 = arith.constant 384 : i32
    %add3A_212 = arith.addi %mul3A_210, %add3A_211 : i32
    "tpu.region"() ({
      %run_scoped3A = tpu.sem_alloc : memref<!tpu.dma_semaphore, #tpu.memory_space<semaphore_mem>>
      %dma_start3A_217 = arith.constant 0 : i32
      %dma_start3A_218 = tpu.memref_slice %arg4[%arg0, %add3A_212, %dma_start3A_217] : memref<2x10240x128xf32, #tpu.memory_space<hbm>> -> memref<1x128x128xf32, #tpu.memory_space<hbm>>
      %dma_start3A_219 = tpu.memref_squeeze %dma_start3A_218 : memref<1x128x128xf32, #tpu.memory_space<hbm>> -> memref<128x128xf32, #tpu.memory_space<hbm>>
      %dma_start3A_220 = arith.constant 0 : i32
      %dma_start3A_221 = tpu.memref_slice %arg10[%add3A_212, %dma_start3A_220] : memref<10240x128xf32, #tpu.memory_space<vmem_shared>> -> memref<128x128xf32, #tpu.memory_space<vmem_shared>>
      tpu.enqueue_dma source(%dma_start3A_221 : memref<128x128xf32, #tpu.memory_space<vmem_shared>>) target(%dma_start3A_219 : memref<128x128xf32, #tpu.memory_space<hbm>>) target_semaphore(%run_scoped3A : memref<!tpu.dma_semaphore, #tpu.memory_space<semaphore_mem>>)
      %dma_wait3A_222 = arith.constant 0 : i32
      %dma_wait3A_223 = tpu.memref_slice %arg4[%arg0, %add3A_212, %dma_wait3A_222] : memref<2x10240x128xf32, #tpu.memory_space<hbm>> -> memref<1x128x128xf32, #tpu.memory_space<hbm>>
      %dma_wait3A_224 = tpu.memref_squeeze %dma_wait3A_223 : memref<1x128x128xf32, #tpu.memory_space<hbm>> -> memref<128x128xf32, #tpu.memory_space<hbm>>
      %dma_wait3A_225 = arith.constant 0 : i32
      %dma_wait3A_226 = tpu.memref_slice %arg10[%add3A_212, %dma_wait3A_225] : memref<10240x128xf32, #tpu.memory_space<vmem_shared>> -> memref<128x128xf32, #tpu.memory_space<vmem_shared>>
      tpu.wait_dma2 semaphore(%run_scoped3A : memref<!tpu.dma_semaphore, #tpu.memory_space<semaphore_mem>>) src(%dma_wait3A_226 : memref<128x128xf32, #tpu.memory_space<vmem_shared>>) dst(%dma_wait3A_224 : memref<128x128xf32, #tpu.memory_space<hbm>>)
      tpu.yield
    }) : () -> ()
    %mul3A_213 = arith.constant 640 : i32
    %mul3A_214 = arith.muli %arg1, %mul3A_213 : i32
    %add3A_215 = arith.constant 512 : i32
    %add3A_216 = arith.addi %mul3A_214, %add3A_215 : i32
    "tpu.region"() ({
      %run_scoped3A = tpu.sem_alloc : memref<!tpu.dma_semaphore, #tpu.memory_space<semaphore_mem>>
      %dma_start3A_217 = arith.constant 0 : i32
      %dma_start3A_218 = tpu.memref_slice %arg4[%arg0, %add3A_216, %dma_start3A_217] : memref<2x10240x128xf32, #tpu.memory_space<hbm>> -> memref<1x128x128xf32, #tpu.memory_space<hbm>>
      %dma_start3A_219 = tpu.memref_squeeze %dma_start3A_218 : memref<1x128x128xf32, #tpu.memory_space<hbm>> -> memref<128x128xf32, #tpu.memory_space<hbm>>
      %dma_start3A_220 = arith.constant 0 : i32
      %dma_start3A_221 = tpu.memref_slice %arg10[%add3A_216, %dma_start3A_220] : memref<10240x128xf32, #tpu.memory_space<vmem_shared>> -> memref<128x128xf32, #tpu.memory_space<vmem_shared>>
      tpu.enqueue_dma source(%dma_start3A_221 : memref<128x128xf32, #tpu.memory_space<vmem_shared>>) target(%dma_start3A_219 : memref<128x128xf32, #tpu.memory_space<hbm>>) target_semaphore(%run_scoped3A : memref<!tpu.dma_semaphore, #tpu.memory_space<semaphore_mem>>)
      %dma_wait3A_222 = arith.constant 0 : i32
      %dma_wait3A_223 = tpu.memref_slice %arg4[%arg0, %add3A_216, %dma_wait3A_222] : memref<2x10240x128xf32, #tpu.memory_space<hbm>> -> memref<1x128x128xf32, #tpu.memory_space<hbm>>
      %dma_wait3A_224 = tpu.memref_squeeze %dma_wait3A_223 : memref<1x128x128xf32, #tpu.memory_space<hbm>> -> memref<128x128xf32, #tpu.memory_space<hbm>>
      %dma_wait3A_225 = arith.constant 0 : i32
      %dma_wait3A_226 = tpu.memref_slice %arg10[%add3A_216, %dma_wait3A_225] : memref<10240x128xf32, #tpu.memory_space<vmem_shared>> -> memref<128x128xf32, #tpu.memory_space<vmem_shared>>
      tpu.wait_dma2 semaphore(%run_scoped3A : memref<!tpu.dma_semaphore, #tpu.memory_space<semaphore_mem>>) src(%dma_wait3A_226 : memref<128x128xf32, #tpu.memory_space<vmem_shared>>) dst(%dma_wait3A_224 : memref<128x128xf32, #tpu.memory_space<hbm>>)
      tpu.yield
    }) : () -> ()
    return
  }
}

module attributes {stable_mosaic.version = 14 : i64} {
  func.func @_sage_tc(%arg0: i32, %arg1: memref<512x128xf32, #tpu.memory_space<vmem>>, %arg2: memref<2x512x128xf32, #tpu.memory_space<vmem>>, %arg3: memref<32x512xf32, #tpu.memory_space<vmem>>, %arg4: memref<128x128xf32, #tpu.memory_space<vmem>>, %arg5: memref<128x128xf32, #tpu.memory_space<vmem>>, %arg6: memref<1x128xf32, #tpu.memory_space<vmem>>, %arg7: memref<512x128xf32, #tpu.memory_space<vmem>>) attributes {dimension_semantics = [#tpu.dimension_semantics<arbitrary>], iteration_bounds = array<i64: 20>, scalar_prefetch = 0 : i64, scratch_operands = 0 : i64, tpu.core_type = #tpu.core_type<tc>, window_params = [{transform_indices = @transform_0, window_bounds = array<i64: 512, 128>}, {transform_indices = @transform_1, window_bounds = array<i64: 2, 512, 128>}, {transform_indices = @transform_2, window_bounds = array<i64: 32, 512>}, {pipeline_mode = #tpu.pipeline_mode<synchronous>, transform_indices = @transform_3, window_bounds = array<i64: 128, 128>}, {pipeline_mode = #tpu.pipeline_mode<synchronous>, transform_indices = @transform_4, window_bounds = array<i64: 128, 128>}, {pipeline_mode = #tpu.pipeline_mode<synchronous>, transform_indices = @transform_5, window_bounds = array<i64: 1, 128>}, {transform_indices = @transform_6, window_bounds = array<i64: 512, 128>}]} {
    %get3A = arith.constant 0 : index
    %get3A_0 = arith.constant 0 : index
    %get3A_1 = arith.constant 0 : index
    %get3A_2 = vector.load %arg2[%get3A, %get3A_0, %get3A_1] : memref<2x512x128xf32, #tpu.memory_space<vmem>>, vector<1x512x128xf32>
    %get3A_3 = vector.shape_cast %get3A_2 : vector<1x512x128xf32> to vector<512x128xf32>
    %get3A_4 = arith.constant 1 : index
    %get3A_5 = arith.constant 0 : index
    %get3A_6 = arith.constant 0 : index
    %get3A_7 = vector.load %arg2[%get3A_4, %get3A_5, %get3A_6] : memref<2x512x128xf32, #tpu.memory_space<vmem>>, vector<1x512x128xf32>
    %get3A_8 = vector.shape_cast %get3A_7 : vector<1x512x128xf32> to vector<512x128xf32>
    %add3A = arith.addf %get3A_3, %get3A_8 : vector<512x128xf32>
    %get3A_9 = arith.constant 0 : index
    %get3A_10 = arith.constant 0 : index
    %get3A_11 = vector.load %arg3[%get3A_9, %get3A_10] : memref<32x512xf32, #tpu.memory_space<vmem>>, vector<32x512xf32>
    %reduce_sum3A = arith.constant dense<0.000000e+00> : vector<512xf32>
    %reduce_sum3A_12 = vector.multi_reduction <add>, %get3A_11, %reduce_sum3A [0] : vector<32x512xf32> to vector<512xf32>
    %max3A = arith.constant 1.000000e+00 : f32
    %max3A_13 = vector.broadcast %max3A : f32 to vector<512xf32>
    %max3A_14 = arith.maximumf %reduce_sum3A_12, %max3A_13 : vector<512xf32>
    %broadcast_in_dim3A = vector.shape_cast %max3A_14 : vector<512xf32> to vector<512x1xf32>
    %div3A = vector.broadcast %broadcast_in_dim3A : vector<512x1xf32> to vector<512x128xf32>
    %div3A_15 = arith.divf %add3A, %div3A : vector<512x128xf32>
    %get3A_16 = arith.constant 0 : index
    %get3A_17 = arith.constant 0 : index
    %get3A_18 = vector.load %arg1[%get3A_16, %get3A_17] : memref<512x128xf32, #tpu.memory_space<vmem>>, vector<512x128xf32>
    %get3A_19 = arith.constant 0 : index
    %get3A_20 = arith.constant 0 : index
    %get3A_21 = vector.load %arg4[%get3A_19, %get3A_20] : memref<128x128xf32, #tpu.memory_space<vmem>>, vector<128x128xf32>
    %dot_general3A = arith.constant dense<0.000000e+00> : vector<512x128xf32>
    %dot_general3A_22 = tpu.matmul %get3A_18, %get3A_21, %dot_general3A {dimension_numbers = #tpu.dot_dimension_numbers<[1], [0], [0], [1], [0, 0, 1, 1], [], []>, transpose_lhs_hint = false} : vector<512x128xf32>, vector<128x128xf32>, vector<512x128xf32> -> vector<512x128xf32>
    %get3A_23 = arith.constant 0 : index
    %get3A_24 = arith.constant 0 : index
    %get3A_25 = vector.load %arg5[%get3A_23, %get3A_24] : memref<128x128xf32, #tpu.memory_space<vmem>>, vector<128x128xf32>
    %dot_general3A_26 = arith.constant dense<0.000000e+00> : vector<512x128xf32>
    %dot_general3A_27 = tpu.matmul %div3A_15, %get3A_25, %dot_general3A_26 {dimension_numbers = #tpu.dot_dimension_numbers<[1], [0], [0], [1], [0, 0, 1, 1], [], []>, transpose_lhs_hint = false} : vector<512x128xf32>, vector<128x128xf32>, vector<512x128xf32> -> vector<512x128xf32>
    %add3A_28 = arith.addf %dot_general3A_22, %dot_general3A_27 : vector<512x128xf32>
    %get3A_29 = arith.constant 0 : index
    %get3A_30 = arith.constant 0 : index
    %get3A_31 = vector.load %arg6[%get3A_29, %get3A_30] : memref<1x128xf32, #tpu.memory_space<vmem>>, vector<1x128xf32>
    %add3A_32 = vector.broadcast %get3A_31 : vector<1x128xf32> to vector<512x128xf32>
    %add3A_33 = arith.addf %add3A_28, %add3A_32 : vector<512x128xf32>
    %max3A_34 = arith.constant 0.000000e+00 : f32
    %max3A_35 = vector.broadcast %max3A_34 : f32 to vector<512x128xf32>
    %max3A_36 = arith.maximumf %add3A_33, %max3A_35 : vector<512x128xf32>
    %mul3A = arith.mulf %max3A_36, %max3A_36 : vector<512x128xf32>
    %reduce_sum3A_37 = arith.constant dense<0.000000e+00> : vector<512xf32>
    %reduce_sum3A_38 = vector.multi_reduction <add>, %mul3A, %reduce_sum3A_37 [1] : vector<512x128xf32> to vector<512xf32>
    %broadcast_in_dim3A_39 = vector.shape_cast %reduce_sum3A_38 : vector<512xf32> to vector<512x1xf32>
    %sqrt3A = math.sqrt %broadcast_in_dim3A_39 : vector<512x1xf32>
    %add3A_40 = arith.constant 9.99999996E-13 : f32
    %add3A_41 = vector.broadcast %add3A_40 : f32 to vector<512x1xf32>
    %add3A_42 = arith.addf %sqrt3A, %add3A_41 : vector<512x1xf32>
    %div3A_43 = vector.broadcast %add3A_42 : vector<512x1xf32> to vector<512x128xf32>
    %div3A_44 = arith.divf %max3A_36, %div3A_43 : vector<512x128xf32>
    %swap3A = arith.constant 0 : index
    %swap3A_45 = arith.constant 0 : index
    %swap3A_46 = vector.load %arg7[%swap3A, %swap3A_45] : memref<512x128xf32, #tpu.memory_space<vmem>>, vector<512x128xf32>
    tpu.vector_store %arg7[%swap3A, %swap3A_45], %div3A_44 {strides = array<i32>} : memref<512x128xf32, #tpu.memory_space<vmem>>, vector<512x128xf32>,
    return
  }
  func.func @transform_0(%arg0: i32) -> (i32, i32) {
    %c0_i32 = arith.constant 0 : i32
    %c0_i32_0 = arith.constant 0 : i32
    return %arg0, %c0_i32 : i32, i32
  }
  func.func @transform_1(%arg0: i32) -> (i32, i32, i32) {
    %c0_i32 = arith.constant 0 : i32
    %c0_i32_0 = arith.constant 0 : i32
    %c0_i32_1 = arith.constant 0 : i32
    return %c0_i32, %arg0, %c0_i32_0 : i32, i32, i32
  }
  func.func @transform_2(%arg0: i32) -> (i32, i32) {
    %c0_i32 = arith.constant 0 : i32
    %c0_i32_0 = arith.constant 0 : i32
    return %c0_i32, %arg0 : i32, i32
  }
  func.func @transform_3(%arg0: i32) -> (i32, i32) {
    %c0_i32 = arith.constant 0 : i32
    %c0_i32_0 = arith.constant 0 : i32
    %c0_i32_1 = arith.constant 0 : i32
    return %c0_i32, %c0_i32_0 : i32, i32
  }
  func.func @transform_4(%arg0: i32) -> (i32, i32) {
    %c0_i32 = arith.constant 0 : i32
    %c0_i32_0 = arith.constant 0 : i32
    %c0_i32_1 = arith.constant 0 : i32
    return %c0_i32, %c0_i32_0 : i32, i32
  }
  func.func @transform_5(%arg0: i32) -> (i32, i32) {
    %c0_i32 = arith.constant 0 : i32
    %c0_i32_0 = arith.constant 0 : i32
    %c0_i32_1 = arith.constant 0 : i32
    return %c0_i32, %c0_i32_0 : i32, i32
  }
  func.func @transform_6(%arg0: i32) -> (i32, i32) {
    %c0_i32 = arith.constant 0 : i32
    %c0_i32_0 = arith.constant 0 : i32
    return %arg0, %c0_i32 : i32, i32
  }
}

</mosaic_0001>

<sc_bundles>
// kernel: kernel.5.cloned.1.call-start
scs
__scs_entry_jumppad:
0x0: {  	(pc) =	sbr.rel $0x88, $3  }
0x1: {  	(tag) =	ssettag $0x0;
	lr =	simm.s32 $0x1  }
0x2: {  	[smem:$0x3F99] =	sst lr;
	_ =	strace $0xD0000000  }
0x3: {  	_ = 	snop  }
0x4: {  	_ = 	snop  }
0x5: {  	_ = 	snop  }
0x6: {  	_ = 	snop  }
0x7: {  	_ = 	snop  }
__scs_overlays_trampoline_lowered:
0x8: {  	[smem:$0x3FA8] =	sst s0  }
0x9: {  	[smem:$0x3FA9] =	sst s1  }
0xa: {  	[smem:$0x3FAA] =	sst s2  }
0xb: {  	[smem:$0x3FAB] =	sst s3  }
0xc: {  	[smem:$0x3FAC] =	sst s4  }
0xd: {  	[smem:$0x3FAD] =	sst s5  }
0xe: {  	[smem:$0x3FAE] =	sst s6  }
0xf: {  	[smem:$0x3FAF] =	sst s7  }
0x10: {  	[smem:$0x3FB0] =	sst s8  }
0x11: {  	[smem:$0x3FB1] =	sst s9;
	s0 =	simm.s32 @!p0 $0x0  }
0x12: {  	s1 =	sld [smem:$0x3F97];
	s0 =	simm.s32 @p0 $0x1  }
0x13: {  	[smem:$0x3FB2] =	sst s0;
	s0 =	simm.s32 @!p1 $0x0  }
0x14: {  	s2 =	sld [smem:$0x3F96];
	s0 =	simm.s32 @p1 $0x1  }
0x15: {  	[smem:$0x3FB3] =	sst s0;
	s0 =	simm.s32 @!p2 $0x0  }
0x16: {  	s3 =	sld [smem:$0x3FDB];
	s0 =	simm.s32 @p2 $0x1  }
0x17: {  	s4 =	simm.s32 $0x1BF5;
	[smem:$0x3FB5] =	sst s0  }
0x18: {  	s0 =	sld [smem:$0x3F98];
	_ =	swait.ge [sflag:s4], $0x0  }
0x19: {  	s7 =	sld [smem:$0x3F99]  }
0x1a: {  	s8 =	sadd.s32 $0xFFFFE003, lr  }
0x1b: {  	s9 =	sadd.s32 $0xFFFFFEF7, lr;
	s5 =	simm.s32 $0xFFFFFFFF;
	p2 =	slt.u32 s8, $0xFFFFF086  }
0x1c: {  	p1 =	slt.u32 s9, $0xF7A;
	s5 =	simm.s32 @!p2 $0x0  }
0x1d: {  	s5 =	simm.s32 @p1 $0x1;
	p0 =	seq.s32 s7, s2  }
0x1e: {  	s7 =	smul.u32 @!p0 $0xF7A, s2;
	p2 =	seq.s32 @!p0 s5, $0x0  }
0x1f: {  	s9 =	smul.u32 $0xF7A, s1;
	s8 =	simm.s32 @!p0 $0x1BF5;
	p2 =	por !p2, p0  }
0x20: {  	[sflag:s8] =	ssyncset.s32 @!p0 $0xFFFFF086;
	s6 =	sadd.s32 @!p0 s3, s7;
	s7 =	simm.s32 @!p0 $0x108  }
0x21: {  	s3 =	sadd.s32 s3, s9;
	s6 =	sadd.s32 @!p0 $0x88, s6;
	s7 =	simm.s32 @p2 $0x1082  }
0x22: {  	[simem:s7], [sflag:s8] =	dma.local @!p0 [hbm:s6], $0xF7A  }
0x23: {  	s9 =	sor.u32 $0xD0000000, s2;
	s6 =	simm.s32 $0x108;
	_ =	swait.ge @!p0 [sflag:s8], $0x0  }
0x24: {  	s3 =	sadd.s32 $0x88, s3;
	s6 =	simm.s32 @!p1 $0x1082;
	[sflag:s4] =	ssyncset.s32 $0xFFFFF086  }
0x25: {  	[simem:s6], [sflag:s4] =	dma.local [hbm:s3], $0xF7A  }
0x26: {  	[smem:$0x3F99] =	sst s1;
	(tag) =	ssettag s2;
	_ =	strace s9  }
0x27: {  	s1 =	sld [smem:$0x3FA9]  }
0x28: {  	s2 =	sld [smem:$0x3FAA]  }
0x29: {  	s4 =	sld [smem:$0x3FAC]  }
0x2a: {  	p0 =	seq.s32 s5, $0x0;
	s5 =	sld [smem:$0x3FAD]  }
0x2b: {  	s6 =	sld [smem:$0x3FAE]  }
0x2c: {  	s7 =	sld [smem:$0x3FAF]  }
0x2d: {  	s3 =	simm.s32 $0x108;
	s8 =	sld [smem:$0x3FB0]  }
0x2e: {  	s3 =	simm.s32 @!p0 $0x1082;
	s9 =	sld [smem:$0x3FB1]  }
0x2f: {  	lr =	sadd.s32 s0, s3;
	s0 =	sld [smem:$0x3FA8]  }
0x30: {  	s3 =	sld [smem:$0x3FAB]  }
0x31: {  	[smem:$0x3FB4] =	sst s10  }
0x32: {  	s10 =	sld [smem:$0x3FB2];
	_ =	sdelay $0x3  }
0x33: {  	p0 =	seq.s32 s10, $0x1;
	s10 =	sld [smem:$0x3FB4];
	_ =	sdelay $0x3  }
0x34: {  	[smem:$0x3FB4] =	sst s10  }
0x35: {  	s10 =	sld [smem:$0x3FB3];
	_ =	sdelay $0x3  }
0x36: {  	p1 =	seq.s32 s10, $0x1;
	s10 =	sld [smem:$0x3FB4];
	_ =	sdelay $0x3  }
0x37: {  	[smem:$0x3FB4] =	sst s10  }
0x38: {  	s10 =	sld [smem:$0x3FB5]  }
0x39: {  	_ = 	snop;
	(pc) =	sbr.ind lr, $3  }
0x3a: {  	_ = 	snop  }
0x3b: {  	_ = 	snop  }
0x3c: {  	p2 =	seq.s32 s10, $0x1;
	s10 =	sld [smem:$0x3FB4]  }
0x3d: {  	_ =	shalt  }
0x3e: {  	_ =	shalt  }
0x3f: {  	_ =	shalt  }
0x40: {  	_ =	shalt  }
0x41: {  	_ =	shalt  }
0x42: {  	_ =	shalt  }
0x43: {  	_ =	shalt  }
0x44: {  	_ =	shalt  }
0x45: {  	_ =	shalt  }
0x46: {  	_ =	shalt  }
0x47: {  	_ =	shalt  }
0x48: {  	_ =	shalt  }
0x49: {  	_ =	shalt  }
0x4a: {  	_ =	shalt  }
0x4b: {  	_ =	shalt  }
0x4c: {  	_ =	shalt  }
0x4d: {  	_ =	shalt  }
0x4e: {  	_ =	shalt  }
0x4f: {  	_ =	shalt  }
0x50: {  	_ =	shalt  }
0x51: {  	_ =	shalt  }
0x52: {  	_ =	shalt  }
0x53: {  	_ =	shalt  }
0x54: {  	_ =	shalt  }
0x55: {  	_ =	shalt  }
0x56: {  	_ =	shalt  }
0x57: {  	_ =	shalt  }
0x58: {  	_ =	shalt  }
0x59: {  	_ =	shalt  }
0x5a: {  	_ =	shalt  }
0x5b: {  	_ =	shalt  }
0x5c: {  	_ =	shalt  }
0x5d: {  	_ =	shalt  }
0x5e: {  	_ =	shalt  }
0x5f: {  	_ =	shalt  }
0x60: {  	_ =	shalt  }
0x61: {  	_ =	shalt  }
0x62: {  	_ =	shalt  }
0x63: {  	_ =	shalt  }
0x64: {  	_ =	shalt  }
0x65: {  	_ =	shalt  }
0x66: {  	_ =	shalt  }
0x67: {  	_ =	shalt  }
0x68: {  	_ =	shalt  }
0x69: {  	_ =	shalt  }
0x6a: {  	_ =	shalt  }
0x6b: {  	_ =	shalt  }
0x6c: {  	_ =	shalt  }
0x6d: {  	_ =	shalt  }
0x6e: {  	_ =	shalt  }
0x6f: {  	_ =	shalt  }
0x70: {  	_ =	shalt  }
0x71: {  	_ =	shalt  }
0x72: {  	_ =	shalt  }
0x73: {  	_ =	shalt  }
0x74: {  	_ =	shalt  }
0x75: {  	_ =	shalt  }
0x76: {  	_ =	shalt  }
0x77: {  	_ =	shalt  }
0x78: {  	_ =	shalt  }
0x79: {  	_ =	shalt  }
0x7a: {  	_ =	shalt  }
0x7b: {  	_ =	shalt  }
0x7c: {  	_ =	shalt  }
0x7d: {  	_ =	shalt  }
0x7e: {  	_ =	shalt  }
0x7f: {  	_ =	shalt  }
0x80: {  	_ =	shalt  }
0x81: {  	_ =	shalt  }
0x82: {  	_ =	shalt  }
0x83: {  	_ =	shalt  }
0x84: {  	_ =	shalt  }
0x85: {  	_ =	shalt  }
0x86: {  	_ =	shalt  }
0x87: {  	_ =	shalt  }
.Lfunc_end0:
.L_simem_size_0:
called_computation_lowered:
.L_overlay_start_0:
0x88: {  	s2 =	sld [smem:$0x3FD9]  }
0x89: {  	s3 =	sld [smem:$0x3FFE];
	_ =	sdelay $0x1  }
0x8a: {  	s1 =	srdreg.scid  }
0x8b: {  	s0 =	sand.u32 $0x1, s1  }
0x8c: {  	s16 =	sshll.u32 s0, $0xA;
	s2 =	sadd.s32 s3, s2  }
0x8d: {  	s2 =	sadd.s32 s2, s16  }
0x8e: {  	[smem:$0x3FC0] =	sst s2  }
0x8f: {  	_ = 	snop  }
0x90: {  	(tm) =	ssettm $0x1  }
0x91: {  	s17 =	sld [smem:$0x3FFB];
	_ =	sdelay $0x3  }
0x92: {  	_ =	strace s17  }
0x93: {  	s2 =	sld [smem:$0x3FFC];
	_ =	sdelay $0x3  }
0x94: {  	_ =	strace s2  }
0x95: {  	s2 =	sld [smem:$0x3FFD];
	_ =	sdelay $0x3  }
0x96: {  	_ =	strace s2  }
0x97: {  	_ =	strace $0x8FFFFFFF  }
0x98: {  	s18 =	sld [smem:$0x3FDB];
	_ =	sdelay $0x1  }
0x99: {  	s19 =	simm.s32 $_scs_section_size  }
0x9a: {  	s4 =	simm.s32 $_size__tile_overlayer_lowered;
	s5 =	simm.s32 $_tile_overlayer_lowered  }
0x9b: {  	s22 =	simm.s32 $0x1BFF;
	s21 =	sshll.u32 s5, $0x1;
	s2 =	sadd.s32 s19, s18  }
0x9c: {  	s6 =	simm.s32 $0x0;
	s20 =	sshll.u32 s4, $0x1;
	s4 =	sadd.s32 s21, s2  }
0x9d: {  	[timem:s6], [sflag:s22] =	dma.local [hbm:s4], s20  }
0x9e: {  	_ =	swait.ge [sflag:s22], s20  }
0x9f: {  	s3 =	ssub.s32 $0x0, s20;
	[sflag:s22] =	ssyncset.done $0x0  }
0xa0: {  	[sflag:s22] =	ssyncadd.s32 s3;
	_ =	sdelay $0x1  }
0xa1: {  	s23 =	simm.s32 $0x1B8B  }
0xa2: {  	_ =	swait.ge [sflag:s23], $0x1  }
0xa3: {  	[sflag:s23] =	ssyncset.done $0x0  }
0xa4: {  	s25 =	simm.s32 $0x1B8E;
	s24 =	sld [smem:$0x3FFE];
	[sflag:s23] =	ssyncadd.s32 $0xFFFFFFFF  }
0xa5: {  	s26 =	simm.s32 $execute0_lowered;
	[smem:$0x3FD2] =	sst s25  }
0xa6: {  	s4 =	sshll.u32 s26, $0x1;
	_ =	strace $0x80000046;
	[dreg:$0x1] =	wrdreg $0xFFFFFFFF  }
0xa7: {  	s28 =	simm.s32 $_size_execute0_lowered;
	s2 =	sadd.s32 s2, s4;
	[dreg:$0x0] =	wrdreg $0x0  }
0xa8: {  	s4 =	sshll.u32 s28, $0x1;
	[dreg:$0x2] =	wrdreg s2  }
0xa9: {  	[dreg:$0x3] =	wrdreg s4  }
0xaa: {  	[dreg:$0x4] =	wrdreg $0xC0  }
0xab: {  	_ =	task [dreg:s6], $0x5FFFF  }
0xac: {  	[dreg:$0x1] =	wrdreg $0xFFFFFFFF  }
0xad: {  	[dreg:$0x0] =	wrdreg $0x60  }
0xae: {  	[dreg:$0x2] =	wrdreg s24  }
0xaf: {  	[dreg:$0x3] =	wrdreg $0xAC000  }
0xb0: {  	[dreg:$0x4] =	wrdreg $0x9  }
0xb1: {  	_ =	task.clear_ibuf [dreg:s6], $0x5FFFF;
	_ =	strace $0x90000046  }
0xb2: {  	s29 =	simm.s32 $0x9;
	_ =	strace $0x80000048  }
0xb3: {  	_ =	swait.ge [sflag:s29], $0x1  }
0xb4: {  	[sflag:s29] =	ssyncadd.s32 $0xFFFFFFFF  }
0xb5: {  	_ =	strace $0x90000048  }
0xb6: {  	_ =	sfence  }
0xb7: {  	s30 =	sld [smem:$0x0];
	_ =	sdelay $0x2  }
0xb8: {  	s31 =	sshll.u32 s1, $0xD;
	s1 =	sshrl.u32 s1, $0x2  }
0xb9: {  	s3 =	sand.u32 $0x4000, s31;
	s1 =	sadd.s32 s1, s30  }
0xba: {  	s0 =	sor.u32 s3, s0;
	s1 =	sshll.u32 s1, $0x11  }
0xbb: {  	s0 =	sor.u32 s1, s0  }
0xbc: {  	s0 =	sadd.s32 $0x8F2B, s0  }
0xbd: {  	[sflag:s0] =	ssyncadd.remote.s32 $0x1  }
0xbe: {  	_ =	sfence.sel $0xFFFF  }
0xbf: {  	[dreg:$0x0] =	wrdreg $0xFFFFFFFF;
	(pc) =	sbr.abs _section_cstart, $3  }
0xc0: {  	[dreg:$0x1] =	wrdreg $0xFFFFFFFF  }
0xc1: {  	_ =	task.clear_ibuf [dreg:s6], $0x2FFFF;
	_ =	strace $0x9FFFFFFF  }
0xc2: {  	(tm) =	ssettm $0x7FFFFFFF  }
0xc3: {  	_ =	shalt  }
tec
execute0_lowered:
.L_overlay_start_1:
0x0: {  	(tag) =	ssettag $0x1  }
0x1: {  	s0 =	rddreg [dreg:$0x0]  }
0x2: {  	s2 =	rddreg [dreg:$0x1]  }
0x3: {  	s1 =	srdreg.scid;
	s9 =	stileid.u32;
	s3 =	simm.s32 $0x78  }
0x4: {  	s4 =	simm.s32 $0x0;
	s28 =	simm.s32 $0x9;
	s30 =	simm.s32 $0x2  }
0x5: {  	s31 =	simm.s32 $0x4400;
	s1 =	sand.u32 $0x1, s1;
	s18 =	smul.u32 $0x50000, s9  }
0x6: {  	[smem:$0x7FF] =	sst s4;
	s8 =	sshll.u32 s9, $0x7;
	s13 =	smul.u32 $0x14000, s9  }
0x7: {  	s12 =	sadd.s32 $0x3E000, s0;
	p0 =	seq.s32 s1, $0x0;
	s5 =	smul.u32 $0x780, s1  }
0x8: {  	s7 =	sshll.u32 s1, $0x4;
	_ =	strace $0x80000047;
	s17 =	sand.u32 $0x380, s8  }
0x9: {  	s19 =	ssub.s32 $0x2, s1;
	s1 =	smul.u32 $0x140000, s1;
	s3 =	simm.s32 @!p0 $0x28  }
0xa: {  	s7 =	sor.u32 s9, s7;
	s20 =	sshrl.u32 s19, $0x1;
	s6 =	smul.u32 s9, s3  }
0xb: {  	s15 =	sshrl.u32 s7, $0x3;
	s7 =	sshrl.u32 s18, $0x2;
	s23 =	sadd.s32 $0xFFFFFFFE, s3  }
0xc: {  	s14 =	ssub.s32 s19, s20;
	s24 =	sadd.s32 $0xFFFFFFFD, s3;
	[dreg:$0x3] =	wrdreg s23  }
0xd: {  	s18 =	sadd.s32 $0x10000, s13;
	s25 =	sshrl.u32 s3, $0x2;
	[dreg:$0x5] =	wrdreg s24  }
0xe: {  	s10 =	sadd.s32 s18, s2;
	[dreg:$0xc] =	wrdreg s25;
	s23 =	smax.u32 s14, $0x1  }
0xf: {  	s24 =	simm.s32 $0x380;
	s14 =	simm.s32 $0x6;
	s5 =	sadd.s32 s5, s6  }
0x10: {  	s6 =	smul.u32 $0x14000, s15;
	s15 =	sadd.s32 $0x4000, s13;
	[dreg:$0x13] =	wrdreg s23  }
0x11: {  	[dreg:$0x7] =	wrdreg s24;
	s16 =	sshll.u32 s5, $0x5;
	s5 =	sadd.s32 $0x16000, s0  }
0x12: {  	s29 =	sadd.s32 s1, s15;
	s11 =	sadd.s32 s16, s0;
	s6 =	sor.u32 s17, s6  }
0x13: {  	s16 =	sadd.s32 $0x8000, s13;
	s17 =	sadd.s32 $0xC000, s13;
	s13 =	sadd.s32 s13, s1  }
0x14: {  	s6 =	sshrl.u32 s6, $0x3;
	s8 =	sadd.s32 s16, s2;
	s9 =	sadd.s32 s17, s2  }
0x15: {  	s19 =	sadd.s32 $0x2000, s11;
	s21 =	sadd.s32 $0x2020, s11;
	s22 =	sadd.s32 $0x2040, s11  }
0x16: {  	s20 =	sadd.s32 $0x2060, s11;
	s26 =	sshrl.u32 s13, $0x3;
	[dreg:$0x8] =	wrdreg s19  }
0x17: {  	s13 =	sshrl.u32 s29, $0x3;
	s17 =	sadd.s32 s1, s17;
	[dreg:$0x9] =	wrdreg s21  }
0x18: {  	s25 =	sadd.s32 $0x2080, s11;
	s29 =	sadd.s32 $0x20C0, s11;
	[dreg:$0xa] =	wrdreg s22  }
0x19: {  	s0 =	sadd.s32 s6, s0;
	s6 =	sadd.s32 s7, s2;
	[dreg:$0xb] =	wrdreg s20  }
0x1a: {  	s7 =	sadd.s32 s15, s2;
	s15 =	sadd.s32 s1, s16;
	[dreg:$0x14] =	wrdreg s25  }
0x1b: {  	s19 =	sshrl.u32 s17, $0x3;
	s21 =	simm.s32 $0x180;
	[dreg:$0x16] =	wrdreg s29  }
0x1c: {  	s1 =	sadd.s32 s1, s18;
	s22 =	simm.s32 $0x280;
	[dreg:$0x4] =	wrdreg s21  }
0x1d: {  	s0 =	sadd.s32 $0x8E000, s0;
	s16 =	sshrl.u32 s15, $0x3;
	[dreg:$0x6] =	wrdreg s22  }
0x1e: {  	s20 =	sshrl.u32 s1, $0x3;
	[dreg:$0xd] =	wrdreg s0;
	s0 =	sadd.s32 s12, s26  }
0x1f: {  	s1 =	simm.s32 $0x80;
	s26 =	sadd.s32 $0x20A0, s11;
	[dreg:$0xe] =	wrdreg s0  }
0x20: {  	s11 =	simm.s32 $0x5;
	s0 =	sadd.s32 s12, s13;
	[dreg:$0x15] =	wrdreg s26  }
0x21: {  	s26 =	simm.s32 $0x400;
	[dreg:$0xf] =	wrdreg s0;
	s0 =	sadd.s32 s12, s16  }
0x22: {  	s13 =	simm.s32 $0x7;
	[dreg:$0x10] =	wrdreg s0;
	s0 =	sadd.s32 s12, s19  }
0x23: {  	s16 =	simm.s32 $0x8;
	[dreg:$0x11] =	wrdreg s0;
	s0 =	sadd.s32 s12, s20  }
0x24: {  	v0 =	vimm.f32 $0.0e+00;
	v1 =	vimm.f32 $1.000000000e+00;
	s12 =	simm.s32 $0x8400;
	[dreg:$0x12] =	wrdreg s0;
	s0 =	simm.s32 $0x1  }
.LBB2_1:
0x25: {  	s19 =	simm.s32 $0x0  }
.LBB2_2:
0x26: {  	p0 =	sne.s32 s19, $0x9FC0  }
.Ltmp0:
0x27: {  	_ = 	snop;
	(pc) =	sbr.rel @p0 .LBB2_2-.Ltmp0, $3  }
0x28: {  	_ =	sdelay $0x1  }
0x29: {  	s20 =	sshra.s32 s19, $0x2  }
0x2a: {  	s19 =	sadd.s32 $0x40, s19;
	[tilespmem:s20+$0x8400] =	vst v0  }
0x2b: {  	s19 =	simm.s32 $0x0;
	s20 =	simm.s32 $0x200  }
.LBB2_4:
0x2c: {  	p0 =	sne.s32 s20, $0xFE00;
	[tilespmem:s19+$0x470] =	vst v0  }
0x2d: {  	[tilespmem:s19+$0x400] =	vst v0  }
0x2e: {  	[tilespmem:s19+$0x410] =	vst v0  }
.Ltmp1:
0x2f: {  	[tilespmem:s19+$0x420] =	vst v0;
	(pc) =	sbr.rel @p0 .LBB2_4-.Ltmp1, $4  }
0x30: {  	[tilespmem:s19+$0x430] =	vst v0  }
0x31: {  	[tilespmem:s19+$0x440] =	vst v0  }
0x32: {  	[tilespmem:s19+$0x450] =	vst v0  }
0x33: {  	[tilespmem:s19+$0x460] =	vst v0;
	s19 =	sshra.s32 s20, $0x2;
	s20 =	sadd.s32 $0x200, s20  }
0x34: {  	[tilespmem:s19+$0x470] =	vst v0  }
0x35: {  	[tilespmem:s19+$0x400] =	vst v0  }
0x36: {  	[tilespmem:s19+$0x410] =	vst v0  }
0x37: {  	[tilespmem:s19+$0x420] =	vst v0  }
0x38: {  	[tilespmem:s19+$0x430] =	vst v0  }
0x39: {  	[tilespmem:s19+$0x440] =	vst v0  }
0x3a: {  	[tilespmem:s19+$0x450] =	vst v0  }
0x3b: {  	[tilespmem:s19+$0x460] =	vst v0  }
0x3c: {  	[spmem:s6] =	stream.linear.scatter [tilespmem:s26], [sflag:$0x9], $0x4000, $0x38;
	[tilespmem:$0x1EC00] =	vst v63  }
0x3d: {  	_ =	swait.ge [sflag:s28], $0x4000  }
0x3e: {  	[sflag:s28] =	ssyncset.done $0x0  }
0x3f: {  	[sflag:s28] =	ssyncadd.s32 $0xFFFFC000  }
0x40: {  	[spmem:s7] =	stream.linear.scatter [tilespmem:s26], [sflag:$0x9], $0x4000, $0x38;
	[tilespmem:$0x1EC00] =	vst v63  }
0x41: {  	_ =	swait.ge [sflag:s28], $0x4000  }
0x42: {  	[sflag:s28] =	ssyncset.done $0x0  }
0x43: {  	[sflag:s28] =	ssyncadd.s32 $0xFFFFC000  }
0x44: {  	[spmem:s8] =	stream.linear.scatter [tilespmem:s26], [sflag:$0x9], $0x4000, $0x38;
	[tilespmem:$0x1EC00] =	vst v63  }
0x45: {  	_ =	swait.ge [sflag:s28], $0x4000  }
0x46: {  	[sflag:s28] =	ssyncset.done $0x0  }
0x47: {  	[sflag:s28] =	ssyncadd.s32 $0xFFFFC000  }
0x48: {  	[spmem:s9] =	stream.linear.scatter [tilespmem:s26], [sflag:$0x9], $0x4000, $0x38;
	[tilespmem:$0x1EC00] =	vst v63  }
0x49: {  	_ =	swait.ge [sflag:s28], $0x4000  }
0x4a: {  	[sflag:s28] =	ssyncset.done $0x0  }
0x4b: {  	[sflag:s28] =	ssyncadd.s32 $0xFFFFC000  }
0x4c: {  	[spmem:s10] =	stream.linear.scatter [tilespmem:s26], [sflag:$0x9], $0x4000, $0x38;
	[tilespmem:$0x1EC00] =	vst v63  }
0x4d: {  	_ =	swait.ge [sflag:s28], $0x4000  }
0x4e: {  	[sflag:s28] =	ssyncset.done $0x0  }
0x4f: {  	[sflag:s28] =	ssyncadd.s32 $0xFFFFC000  }
0x50: {  	[bflag:$0x0] =	sbarrier.arrive $0xFFFF  }
0x51: {  	s20 =	simm.s32 $0x0;
	s15 =	rddreg [dreg:$0x8]  }
0x52: {  	[tilespmem:s20], [sflag:$0x1] =	stream.linear.gather [hbm4b:s15+s20], $0x100, $0x38;
	[tilespmem:$0x1EC00] =	vst v63  }
0x53: {  	s17 =	simm.s32 $0x100;
	s23 =	rddreg [dreg:$0x9]  }
0x54: {  	[tilespmem:s17], [sflag:$0x2] =	stream.linear.gather [hbm4b:s23+s20], $0x100, $0x38;
	[tilespmem:$0x1EC00] =	vst v63  }
0x55: {  	s18 =	simm.s32 $0x200;
	s24 =	rddreg [dreg:$0xa]  }
0x56: {  	[tilespmem:s18], [sflag:$0x3] =	stream.linear.gather [hbm4b:s24+s20], $0x100, $0x38;
	[tilespmem:$0x1EC00] =	vst v63  }
0x57: {  	s29 =	simm.s32 $0x300;
	s25 =	rddreg [dreg:$0xb]  }
0x58: {  	[tilespmem:s29], [sflag:$0x4] =	stream.linear.gather [hbm4b:s25+s20], $0x100, $0x38;
	[tilespmem:$0x1EC00] =	vst v63  }
0x59: {  	_ =	swait.ge [sflag:s0], $0x100  }
0x5a: {  	[sflag:s0] =	ssyncset.done $0x0  }
0x5b: {  	[sflag:s0] =	ssyncadd.s32 $0xFFFFFF00  }
0x5c: {  	[tilespmem:s26], [sflag:$0x5] =	stream.indirect.gather [hbm4b:s5+s1], $0x80, s20, s1, $0xb8;
	[tilespmem:$0x1EC00] =	vst v63  }
0x5d: {  	_ =	swait.ge [sflag:s30], $0x100  }
0x5e: {  	s25 =	rddreg [dreg:$0x16]  }
0x5f: {  	s24 =	rddreg [dreg:$0x15]  }
0x60: {  	[sflag:s30] =	ssyncset.done $0x0;
	s23 =	rddreg [dreg:$0x14]  }
0x61: {  	s19 =	rddreg [dreg:$0xc];
	[sflag:s30] =	ssyncadd.s32 $0xFFFFFF00  }
0x62: {  	[tilespmem:s31], [sflag:$0x6] =	stream.indirect.gather [hbm4b:s5+s1], $0x80, s17, s1, $0xb8;
	[tilespmem:$0x1EC00] =	vst v63  }
.LBB2_6:
0x63: {  	_ =	swait.ge [sflag:s11], $0x4000  }
0x64: {  	[sflag:s11] =	ssyncset.done $0x0  }
0x65: {  	[sflag:s11] =	ssyncadd.s32 $0xFFFFC000  }
0x66: {  	[spmem:s2] =	stream.indirect.scatter.add.f32 [tilespmem:s26], [sflag:$0x7], $0x80, s1, s1, $0xb8;
	[tilespmem:$0x1EC00] =	vst v63  }
0x67: {  	v2 =	vld [tilespmem:$0x80];
	_ =	sdelay $0x7  }
0x68: {  	[tilespmem:v2+s12+$0x0] =	vst.idx.add.f32.msk $0xffff, v1  }
0x69: {  	v2 =	vld [tilespmem:$0x90];
	_ =	sdelay $0x7  }
0x6a: {  	[tilespmem:v2+s12+$0x0] =	vst.idx.add.f32.msk $0xffff, v1  }
0x6b: {  	v2 =	vld [tilespmem:$0xA0];
	_ =	sdelay $0x7  }
0x6c: {  	[tilespmem:v2+s12+$0x0] =	vst.idx.add.f32.msk $0xffff, v1  }
0x6d: {  	v2 =	vld [tilespmem:$0xB0];
	_ =	sdelay $0x7  }
0x6e: {  	[tilespmem:v2+s12+$0x0] =	vst.idx.add.f32.msk $0xffff, v1  }
0x6f: {  	v2 =	vld [tilespmem:$0xC0];
	_ =	sdelay $0x7  }
0x70: {  	[tilespmem:v2+s12+$0x0] =	vst.idx.add.f32.msk $0xffff, v1  }
0x71: {  	v2 =	vld [tilespmem:$0xD0];
	_ =	sdelay $0x7  }
0x72: {  	[tilespmem:v2+s12+$0x0] =	vst.idx.add.f32.msk $0xffff, v1  }
0x73: {  	v2 =	vld [tilespmem:$0xE0];
	_ =	sdelay $0x7  }
0x74: {  	[tilespmem:v2+s12+$0x0] =	vst.idx.add.f32.msk $0xffff, v1  }
0x75: {  	v2 =	vld [tilespmem:$0xF0];
	_ =	sdelay $0x7  }
0x76: {  	[tilespmem:v2+s12+$0x0] =	vst.idx.add.f32.msk $0xffff, v1  }
0x77: {  	s21 =	sadd.s32 $0x4, s20;
	_ =	swait.ge [sflag:s13], $0x4000  }
0x78: {  	p0 =	sge.u32 s21, s3;
	[sflag:s13] =	ssyncset.done $0x0;
	s29 =	rddreg [dreg:$0x3]  }
0x79: {  	s22 =	simm.s32 @!p0 $0x0;
	[sflag:s13] =	ssyncadd.s32 $0xFFFFC000;
	p1 =	sge.u32 s20, s29  }
0x7a: {  	[tilespmem:s22], [sflag:$0x1] =	stream.linear.gather @!p0 [hbm4b:s23+s22], $0x100, $0x38;
	[tilespmem:$0x1EC00] =	vst v63  }
0x7b: {  	s29 =	simm.s32 @!p1 $0x3  }
0x7c: {  	_ =	swait.ge @!p1 [sflag:s29], $0x100  }
0x7d: {  	s18 =	simm.s32 @!p1 $0x200;
	[sflag:s29] =	ssyncset.done @!p1 $0x0  }
0x7e: {  	s17 =	simm.s32 @!p1 $0x400;
	[sflag:s29] =	ssyncadd.s32 @!p1 $0xFFFFFF00;
	s29 =	simm.s32 @!p1 $0x80  }
0x7f: {  	[tilespmem:s17], [sflag:$0x5] =	stream.indirect.gather @!p1 [hbm4b:s5+s29], $0x80, s18, s29, $0xb8;
	[tilespmem:$0x1EC00] =	vst v63  }
0x80: {  	_ =	swait.ge [sflag:s14], $0x4000  }
0x81: {  	[sflag:s14] =	ssyncset.done $0x0  }
0x82: {  	s18 =	rddreg [dreg:$0x4];
	[sflag:s14] =	ssyncadd.s32 $0xFFFFC000  }
0x83: {  	[spmem:s2] =	stream.indirect.scatter.add.f32 [tilespmem:s31], [sflag:$0x8], $0x80, s18, s1, $0xb8;
	[tilespmem:$0x1EC00] =	vst v63  }
0x84: {  	v2 =	vld [tilespmem:$0x180];
	_ =	sdelay $0x7  }
0x85: {  	[tilespmem:v2+s12+$0x0] =	vst.idx.add.f32.msk $0xffff, v1  }
0x86: {  	v2 =	vld [tilespmem:$0x190];
	_ =	sdelay $0x7  }
0x87: {  	[tilespmem:v2+s12+$0x0] =	vst.idx.add.f32.msk $0xffff, v1  }
0x88: {  	v2 =	vld [tilespmem:$0x1A0];
	_ =	sdelay $0x7  }
0x89: {  	[tilespmem:v2+s12+$0x0] =	vst.idx.add.f32.msk $0xffff, v1  }
0x8a: {  	v2 =	vld [tilespmem:$0x1B0];
	_ =	sdelay $0x7  }
0x8b: {  	[tilespmem:v2+s12+$0x0] =	vst.idx.add.f32.msk $0xffff, v1  }
0x8c: {  	v2 =	vld [tilespmem:$0x1C0];
	_ =	sdelay $0x7  }
0x8d: {  	[tilespmem:v2+s12+$0x0] =	vst.idx.add.f32.msk $0xffff, v1  }
0x8e: {  	v2 =	vld [tilespmem:$0x1D0];
	_ =	sdelay $0x7  }
0x8f: {  	[tilespmem:v2+s12+$0x0] =	vst.idx.add.f32.msk $0xffff, v1  }
0x90: {  	v2 =	vld [tilespmem:$0x1E0];
	_ =	sdelay $0x7  }
0x91: {  	[tilespmem:v2+s12+$0x0] =	vst.idx.add.f32.msk $0xffff, v1  }
0x92: {  	v2 =	vld [tilespmem:$0x1F0];
	_ =	sdelay $0x7  }
0x93: {  	s29 =	sadd.s32 $0x5, s20;
	[tilespmem:v2+s12+$0x0] =	vst.idx.add.f32.msk $0xffff, v1  }
0x94: {  	p1 =	sge.u32 s29, s3;
	_ =	swait.ge [sflag:s16], $0x4000  }
0x95: {  	s29 =	simm.s32 @!p1 $0x100;
	[sflag:s16] =	ssyncset.done $0x0;
	s15 =	rddreg [dreg:$0x5]  }
0x96: {  	s18 =	simm.s32 @!p1 $0x0;
	[sflag:s16] =	ssyncadd.s32 $0xFFFFC000;
	p2 =	sge.u32 s20, s15  }
0x97: {  	[tilespmem:s29], [sflag:$0x2] =	stream.linear.gather @!p1 [hbm4b:s24+s18], $0x100, $0x38;
	[tilespmem:$0x1EC00] =	vst v63  }
0x98: {  	s17 =	simm.s32 @!p2 $0x4  }
0x99: {  	_ =	swait.ge @!p2 [sflag:s17], $0x100  }
0x9a: {  	s18 =	simm.s32 @!p2 $0x300;
	[sflag:s17] =	ssyncset.done @!p2 $0x0  }
0x9b: {  	s15 =	simm.s32 @!p2 $0x4400;
	[sflag:s17] =	ssyncadd.s32 @!p2 $0xFFFFFF00;
	s17 =	simm.s32 @!p2 $0x80  }
0x9c: {  	[tilespmem:s15], [sflag:$0x6] =	stream.indirect.gather @!p2 [hbm4b:s5+s17], $0x80, s18, s17, $0xb8;
	[tilespmem:$0x1EC00] =	vst v63  }
0x9d: {  	_ =	swait.ge [sflag:s11], $0x4000  }
0x9e: {  	[sflag:s11] =	ssyncset.done $0x0  }
0x9f: {  	s18 =	rddreg [dreg:$0x6];
	[sflag:s11] =	ssyncadd.s32 $0xFFFFC000  }
0xa0: {  	[spmem:s2] =	stream.indirect.scatter.add.f32 [tilespmem:s26], [sflag:$0x7], $0x80, s18, s1, $0xb8;
	[tilespmem:$0x1EC00] =	vst v63  }
0xa1: {  	v2 =	vld [tilespmem:$0x280];
	_ =	sdelay $0x7  }
0xa2: {  	[tilespmem:v2+s12+$0x0] =	vst.idx.add.f32.msk $0xffff, v1  }
0xa3: {  	v2 =	vld [tilespmem:$0x290];
	_ =	sdelay $0x7  }
0xa4: {  	[tilespmem:v2+s12+$0x0] =	vst.idx.add.f32.msk $0xffff, v1  }
0xa5: {  	v2 =	vld [tilespmem:$0x2A0];
	_ =	sdelay $0x7  }
0xa6: {  	[tilespmem:v2+s12+$0x0] =	vst.idx.add.f32.msk $0xffff, v1  }
0xa7: {  	v2 =	vld [tilespmem:$0x2B0];
	_ =	sdelay $0x7  }
0xa8: {  	[tilespmem:v2+s12+$0x0] =	vst.idx.add.f32.msk $0xffff, v1  }
0xa9: {  	v2 =	vld [tilespmem:$0x2C0];
	_ =	sdelay $0x7  }
0xaa: {  	[tilespmem:v2+s12+$0x0] =	vst.idx.add.f32.msk $0xffff, v1  }
0xab: {  	v2 =	vld [tilespmem:$0x2D0];
	_ =	sdelay $0x7  }
0xac: {  	[tilespmem:v2+s12+$0x0] =	vst.idx.add.f32.msk $0xffff, v1  }
0xad: {  	v2 =	vld [tilespmem:$0x2E0];
	_ =	sdelay $0x7  }
0xae: {  	[tilespmem:v2+s12+$0x0] =	vst.idx.add.f32.msk $0xffff, v1  }
0xaf: {  	v2 =	vld [tilespmem:$0x2F0];
	_ =	sdelay $0x7  }
0xb0: {  	[tilespmem:v2+s12+$0x0] =	vst.idx.add.f32.msk $0xffff, v1  }
0xb1: {  	s17 =	sadd.s32 $0x6, s20;
	_ =	swait.ge [sflag:s13], $0x4000  }
0xb2: {  	p2 =	sge.u32 s17, s3;
	[sflag:s13] =	ssyncset.done $0x0  }
0xb3: {  	s15 =	simm.s32 @!p2 $0x0;
	s17 =	simm.s32 @!p2 $0x200;
	[sflag:s13] =	ssyncadd.s32 $0xFFFFC000  }
0xb4: {  	[tilespmem:s17], [sflag:$0x3] =	stream.linear.gather @!p2 [hbm4b:s25+s15], $0x100, $0x38;
	[tilespmem:$0x1EC00] =	vst v63  }
0xb5: {  	s15 =	simm.s32 @!p0 $0x1  }
0xb6: {  	_ =	swait.ge @!p0 [sflag:s15], $0x100  }
0xb7: {  	[sflag:s15] =	ssyncset.done @!p0 $0x0  }
0xb8: {  	s17 =	simm.s32 @!p0 $0x400;
	[sflag:s15] =	ssyncadd.s32 @!p0 $0xFFFFFF00;
	s15 =	simm.s32 @!p0 $0x80  }
0xb9: {  	[tilespmem:s17], [sflag:$0x5] =	stream.indirect.gather @!p0 [hbm4b:s5+s15], $0x80, s22, s15, $0xb8;
	[tilespmem:$0x1EC00] =	vst v63  }
0xba: {  	_ =	swait.ge [sflag:s14], $0x4000  }
0xbb: {  	[sflag:s14] =	ssyncset.done $0x0  }
0xbc: {  	s18 =	rddreg [dreg:$0x7];
	[sflag:s14] =	ssyncadd.s32 $0xFFFFC000  }
0xbd: {  	[spmem:s2] =	stream.indirect.scatter.add.f32 [tilespmem:s31], [sflag:$0x8], $0x80, s18, s1, $0xb8;
	[tilespmem:$0x1EC00] =	vst v63  }
0xbe: {  	v2 =	vld [tilespmem:$0x380];
	_ =	sdelay $0x7  }
0xbf: {  	[tilespmem:v2+s12+$0x0] =	vst.idx.add.f32.msk $0xffff, v1  }
0xc0: {  	v2 =	vld [tilespmem:$0x390];
	_ =	sdelay $0x7  }
0xc1: {  	[tilespmem:v2+s12+$0x0] =	vst.idx.add.f32.msk $0xffff, v1  }
0xc2: {  	v2 =	vld [tilespmem:$0x3A0];
	_ =	sdelay $0x7  }
0xc3: {  	[tilespmem:v2+s12+$0x0] =	vst.idx.add.f32.msk $0xffff, v1  }
0xc4: {  	v2 =	vld [tilespmem:$0x3B0];
	_ =	sdelay $0x7  }
0xc5: {  	[tilespmem:v2+s12+$0x0] =	vst.idx.add.f32.msk $0xffff, v1  }
0xc6: {  	v2 =	vld [tilespmem:$0x3C0];
	_ =	sdelay $0x7  }
0xc7: {  	[tilespmem:v2+s12+$0x0] =	vst.idx.add.f32.msk $0xffff, v1  }
0xc8: {  	v2 =	vld [tilespmem:$0x3D0];
	_ =	sdelay $0x7  }
0xc9: {  	[tilespmem:v2+s12+$0x0] =	vst.idx.add.f32.msk $0xffff, v1  }
0xca: {  	v2 =	vld [tilespmem:$0x3E0];
	_ =	sdelay $0x7  }
0xcb: {  	[tilespmem:v2+s12+$0x0] =	vst.idx.add.f32.msk $0xffff, v1  }
0xcc: {  	v2 =	vld [tilespmem:$0x3F0];
	_ =	sdelay $0x7  }
0xcd: {  	s22 =	sadd.s32 $0x7, s20;
	[tilespmem:v2+s12+$0x0] =	vst.idx.add.f32.msk $0xffff, v1  }
0xce: {  	p0 =	sge.u32 s22, s3;
	_ =	swait.ge [sflag:s16], $0x4000  }
0xcf: {  	s19 =	sadd.s32 $0xFFFFFFFF, s19;
	s15 =	sadd.s32 @!p0 $0x40, s24;
	[sflag:s16] =	ssyncset.done $0x0  }
0xd0: {  	s17 =	simm.s32 @!p0 $0x0;
	s18 =	simm.s32 @!p0 $0x300;
	[sflag:s16] =	ssyncadd.s32 $0xFFFFC000  }
0xd1: {  	[tilespmem:s18], [sflag:$0x4] =	stream.linear.gather @!p0 [hbm4b:s15+s17], $0x100, $0x38;
	[tilespmem:$0x1EC00] =	vst v63  }
0xd2: {  	p0 =	sne.s32 s19, $0x0  }
.Ltmp2:
0xd3: {  	s15 =	simm.s32 @!p1 $0x2;
	(pc) =	sbr.rel @p0 .LBB2_6-.Ltmp2, $4  }
0xd4: {  	s23 =	sadd.s32 $0x80, s23;
	s25 =	sadd.s32 $0x80, s25;
	_ =	swait.ge @!p1 [sflag:s15], $0x100  }
0xd5: {  	s20 =	smov.u32 s21;
	s24 =	sadd.s32 $0x80, s24;
	[sflag:s15] =	ssyncset.done @!p1 $0x0  }
0xd6: {  	s17 =	simm.s32 @!p1 $0x4400;
	[sflag:s15] =	ssyncadd.s32 @!p1 $0xFFFFFF00;
	s15 =	simm.s32 @!p1 $0x80  }
0xd7: {  	[tilespmem:s17], [sflag:$0x6] =	stream.indirect.gather @!p1 [hbm4b:s5+s15], $0x80, s29, s15, $0xb8;
	[tilespmem:$0x1EC00] =	vst v63  }
0xd8: {  	[bflag:$0x0] =	sbarrier.arrive $0xFFFF  }
0xd9: {  	s15 =	rddreg [dreg:$0xd]  }
0xda: {  	[hbm4b:s15+s1] =	stream.strided.scatter [tilespmem:s12], [sflag:$0x9], $0x2800, s26, s1, $0x38;
	[tilespmem:$0x1EC00] =	vst v63  }
0xdb: {  	s17 =	stileid.u32;
	_ =	swait.ge [sflag:s28], $0x2800  }
0xdc: {  	s15 =	sshll.u32 s17, $0x6;
	s17 =	sshrl.u32 s6, $0x3;
	[sflag:s28] =	ssyncset.done $0x0  }
0xdd: {  	s15 =	sor.u32 $0x1C09, s15;
	s18 =	rddreg [dreg:$0xe];
	[sflag:s28] =	ssyncadd.s32 $0xFFFFD800  }
0xde: {  	[hbm:s18], [sflag:s15] =	dma.local [spmem:s17], $0x800  }
0xdf: {  	_ =	swait.ge [sflag:s28], $0x800  }
0xe0: {  	[sflag:s28] =	ssyncset.done $0x0  }
0xe1: {  	s18 =	sshrl.u32 s7, $0x3;
	s19 =	rddreg [dreg:$0xf];
	[sflag:s28] =	ssyncadd.s32 $0xFFFFF800  }
0xe2: {  	[hbm:s19], [sflag:s15] =	dma.local [spmem:s18], $0x800  }
0xe3: {  	_ =	swait.ge [sflag:s28], $0x800  }
0xe4: {  	[sflag:s28] =	ssyncset.done $0x0  }
0xe5: {  	s20 =	sshrl.u32 s8, $0x3;
	s21 =	rddreg [dreg:$0x10];
	[sflag:s28] =	ssyncadd.s32 $0xFFFFF800  }
0xe6: {  	[hbm:s21], [sflag:s15] =	dma.local [spmem:s20], $0x800  }
0xe7: {  	_ =	swait.ge [sflag:s28], $0x800  }
0xe8: {  	[sflag:s28] =	ssyncset.done $0x0  }
0xe9: {  	s22 =	sshrl.u32 s9, $0x3;
	s23 =	rddreg [dreg:$0x11];
	[sflag:s28] =	ssyncadd.s32 $0xFFFFF800  }
0xea: {  	[hbm:s23], [sflag:s15] =	dma.local [spmem:s22], $0x800  }
0xeb: {  	_ =	swait.ge [sflag:s28], $0x800  }
0xec: {  	[sflag:s28] =	ssyncset.done $0x0  }
0xed: {  	s24 =	sshrl.u32 s10, $0x3;
	s25 =	rddreg [dreg:$0x12];
	[sflag:s28] =	ssyncadd.s32 $0xFFFFF800  }
0xee: {  	[hbm:s25], [sflag:s15] =	dma.local [spmem:s24], $0x800  }
0xef: {  	_ =	swait.ge [sflag:s28], $0x800  }
0xf0: {  	s4 =	sadd.s32 $0x1, s4;
	s29 =	rddreg [dreg:$0x13]  }
0xf1: {  	p0 =	sne.s32 s4, s29  }
.Ltmp3:
0xf2: {  	_ = 	snop;
	(pc) =	sbr.rel @p0 .LBB2_1-.Ltmp3, $3  }
0xf3: {  	_ =	sdelay $0x1  }
0xf4: {  	[sflag:s28] =	ssyncset.done $0x0  }
0xf5: {  	[sflag:s28] =	ssyncadd.s32 $0xFFFFF800  }
0xf6: {  	_ =	sfence.sel $0x180000  }
0xf7: {  	[bflag:$0x0] =	sbarrier.arrive $0xFFFF  }
0xf8: {  	_ =	strace $0x90000047  }
0xf9: {  	s0 =	stileid.u32;
	[bflag:$0x2] =	sbarrier.arrive $0xFFFF  }
0xfa: {  	p0 =	sne.s32 s0, $0x0;
	s0 =	rddreg [dreg:$0x2]  }
0xfb: {  	s0 =	sadd.s32 @!p0 $0x100000, s0  }
0xfc: {  	[sflag:s0] =	ssyncadd.tile.s32 @!p0 $0x1;
	_ =	shalt  }
.Lfunc_end2:
_tile_overlayer_lowered:
.L_overlay_start_2:
0xfd: {  	(tag) =	ssettag $0x2  }
0xfe: {  	s0 =	rddreg [dreg:$0x0];
	s2 =	stileid.u32  }
0xff: {  	s1 =	rddreg [dreg:$0x1];
	p0 =	sne.s32 s2, $0x0  }
0x100: {  	s3 =	rddreg [dreg:$0x2];
	[bflag:$0x3] =	sbarrier.arrive $0xFFFF;
	s2 =	simm.s32 @!p0 $0x1C09  }
0x101: {  	[timem:s3], [sflag:s2] =	dma.local @!p0 [hbm:s0], s1  }
0x102: {  	s0 =	simm.s32 @!p0 $0x9  }
0x103: {  	_ =	swait.ge @!p0 [sflag:s0], s1  }
0x104: {  	s1 =	ssub.s32 @!p0 $0x0, s1;
	[sflag:s0] =	ssyncset.done @!p0 $0x0  }
0x105: {  	[sflag:s0] =	ssyncadd.s32 @!p0 s1  }
0x106: {  	[bflag:$0x3] =	sbarrier.arrive $0xFFFF  }
0x107: {  	_ =	shalt  }

// kernel: kernel.8.cloned.1.call-start
scs
__scs_entry_jumppad:
0x0: {  	(pc) =	sbr.rel $0x88, $3  }
0x1: {  	(tag) =	ssettag $0x0;
	lr =	simm.s32 $0x1  }
0x2: {  	[smem:$0x3F99] =	sst lr;
	_ =	strace $0xD0000000  }
0x3: {  	_ = 	snop  }
0x4: {  	_ = 	snop  }
0x5: {  	_ = 	snop  }
0x6: {  	_ = 	snop  }
0x7: {  	_ = 	snop  }
__scs_overlays_trampoline_lowered:
0x8: {  	[smem:$0x3FA8] =	sst s0  }
0x9: {  	[smem:$0x3FA9] =	sst s1  }
0xa: {  	[smem:$0x3FAA] =	sst s2  }
0xb: {  	[smem:$0x3FAB] =	sst s3  }
0xc: {  	[smem:$0x3FAC] =	sst s4  }
0xd: {  	[smem:$0x3FAD] =	sst s5  }
0xe: {  	[smem:$0x3FAE] =	sst s6  }
0xf: {  	[smem:$0x3FAF] =	sst s7  }
0x10: {  	[smem:$0x3FB0] =	sst s8  }
0x11: {  	[smem:$0x3FB1] =	sst s9;
	s0 =	simm.s32 @!p0 $0x0  }
0x12: {  	s1 =	sld [smem:$0x3F97];
	s0 =	simm.s32 @p0 $0x1  }
0x13: {  	[smem:$0x3FB2] =	sst s0;
	s0 =	simm.s32 @!p1 $0x0  }
0x14: {  	s2 =	sld [smem:$0x3F96];
	s0 =	simm.s32 @p1 $0x1  }
0x15: {  	[smem:$0x3FB3] =	sst s0;
	s0 =	simm.s32 @!p2 $0x0  }
0x16: {  	s3 =	sld [smem:$0x3FDB];
	s0 =	simm.s32 @p2 $0x1  }
0x17: {  	s4 =	simm.s32 $0x1BF5;
	[smem:$0x3FB5] =	sst s0  }
0x18: {  	s0 =	sld [smem:$0x3F98];
	_ =	swait.ge [sflag:s4], $0x0  }
0x19: {  	s7 =	sld [smem:$0x3F99]  }
0x1a: {  	s8 =	sadd.s32 $0xFFFFE003, lr  }
0x1b: {  	s9 =	sadd.s32 $0xFFFFFEF7, lr;
	s5 =	simm.s32 $0xFFFFFFFF;
	p2 =	slt.u32 s8, $0xFFFFF086  }
0x1c: {  	p1 =	slt.u32 s9, $0xF7A;
	s5 =	simm.s32 @!p2 $0x0  }
0x1d: {  	s5 =	simm.s32 @p1 $0x1;
	p0 =	seq.s32 s7, s2  }
0x1e: {  	s7 =	smul.u32 @!p0 $0xF7A, s2;
	p2 =	seq.s32 @!p0 s5, $0x0  }
0x1f: {  	s9 =	smul.u32 $0xF7A, s1;
	s8 =	simm.s32 @!p0 $0x1BF5;
	p2 =	por !p2, p0  }
0x20: {  	[sflag:s8] =	ssyncset.s32 @!p0 $0xFFFFF086;
	s6 =	sadd.s32 @!p0 s3, s7;
	s7 =	simm.s32 @!p0 $0x108  }
0x21: {  	s3 =	sadd.s32 s3, s9;
	s6 =	sadd.s32 @!p0 $0x88, s6;
	s7 =	simm.s32 @p2 $0x1082  }
0x22: {  	[simem:s7], [sflag:s8] =	dma.local @!p0 [hbm:s6], $0xF7A  }
0x23: {  	s9 =	sor.u32 $0xD0000000, s2;
	s6 =	simm.s32 $0x108;
	_ =	swait.ge @!p0 [sflag:s8], $0x0  }
0x24: {  	s3 =	sadd.s32 $0x88, s3;
	s6 =	simm.s32 @!p1 $0x1082;
	[sflag:s4] =	ssyncset.s32 $0xFFFFF086  }
0x25: {  	[simem:s6], [sflag:s4] =	dma.local [hbm:s3], $0xF7A  }
0x26: {  	[smem:$0x3F99] =	sst s1;
	(tag) =	ssettag s2;
	_ =	strace s9  }
0x27: {  	s1 =	sld [smem:$0x3FA9]  }
0x28: {  	s2 =	sld [smem:$0x3FAA]  }
0x29: {  	s4 =	sld [smem:$0x3FAC]  }
0x2a: {  	p0 =	seq.s32 s5, $0x0;
	s5 =	sld [smem:$0x3FAD]  }
0x2b: {  	s6 =	sld [smem:$0x3FAE]  }
0x2c: {  	s7 =	sld [smem:$0x3FAF]  }
0x2d: {  	s3 =	simm.s32 $0x108;
	s8 =	sld [smem:$0x3FB0]  }
0x2e: {  	s3 =	simm.s32 @!p0 $0x1082;
	s9 =	sld [smem:$0x3FB1]  }
0x2f: {  	lr =	sadd.s32 s0, s3;
	s0 =	sld [smem:$0x3FA8]  }
0x30: {  	s3 =	sld [smem:$0x3FAB]  }
0x31: {  	[smem:$0x3FB4] =	sst s10  }
0x32: {  	s10 =	sld [smem:$0x3FB2];
	_ =	sdelay $0x3  }
0x33: {  	p0 =	seq.s32 s10, $0x1;
	s10 =	sld [smem:$0x3FB4];
	_ =	sdelay $0x3  }
0x34: {  	[smem:$0x3FB4] =	sst s10  }
0x35: {  	s10 =	sld [smem:$0x3FB3];
	_ =	sdelay $0x3  }
0x36: {  	p1 =	seq.s32 s10, $0x1;
	s10 =	sld [smem:$0x3FB4];
	_ =	sdelay $0x3  }
0x37: {  	[smem:$0x3FB4] =	sst s10  }
0x38: {  	s10 =	sld [smem:$0x3FB5]  }
0x39: {  	_ = 	snop;
	(pc) =	sbr.ind lr, $3  }
0x3a: {  	_ = 	snop  }
0x3b: {  	_ = 	snop  }
0x3c: {  	p2 =	seq.s32 s10, $0x1;
	s10 =	sld [smem:$0x3FB4]  }
0x3d: {  	_ =	shalt  }
0x3e: {  	_ =	shalt  }
0x3f: {  	_ =	shalt  }
0x40: {  	_ =	shalt  }
0x41: {  	_ =	shalt  }
0x42: {  	_ =	shalt  }
0x43: {  	_ =	shalt  }
0x44: {  	_ =	shalt  }
0x45: {  	_ =	shalt  }
0x46: {  	_ =	shalt  }
0x47: {  	_ =	shalt  }
0x48: {  	_ =	shalt  }
0x49: {  	_ =	shalt  }
0x4a: {  	_ =	shalt  }
0x4b: {  	_ =	shalt  }
0x4c: {  	_ =	shalt  }
0x4d: {  	_ =	shalt  }
0x4e: {  	_ =	shalt  }
0x4f: {  	_ =	shalt  }
0x50: {  	_ =	shalt  }
0x51: {  	_ =	shalt  }
0x52: {  	_ =	shalt  }
0x53: {  	_ =	shalt  }
0x54: {  	_ =	shalt  }
0x55: {  	_ =	shalt  }
0x56: {  	_ =	shalt  }
0x57: {  	_ =	shalt  }
0x58: {  	_ =	shalt  }
0x59: {  	_ =	shalt  }
0x5a: {  	_ =	shalt  }
0x5b: {  	_ =	shalt  }
0x5c: {  	_ =	shalt  }
0x5d: {  	_ =	shalt  }
0x5e: {  	_ =	shalt  }
0x5f: {  	_ =	shalt  }
0x60: {  	_ =	shalt  }
0x61: {  	_ =	shalt  }
0x62: {  	_ =	shalt  }
0x63: {  	_ =	shalt  }
0x64: {  	_ =	shalt  }
0x65: {  	_ =	shalt  }
0x66: {  	_ =	shalt  }
0x67: {  	_ =	shalt  }
0x68: {  	_ =	shalt  }
0x69: {  	_ =	shalt  }
0x6a: {  	_ =	shalt  }
0x6b: {  	_ =	shalt  }
0x6c: {  	_ =	shalt  }
0x6d: {  	_ =	shalt  }
0x6e: {  	_ =	shalt  }
0x6f: {  	_ =	shalt  }
0x70: {  	_ =	shalt  }
0x71: {  	_ =	shalt  }
0x72: {  	_ =	shalt  }
0x73: {  	_ =	shalt  }
0x74: {  	_ =	shalt  }
0x75: {  	_ =	shalt  }
0x76: {  	_ =	shalt  }
0x77: {  	_ =	shalt  }
0x78: {  	_ =	shalt  }
0x79: {  	_ =	shalt  }
0x7a: {  	_ =	shalt  }
0x7b: {  	_ =	shalt  }
0x7c: {  	_ =	shalt  }
0x7d: {  	_ =	shalt  }
0x7e: {  	_ =	shalt  }
0x7f: {  	_ =	shalt  }
0x80: {  	_ =	shalt  }
0x81: {  	_ =	shalt  }
0x82: {  	_ =	shalt  }
0x83: {  	_ =	shalt  }
0x84: {  	_ =	shalt  }
0x85: {  	_ =	shalt  }
0x86: {  	_ =	shalt  }
0x87: {  	_ =	shalt  }
.Lfunc_end0:
.L_simem_size_0:
called_computation.1_lowered:
.L_overlay_start_0:
0x88: {  	s2 =	sld [smem:$0x3FD9]  }
0x89: {  	s3 =	sld [smem:$0x3FFE];
	_ =	sdelay $0x1  }
0x8a: {  	s1 =	srdreg.scid  }
0x8b: {  	s0 =	sand.u32 $0x1, s1  }
0x8c: {  	s17 =	sshll.u32 s0, $0xA;
	s2 =	sadd.s32 s3, s2  }
0x8d: {  	s2 =	sadd.s32 s2, s17  }
0x8e: {  	[smem:$0x3FC0] =	sst s2  }
0x8f: {  	_ = 	snop  }
0x90: {  	s2 =	sld [smem:$0x3FC7]  }
0x91: {  	s18 =	sld [smem:$0x3FC6]  }
0x92: {  	s4 =	sld [smem:$0x3FC5]  }
0x93: {  	s5 =	sld [smem:$0x3FD0];
	(tm) =	ssettm $0x1  }
0x94: {  	s6 =	sld [smem:$0x3FFB];
	_ =	sdelay $0x3  }
0x95: {  	_ =	strace s6  }
0x96: {  	s6 =	sld [smem:$0x3FFC];
	_ =	sdelay $0x3  }
0x97: {  	_ =	strace s6  }
0x98: {  	s6 =	sld [smem:$0x3FFD];
	_ =	sdelay $0x3  }
0x99: {  	_ =	strace s6  }
0x9a: {  	_ =	strace $0x8FFFFFFF  }
0x9b: {  	s19 =	sld [smem:$0x3FDB];
	_ =	sdelay $0x1  }
0x9c: {  	s7 =	simm.s32 $_scs_section_size  }
0x9d: {  	s8 =	simm.s32 $_size__tile_overlayer_lowered;
	s9 =	simm.s32 $_tile_overlayer_lowered  }
0x9e: {  	s22 =	simm.s32 $0x1BFF;
	s21 =	sshll.u32 s9, $0x1;
	s6 =	sadd.s32 s7, s19  }
0x9f: {  	s10 =	simm.s32 $0x0;
	s20 =	sshll.u32 s8, $0x1;
	s8 =	sadd.s32 s21, s6  }
0xa0: {  	[timem:s10], [sflag:s22] =	dma.local [hbm:s8], s20  }
0xa1: {  	_ =	swait.ge [sflag:s22], s20  }
0xa2: {  	s7 =	ssub.s32 $0x0, s20;
	[sflag:s22] =	ssyncset.done $0x0  }
0xa3: {  	[sflag:s22] =	ssyncadd.s32 s7;
	_ =	sdelay $0x1  }
0xa4: {  	s23 =	simm.s32 $0x1B8B  }
0xa5: {  	_ =	swait.ge [sflag:s23], $0x1  }
0xa6: {  	[sflag:s23] =	ssyncset.done $0x0  }
0xa7: {  	s25 =	simm.s32 $0x1B8E;
	s24 =	sld [smem:$0x3FFE];
	[sflag:s23] =	ssyncadd.s32 $0xFFFFFFFF  }
0xa8: {  	s26 =	simm.s32 $execute0_lowered;
	[smem:$0x3FD2] =	sst s25  }
0xa9: {  	s8 =	sshll.u32 s26, $0x1;
	_ =	strace $0x80000049;
	[dreg:$0x1] =	wrdreg $0xFFFFFFFF  }
0xaa: {  	s28 =	simm.s32 $_size_execute0_lowered;
	s6 =	sadd.s32 s6, s8;
	[dreg:$0x0] =	wrdreg $0x0  }
0xab: {  	s8 =	sshll.u32 s28, $0x1;
	[dreg:$0x2] =	wrdreg s6  }
0xac: {  	[dreg:$0x3] =	wrdreg s8  }
0xad: {  	[dreg:$0x4] =	wrdreg $0xC0  }
0xae: {  	_ =	task [dreg:s10], $0x5FFFF  }
0xaf: {  	[dreg:$0x1] =	wrdreg $0xFFFFFFFF  }
0xb0: {  	[dreg:$0x0] =	wrdreg $0x60  }
0xb1: {  	[dreg:$0x2] =	wrdreg s24  }
0xb2: {  	[dreg:$0x3] =	wrdreg s2  }
0xb3: {  	[dreg:$0x4] =	wrdreg s18  }
0xb4: {  	[dreg:$0x5] =	wrdreg s4  }
0xb5: {  	[dreg:$0x6] =	wrdreg s5  }
0xb6: {  	[dreg:$0x7] =	wrdreg $0x9  }
0xb7: {  	_ =	task.clear_ibuf [dreg:s10], $0x8FFFF;
	_ =	strace $0x90000049  }
0xb8: {  	s29 =	simm.s32 $0x9;
	_ =	strace $0x8000004B  }
0xb9: {  	_ =	swait.ge [sflag:s29], $0x1  }
0xba: {  	[sflag:s29] =	ssyncadd.s32 $0xFFFFFFFF  }
0xbb: {  	_ =	strace $0x9000004B  }
0xbc: {  	_ =	sfence  }
0xbd: {  	s30 =	sld [smem:$0x0];
	_ =	sdelay $0x2  }
0xbe: {  	s31 =	sshll.u32 s1, $0xD;
	s1 =	sshrl.u32 s1, $0x2  }
0xbf: {  	s3 =	sand.u32 $0x4000, s31;
	s1 =	sadd.s32 s1, s30  }
0xc0: {  	s0 =	sor.u32 s3, s0;
	s1 =	sshll.u32 s1, $0x11  }
0xc1: {  	s0 =	sor.u32 s1, s0  }
0xc2: {  	s0 =	sadd.s32 $0x8F2B, s0  }
0xc3: {  	[sflag:s0] =	ssyncadd.remote.s32 $0x1  }
0xc4: {  	_ =	sfence.sel $0xFFFF  }
0xc5: {  	[dreg:$0x0] =	wrdreg $0xFFFFFFFF;
	(pc) =	sbr.abs _section_cstart, $3  }
0xc6: {  	[dreg:$0x1] =	wrdreg $0xFFFFFFFF  }
0xc7: {  	_ =	task.clear_ibuf [dreg:s10], $0x2FFFF;
	_ =	strace $0x9FFFFFFF  }
0xc8: {  	(tm) =	ssettm $0x7FFFFFFF  }
0xc9: {  	_ =	shalt  }
tec
execute0_lowered:
.L_overlay_start_1:
0x0: {  	(tag) =	ssettag $0x1  }
0x1: {  	s7 =	rddreg [dreg:$0x0];
	s0 =	simm.s32 $0x0  }
0x2: {  	s6 =	srdreg.scid;
	s30 =	stileid.u32;
	s12 =	simm.s32 $0x100  }
0x3: {  	s16 =	simm.s32 $0x1;
	s17 =	simm.s32 $0x2;
	s8 =	sand.u32 $0x1, s6  }
0x4: {  	vm0 =	vcmask $0x300;
	vm1 =	vcmask $0x704;
	vm2 =	vcmask $0xB08;
	s18 =	simm.s32 $0x3;
	s1 =	simm.s32 $0x0;
	s9 =	ssub.s32 $0x2, s8  }
0x5: {  	vm3 =	vcmask $0xF0C;
	vm4 =	vcmask $0x1310;
	vm5 =	vcmask $0x1714;
	[smem:$0x7FF] =	sst s0;
	s11 =	sshll.u32 s30, $0x5;
	s10 =	sshrl.u32 s9, $0x1  }
0x6: {  	vm6 =	vcmask $0x1B18;
	vm7 =	vcmask $0x1F1C;
	vm8 =	vcmask $0x2320;
	s7 =	sadd.s32 $0x2000, s7;
	s8 =	sshll.u32 s8, $0x9;
	s9 =	ssub.s32 s9, s10  }
0x7: {  	vm9 =	vcmask $0x2724;
	vm10 =	vcmask $0x2B28;
	vm11 =	vcmask $0x2F2C;
	_ =	strace $0x8000004A;
	s8 =	sor.u32 s11, s8;
	s31 =	smax.u32 s9, $0x1  }
0x8: {  	vm12 =	vcmask $0x3330;
	vm13 =	vcmask $0x3734;
	vm14 =	vcmask $0x3B38;
	s11 =	simm.s32 $0x80;
	s10 =	simm.s32 $0x4;
	[dreg:$0x6] =	wrdreg s31  }
.LBB2_1:
0x9: {  	[dreg:$0x7] =	wrdreg s1;
	p1 =	por $0x1, $0x1;
	s21 =	simm.s32 $0x0  }
.LBB2_2:
0xa: {  	s21 =	sor.u32 s8, s21;
	s0 =	rddreg [dreg:$0x1]  }
0xb: {  	s22 =	simm.s32 $0x0;
	s23 =	sadd.s32 s0, s21  }
0xc: {  	[tilespmem:s22], [sflag:$0x4] =	stream.linear.gather [hbm4b:s23+s22], $0x80, $0x38;
	[tilespmem:$0xC200] =	vst v63  }
0xd: {  	_ =	swait.ge [sflag:s10], $0x80  }
0xe: {  	[sflag:s10] =	ssyncset.done $0x0  }
0xf: {  	[sflag:s10] =	ssyncadd.s32 $0xFFFFFF80  }
0x10: {  	s24 =	rddreg [dreg:$0x2]  }
0x11: {  	s25 =	sadd.s32 s24, s21  }
0x12: {  	[tilespmem:s11], [sflag:$0x4] =	stream.linear.gather [hbm4b:s25+s22], $0x80, $0x38;
	[tilespmem:$0xC200] =	vst v63  }
0x13: {  	_ =	swait.ge [sflag:s10], $0x80  }
0x14: {  	[sflag:s10] =	ssyncset.done $0x0  }
0x15: {  	[sflag:s10] =	ssyncadd.s32 $0xFFFFFF80  }
0x16: {  	s26 =	rddreg [dreg:$0x3]  }
0x17: {  	s28 =	sadd.s32 s26, s21  }
0x18: {  	[tilespmem:s12], [sflag:$0x4] =	stream.linear.gather [hbm4b:s28+s22], $0x80, $0x38;
	[tilespmem:$0xC200] =	vst v63  }
0x19: {  	_ =	swait.ge [sflag:s10], $0x80  }
0x1a: {  	[sflag:s10] =	ssyncset.done $0x0  }
0x1b: {  	s29 =	simm.s32 $0x180;
	[sflag:s10] =	ssyncadd.s32 $0xFFFFFF80  }
0x1c: {  	[tilespmem:s29], [sflag:$0x1] =	stream.indirect.gather [hbm4b:s7+s11], $0x80, s22, s11, $0xb8;
	[tilespmem:$0xC200] =	vst v63  }
0x1d: {  	s30 =	simm.s32 $0x4180  }
0x1e: {  	[tilespmem:s30], [sflag:$0x2] =	stream.indirect.gather [hbm4b:s7+s11], $0x80, s11, s11, $0xb8;
	[tilespmem:$0xC200] =	vst v63  }
0x1f: {  	s31 =	simm.s32 $0x8180  }
0x20: {  	[tilespmem:s31], [sflag:$0x3] =	stream.indirect.gather [hbm4b:s7+s11], $0x80, s12, s11, $0xb8;
	[tilespmem:$0xC200] =	vst v63  }
0x21: {  	_ =	swait.ge [sflag:s16], $0x4000  }
0x22: {  	[sflag:s16] =	ssyncset.done $0x0  }
0x23: {  	[sflag:s16] =	ssyncadd.s32 $0xFFFFC000  }
0x24: {  	_ =	swait.ge [sflag:s17], $0x4000  }
0x25: {  	[sflag:s17] =	ssyncset.done $0x0  }
0x26: {  	[sflag:s17] =	ssyncadd.s32 $0xFFFFC000  }
0x27: {  	_ =	swait.ge [sflag:s18], $0x4000  }
0x28: {  	[sflag:s18] =	ssyncset.done $0x0  }
0x29: {  	p0 =	por p1, p1;
	[sflag:s18] =	ssyncadd.s32 $0xFFFFC000  }
.LBB2_3:
0x2a: {  	s23 =	sshll.u32 s22, $0xB  }
0x2b: {  	v62 =	vld [tilespmem:s23+$0x4250];
	_ =	sdelay $0x4  }
0x2c: {  	[tilespmem:$0x1F3E0] =	vst v62;
	v62 =	vld [tilespmem:s23+$0x4370];
	_ =	sdelay $0x4  }
0x2d: {  	[tilespmem:$0x1F630] =	vst v62;
	v62 =	vld [tilespmem:s23+$0x83E0];
	_ =	sdelay $0x4  }
0x2e: {  	[tilespmem:$0x1F760] =	vst v62;
	v62 =	vld [tilespmem:s23+$0x8430];
	_ =	sdelay $0x4  }
0x2f: {  	[tilespmem:$0x1F790] =	vst v62;
	v62 =	vld [tilespmem:s23+$0x8440];
	_ =	sdelay $0x4  }
0x30: {  	[tilespmem:$0x1F7E0] =	vst v62;
	v62 =	vld [tilespmem:s23+$0x4450];
	_ =	sdelay $0x4  }
0x31: {  	[tilespmem:$0x1F820] =	vst v62;
	v62 =	vld [tilespmem:s23+$0x460];
	_ =	sdelay $0x4  }
0x32: {  	[tilespmem:$0x1F890] =	vst v62;
	v62 =	vld [tilespmem:s23+$0x8460];
	_ =	sdelay $0x4  }
0x33: {  	[tilespmem:$0x1F8D0] =	vst v62;
	v62 =	vld [tilespmem:s23+$0x4470];
	_ =	sdelay $0x4  }
0x34: {  	[tilespmem:$0x1F930] =	vst v62;
	v62 =	vld [tilespmem:s23+$0x4490];
	_ =	sdelay $0x4  }
0x35: {  	[tilespmem:$0x1F830] =	vst v62;
	v62 =	vld [tilespmem:s23+$0x8490];
	_ =	sdelay $0x4  }
0x36: {  	[tilespmem:$0x1F850] =	vst v62;
	v62 =	vld [tilespmem:s23+$0x4A0];
	_ =	sdelay $0x4  }
0x37: {  	[tilespmem:$0x1F860] =	vst v62;
	v62 =	vld [tilespmem:s23+$0x44A0];
	_ =	sdelay $0x4  }
0x38: {  	[tilespmem:$0x1F870] =	vst v62;
	v62 =	vld [tilespmem:s23+$0x84A0];
	_ =	sdelay $0x4  }
0x39: {  	[tilespmem:$0x1F880] =	vst v62;
	v62 =	vld [tilespmem:s23+$0x4B0];
	_ =	sdelay $0x4  }
0x3a: {  	[tilespmem:$0x1F8B0] =	vst v62;
	v62 =	vld [tilespmem:s23+$0x44B0];
	_ =	sdelay $0x4  }
0x3b: {  	[tilespmem:$0x1F8C0] =	vst v62;
	v62 =	vld [tilespmem:s23+$0x84B0];
	_ =	sdelay $0x4  }
0x3c: {  	[tilespmem:$0x1F8E0] =	vst v62;
	v62 =	vld [tilespmem:s23+$0x4C0];
	_ =	sdelay $0x4  }
0x3d: {  	[tilespmem:$0x1F8F0] =	vst v62;
	v62 =	vld [tilespmem:s23+$0x44C0];
	_ =	sdelay $0x4  }
0x3e: {  	[tilespmem:$0x1F900] =	vst v62;
	v62 =	vld [tilespmem:s23+$0x84C0];
	_ =	sdelay $0x4  }
0x3f: {  	[tilespmem:$0x1F910] =	vst v62;
	v62 =	vld [tilespmem:s23+$0x4D0];
	_ =	sdelay $0x4  }
0x40: {  	[tilespmem:$0x1F950] =	vst v62;
	v62 =	vld [tilespmem:s23+$0x44D0];
	_ =	sdelay $0x4  }
0x41: {  	[tilespmem:$0x1F960] =	vst v62;
	v62 =	vld [tilespmem:s23+$0x84D0];
	_ =	sdelay $0x4  }
0x42: {  	[tilespmem:$0x1F970] =	vst v62;
	v62 =	vld [tilespmem:s23+$0x4E0];
	_ =	sdelay $0x4  }
0x43: {  	[tilespmem:$0x1F9B0] =	vst v62;
	v62 =	vld [tilespmem:s23+$0x44E0];
	_ =	sdelay $0x4  }
0x44: {  	[tilespmem:$0x1F9C0] =	vst v62;
	v62 =	vld [tilespmem:s23+$0x84E0];
	_ =	sdelay $0x4  }
0x45: {  	[tilespmem:$0x1F9F0] =	vst v62;
	v62 =	vld [tilespmem:s23+$0x4F0];
	_ =	sdelay $0x4  }
0x46: {  	[tilespmem:$0x1FA70] =	vst v62;
	v62 =	vld [tilespmem:s23+$0x44F0];
	_ =	sdelay $0x4  }
0x47: {  	[tilespmem:$0x1FA80] =	vst v62;
	v62 =	vld [tilespmem:s23+$0x84F0]  }
0x48: {  	v0 =	vld [tilespmem:s23+$0x180]  }
0x49: {  	v29 =	vld [tilespmem:s23+$0x4180]  }
0x4a: {  	v30 =	vld [tilespmem:s23+$0x8180]  }
0x4b: {  	v1 =	vld [tilespmem:s23+$0x190]  }
0x4c: {  	[tilespmem:$0x1FAB0] =	vst v62;
	v62 =	vld [tilespmem:s23+$0x500]  }
0x4d: {  	v32 =	vld [tilespmem:s23+$0x4190]  }
0x4e: {  	v33 =	vld [tilespmem:s23+$0x8190]  }
0x4f: {  	v2 =	vld [tilespmem:s23+$0x1A0]  }
0x50: {  	v36 =	vld [tilespmem:s23+$0x41A0]  }
0x51: {  	[tilespmem:$0x1F980] =	vst v62;
	v62 =	vld [tilespmem:s23+$0x4500]  }
0x52: {  	v42 =	vld [tilespmem:s23+$0x81A0]  }
0x53: {  	v4 =	vld [tilespmem:s23+$0x1B0]  }
0x54: {  	v44 =	vld [tilespmem:s23+$0x41B0]  }
0x55: {  	v47 =	vld [tilespmem:s23+$0x81B0]  }
0x56: {  	[tilespmem:$0x1F990] =	vst v62;
	v62 =	vld [tilespmem:s23+$0x8500]  }
0x57: {  	v6 =	vld [tilespmem:s23+$0x1C0]  }
0x58: {  	v50 =	vld [tilespmem:s23+$0x41C0]  }
0x59: {  	v52 =	vld [tilespmem:s23+$0x81C0]  }
0x5a: {  	v7 =	vld [tilespmem:s23+$0x1D0]  }
0x5b: {  	[tilespmem:$0x1F9A0] =	vst v62;
	v62 =	vld [tilespmem:s23+$0x510]  }
0x5c: {  	v53 =	vld [tilespmem:s23+$0x41D0]  }
0x5d: {  	v60 =	vld [tilespmem:s23+$0x81D0]  }
0x5e: {  	v10 =	vld [tilespmem:s23+$0x1E0]  }
0x5f: {  	v3 =	vld [tilespmem:s23+$0x41E0]  }
0x60: {  	[tilespmem:$0x1F9D0] =	vst v62;
	v62 =	vld [tilespmem:s23+$0x4510]  }
0x61: {  	v56 =	vld [tilespmem:s23+$0x81E0]  }
0x62: {  	v34 =	vld [tilespmem:s23+$0x1F0]  }
0x63: {  	v57 =	vld [tilespmem:s23+$0x41F0]  }
0x64: {  	v58 =	vld [tilespmem:s23+$0x81F0]  }
0x65: {  	[tilespmem:$0x1F9E0] =	vst v62;
	v62 =	vld [tilespmem:s23+$0x8510]  }
0x66: {  	v37 =	vld [tilespmem:s23+$0x4200]  }
0x67: {  	v46 =	vld [tilespmem:s23+$0x8200]  }
0x68: {  	v5 =	vld [tilespmem:s23+$0x210]  }
0x69: {  	v49 =	vld [tilespmem:s23+$0x4210]  }
0x6a: {  	[tilespmem:$0x1FA00] =	vst v62;
	v62 =	vld [tilespmem:s23+$0x520]  }
0x6b: {  	v51 =	vld [tilespmem:s23+$0x8210]  }
0x6c: {  	v8 =	vld [tilespmem:s23+$0x220]  }
0x6d: {  	v54 =	vld [tilespmem:s23+$0x4220]  }
0x6e: {  	v9 =	vld [tilespmem:s23+$0x8220]  }
0x6f: {  	[tilespmem:$0x1FA10] =	vst v62;
	v62 =	vld [tilespmem:s23+$0x4520]  }
0x70: {  	v11 =	vld [tilespmem:s23+$0x4230]  }
0x71: {  	v59 =	vld [tilespmem:s23+$0x8230]  }
0x72: {  	v12 =	vld [tilespmem:s23+$0x4240]  }
0x73: {  	v61 =	vld [tilespmem:s23+$0x8240]  }
0x74: {  	[tilespmem:$0x1FA20] =	vst v62;
	v62 =	vld [tilespmem:s23+$0x8520]  }
0x75: {  	v13 =	vld [tilespmem:s23+$0x250]  }
0x76: {  	v63 =	vld [tilespmem:s23+$0x8250]  }
0x77: {  	v15 =	vld [tilespmem:s23+$0x260]  }
0x78: {  	v16 =	vld [tilespmem:s23+$0x4260]  }
0x79: {  	[tilespmem:$0x1FA30] =	vst v62;
	v62 =	vld [tilespmem:s23+$0x530]  }
0x7a: {  	v17 =	vld [tilespmem:s23+$0x8260]  }
0x7b: {  	v38 =	vld [tilespmem:s23+$0x270]  }
0x7c: {  	v18 =	vld [tilespmem:s23+$0x4270]  }
0x7d: {  	v19 =	vld [tilespmem:s23+$0x8270]  }
0x7e: {  	[tilespmem:$0x1FA40] =	vst v62;
	v62 =	vld [tilespmem:s23+$0x4530]  }
0x7f: {  	v14 =	vld [tilespmem:s23+$0x4280]  }
0x80: {  	v20 =	vld [tilespmem:s23+$0x8280]  }
0x81: {  	v21 =	vld [tilespmem:s23+$0x8290]  }
0x82: {  	v22 =	vld [tilespmem:s23+$0x42A0]  }
0x83: {  	[tilespmem:$0x1FA50] =	vst v62;
	v62 =	vld [tilespmem:s23+$0x8530]  }
0x84: {  	v23 =	vld [tilespmem:s23+$0x82A0]  }
0x85: {  	v24 =	vld [tilespmem:s23+$0x42B0]  }
0x86: {  	v25 =	vld [tilespmem:s23+$0x82B0]  }
0x87: {  	v43 =	vld [tilespmem:s23+$0x2C0]  }
0x88: {  	[tilespmem:$0x1FA60] =	vst v62;
	v62 =	vld [tilespmem:s23+$0x540]  }
0x89: {  	v26 =	vld [tilespmem:s23+$0x42C0]  }
0x8a: {  	v27 =	vld [tilespmem:s23+$0x82C0]  }
0x8b: {  	v39 =	vld [tilespmem:s23+$0x2D0]  }
0x8c: {  	v28 =	vld [tilespmem:s23+$0x42D0]  }
0x8d: {  	[tilespmem:$0x1FAC0] =	vst v62;
	v62 =	vld [tilespmem:s23+$0x4540]  }
0x8e: {  	v31 =	vld [tilespmem:s23+$0x82D0]  }
0x8f: {  	v35 =	vld [tilespmem:s23+$0x42E0]  }
0x90: {  	v40 =	vld [tilespmem:s23+$0x82E0]  }
0x91: {  	v41 =	vld [tilespmem:s23+$0x42F0]  }
0x92: {  	[tilespmem:$0x1FAD0] =	vst v62;
	v62 =	vld [tilespmem:s23+$0x8540]  }
0x93: {  	v45 =	vld [tilespmem:s23+$0x82F0]  }
0x94: {  	v48 =	vld [tilespmem:s23+$0x8300]  }
0x95: {  	v55 =	vld [tilespmem:s23+$0x8310]  }
0x96: {  	[tilespmem:$0x1F350] =	vst v3;
	v3 =	vld [tilespmem:s23+$0x200]  }
0x97: {  	[tilespmem:$0x1FB00] =	vst v62;
	v62 =	vld [tilespmem:s23+$0x550]  }
0x98: {  	[tilespmem:$0x1F370] =	vst v9;
	v9 =	vld [tilespmem:s23+$0x230]  }
0x99: {  	[tilespmem:$0x1F380] =	vst v11;
	v11 =	vld [tilespmem:s23+$0x240]  }
0x9a: {  	[tilespmem:$0x1F3B0] =	vst v12;
	v12 =	vld [tilespmem:s23+$0x280]  }
0x9b: {  	[tilespmem:$0x1F410] =	vst v14;
	v14 =	vld [tilespmem:s23+$0x290]  }
0x9c: {  	[tilespmem:$0x1FB10] =	vst v62;
	v62 =	vld [tilespmem:s23+$0x4550]  }
0x9d: {  	[tilespmem:$0x1F400] =	vst v16;
	v16 =	vld [tilespmem:s23+$0x4290]  }
0x9e: {  	[tilespmem:$0x1F420] =	vst v17;
	v17 =	vld [tilespmem:s23+$0x2A0]  }
0x9f: {  	[tilespmem:$0x1F480] =	vst v19;
	v19 =	vld [tilespmem:s23+$0x2B0]  }
0xa0: {  	[tilespmem:$0x1F4B0] =	vst v25;
	v25 =	vld [tilespmem:s23+$0x2E0]  }
0xa1: {  	[tilespmem:$0x1FB20] =	vst v62;
	v62 =	vld [tilespmem:s23+$0x8550]  }
0xa2: {  	[tilespmem:$0x1F4C0] =	vst v26;
	v26 =	vld [tilespmem:s23+$0x2F0]  }
0xa3: {  	[tilespmem:$0x1F460] =	vst v18;
	v18 =	vld [tilespmem:s23+$0x4300]  }
0xa4: {  	[tilespmem:$0x1F430] =	vst v20;
	v20 =	vld [tilespmem:s23+$0x4310]  }
0xa5: {  	[tilespmem:$0x1F450] =	vst v21;
	v21 =	vld [tilespmem:s23+$0x4320]  }
0xa6: {  	[tilespmem:$0x1FB50] =	vst v62;
	v62 =	vld [tilespmem:s23+$0x560]  }
0xa7: {  	[tilespmem:$0x1F360] =	vst v56;
	v56 =	vld [tilespmem:s23+$0x8320]  }
0xa8: {  	[tilespmem:$0x1F470] =	vst v22;
	v22 =	vld [tilespmem:s23+$0x4330]  }
0xa9: {  	[tilespmem:$0x1F3A0] =	vst v57;
	v57 =	vld [tilespmem:s23+$0x8330]  }
0xaa: {  	[tilespmem:$0x1F490] =	vst v23;
	v23 =	vld [tilespmem:s23+$0x4340]  }
0xab: {  	[tilespmem:$0x1FB60] =	vst v62;
	v62 =	vld [tilespmem:s23+$0x4560]  }
0xac: {  	[tilespmem:$0x1F3C0] =	vst v58;
	v58 =	vld [tilespmem:s23+$0x8340]  }
0xad: {  	[tilespmem:$0x1F4A0] =	vst v24;
	v24 =	vld [tilespmem:s23+$0x4350]  }
0xae: {  	[tilespmem:$0x1F390] =	vst v59;
	v59 =	vld [tilespmem:s23+$0x8350]  }
0xaf: {  	[tilespmem:$0x1F4E0] =	vst v27;
	v27 =	vld [tilespmem:s23+$0x4360]  }
0xb0: {  	[tilespmem:$0x1FB70] =	vst v62;
	v62 =	vld [tilespmem:s23+$0x8560]  }
0xb1: {  	[tilespmem:$0x1F3D0] =	vst v61;
	v61 =	vld [tilespmem:s23+$0x8360]  }
0xb2: {  	[tilespmem:$0x1F3F0] =	vst v63;
	v63 =	vld [tilespmem:s23+$0x370]  }
0xb3: {  	[tilespmem:$0x1F540] =	vst v31;
	v31 =	vld [tilespmem:s23+$0x8370]  }
0xb4: {  	[tilespmem:$0x1F520] =	vst v28;
	v28 =	vld [tilespmem:s23+$0x4380]  }
0xb5: {  	[tilespmem:$0x1FBA0] =	vst v62;
	v62 =	vld [tilespmem:s23+$0x570]  }
0xb6: {  	[tilespmem:$0x1F580] =	vst v35;
	v35 =	vld [tilespmem:s23+$0x8380]  }
0xb7: {  	[tilespmem:$0x1F5A0] =	vst v40;
	v40 =	vld [tilespmem:s23+$0x8390]  }
0xb8: {  	[tilespmem:$0x1F600] =	vst v41;
	v41 =	vld [tilespmem:s23+$0x43A0]  }
0xb9: {  	[tilespmem:$0x1F5E0] =	vst v45;
	v45 =	vld [tilespmem:s23+$0x83A0]  }
0xba: {  	[tilespmem:$0x1FBE0] =	vst v62;
	v62 =	vld [tilespmem:s23+$0x4570]  }
0xbb: {  	[tilespmem:$0x1F4D0] =	vst v48;
	v48 =	vld [tilespmem:s23+$0x83B0]  }
0xbc: {  	[tilespmem:$0x1F500] =	vst v55;
	v55 =	vld [tilespmem:s23+$0x43C0];
	v29 =	vmul.f32 v29, v0;
	v0 =	vmul.f32 v30, v0  }
0xbd: {  	v30 =	vmul.f32 v32, v1;
	v1 =	vmul.f32 v33, v1;
	v33 =	vld [tilespmem:s23+$0x85C0]  }
0xbe: {  	v32 =	vmul.f32 v42, v2;
	v42 =	vld [tilespmem:s23+$0x5D0]  }
0xbf: {  	[tilespmem:$0x1FC00] =	vst v62;
	v62 =	vld [tilespmem:s23+$0x8570]  }
0xc0: {  	[tilespmem:$0x1F440] =	vst v16;
	v16 =	vld [tilespmem:s23+$0x300]  }
0xc1: {  	[tilespmem:$0x1F4F0] =	vst v18;
	v18 =	vld [tilespmem:s23+$0x310]  }
0xc2: {  	[tilespmem:$0x1F510] =	vst v20;
	v20 =	vld [tilespmem:s23+$0x320]  }
0xc3: {  	[tilespmem:$0x1F550] =	vst v21;
	v21 =	vld [tilespmem:s23+$0x330]  }
0xc4: {  	[tilespmem:$0x1FBF0] =	vst v62;
	v62 =	vld [tilespmem:s23+$0x580]  }
0xc5: {  	[tilespmem:$0x1F570] =	vst v22;
	v22 =	vld [tilespmem:s23+$0x340]  }
0xc6: {  	[tilespmem:$0x1F5B0] =	vst v23;
	v23 =	vld [tilespmem:s23+$0x350]  }
0xc7: {  	[tilespmem:$0x1F5D0] =	vst v24;
	v24 =	vld [tilespmem:s23+$0x360]  }
0xc8: {  	[tilespmem:$0x1F610] =	vst v27;
	v27 =	vld [tilespmem:s23+$0x380]  }
0xc9: {  	[tilespmem:$0x1FA90] =	vst v62;
	v62 =	vld [tilespmem:s23+$0x4580]  }
0xca: {  	[tilespmem:$0x1F640] =	vst v28;
	v28 =	vld [tilespmem:s23+$0x390]  }
0xcb: {  	[tilespmem:$0x1F620] =	vst v31;
	v31 =	vld [tilespmem:s23+$0x4390]  }
0xcc: {  	[tilespmem:$0x1F5C0] =	vst v59;
	v59 =	vld [tilespmem:s23+$0x3A0]  }
0xcd: {  	[tilespmem:$0x1F650] =	vst v35;
	v35 =	vld [tilespmem:s23+$0x43B0]  }
0xce: {  	[tilespmem:$0x1FBD0] =	vst v62;
	v62 =	vld [tilespmem:s23+$0x8580]  }
0xcf: {  	[tilespmem:$0x1F670] =	vst v40;
	v40 =	vld [tilespmem:s23+$0x3C0]  }
0xd0: {  	[tilespmem:$0x1F530] =	vst v56;
	v56 =	vld [tilespmem:s23+$0x83C0]  }
0xd1: {  	[tilespmem:$0x1F690] =	vst v45;
	v45 =	vld [tilespmem:s23+$0x3D0]  }
0xd2: {  	[tilespmem:$0x1F560] =	vst v57;
	v57 =	vld [tilespmem:s23+$0x43D0]  }
0xd3: {  	[tilespmem:$0x1FAA0] =	vst v62;
	v62 =	vld [tilespmem:s23+$0x590]  }
0xd4: {  	[tilespmem:$0x1F590] =	vst v58;
	v58 =	vld [tilespmem:s23+$0x83D0]  }
0xd5: {  	[tilespmem:$0x1F5F0] =	vst v61;
	v61 =	vld [tilespmem:s23+$0x43E0]  }
0xd6: {  	[tilespmem:$0x1F680] =	vst v41;
	v41 =	vld [tilespmem:s23+$0x3F0]  }
0xd7: {  	v29 =	vadd.f32 $0.0e+00, v29;
	[tilespmem:$0x1F6B0] =	vst v48;
	v48 =	vld [tilespmem:s23+$0x43F0]  }
0xd8: {  	[tilespmem:$0x1FAE0] =	vst v62;
	v62 =	vld [tilespmem:s23+$0x4590]  }
0xd9: {  	v29 =	vadd.f32 v30, v29;
	v30 =	vmul.f32 v47, v4;
	v47 =	vmul.f32 v52, v6;
	[tilespmem:$0x1F6C0] =	vst v55;
	v55 =	vld [tilespmem:s23+$0x83F0]  }
0xda: {  	[tilespmem:$0x1FBC0] =	vst v33;
	v33 =	vmul.f32 v50, v6;
	v50 =	vmul.f32 v53, v7;
	v53 =	vld [tilespmem:s23+$0x45E0]  }
0xdb: {  	v0 =	vadd.f32 $0.0e+00, v0;
	v52 =	vmul.f32 v37, v3;
	v3 =	vmul.f32 v46, v3;
	v46 =	vld [tilespmem:s23+$0x85E0]  }
0xdc: {  	[tilespmem:$0x1F740] =	vst v61;
	v61 =	vld [tilespmem:s23+$0x8420]  }
0xdd: {  	v0 =	vadd.f32 v1, v0;
	[tilespmem:$0x1FC10] =	vst v62;
	v62 =	vld [tilespmem:s23+$0x8590]  }
0xde: {  	v36 =	vmul.f32 v36, v2;
	v37 =	vmul.f32 v49, v5;
	v49 =	vld [tilespmem:s23+$0x85F0]  }
0xdf: {  	v0 =	vadd.f32 v32, v0;
	v32 =	vld [tilespmem:s23+$0x45D0]  }
0xe0: {  	v36 =	vadd.f32 v36, v29;
	v29 =	vadd.f32 $0.0e+00, v52;
	v52 =	vld [tilespmem:s23+$0x45F0]  }
0xe1: {  	[tilespmem:$0x1F770] =	vst v61;
	v61 =	vld [tilespmem:s23+$0x4440]  }
0xe2: {  	[tilespmem:$0x1FAF0] =	vst v62;
	v62 =	vld [tilespmem:s23+$0x5A0]  }
0xe3: {  	v0 =	vadd.f32 v30, v0;
	v30 =	vld [tilespmem:s23+$0x600]  }
0xe4: {  	[tilespmem:$0x1F660] =	vst v31;
	v31 =	vld [tilespmem:s23+$0x3B0]  }
0xe5: {  	[tilespmem:$0x1F6E0] =	vst v57;
	v57 =	vld [tilespmem:s23+$0x3E0]  }
0xe6: {  	[tilespmem:$0x1F7D0] =	vst v61;
	v61 =	vld [tilespmem:s23+$0x450]  }
0xe7: {  	[tilespmem:$0x1FB30] =	vst v62;
	v62 =	vld [tilespmem:s23+$0x45A0]  }
0xe8: {  	[tilespmem:$0x1F6A0] =	vst v35;
	v35 =	vld [tilespmem:s23+$0x400]  }
0xe9: {  	[tilespmem:$0x1F7A0] =	vst v41;
	v41 =	vld [tilespmem:s23+$0x4400]  }
0xea: {  	[tilespmem:$0x1F6D0] =	vst v56;
	v56 =	vld [tilespmem:s23+$0x8400]  }
0xeb: {  	[tilespmem:$0x1F810] =	vst v61;
	v61 =	vld [tilespmem:s23+$0x8450]  }
0xec: {  	[tilespmem:$0x1FC20] =	vst v62;
	v62 =	vld [tilespmem:s23+$0x85A0]  }
0xed: {  	[tilespmem:$0x1F7B0] =	vst v48;
	v48 =	vld [tilespmem:s23+$0x4410]  }
0xee: {  	[tilespmem:$0x1F700] =	vst v58;
	v58 =	vld [tilespmem:s23+$0x8410]  }
0xef: {  	[tilespmem:$0x1F7C0] =	vst v55;
	v55 =	vld [tilespmem:s23+$0x4420]  }
0xf0: {  	[tilespmem:$0x1F840] =	vst v61;
	v61 =	vld [tilespmem:s23+$0x4460]  }
0xf1: {  	[tilespmem:$0x1FB40] =	vst v62;
	v62 =	vld [tilespmem:s23+$0x5B0]  }
0xf2: {  	[tilespmem:$0x1FCB0] =	vst v53;
	v53 =	vld [tilespmem:$0x1F350]  }
0xf3: {  	v0 =	vadd.f32 v47, v0;
	v47 =	vmul.f32 v51, v5;
	v51 =	vld [tilespmem:$0x1F3A0]  }
0xf4: {  	[tilespmem:$0x1FC50] =	vst v32;
	v32 =	vld [tilespmem:s23+$0x5F0]  }
0xf5: {  	v3 =	vadd.f32 $0.0e+00, v3;
	[tilespmem:$0x1F8A0] =	vst v61;
	v61 =	vld [tilespmem:s23+$0x470]  }
0xf6: {  	[tilespmem:$0x1FB80] =	vst v62;
	v62 =	vld [tilespmem:s23+$0x45B0]  }
0xf7: {  	v1 =	vadd.f32 v47, v3;
	v47 =	vld [tilespmem:$0x1F390]  }
0xf8: {  	[tilespmem:$0x1FCF0] =	vst v52;
	v52 =	vld [tilespmem:$0x1F3B0]  }
0xf9: {  	[tilespmem:$0x1FC60] =	vst v30;
	v30 =	vld [tilespmem:$0x1F410]  }
0xfa: {  	[tilespmem:$0x1F920] =	vst v61;
	v61 =	vld [tilespmem:s23+$0x8470]  }
0xfb: {  	[tilespmem:$0x1FC30] =	vst v62;
	v62 =	vld [tilespmem:s23+$0x85B0]  }
0xfc: {  	[tilespmem:$0x1F6F0] =	vst v41;
	v41 =	vld [tilespmem:s23+$0x410]  }
0xfd: {  	[tilespmem:$0x1F720] =	vst v48;
	v48 =	vld [tilespmem:s23+$0x420]  }
0xfe: {  	[tilespmem:$0x1F750] =	vst v55;
	v55 =	vld [tilespmem:s23+$0x430]  }
0xff: {  	[tilespmem:$0x1F940] =	vst v61;
	v61 =	vld [tilespmem:s23+$0x4480]  }
0x100: {  	[tilespmem:$0x1FB90] =	vst v62;
	v62 =	vld [tilespmem:s23+$0x5C0]  }
0x101: {  	[tilespmem:$0x1F710] =	vst v56;
	v56 =	vld [tilespmem:s23+$0x4430]  }
0x102: {  	[tilespmem:$0x1F730] =	vst v58;
	v58 =	vld [tilespmem:s23+$0x440]  }
0x103: {  	v5 =	vmul.f32 v53, v10;
	v53 =	vld [tilespmem:s23+$0x610]  }
0x104: {  	[tilespmem:$0x1F7F0] =	vst v61;
	v61 =	vld [tilespmem:s23+$0x8480]  }
0x105: {  	[tilespmem:$0x1FBB0] =	vst v62;
	v62 =	vld [tilespmem:s23+$0x45C0]  }
0x106: {  	v6 =	vmul.f32 v52, v11;
	v52 =	vld [tilespmem:$0x1F450]  }
0x107: {  	[tilespmem:$0x1F780] =	vst v56;
	v56 =	vld [tilespmem:s23+$0x480]  }
0x108: {  	[tilespmem:$0x1FC90] =	vst v53;
	v53 =	vld [tilespmem:s23+$0x4630]  }
0x109: {  	[tilespmem:$0x1F800] =	vst v61;
	v61 =	vld [tilespmem:s23+$0x490]  }
0x10a: {  	[tilespmem:$0x1FC40] =	vst v62;
	v62 =	vmul.f32 v44, v4;
	v44 =	vld [tilespmem:s23+$0x85D0]  }
0x10b: {  	v4 =	vadd.f32 v37, v29;
	v29 =	vld [tilespmem:$0x1F370]  }
0x10c: {  	v37 =	vld [tilespmem:s23+$0x4600]  }
0x10d: {  	v2 =	vadd.f32 v62, v36;
	v36 =	vld [tilespmem:s23+$0x5E0];
	v62 =	vmul.f32 v60, v7  }
0x10e: {  	v60 =	vmul.f32 v54, v8;
	v54 =	vld [tilespmem:$0x1F3C0]  }
0x10f: {  	v0 =	vadd.f32 v62, v0;
	v62 =	vld [tilespmem:$0x1F360]  }
0x110: {  	v2 =	vadd.f32 v33, v2;
	v33 =	vld [tilespmem:$0x1F380]  }
0x111: {  	v4 =	vadd.f32 v60, v4;
	v60 =	vld [tilespmem:$0x1F3D0]  }
0x112: {  	v3 =	vmul.f32 v29, v8;
	v29 =	vld [tilespmem:$0x1F400]  }
0x113: {  	[tilespmem:$0x1FC70] =	vst v37;
	v37 =	vld [tilespmem:$0x1F430]  }
0x114: {  	v2 =	vadd.f32 v50, v2;
	v50 =	vld [tilespmem:s23+$0x8600]  }
0x115: {  	v1 =	vadd.f32 v3, v1;
	v3 =	vmul.f32 v47, v9;
	v47 =	vld [tilespmem:s23+$0x8620]  }
0x116: {  	v7 =	vmul.f32 v62, v10;
	v62 =	vld [tilespmem:s23+$0x4610]  }
0x117: {  	v2 =	vadd.f32 v5, v2;
	v5 =	vmul.f32 v33, v9;
	v9 =	vld [tilespmem:$0x1F3E0]  }
0x118: {  	v10 =	vld [tilespmem:s23+$0x8610]  }
0x119: {  	v1 =	vadd.f32 v3, v1;
	v3 =	vmul.f32 v60, v11;
	v11 =	vld [tilespmem:$0x1F3F0]  }
0x11a: {  	v33 =	vld [tilespmem:s23+$0x4620]  }
0x11b: {  	v60 =	vld [tilespmem:$0x1F470];
	v0 =	vadd.f32 v7, v0  }
0x11c: {  	v4 =	vadd.f32 v5, v4;
	v5 =	vmul.f32 v51, v34;
	v7 =	vmul.f32 v54, v34;
	v34 =	vld [tilespmem:$0x1F420]  }
0x11d: {  	v51 =	vld [tilespmem:$0x1F440]  }
0x11e: {  	v54 =	vld [tilespmem:$0x1F460]  }
0x11f: {  	[tilespmem:$0x1FCE0] =	vst v47;
	v47 =	vld [tilespmem:$0x1F4D0];
	v4 =	vadd.f32 v6, v4  }
0x120: {  	v0 =	vadd.f32 v7, v0;
	v6 =	vmul.f32 v30, v12;
	v7 =	vmul.f32 v37, v12;
	v12 =	vld [tilespmem:$0x1F480]  }
0x121: {  	v30 =	vld [tilespmem:s23+$0x4640]  }
0x122: {  	v1 =	vadd.f32 v3, v1;
	v37 =	vld [tilespmem:$0x1F4C0]  }
0x123: {  	v2 =	vadd.f32 v5, v2;
	v5 =	vmul.f32 v9, v13;
	v3 =	vmul.f32 v11, v13;
	v13 =	vld [tilespmem:s23+$0x620]  }
0x124: {  	[tilespmem:$0x1FCA0] =	vst v62;
	v62 =	vld [tilespmem:s23+$0x8630]  }
0x125: {  	[tilespmem:$0x1FCD0] =	vst v33;
	v33 =	vld [tilespmem:$0x1F4B0];
	v1 =	vadd.f32 v3, v1;
	v3 =	vmul.f32 v34, v15  }
0x126: {  	[tilespmem:$0x1FC80] =	vst v50;
	v50 =	vadd.f32 $0.0e+00, v6;
	v4 =	vadd.f32 v5, v4;
	v5 =	vmul.f32 v29, v15;
	v15 =	vld [tilespmem:s23+$0x630]  }
0x127: {  	v6 =	vmul.f32 v51, v14;
	v1 =	vadd.f32 v3, v1;
	v3 =	vmul.f32 v52, v14;
	v14 =	vld [tilespmem:$0x1F490]  }
0x128: {  	v34 =	vld [tilespmem:s23+$0x8640]  }
0x129: {  	[tilespmem:$0x1FD00] =	vst v53;
	v52 =	vld [tilespmem:s23+$0x4650]  }
0x12a: {  	[tilespmem:$0x1FCC0] =	vst v10;
	v7 =	vadd.f32 $0.0e+00, v7;
	v29 =	vld [tilespmem:$0x1F4A0]  }
0x12b: {  	v51 =	vld [tilespmem:$0x1F4F0];
	v4 =	vadd.f32 v5, v4;
	v5 =	vadd.f32 v6, v50;
	v6 =	vmul.f32 v54, v38;
	[tilespmem:$0x1FD20] =	vst v30  }
0x12c: {  	v9 =	vmul.f32 v12, v38;
	v38 =	vld [tilespmem:s23+$0x640];
	[tilespmem:$0x1FD10] =	vst v62;
	v3 =	vadd.f32 v3, v7;
	v7 =	vmul.f32 v14, v17  }
0x12d: {  	v50 =	vld [tilespmem:$0x1F4E0];
	[tilespmem:$0x1FD30] =	vst v34  }
0x12e: {  	v3 =	vadd.f32 v7, v3;
	v7 =	vmul.f32 v33, v19;
	v33 =	vld [tilespmem:s23+$0x650];
	[tilespmem:$0x1FD40] =	vst v52  }
0x12f: {  	v54 =	vld [tilespmem:$0x1F500]  }
0x130: {  	v10 =	vld [tilespmem:s23+$0x8650]  }
0x131: {  	v8 =	vmul.f32 v60, v17;
	v60 =	vld [tilespmem:$0x1F510]  }
0x132: {  	v62 =	vld [tilespmem:$0x1F520]  }
0x133: {  	v12 =	vld [tilespmem:$0x1F530]  }
0x134: {  	v5 =	vadd.f32 v8, v5;
	v14 =	vld [tilespmem:s23+$0x4660]  }
0x135: {  	v1 =	vadd.f32 v9, v1;
	v8 =	vmul.f32 v47, v16;
	v9 =	vmul.f32 v51, v16;
	v16 =	vld [tilespmem:$0x1F540]  }
0x136: {  	v17 =	vld [tilespmem:$0x1F550]  }
0x137: {  	v4 =	vadd.f32 v6, v4;
	v6 =	vmul.f32 v29, v19;
	v19 =	vld [tilespmem:$0x1F560]  }
0x138: {  	v29 =	vld [tilespmem:$0x1F580]  }
0x139: {  	v30 =	vld [tilespmem:$0x1F590]  }
0x13a: {  	v34 =	vld [tilespmem:s23+$0x8670]  }
0x13b: {  	v5 =	vadd.f32 v6, v5;
	v6 =	vmul.f32 v37, v43;
	v37 =	vld [tilespmem:$0x1F5A0]  }
0x13c: {  	v47 =	vld [tilespmem:$0x1F5B0]  }
0x13d: {  	v51 =	vld [tilespmem:s23+$0x4680]  }
0x13e: {  	v52 =	vld [tilespmem:$0x1F5D0]  }
0x13f: {  	v3 =	vadd.f32 v7, v3;
	v7 =	vmul.f32 v50, v43;
	v43 =	vld [tilespmem:s23+$0x660]  }
0x140: {  	v53 =	vadd.f32 $0.0e+00, v8;
	v50 =	vld [tilespmem:$0x1F5C0]  }
0x141: {  	v3 =	vadd.f32 v7, v3;
	v8 =	vmul.f32 v54, v18;
	v7 =	vmul.f32 v60, v18;
	v18 =	vld [tilespmem:s23+$0x8660]  }
0x142: {  	[tilespmem:$0x1FD60] =	vst v10;
	v10 =	vmul.f32 v12, v20;
	v12 =	vld [tilespmem:$0x1F5E0]  }
0x143: {  	[tilespmem:$0x1FDA0] =	vst v14;
	v14 =	vld [tilespmem:$0x1F5F0]  }
0x144: {  	v60 =	vld [tilespmem:s23+$0x690]  }
0x145: {  	v11 =	vmul.f32 v16, v39;
	v16 =	vld [tilespmem:$0x1F600]  }
0x146: {  	[tilespmem:$0x1FE10] =	vst v34;
	v34 =	vld [tilespmem:$0x1F640]  }
0x147: {  	v9 =	vadd.f32 $0.0e+00, v9;
	[tilespmem:$0x1FD50] =	vst v51;
	v51 =	vld [tilespmem:$0x1F660]  }
0x148: {  	v5 =	vadd.f32 v6, v5;
	v6 =	vadd.f32 v8, v53;
	v8 =	vmul.f32 v62, v39;
	v39 =	vld [tilespmem:s23+$0x670]  }
0x149: {  	v7 =	vadd.f32 v7, v9;
	v9 =	vmul.f32 v17, v20;
	v20 =	vld [tilespmem:$0x1F570]  }
0x14a: {  	v62 =	vld [tilespmem:s23+$0x680]  }
0x14b: {  	v53 =	vld [tilespmem:s23+$0x8680]  }
0x14c: {  	v17 =	vld [tilespmem:$0x1F610]  }
0x14d: {  	v3 =	vadd.f32 v11, v3;
	v11 =	vmul.f32 v37, v25;
	v37 =	vld [tilespmem:$0x1F650]  }
0x14e: {  	v6 =	vadd.f32 v10, v6;
	v10 =	vmul.f32 v30, v22;
	v30 =	vld [tilespmem:s23+$0x86B0]  }
0x14f: {  	(xrf2) =	vadd.scan.msk.f32 $0xffff, v0;
	v5 =	vadd.f32 v8, v5;
	v8 =	vmul.f32 v19, v21;
	[tilespmem:$0x1FDC0] =	vst v18;
	v18 =	vld [tilespmem:s23+$0x4690]  }
0x150: {  	(xrf2) =	vadd.scan.msk.f32 $0xffff, v2;
	v2 =	vmul.f32 v16, v26;
	v16 =	vld [tilespmem:$0x1F690]  }
0x151: {  	v6 =	vadd.f32 v8, v6;
	v8 =	vmul.f32 v29, v25;
	v29 =	vld [tilespmem:s23+$0x46B0]  }
0x152: {  	v7 =	vadd.f32 v9, v7;
	v9 =	vmul.f32 v20, v21;
	v21 =	vld [tilespmem:s23+$0x4670]  }
0x153: {  	v20 =	vld [tilespmem:$0x1F620]  }
0x154: {  	[tilespmem:$0x1FD70] =	vst v53;
	v53 =	vld [tilespmem:s23+$0x6A0]  }
0x155: {  	(xrf2) =	vadd.scan.msk.f32 $0xffff, v1;
	v1 =	vmul.f32 v37, v27;
	v37 =	vld [tilespmem:$0x1F6D0]  }
0x156: {  	v5 =	vadd.f32 v8, v5;
	v6 =	vadd.f32 v10, v6;
	v8 =	vmul.f32 v50, v23;
	v50 =	vld [tilespmem:s23+$0x46C0]  }
0x157: {  	v10 =	vld [tilespmem:$0x1F680];
	v7 =	vadd.f32 v9, v7  }
0x158: {  	v9 =	vmul.f32 v47, v22;
	v54 =	vadd.f32 v8, v6;
	v6 =	vmul.f32 v12, v26;
	v26 =	vld [tilespmem:s23+$0x86A0]  }
0x159: {  	v8 =	vmul.f32 v14, v24;
	v14 =	vld [tilespmem:s23+$0x46D0]  }
0x15a: {  	v7 =	vadd.f32 v9, v7;
	v9 =	vmul.f32 v52, v23;
	v23 =	vld [tilespmem:$0x1F630]  }
0x15b: {  	v3 =	vadd.f32 v11, v3;
	[tilespmem:$0x1FE00] =	vst v21;
	v21 =	vld [tilespmem:s23+$0x8690]  }
0x15c: {  	v0 =	vadd.f32 v8, v54;
	v54 =	vld [tilespmem:s23+$0x6C0]  }
0x15d: {  	v19 =	vadd.f32 v6, v3;
	v6 =	vld [tilespmem:s23+$0x86C0]  }
0x15e: {  	v47, _, _ =	vpop (xrf2);
	v3 =	vmul.f32 v20, v63;
	v20 =	vld [tilespmem:$0x1F6A0]  }
0x15f: {  	(v2sf) =	vpush v47, $0xF;
	v47 =	vmul.f32 v37, v40;
	v37 =	vld [tilespmem:$0x1F770]  }
0x160: {  	v7 =	vadd.f32 v9, v7;
	v9 =	vmul.f32 v17, v24;
	v24 =	vld [tilespmem:s23+$0x46A0]  }
0x161: {  	[tilespmem:$0x1FE20] =	vst v50;
	v50 =	vld [tilespmem:s23+$0x6E0]  }
0x162: {  	v11 =	vmul.f32 v10, v59;
	v17 =	vmul.f32 v16, v59;
	v59 =	vld [tilespmem:$0x1F6E0]  }
0x163: {  	(xrf2) =	vadd.scan.msk.f32 $0xffff, v4;
	v10 =	vld [tilespmem:$0x1F700]  }
0x164: {  	(xrf2) =	vadd.scan.msk.f32 $0xffff, v19;
	v19 =	vld [tilespmem:s23+$0x86D0]  }
0x165: {  	v2 =	vadd.f32 v2, v5;
	v22 =	vadd.f32 v9, v7;
	v7 =	vld [tilespmem:$0x1F670]  }
0x166: {  	v0 =	vadd.f32 v3, v0;
	[tilespmem:$0x1FE60] =	vst v14;
	v14 =	vld [tilespmem:$0x1F710]  }
0x167: {  	(xrf2) =	vadd.scan.msk.f32 $0xffff, v2;
	v2 =	vld [tilespmem:$0x1FB30]  }
0x168: {  	v5 =	vmul.f32 v23, v63;
	(xrf2) =	vadd.scan.msk.f32 $0xffff, v0;
	v0 =	vmul.f32 v34, v27;
	v34 =	vld [tilespmem:s23+$0x6D0]  }
0x169: {  	v27 =	vld [tilespmem:s23+$0x46E0]  }
0x16a: {  	v25 =	vadd.f32 v5, v22;
	v22 =	vld [tilespmem:s23+$0x6B0]  }
0x16b: {  	v63, _, _ =	vpop (xrf2);
	[tilespmem:$0x1FDB0] =	vst v24;
	v24 =	vld [tilespmem:$0x1F6B0]  }
0x16c: {  	(v2sf) =	vpush v63, $0xF;
	v9, _, _ =	vpop (xrf2);
	v63 =	vmul.f32 v59, v45;
	v59 =	vld [tilespmem:$0x1F7B0]  }
0x16d: {  	(v2sf) =	vpush v9, $0xF;
	v12, _, _ =	vpop (xrf2);
	[tilespmem:$0x1FE80] =	vst v19;
	v19 =	vld [tilespmem:$0x1F720]  }
0x16e: {  	v52 =	vmul.f32 v51, v28;
	v0 =	vadd.f32 $0.0e+00, v0;
	(v2sf) =	vpush v12, $0xF;
	v12 =	vld [tilespmem:$0x1F7D0]  }
0x16f: {  	v8 =	vmul.f32 v7, v28;
	v28 =	vld [tilespmem:$0x1F6C0]  }
0x170: {  	v0 =	vadd.f32 v52, v0;
	v52 =	vld [tilespmem:s23+$0x6F0]  }
0x171: {  	v1 =	vadd.f32 $0.0e+00, v1;
	v16 =	vmul.f32 v14, v35;
	v14 =	vld [tilespmem:s23+$0x700]  }
0x172: {  	[tilespmem:$0x1FEC0] =	vst v27;
	v27 =	vld [tilespmem:$0x1F750]  }
0x173: {  	v1 =	vadd.f32 v8, v1;
	v8 =	vld [tilespmem:$0x1F6F0]  }
0x174: {  	[tilespmem:$0x1FD90] =	vst v21;
	v21 =	vmul.f32 v20, v31;
	(xrf2) =	vadd.scan.msk.f32 $0xffff, v25;
	v25 =	vmul.f32 v24, v31;
	v31 =	vld [tilespmem:s23+$0x86E0]  }
0x175: {  	v0 =	vadd.f32 v11, v0;
	v24 =	vld [tilespmem:s23+$0x4700]  }
0x176: {  	v1 =	vadd.f32 v17, v1;
	v17 =	vld [tilespmem:s23+$0x86F0]  }
0x177: {  	v0 =	vadd.f32 v21, v0;
	v21 =	vld [tilespmem:$0x1F730]  }
0x178: {  	v20 =	vmul.f32 v19, v41;
	v19 =	vld [tilespmem:s23+$0x710]  }
0x179: {  	[tilespmem:$0x1FE30] =	vst v6;
	v6 =	vadd.f32 $0.0e+00, v16;
	v16 =	vmul.f32 v12, v58;
	v12 =	vld [tilespmem:$0x1F8C0]  }
0x17a: {  	[tilespmem:$0x1FDE0] =	vst v29;
	v29 =	vmul.f32 v28, v40;
	v40 =	vmul.f32 v37, v48;
	v37 =	vld [tilespmem:$0x1F830]  }
0x17b: {  	v1 =	vadd.f32 v25, v1;
	v25 =	vld [tilespmem:$0x1F740]  }
0x17c: {  	v28 =	vmul.f32 v27, v48;
	v48 =	vld [tilespmem:$0x1F790]  }
0x17d: {  	v27 =	vld [tilespmem:s23+$0x720]  }
0x17e: {  	v0 =	vadd.f32 v29, v0;
	v29 =	vld [tilespmem:s23+$0x8700]  }
0x17f: {  	[tilespmem:$0x1FEE0] =	vst v31;
	v31 =	vld [tilespmem:s23+$0x46F0]  }
0x180: {  	[tilespmem:$0x1FD80] =	vst v18;
	v18, _, _ =	vpop (xrf2);
	v1 =	vadd.f32 v47, v1;
	v47 =	vld [tilespmem:s23+$0x4710]  }
0x181: {  	(v2sf) =	vpush v18, $0xF;
	v23, _, _ =	vpop (xrf2);
	[tilespmem:$0x1FE40] =	vst v24;
	v24 =	vld [tilespmem:s23+$0x8720]  }
0x182: {  	(v2sf) =	vpush v23, $0xF;
	v23 =	vmul.f32 v21, v41;
	v41 =	vld [tilespmem:$0x1F780]  }
0x183: {  	[tilespmem:$0x1FDD0] =	vst v26;
	v9 =	vmul.f32 v8, v35;
	v0 =	vadd.f32 v63, v0;
	v63 =	vld [tilespmem:$0x1F7C0]  }
0x184: {  	v26, _, _ =	vpop (xrf2);
	[tilespmem:$0x1FF10] =	vst v17;
	v17 =	vld [tilespmem:$0x1F7E0]  }
0x185: {  	[tilespmem:$0x1FDF0] =	vst v30;
	(v2sf) =	vpush v26, $0xF;
	v18 =	vadd.f32 $0.0e+00, v9;
	v21 =	vld [tilespmem:$0x1F7F0];
	v30, _, _ =	vpop (xrf2)  }
0x186: {  	(v2sf) =	vpush v30, $0xF;
	v30 =	vld [tilespmem:$0x1F760]  }
0x187: {  	v3 =	vadd.f32 v20, v18;
	v20 =	vld [tilespmem:s23+$0x4720]  }
0x188: {  	v26 =	vmul.f32 v25, v57;
	v25 =	vld [tilespmem:$0x1F800]  }
0x189: {  	v4 =	vadd.f32 v23, v6;
	v51 =	vmul.f32 v48, v55;
	v48 =	vld [tilespmem:s23+$0x8730]  }
0x18a: {  	[tilespmem:$0x1FE50] =	vst v29;
	v29 =	vld [tilespmem:$0x1F810]  }
0x18b: {  	v4 =	vadd.f32 v40, v4;
	v40 =	vld [tilespmem:s23+$0x4730]  }
0x18c: {  	[tilespmem:$0x1FEB0] =	vst v24;
	v24 =	vld [tilespmem:$0x1F900]  }
0x18d: {  	v3 =	vadd.f32 v28, v3;
	v28 =	vld [tilespmem:s23+$0x8750]  }
0x18e: {  	v11 =	vmul.f32 v10, v45;
	v45 =	vmul.f32 v41, v55;
	v55 =	vld [tilespmem:s23+$0x8710]  }
0x18f: {  	v41 =	vld [tilespmem:$0x1F840]  }
0x190: {  	v18 =	vmul.f32 v17, v58;
	v17 =	vld [tilespmem:s23+$0x740]  }
0x191: {  	v58 =	vld [tilespmem:$0x1F890]  }
0x192: {  	v35 =	vmul.f32 v30, v57;
	v57 =	vld [tilespmem:$0x1F7A0]  }
0x193: {  	v30 =	vld [tilespmem:s23+$0x730]  }
0x194: {  	v3 =	vadd.f32 v45, v3;
	v45 =	vld [tilespmem:$0x1F850]  }
0x195: {  	v0 =	vadd.f32 v26, v0;
	v23 =	vmul.f32 v21, v56;
	v26 =	vmul.f32 v25, v56;
	v56 =	vld [tilespmem:$0x1F870]  }
0x196: {  	[tilespmem:$0x1FEA0] =	vst v20;
	v20 =	vld [tilespmem:$0x1F8E0]  }
0x197: {  	v4 =	vadd.f32 v51, v4;
	v25 =	vld [tilespmem:s23+$0x4750]  }
0x198: {  	v1 =	vadd.f32 v11, v1;
	[tilespmem:$0x1FEF0] =	vst v48;
	v48 =	vld [tilespmem:$0x1F980]  }
0x199: {  	v4 =	vadd.f32 v18, v4;
	v18 =	vld [tilespmem:$0x1F8D0]  }
0x19a: {  	v1 =	vadd.f32 v35, v1;
	v35 =	vld [tilespmem:$0x1F820]  }
0x19b: {  	v3 =	vadd.f32 v16, v3;
	v16 =	vld [tilespmem:s23+$0x8740]  }
0x19c: {  	v5 =	vadd.f32 $0.0e+00, v26;
	v26 =	vld [tilespmem:$0x1F910]  }
0x19d: {  	[tilespmem:$0x1FED0] =	vst v40;
	v40 =	vld [tilespmem:$0x1F950]  }
0x19e: {  	[tilespmem:$0x1FF30] =	vst v28;
	v28 =	vld [tilespmem:$0x1FA20]  }
0x19f: {  	[tilespmem:$0x1FE90] =	vst v55;
	v55 =	vld [tilespmem:$0x1F860]  }
0x1a0: {  	v9 =	vmul.f32 v41, v29;
	v41 =	vld [tilespmem:$0x1F960]  }
0x1a1: {  	v7 =	vmul.f32 v59, v57;
	v8 =	vmul.f32 v63, v57;
	v57 =	vld [tilespmem:$0x1F880]  }
0x1a2: {  	v59 =	vld [tilespmem:s23+$0x4740]  }
0x1a3: {  	v63 =	vld [tilespmem:$0x1F8B0]  }
0x1a4: {  	[tilespmem:$0x1FE70] =	vst v47;
	v47 =	vmul.f32 v45, v61;
	v45 =	vld [tilespmem:$0x1F970]  }
0x1a5: {  	v10 =	vmul.f32 v18, v58;
	v18 =	vld [tilespmem:s23+$0x750]  }
0x1a6: {  	v1 =	vadd.f32 v8, v1;
	v8 =	vmul.f32 v37, v61;
	v61 =	vld [tilespmem:$0x1F8A0]  }
0x1a7: {  	v0 =	vadd.f32 v7, v0;
	v7 =	vadd.f32 $0.0e+00, v23;
	v23 =	vld [tilespmem:$0x1F8F0]  }
0x1a8: {  	v6 =	vmul.f32 v35, v29;
	v29 =	vld [tilespmem:$0x1F920]  }
0x1a9: {  	v35 =	vld [tilespmem:$0x1F930]  }
0x1aa: {  	v37 =	vld [tilespmem:$0x1F940]  }
0x1ab: {  	v5 =	vadd.f32 v47, v5;
	v47 =	vld [tilespmem:s23+$0x4760]  }
0x1ac: {  	v51 =	vadd.f32 v8, v7;
	v7 =	vmul.f32 v56, v55;
	v56 =	vld [tilespmem:$0x1F9A0]  }
0x1ad: {  	v4 =	vadd.f32 v9, v4;
	v9 =	vmul.f32 v12, v63;
	v12 =	vld [tilespmem:s23+$0x760]  }
0x1ae: {  	v8 =	vmul.f32 v57, v55;
	v55 =	vld [tilespmem:s23+$0x8760]  }
0x1af: {  	v57 =	vld [tilespmem:$0x1F9B0]  }
0x1b0: {  	v21 =	vmul.f32 v20, v63;
	v63 =	vld [tilespmem:$0x1F9E0]  }
0x1b1: {  	v20 =	vld [tilespmem:s23+$0x4770]  }
0x1b2: {  	v3 =	vadd.f32 v6, v3;
	v6 =	vadd.f32 v7, v51;
	v51 =	vld [tilespmem:$0x1F990]  }
0x1b3: {  	v4 =	vadd.f32 v10, v4;
	v10 =	vmul.f32 v37, v29;
	v37 =	vld [tilespmem:s23+$0x770]  }
0x1b4: {  	v7 =	vmul.f32 v61, v58;
	v58 =	vld [tilespmem:$0x1F9C0]  }
0x1b5: {  	v61 =	vld [tilespmem:$0x1F9D0]  }
0x1b6: {  	v5 =	vadd.f32 v8, v5;
	v8 =	vmul.f32 v26, v23;
	v26 =	vld [tilespmem:$0x1FA10]  }
0x1b7: {  	[tilespmem:$0x1FF60] =	vst v47;
	v47 =	vld [tilespmem:s23+$0x8780]  }
0x1b8: {  	v6 =	vadd.f32 v9, v6;
	v9 =	vmul.f32 v35, v29;
	v29 =	vld [tilespmem:$0x1FA30]  }
0x1b9: {  	v35 =	vld [tilespmem:s23+$0x4780]  }
0x1ba: {  	v5 =	vadd.f32 v21, v5;
	v21 =	vld [tilespmem:$0x1F9F0]  }
0x1bb: {  	v3 =	vadd.f32 v7, v3;
	v7 =	vmul.f32 v24, v23;
	v23 =	vld [tilespmem:$0x1FA00]  }
0x1bc: {  	v24 =	vld [tilespmem:s23+$0x8770]  }
0x1bd: {  	[tilespmem:$0x1FF80] =	vst v55;
	v55 =	vld [tilespmem:$0x1FAA0]  }
0x1be: {  	[tilespmem:$0x1FFC0] =	vst v20;
	v20 =	vld [tilespmem:$0x1FAE0];
	v6 =	vadd.f32 v7, v6  }
0x1bf: {  	v5 =	vadd.f32 v8, v5;
	v7 =	vmul.f32 v41, v40;
	v8 =	vmul.f32 v45, v40;
	v40 =	vld [tilespmem:$0x1FA40]  }
0x1c0: {  	v41 =	vld [tilespmem:$0x1FA50]  }
0x1c1: {  	v45 =	vld [tilespmem:$0x1FA60]  }
0x1c2: {  	v3 =	vadd.f32 v9, v3;
	v9 =	vmul.f32 v51, v48;
	v51 =	vld [tilespmem:$0x1FA80]  }
0x1c3: {  	[tilespmem:$0x1FF50] =	vst v47;
	v47 =	vld [tilespmem:$0x1FB20]  }
0x1c4: {  	v6 =	vadd.f32 v7, v6;
	v7 =	vmul.f32 v56, v48;
	v48 =	vld [tilespmem:$0x1FA70]  }
0x1c5: {  	v56 =	vld [tilespmem:$0x1FAB0]  }
0x1c6: {  	v5 =	vadd.f32 v8, v5;
	v8 =	vmul.f32 v58, v57;
	v58 =	vld [tilespmem:$0x1FAD0]  }
0x1c7: {  	[tilespmem:$0x1FF40] =	vst v35;
	v35 =	vld [tilespmem:$0x1FAF0]  }
0x1c8: {  	v11 =	vmul.f32 v21, v57;
	v21 =	vld [tilespmem:$0x1FA90]  }
0x1c9: {  	v4 =	vadd.f32 v10, v4;
	v57 =	vld [tilespmem:$0x1FAC0]  }
0x1ca: {  	[tilespmem:$0x1FF00] =	vst v16;
	v10 =	vmul.f32 v63, v61;
	v9 =	vadd.f32 $0.0e+00, v9;
	v16 =	vmul.f32 v23, v61;
	v61 =	vld [tilespmem:s23+$0x4790]  }
0x1cb: {  	v23 =	vld [tilespmem:$0x1FB90]  }
0x1cc: {  	[tilespmem:$0x1FF20] =	vst v25;
	v25 =	vadd.f32 v10, v9;
	v9 =	vmul.f32 v28, v26;
	v28 =	vld [tilespmem:s23+$0x780]  }
0x1cd: {  	v10 =	vmul.f32 v29, v26;
	v29 =	vld [tilespmem:s23+$0x790]  }
0x1ce: {  	v26 =	vld [tilespmem:$0x1FBA0]  }
0x1cf: {  	v7 =	vadd.f32 $0.0e+00, v7;
	v5 =	vadd.f32 v11, v5;
	v11 =	vmul.f32 v45, v40;
	v45 =	vld [tilespmem:$0x1FB10]  }
0x1d0: {  	v6 =	vadd.f32 v8, v6;
	v8 =	vadd.f32 v9, v25;
	v9 =	vmul.f32 v41, v40;
	v40 =	vld [tilespmem:s23+$0x8790]  }
0x1d1: {  	v41 =	vld [tilespmem:$0x1FB00]  }
0x1d2: {  	(xrf2) =	vadd.scan.msk.f32 $0xffff, v1;
	v7 =	vadd.f32 v16, v7;
	v1 =	vmul.f32 v56, v48;
	v56 =	vld [tilespmem:$0x1FB40]  }
0x1d3: {  	v16 =	vmul.f32 v55, v21;
	v8 =	vadd.f32 v9, v8;
	v9 =	vmul.f32 v58, v57;
	v58 =	vld [tilespmem:$0x1FB50]  }
0x1d4: {  	v7 =	vadd.f32 v10, v7;
	[tilespmem:$0x1FF70] =	vst v61;
	v61 =	vld [tilespmem:s23+$0x87A0]  }
0x1d5: {  	v63 =	vadd.f32 $0.0e+00, v16;
	v16 =	vmul.f32 v35, v20;
	v35 =	vld [tilespmem:s23+$0x7A0]  }
0x1d6: {  	v7 =	vadd.f32 v11, v7;
	v11 =	vld [tilespmem:$0x1FB70]  }
0x1d7: {  	v10 =	vmul.f32 v51, v48;
	v48 =	vmul.f32 v47, v45;
	v47 =	vld [tilespmem:$0x1FBC0]  }
0x1d8: {  	v8 =	vadd.f32 v9, v8;
	v9 =	vmul.f32 v41, v57;
	v57 =	vld [tilespmem:s23+$0x47A0]  }
0x1d9: {  	[tilespmem:$0x1FFD0] =	vst v24;
	v24 =	vadd.f32 v10, v6;
	v10 =	vld [tilespmem:$0x1FC00]  }
0x1da: {  	v41 =	vld [tilespmem:s23+$0x7B0]  }
0x1db: {  	v55 =	vadd.f32 v16, v63;
	v63 =	vld [tilespmem:$0x1FB60]  }
0x1dc: {  	v8 =	vadd.f32 v48, v8;
	v48 =	vld [tilespmem:s23+$0x87B0]  }
0x1dd: {  	(xrf2) =	vadd.scan.msk.f32 $0xffff, v0;
	[tilespmem:$0x1FFA0] =	vst v57;
	v57 =	vld [tilespmem:$0x1FBD0]  }
0x1de: {  	(xrf2) =	vadd.scan.msk.f32 $0xffff, v4;
	v51 =	vadd.f32 v1, v5;
	v7 =	vadd.f32 v9, v7;
	v9 =	vmul.f32 v58, v45;
	v58 =	vld [tilespmem:$0x1FBE0]  }
0x1df: {  	(xrf2) =	vadd.scan.msk.f32 $0xffff, v3;
	[tilespmem:$0x1FFB0] =	vst v61;
	v61 =	vld [tilespmem:$0x1FBF0]  }
0x1e0: {  	(xrf2) =	vadd.scan.msk.f32 $0xffff, v51;
	v4 =	vmul.f32 v11, v63;
	v11 =	vld [tilespmem:$0x1FB80]  }
0x1e1: {  	(xrf2) =	vadd.scan.msk.f32 $0xffff, v24;
	v24 =	vmul.f32 v46, v36;
	v46 =	vld [tilespmem:s23+$0x47D0]  }
0x1e2: {  	v5 =	vmul.f32 v56, v2;
	v6 =	vmul.f32 v57, v21;
	v21 =	vld [tilespmem:$0x1FC10]  }
0x1e3: {  	v16 =	vmul.f32 v44, v42;
	v44 =	vld [tilespmem:s23+$0x7F0];
	v25 =	vadd.f32 v9, v7;
	v7 =	vmul.f32 v26, v63  }
0x1e4: {  	v56 =	vld [tilespmem:s23+$0x87F0];
	v1 =	vadd.f32 v5, v55  }
0x1e5: {  	v9 =	vld [tilespmem:$0x1FBB0];
	v51 =	vadd.f32 v7, v25;
	v7 =	vmul.f32 v61, v58;
	v5 =	vmul.f32 v23, v11  }
0x1e6: {  	v26 =	vld [tilespmem:$0x1FC20];
	v6 =	vadd.f32 $0.0e+00, v6  }
0x1e7: {  	v45 =	vld [tilespmem:s23+$0x7C0];
	v1 =	vadd.f32 v5, v1;
	v5 =	vadd.f32 v7, v51;
	v7 =	vmul.f32 v21, v20  }
0x1e8: {  	[tilespmem:$0x1FF90] =	vst v40;
	v55 =	vld [tilespmem:s23+$0x47C0];
	v3 =	vmul.f32 v10, v58;
	v40 =	vadd.f32 v4, v8  }
0x1e9: {  	v25 =	vadd.f32 v7, v6;
	v7 =	vld [tilespmem:$0x1FC30]  }
0x1ea: {  	v0 =	vadd.f32 v3, v40;
	v40 =	vld [tilespmem:$0x1FC80]  }
0x1eb: {  	v4 =	vmul.f32 v47, v9;
	v23, _, _ =	vpop (xrf2);
	(xrf2) =	vadd.scan.msk.f32 $0xffff, v5;
	v5 =	vmul.f32 v26, v2;
	v20 =	vld [tilespmem:$0x1FC40]  }
0x1ec: {  	v8 =	vmov v36;
	(v2sf) =	vpush v23, $0xF;
	v26 =	vld [tilespmem:$0x1FC70]  }
0x1ed: {  	v36 =	vmul.f32 v49, v32;
	v49, _, _ =	vpop (xrf2);
	v1 =	vadd.f32 v4, v1;
	v51 =	vadd.f32 v5, v25;
	v25 =	vld [tilespmem:$0x1FC60]  }
0x1ee: {  	v63 =	vld [tilespmem:s23+$0x47B0];
	(v2sf) =	vpush v49, $0xF;
	v3 =	vmul.f32 v7, v11;
	v11, _, _ =	vpop (xrf2)  }
0x1ef: {  	v23 =	vld [tilespmem:$0x1FC50];
	v1 =	vadd.f32 v16, v1;
	(v2sf) =	vpush v11, $0xF;
	v16, _, _ =	vpop (xrf2)  }
0x1f0: {  	(v2sf) =	vpush v16, $0xF;
	v16 =	vld [tilespmem:$0x1FC90]  }
0x1f1: {  	(xrf2) =	vadd.scan.msk.f32 $0xffff, v0;
	v0 =	vadd.f32 v3, v51;
	v3 =	vmul.f32 v20, v9;
	v20 =	vld [tilespmem:$0x1FCA0]  }
0x1f2: {  	v2 =	vmov v32;
	v32 =	vmul.f32 v26, v25;
	v5 =	vmul.f32 v40, v25;
	v25 =	vld [tilespmem:$0x1FCC0]  }
0x1f3: {  	v40 =	vld [tilespmem:$0x1FCD0]  }
0x1f4: {  	v10 =	vmov v42;
	v42 =	vld [tilespmem:s23+$0x87D0]  }
0x1f5: {  	v1 =	vadd.f32 v24, v1;
	v24 =	vmul.f32 v23, v10;
	v23 =	vld [tilespmem:$0x1FCB0];
	v21, _, _ =	vpop (xrf2)  }
0x1f6: {  	[tilespmem:$0x1FFE0] =	vst v48;
	v11 =	vld [tilespmem:$0x1FCE0];
	(v2sf) =	vpush v21, $0xF;
	v48 =	vadd.f32 $0.0e+00, v32;
	v21 =	vmul.f32 v20, v16  }
0x1f7: {  	v7 =	vmul.f32 v25, v16;
	v25 =	vld [tilespmem:$0x1FCF0]  }
0x1f8: {  	v0 =	vadd.f32 v3, v0;
	v4 =	vadd.f32 v21, v48;
	v48 =	vmul.f32 v40, v13;
	v40 =	vld [tilespmem:$0x1FD00]  }
0x1f9: {  	v61 =	vld [tilespmem:s23+$0x47E0]  }
0x1fa: {  	v6 =	vld [tilespmem:$0x1FD10];
	v5 =	vadd.f32 $0.0e+00, v5;
	v3 =	vadd.f32 v24, v0;
	v24 =	vmul.f32 v23, v8  }
0x1fb: {  	v58 =	vld [tilespmem:s23+$0x87E0]  }
0x1fc: {  	v8 =	vld [tilespmem:$0x1FD30];
	v16 =	vmul.f32 v11, v13;
	v3 =	vadd.f32 v24, v3;
	v5 =	vadd.f32 v7, v5  }
0x1fd: {  	v4 =	vadd.f32 v48, v4;
	v7 =	vmul.f32 v25, v2;
	v48 =	vmul.f32 v40, v15;
	v40 =	vld [tilespmem:$0x1FD20]  }
0x1fe: {  	v47 =	vld [tilespmem:s23+$0x7D0]  }
0x1ff: {  	v57 =	vld [tilespmem:s23+$0x87C0];
	v11 =	vmul.f32 v6, v15;
	v5 =	vadd.f32 v16, v5;
	v23 =	vadd.f32 v7, v3  }
0x200: {  	v49 =	vld [tilespmem:s23+$0x7E0]  }
0x201: {  	v5 =	vadd.f32 v11, v5;
	[tilespmem:$0x1FFF0] =	vst v23;
	v23 =	vld [tilespmem:$0x1FD50]  }
0x202: {  	v11 =	vmul.f32 v8, v38;
	v24 =	vadd.f32 v48, v4;
	v48 =	vmul.f32 v40, v38;
	v40 =	vld [tilespmem:$0x1FD60]  }
0x203: {  	v1 =	vadd.f32 v36, v1;
	v13 =	vld [tilespmem:$0x1FD40]  }
0x204: {  	v5 =	vadd.f32 v11, v5;
	v11 =	vld [tilespmem:$0x1FD80]  }
0x205: {  	v10 =	vld [tilespmem:s23+$0x800];
	(xrf2) =	vadd.scan.msk.f32 $0xffff, v1  }
0x206: {  	v51 =	vld [tilespmem:s23+$0x47F0]  }
0x207: {  	v3 =	vadd.f32 v48, v24;
	v24 =	vmul.f32 v23, v62;
	v48 =	vmul.f32 v40, v33;
	v40 =	vld [tilespmem:$0x1FDA0]  }
0x208: {  	v16 =	vmul.f32 v13, v33;
	v7 =	vld [tilespmem:$0x1FD70]  }
0x209: {  	v9 =	vld [tilespmem:s23+$0x810];
	v13 =	vmul.f32 v11, v60;
	v8 =	vadd.f32 $0.0e+00, v24  }
0x20a: {  	v3 =	vadd.f32 v16, v3;
	v16 =	vld [tilespmem:$0x1FD90]  }
0x20b: {  	v4 =	vadd.f32 v13, v8;
	v8 =	vld [tilespmem:$0x1FDB0]  }
0x20c: {  	v36, _, _ =	vpop (xrf2);
	v13 =	vld [tilespmem:$0x1FDD0];
	v5 =	vadd.f32 v48, v5;
	v48 =	vmul.f32 v40, v43  }
0x20d: {  	(v2sf) =	vpush v36, $0xF;
	v26, _, _ =	vpop (xrf2);
	v0 =	vmul.f32 v7, v62;
	v23 =	vld [tilespmem:$0x1FDE0]  }
0x20e: {  	(v2sf) =	vpush v26, $0xF;
	v2, _, _ =	vpop (xrf2);
	v6 =	vadd.f32 v48, v3;
	v48 =	vld [tilespmem:$0x1FDF0]  }
0x20f: {  	v36 =	vld [tilespmem:s23+$0x4800];
	(v2sf) =	vpush v2, $0xF;
	v2, _, _ =	vpop (xrf2);
	v0 =	vadd.f32 $0.0e+00, v0;
	v24 =	vmul.f32 v16, v60  }
0x210: {  	(v2sf) =	vpush v2, $0xF;
	v11 =	vld [tilespmem:$0x1FDC0]  }
0x211: {  	v32 =	vld [tilespmem:s23+$0x8800];
	v1 =	vmul.f32 v8, v53;
	v2 =	vadd.f32 v24, v0;
	v0 =	vmul.f32 v13, v53  }
0x212: {  	v24 =	vmul.f32 v23, v22;
	v13 =	vld [tilespmem:$0x1FE10]  }
0x213: {  	v8 =	vld [tilespmem:$0x1FE00];
	v3 =	vadd.f32 v1, v4;
	v0 =	vadd.f32 v0, v2;
	v7 =	vmul.f32 v48, v22  }
0x214: {  	v48 =	vld [tilespmem:$0x1FE20]  }
0x215: {  	v43 =	vmul.f32 v11, v43;
	v3 =	vadd.f32 v24, v3;
	v24 =	vadd.f32 v7, v0;
	v7 =	vld [tilespmem:$0x1FE30]  }
0x216: {  	v26 =	vld [tilespmem:s23+$0x4810]  }
0x217: {  	v20 =	vld [tilespmem:s23+$0x4820];
	v5 =	vadd.f32 v43, v5;
	v1 =	vmul.f32 v13, v39  }
0x218: {  	v21 =	vld [tilespmem:s23+$0x8820];
	v11 =	vmul.f32 v8, v39  }
0x219: {  	v40 =	vadd.f32 v1, v5;
	v5 =	vld [tilespmem:$0x1FE70]  }
0x21a: {  	v4 =	vmul.f32 v48, v54;
	v48 =	vadd.f32 v11, v6;
	v11 =	vld [tilespmem:$0x1FE50];
	v0 =	vmul.f32 v7, v54  }
0x21b: {  	v7 =	vld [tilespmem:$0x1FE90]  }
0x21c: {  	v3 =	vadd.f32 v4, v3;
	v4 =	vadd.f32 v0, v24;
	v24 =	vld [tilespmem:$0x1FE60]  }
0x21d: {  	v8 =	vld [tilespmem:$0x1FE40]  }
0x21e: {  	v36 =	vmul.f32 v36, v10;
	v10 =	vmul.f32 v32, v10;
	v32 =	vld [tilespmem:s23+$0x8E0]  }
0x21f: {  	v25 =	vld [tilespmem:s23+$0x8810];
	v39 =	vmul.f32 v11, v14  }
0x220: {  	v6 =	vld [tilespmem:$0x1FE80];
	v0 =	vmul.f32 v5, v19  }
0x221: {  	v15 =	vld [tilespmem:s23+$0x820];
	v19 =	vmul.f32 v7, v19;
	v2 =	vmul.f32 v24, v34;
	v24 =	vadd.f32 $0.0e+00, v39  }
0x222: {  	v22 =	vmul.f32 v8, v14;
	v7 =	vld [tilespmem:$0x1FEA0]  }
0x223: {  	v1 =	vadd.f32 v19, v24;
	v19 =	vld [tilespmem:$0x1FEB0]  }
0x224: {  	v26 =	vmul.f32 v26, v9;
	v22 =	vadd.f32 $0.0e+00, v22;
	v24 =	vld [tilespmem:$0x1FEC0]  }
0x225: {  	v9 =	vmul.f32 v25, v9;
	v25 =	vld [tilespmem:s23+$0x900];
	v34 =	vmul.f32 v6, v34  }
0x226: {  	v38 =	vld [tilespmem:s23+$0x830];
	v0 =	vadd.f32 v0, v22  }
0x227: {  	v2 =	vadd.f32 v2, v3;
	v4 =	vadd.f32 v34, v4;
	v34 =	vld [tilespmem:$0x1FED0];
	v3 =	vmul.f32 v7, v27  }
0x228: {  	v62 =	vld [tilespmem:s23+$0x4830];
	v19 =	vmul.f32 v19, v27  }
0x229: {  	v0 =	vadd.f32 v3, v0;
	v3 =	vmul.f32 v24, v50;
	v24 =	vld [tilespmem:$0x1FEE0]  }
0x22a: {  	v1 =	vadd.f32 v19, v1;
	v19 =	vld [tilespmem:$0x1FEF0]  }
0x22b: {  	v33 =	vld [tilespmem:s23+$0x8830]  }
0x22c: {  	v60 =	vld [tilespmem:s23+$0x840];
	v34 =	vmul.f32 v34, v30  }
0x22d: {  	v16 =	vld [tilespmem:s23+$0x4840]  }
0x22e: {  	v59 =	vmul.f32 v59, v17;
	v53 =	vld [tilespmem:s23+$0x8840];
	v0 =	vadd.f32 v34, v0  }
0x22f: {  	v50 =	vmul.f32 v24, v50;
	v24 =	vmul.f32 v19, v30;
	v19 =	vld [tilespmem:$0x1FF00]  }
0x230: {  	v2 =	vadd.f32 v3, v2;
	v3 =	vadd.f32 v59, v0;
	v59 =	vld [tilespmem:$0x1FF30]  }
0x231: {  	v4 =	vadd.f32 v50, v4;
	v50 =	vmul.f32 v31, v52;
	v31 =	vld [tilespmem:$0x1FF20]  }
0x232: {  	v23 =	vld [tilespmem:s23+$0x850]  }
0x233: {  	v43 =	vld [tilespmem:s23+$0x4850]  }
0x234: {  	v13 =	vld [tilespmem:s23+$0x8850];
	v1 =	vadd.f32 v24, v1;
	v17 =	vmul.f32 v19, v17  }
0x235: {  	v24 =	vld [tilespmem:$0x1FF10]  }
0x236: {  	v8 =	vld [tilespmem:s23+$0x4860];
	v1 =	vadd.f32 v17, v1;
	v17 =	vmul.f32 v31, v18;
	v18 =	vmul.f32 v59, v18  }
0x237: {  	v59 =	vld [tilespmem:$0x1FF60]  }
0x238: {  	v1 =	vadd.f32 v18, v1;
	v18 =	vld [tilespmem:$0x1FF50]  }
0x239: {  	v54 =	vld [tilespmem:s23+$0x860]  }
0x23a: {  	v5 =	vld [tilespmem:s23+$0x8A0];
	v52 =	vmul.f32 v24, v52  }
0x23b: {  	v11 =	vld [tilespmem:s23+$0x8860]  }
0x23c: {  	v24 =	vadd.f32 v52, v4;
	v4 =	vld [tilespmem:$0x1FF40]  }
0x23d: {  	v3 =	vadd.f32 v17, v3;
	v17 =	vmul.f32 v18, v28;
	v18 =	vmul.f32 v59, v12;
	v59 =	vld [tilespmem:$0x1FF80]  }
0x23e: {  	v14 =	vld [tilespmem:s23+$0x870]  }
0x23f: {  	v22 =	vld [tilespmem:s23+$0x8870]  }
0x240: {  	v39 =	vld [tilespmem:s23+$0x4870]  }
0x241: {  	v31 =	vadd.f32 v50, v2;
	v50 =	vmul.f32 v4, v28;
	v4 =	vld [tilespmem:$0x1FF70]  }
0x242: {  	v12 =	vmul.f32 v59, v12;
	v59 =	vld [tilespmem:$0x1FF90]  }
0x243: {  	v6 =	vld [tilespmem:s23+$0x8890]  }
0x244: {  	v7 =	vld [tilespmem:s23+$0x4880]  }
0x245: {  	v27 =	vld [tilespmem:s23+$0x880]  }
0x246: {  	v34 =	vld [tilespmem:s23+$0x890]  }
0x247: {  	v30 =	vld [tilespmem:s23+$0x8880];
	v17 =	vadd.f32 $0.0e+00, v17;
	v0 =	vmul.f32 v4, v29;
	v29 =	vmul.f32 v59, v29  }
0x248: {  	v59 =	vld [tilespmem:$0x1FFA0]  }
0x249: {  	v1 =	vadd.f32 v12, v1;
	v12 =	vadd.f32 v29, v17;
	v29 =	vld [tilespmem:$0x1FFB0]  }
0x24a: {  	v19 =	vld [tilespmem:s23+$0x4890]  }
0x24b: {  	v2 =	vld [tilespmem:s23+$0x8B0]  }
0x24c: {  	v52 =	vld [tilespmem:s23+$0x48A0]  }
0x24d: {  	v28 =	vld [tilespmem:s23+$0x88A0]  }
0x24e: {  	v3 =	vadd.f32 v18, v3;
	v18 =	vmul.f32 v59, v35;
	v17 =	vmul.f32 v29, v35;
	v35 =	vld [tilespmem:$0x1FFC0]  }
0x24f: {  	v50 =	vadd.f32 $0.0e+00, v50;
	v59 =	vld [tilespmem:$0x1FFD0]  }
0x250: {  	v4 =	vld [tilespmem:s23+$0x48B0]  }
0x251: {  	v0 =	vadd.f32 v0, v50;
	v50 =	vld [tilespmem:s23+$0x88B0]  }
0x252: {  	v29 =	vld [tilespmem:s23+$0x8C0]  }
0x253: {  	v0 =	vadd.f32 v18, v0;
	v18 =	vmul.f32 v35, v37;
	v35 =	vmul.f32 v63, v41;
	v63 =	vld [tilespmem:s23+$0x48C0]  }
0x254: {  	v17 =	vadd.f32 v17, v12;
	v37 =	vmul.f32 v59, v37;
	v59 =	vld [tilespmem:$0x1FFE0]  }
0x255: {  	v20 =	vmul.f32 v20, v15;
	v12 =	vadd.f32 v18, v3;
	v0 =	vadd.f32 v35, v0;
	v35 =	vld [tilespmem:s23+$0x8D0]  }
0x256: {  	v3 =	vmul.f32 v55, v45;
	v18 =	vadd.f32 v37, v1;
	v45 =	vmul.f32 v57, v45;
	v37 =	vld [tilespmem:s23+$0x48D0]  }
0x257: {  	v57 =	vmul.f32 v61, v49;
	v61 =	vmul.f32 v21, v15;
	v15 =	vld [tilespmem:s23+$0x48F0]  }
0x258: {  	v58 =	vmul.f32 v58, v49;
	v16 =	vmul.f32 v16, v60;
	v21 =	vld [tilespmem:s23+$0x88F0]  }
0x259: {  	v49 =	vmul.f32 v53, v60;
	v60 =	vmul.f32 v19, v34;
	v19 =	vld [tilespmem:s23+$0x4920]  }
0x25a: {  	v10 =	vadd.f32 $0.0e+00, v10;
	v6 =	vmul.f32 v6, v34;
	v34 =	vmul.f32 v39, v14;
	v39 =	vld [tilespmem:s23+$0x930]  }
0x25b: {  	v46 =	vmul.f32 v46, v47;
	v53 =	vmul.f32 v43, v23;
	v43 =	vld [tilespmem:s23+$0x4930];
	v0 =	vadd.f32 v3, v0  }
0x25c: {  	v47 =	vmul.f32 v42, v47;
	v9 =	vadd.f32 v9, v10;
	v41 =	vmul.f32 v59, v41;
	v59 =	vld [tilespmem:s23+$0x88C0]  }
0x25d: {  	v7 =	vmul.f32 v7, v27;
	v0 =	vadd.f32 v46, v0;
	v46 =	vmul.f32 v51, v44;
	v51 =	vld [tilespmem:s23+$0x8900]  }
0x25e: {  	v62 =	vmul.f32 v62, v38;
	v8 =	vmul.f32 v8, v54;
	v55 =	vadd.f32 v41, v17;
	v41 =	vld [tilespmem:s23+$0x88D0]  }
0x25f: {  	v7 =	vadd.f32 $0.0e+00, v7;
	v4 =	vmul.f32 v4, v2;
	v2 =	vmul.f32 v50, v2;
	v17 =	vld [tilespmem:s23+$0x88E0]  }
0x260: {  	v14 =	vmul.f32 v22, v14;
	v0 =	vadd.f32 v57, v0;
	v57 =	vmul.f32 v11, v54;
	v54 =	vld [tilespmem:s23+$0x950]  }
0x261: {  	v10 =	vmul.f32 v43, v39;
	v1 =	vadd.f32 v45, v55;
	v55 =	vadd.f32 $0.0e+00, v36;
	v36 =	vld [tilespmem:s23+$0x48E0]  }
0x262: {  	v9 =	vadd.f32 v61, v9;
	v45 =	vmul.f32 v33, v38;
	v33 =	vld [tilespmem:s23+$0x910];
	v38 =	vmul.f32 v52, v5  }
0x263: {  	v7 =	vadd.f32 v60, v7;
	v5 =	vmul.f32 v28, v5;
	v50 =	vmul.f32 v59, v29;
	v59 =	vld [tilespmem:$0x1FFF0]  }
0x264: {  	v0 =	vadd.f32 v46, v0;
	v46 =	vmul.f32 v63, v29;
	v63 =	vld [tilespmem:s23+$0x4960];
	v1 =	vadd.f32 v47, v1  }
0x265: {  	v3 =	vadd.f32 v26, v55;
	v26 =	vld [tilespmem:s23+$0x8F0];
	v47 =	vmul.f32 v56, v44;
	v9 =	vadd.f32 v45, v9  }
0x266: {  	v55 =	vmul.f32 v13, v23;
	v13 =	vld [tilespmem:s23+$0x4910];
	v7 =	vadd.f32 v38, v7;
	v60 =	vmul.f32 v41, v35  }
0x267: {  	v17 =	vmul.f32 v17, v32;
	v3 =	vadd.f32 v20, v3;
	v1 =	vadd.f32 v58, v1;
	v20 =	vld [tilespmem:s23+$0x4900]  }
0x268: {  	v56 =	vld [tilespmem:s23+$0x8910];
	v9 =	vadd.f32 v49, v9;
	v58 =	vmul.f32 v30, v27;
	v4 =	vadd.f32 v4, v7  }
0x269: {  	v23 =	vld [tilespmem:s23+$0x920];
	v30 =	vmul.f32 v36, v32;
	v3 =	vadd.f32 v62, v3;
	v1 =	vadd.f32 v47, v1  }
0x26a: {  	v9 =	vadd.f32 v55, v9;
	v61 =	vadd.f32 $0.0e+00, v58;
	v62 =	vld [tilespmem:s23+$0x8920];
	v47 =	vmul.f32 v51, v25  }
0x26b: {  	v29 =	vld [tilespmem:s23+$0x8960];
	v4 =	vadd.f32 v46, v4;
	(xrf2) =	vadd.scan.msk.f32 $0xffff, v59;
	v13 =	vmul.f32 v13, v33;
	v3 =	vadd.f32 v16, v3  }
0x26c: {  	v44 =	vld [tilespmem:s23+$0x8930];
	(xrf2) =	vadd.scan.msk.f32 $0xffff, v40;
	v40 =	vmul.f32 v21, v26;
	v6 =	vadd.f32 v6, v61;
	v20 =	vmul.f32 v20, v25  }
0x26d: {  	v45 =	vld [tilespmem:s23+$0x940];
	v52 =	vadd.f32 $0.0e+00, v47;
	v3 =	vadd.f32 v53, v3;
	v53 =	vmul.f32 v56, v33  }
0x26e: {  	v51 =	vld [tilespmem:s23+$0x8940];
	v42 =	vmul.f32 v15, v26;
	v5 =	vadd.f32 v5, v6;
	v55 =	vadd.f32 $0.0e+00, v20  }
0x26f: {  	v49 =	vld [tilespmem:s23+$0x4940];
	v9 =	vadd.f32 v57, v9;
	v11 =	vmul.f32 v62, v23;
	v7 =	vadd.f32 v53, v52  }
0x270: {  	v58 =	vld [tilespmem:s23+$0x8950];
	v61 =	vmul.f32 v19, v23;
	v2 =	vadd.f32 v2, v5;
	v5 =	vadd.f32 v13, v55  }
0x271: {  	v56 =	vld [tilespmem:s23+$0x4950];
	v3 =	vadd.f32 v8, v3;
	v8 =	vmul.f32 v44, v39;
	v7 =	vadd.f32 v11, v7  }
0x272: {  	v57 =	vmul.f32 v37, v35;
	(xrf2) =	vadd.scan.msk.f32 $0xffff, v48;
	v9 =	vadd.f32 v14, v9;
	v62 =	vld [tilespmem:s23+$0x960];
	v5 =	vadd.f32 v61, v5  }
0x273: {  	v35 =	vld [tilespmem:s23+$0x8970];
	(xrf2) =	vadd.scan.msk.f32 $0xffff, v24;
	v33 =	vmul.f32 v51, v45;
	v2 =	vadd.f32 v50, v2;
	v7 =	vadd.f32 v8, v7  }
0x274: {  	(xrf2) =	vadd.scan.msk.f32 $0xffff, v31;
	v6 =	vmul.f32 v49, v45;
	v3 =	vadd.f32 v34, v3;
	v34 =	vld [tilespmem:s23+$0x970];
	v5 =	vadd.f32 v10, v5  }
0x275: {  	v37 =	vld [tilespmem:s23+$0x4970];
	(xrf2) =	vadd.scan.msk.f32 $0xffff, v18;
	v36 =	vmul.f32 v58, v54;
	v2 =	vadd.f32 v60, v2;
	v7 =	vadd.f32 v33, v7  }
0x276: {  	v4 =	vadd.f32 v57, v4;
	(xrf2) =	vadd.scan.msk.f32 $0xffff, v12;
	v38 =	vmul.f32 v56, v54;
	v5 =	vadd.f32 v6, v5  }
0x277: {  	(xrf2) =	vadd.scan.msk.f32 $0xffff, v1;
	v41 =	vmul.f32 v29, v62;
	v2 =	vadd.f32 v17, v2;
	v39 =	vadd.f32 v36, v7  }
0x278: {  	v4 =	vadd.f32 v30, v4;
	(xrf2) =	vadd.scan.msk.f32 $0xffff, v0;
	v43 =	vmul.f32 v63, v62;
	v5 =	vadd.f32 v38, v5  }
0x279: {  	s23 =	spop (v2sf);
	(xrf2) =	vadd.scan.msk.f32 $0xffff, v9;
	v44 =	vmul.f32 v35, v34;
	v2 =	vadd.f32 v40, v2;
	v1 =	vadd.f32 v41, v39  }
0x27a: {  	v0 =	vadd.f32 v42, v4;
	s24 =	spop (v2sf);
	v45, _, _ =	vpop (xrf2);
	(xrf2) =	vadd.scan.msk.f32 $0xffff, v3;
	v47 =	vmul.f32 v37, v34;
	v46 =	vadd.f32 v43, v5  }
0x27b: {  	s25 =	spop (v2sf);
	(v2sf) =	vpush v45, $0xF;
	v48, _, _ =	vpop (xrf2);
	(xrf2) =	vadd.scan.msk.f32 $0xffff, v2;
	v1 =	vadd.f32 v44, v1  }
0x27c: {  	s26 =	spop (v2sf);
	(v2sf) =	vpush v48, $0xF;
	v49, _, _ =	vpop (xrf2);
	(xrf2) =	vadd.scan.msk.f32 $0xffff, v0;
	v50 =	vadd.f32 v47, v46  }
0x27d: {  	s28 =	spop (v2sf);
	(v2sf) =	vpush v49, $0xF;
	v51, _, _ =	vpop (xrf2);
	(xrf2) =	vadd.scan.msk.f32 $0xffff, v1  }
0x27e: {  	s29 =	spop (v2sf);
	(v2sf) =	vpush v51, $0xF;
	v52, _, _ =	vpop (xrf2);
	(xrf2) =	vadd.scan.msk.f32 $0xffff, v50  }
0x27f: {  	s30 =	spop (v2sf);
	v53, _, _ =	vpop (xrf2);
	(v2sf) =	vpush v52, $0xF  }
0x280: {  	s31 =	spop (v2sf);
	v54, _, _ =	vpop (xrf2);
	(v2sf) =	vpush v53, $0xF  }
0x281: {  	s0 =	spop (v2sf);
	v55, _, _ =	vpop (xrf2);
	(v2sf) =	vpush v54, $0xF  }
0x282: {  	s6 =	spop (v2sf);
	v56, _, _ =	vpop (xrf2);
	(v2sf) =	vpush v55, $0xF  }
0x283: {  	s9 =	spop (v2sf);
	v57, _, _ =	vpop (xrf2);
	(v2sf) =	vpush v56, $0xF  }
0x284: {  	s20 =	spop (v2sf);
	v58, _, _ =	vpop (xrf2);
	(v2sf) =	vpush v57, $0xF  }
0x285: {  	s1 =	spop (v2sf);
	(v2sf) =	vpush v58, $0xF;
	v59, _, _ =	vpop (xrf2)  }
0x286: {  	s2 =	spop (v2sf);
	v60, _, _ =	vpop (xrf2);
	(v2sf) =	vpush v59, $0xF  }
0x287: {  	s3 =	spop (v2sf);
	(v2sf) =	vpush v60, $0xF;
	v61, _, _ =	vpop (xrf2)  }
0x288: {  	s4 =	spop (v2sf);
	(v2sf) =	vpush v61, $0xF;
	v62, _, _ =	vpop (xrf2)  }
0x289: {  	s5 =	spop (v2sf);
	(v2sf) =	vpush v62, $0xF  }
0x28a: {  	s23 =	ssub.f32 s23, s24;
	s13 =	spop (v2sf)  }
0x28b: {  	s25 =	ssub.f32 s25, s26;
	s14 =	spop (v2sf)  }
0x28c: {  	s23 =	sadd.f32 $1.000000010e-01, s23;
	s15 =	spop (v2sf)  }
0x28d: {  	s28 =	ssub.f32 s28, s29;
	s19 =	spop (v2sf)  }
0x28e: {  	s30 =	ssub.f32 s30, s31;
	s24 =	spop (v2sf)  }
0x28f: {  	s0 =	ssub.f32 s0, s6;
	s26 =	spop (v2sf)  }
0x290: {  	s9 =	ssub.f32 s9, s20;
	s29 =	spop (v2sf)  }
0x291: {  	s0 =	sadd.f32 $1.000000010e-01, s0;
	s31 =	spop (v2sf)  }
0x292: {  	s1 =	ssub.f32 s1, s2;
	s6 =	spop (v2sf)  }
0x293: {  	s9 =	sadd.f32 $1.000000010e-01, s9;
	s20 =	spop (v2sf)  }
0x294: {  	s3 =	ssub.f32 s3, s4;
	s2 =	spop (v2sf)  }
0x295: {  	s1 =	sadd.f32 $1.000000010e-01, s1;
	s4 =	spop (v2sf)  }
0x296: {  	s5 =	ssub.f32 s5, s13;
	s13 =	spop (v2sf)  }
0x297: {  	s14 =	ssub.f32 s14, s15;
	s15 =	spop (v2sf)  }
0x298: {  	s19 =	ssub.f32 s19, s24;
	s24 =	spop (v2sf)  }
0x299: {  	s15 =	ssub.f32 s15, s24  }
0x29a: {  	s3 =	sadd.f32 $1.000000010e-01, s3  }
0x29b: {  	s15 =	sadd.f32 $1.000000010e-01, s15  }
0x29c: {  	s24 =	sadd.f32 $1.000000010e-01, s25  }
0x29d: {  	s25 =	sadd.f32 $1.000000010e-01, s28;
	s15 =	smax.f32 s15, $0.0e+00  }
0x29e: {  	s28 =	sadd.f32 $1.000000010e-01, s30;
	s30 =	smax.f32 s23, $0.0e+00;
	v63 =	vmov s15  }
0x29f: {  	s5 =	sadd.f32 $1.000000010e-01, s5;
	s23 =	smax.f32 s24, $0.0e+00;
	v0 =	vsel vm0, s30, v63  }
0x2a0: {  	s14 =	sadd.f32 $1.000000010e-01, s14;
	s24 =	smax.f32 s25, $0.0e+00;
	v0 =	vsel vm1, s23, v0  }
0x2a1: {  	s2 =	ssub.f32 s20, s2;
	s25 =	smax.f32 s28, $0.0e+00;
	v0 =	vsel vm2, s24, v0  }
0x2a2: {  	s0 =	smax.f32 s0, $0.0e+00;
	s6 =	ssub.f32 s31, s6;
	v0 =	vsel vm3, s25, v0  }
0x2a3: {  	s9 =	smax.f32 s9, $0.0e+00;
	s2 =	sadd.f32 $1.000000010e-01, s2;
	v0 =	vsel vm4, s0, v0  }
0x2a4: {  	s1 =	smax.f32 s1, $0.0e+00;
	s4 =	ssub.f32 s4, s13;
	v0 =	vsel vm5, s9, v0  }
0x2a5: {  	s3 =	smax.f32 s3, $0.0e+00;
	s30 =	ssub.f32 s26, s29;
	v0 =	vsel vm6, s1, v0  }
0x2a6: {  	s28 =	sadd.f32 $1.000000010e-01, s19;
	s19 =	smax.f32 s5, $0.0e+00;
	v0 =	vsel vm7, s3, v0  }
0x2a7: {  	s23 =	smax.f32 s14, $0.0e+00;
	s9 =	sadd.f32 $1.000000010e-01, s30;
	v0 =	vsel vm8, s19, v0  }
0x2a8: {  	s24 =	smax.f32 s28, $0.0e+00;
	s1 =	sadd.f32 $1.000000010e-01, s6;
	v0 =	vsel vm9, s23, v0  }
0x2a9: {  	p1 =	sne.s32 s22, $0x7;
	s28 =	sadd.f32 $1.000000010e-01, s4;
	s25 =	smax.f32 s9, $0.0e+00;
	v0 =	vsel vm10, s24, v0  }
.Ltmp0:
0x2aa: {  	s26 =	smax.f32 s1, $0.0e+00;
	v0 =	vsel vm11, s25, v0;
	(pc) =	sbr.rel @p1 .LBB2_3-.Ltmp0, $4  }
0x2ab: {  	s2 =	smax.f32 s2, $0.0e+00;
	v0 =	vsel vm12, s26, v0  }
0x2ac: {  	s29 =	smax.f32 s28, $0.0e+00;
	s30 =	sshll.u32 s22, $0x4;
	v0 =	vsel vm13, s2, v0  }
0x2ad: {  	s31 =	sand.u32 $0x3FFFFFF0, s30;
	v0 =	vsel vm14, s29, v0  }
0x2ae: {  	s22 =	sadd.s32 $0x1, s22;
	[tilespmem:s31+$0xC180] =	vst v0  }
0x2af: {  	s0 =	rddreg [dreg:$0x4];
	s1 =	simm.s32 $0x0  }
.Ltmp1:
0x2b0: {  	s2 =	simm.s32 $0xC180;
	s0 =	sadd.s32 s0, s21;
	(pc) =	sbr.rel @p0 .LBB2_2-.Ltmp1, $4  }
0x2b1: {  	[hbm4b:s0+s1] =	stream.linear.scatter [tilespmem:s2], [sflag:$0x4], $0x80, $0x38;
	[tilespmem:$0xC200] =	vst v63  }
0x2b2: {  	_ =	swait.ge [sflag:s10], $0x80  }
0x2b3: {  	[sflag:s10] =	ssyncset.done $0x0  }
0x2b4: {  	p1 =	por $0x0, $0x0;
	s21 =	simm.s32 $0x10;
	[sflag:s10] =	ssyncadd.s32 $0xFFFFFF80  }
0x2b5: {  	s1 =	rddreg [dreg:$0x7]  }
0x2b6: {  	s0 =	rddreg [dreg:$0x6];
	s1 =	sadd.s32 $0x1, s1  }
0x2b7: {  	p0 =	sne.s32 s1, s0  }
.Ltmp2:
0x2b8: {  	_ = 	snop;
	(pc) =	sbr.rel @p0 .LBB2_1-.Ltmp2, $1  }
0x2b9: {  	_ =	sdelay $0x3  }
0x2ba: {  	_ =	sfence.sel $0x180000  }
0x2bb: {  	[bflag:$0x0] =	sbarrier.arrive $0xFFFF  }
0x2bc: {  	_ =	strace $0x9000004A  }
0x2bd: {  	s0 =	stileid.u32;
	[bflag:$0x2] =	sbarrier.arrive $0xFFFF  }
0x2be: {  	p0 =	sne.s32 s0, $0x0;
	s0 =	rddreg [dreg:$0x5]  }
0x2bf: {  	s0 =	sadd.s32 @!p0 $0x100000, s0  }
0x2c0: {  	[sflag:s0] =	ssyncadd.tile.s32 @!p0 $0x1;
	_ =	shalt  }
.Lfunc_end2:
_tile_overlayer_lowered:
.L_overlay_start_2:
0x2c1: {  	(tag) =	ssettag $0x2  }
0x2c2: {  	s0 =	rddreg [dreg:$0x0];
	s2 =	stileid.u32  }
0x2c3: {  	s1 =	rddreg [dreg:$0x1];
	p0 =	sne.s32 s2, $0x0  }
0x2c4: {  	s3 =	rddreg [dreg:$0x2];
	[bflag:$0x3] =	sbarrier.arrive $0xFFFF;
	s2 =	simm.s32 @!p0 $0x1C04  }
0x2c5: {  	[timem:s3], [sflag:s2] =	dma.local @!p0 [hbm:s0], s1  }
0x2c6: {  	s0 =	simm.s32 @!p0 $0x4  }
0x2c7: {  	_ =	swait.ge @!p0 [sflag:s0], s1  }
0x2c8: {  	s1 =	ssub.s32 @!p0 $0x0, s1;
	[sflag:s0] =	ssyncset.done @!p0 $0x0  }
0x2c9: {  	[sflag:s0] =	ssyncadd.s32 @!p0 s1  }
0x2ca: {  	[bflag:$0x3] =	sbarrier.arrive $0xFFFF  }
0x2cb: {  	_ =	shalt  }

</sc_bundles>
